<compile_context>
chip_gen: v7x
topology: tpu7x:2x2x1
jax: 0.10.2.dev20260603
libtpu: 0.0.44.dev20260713+nightly
codegen_flags: <defaults>
</compile_context>

<pallas_src>
import functools

import jax
import jax.numpy as jnp
from jax import lax
from jax.experimental import pallas as pl
from jax.experimental.pallas import tpu as pltpu
from jax.experimental.pallas import tpu_sc as plsc

N_NODES = 10000
N_EDGES = 320000
F = 128

NC, NS, L = 2, 16, 16
NW = NC * NS
EPW = N_EDGES // NW
NVR = EPW // L
LIST = EPW + L
NNP = 10240
RPT = NNP // NS
CB = 400
NFILL = EPW // CB

def _last(v):
    return lax.squeeze(lax.slice_in_dim(v, L - 1, L), (0,))


_SC_SUMS_KW = dict(
    out_type=(
        jax.ShapeDtypeStruct((NC, 16, F), jnp.float32),
        jax.ShapeDtypeStruct((NC, 16, F), jnp.float32),
    ),
    scratch_types=[
        pltpu.VMEM((EPW,), jnp.int32),
        pltpu.VMEM((LIST,), jnp.int32),
        pltpu.VMEM((LIST,), jnp.int32),
        pltpu.VMEM((L, F), jnp.float32),
        pltpu.VMEM((L, F), jnp.float32),
        pltpu.VMEM_SHARED((16, F), jnp.float32),
        pltpu.VMEM_SHARED((16, F), jnp.float32),
        pltpu.SemaphoreType.DMA,
    ],
)


def _sc_sums_body(dst_hbm, feats_hbm, zc_hbm, ones_hbm,
                  sums_out, counts_out,
                  dstv, elist, dvlist, gbuf, onesb,
                  sums_sh, counts_sh, sem):
    cid = lax.axis_index("c")
    sid = lax.axis_index("s")
    wid = sid * NC + cid
    base = wid * EPW
    iota = lax.iota(jnp.int32, L)

    @pl.when(sid == 0)
    def _():
        pltpu.sync_copy(zc_hbm, sums_sh)
        pltpu.sync_copy(zc_hbm, counts_sh)

    pltpu.sync_copy(dst_hbm.at[pl.ds(base, EPW)], dstv)
    pltpu.sync_copy(ones_hbm, onesb)
    plsc.subcore_barrier()

    def scan_d(i, cnt):
        d = dstv[pl.ds(i * L, L)]
        m = d < 14
        plsc.store_compressed(elist.at[pl.ds(cnt, L)], iota + (base + i * L),
                              mask=m)
        plsc.store_compressed(dvlist.at[pl.ds(cnt, L)], d, mask=m)
        pc = plsc.all_reduce_population_count(m)
        return cnt + lax.squeeze(lax.slice_in_dim(pc, 0, 1), (0,))

    cnt_d = lax.fori_loop(0, NVR, scan_d, 0)
    plsc.store_scatter(elist, [cnt_d + iota], jnp.zeros((L,), jnp.int32))
    plsc.store_scatter(dvlist, [cnt_d + iota], jnp.full((L,), 14, jnp.int32))

    def acc_d(j, _):
        eidx = elist[pl.ds(j * L, L)]
        didx = dvlist[pl.ds(j * L, L)]
        pltpu.async_copy(feats_hbm.at[eidx], gbuf, sem).wait()
        pltpu.sync_copy(gbuf, sums_sh.at[didx], add=True)
        pltpu.sync_copy(onesb, counts_sh.at[didx], add=True)
        return 0

    lax.fori_loop(0, (cnt_d + L - 1) // L, acc_d, 0)
    plsc.subcore_barrier()

    @pl.when(sid == 0)
    def _():
        pltpu.sync_copy(sums_sh, sums_out.at[cid])
        pltpu.sync_copy(counts_sh, counts_out.at[cid])


_SC_KMAT_KW = dict(
    out_type=jax.ShapeDtypeStruct((NC, NNP, F), jnp.float32),
    scratch_types=[
        pltpu.VMEM((EPW,), jnp.int32),
        pltpu.VMEM((EPW,), jnp.int32),
        pltpu.VMEM((LIST,), jnp.int32),
        pltpu.VMEM((LIST,), jnp.int32),
        pltpu.VMEM((L, F), jnp.float32),
        pltpu.VMEM_SHARED((NNP, F), jnp.float32),
    ],
)


def _sc_kmat_body(src_hbm, dst_hbm, zk_hbm,
                  k_out,
                  srcv, dstv, svlist, sdlist, vb, k_sh):
    cid = lax.axis_index("c")
    sid = lax.axis_index("s")
    wid = sid * NC + cid
    base = wid * EPW
    iota = lax.iota(jnp.int32, L)

    pltpu.sync_copy(zk_hbm.at[pl.ds(sid * RPT, RPT)],
                    k_sh.at[pl.ds(sid * RPT, RPT)])
    pltpu.sync_copy(src_hbm.at[pl.ds(base, EPW)], srcv)
    pltpu.sync_copy(dst_hbm.at[pl.ds(base, EPW)], dstv)
    pltpu.sync_copy(zk_hbm.at[pl.ds(0, L)], vb)
    plsc.subcore_barrier()

    def scan_s(i, cnt):
        sv_ = srcv[pl.ds(i * L, L)]
        m = sv_ < 14
        plsc.store_compressed(svlist.at[pl.ds(cnt, L)], sv_, mask=m)
        plsc.store_compressed(sdlist.at[pl.ds(cnt, L)], dstv[pl.ds(i * L, L)],
                              mask=m)
        pc = plsc.all_reduce_population_count(m)
        return cnt + lax.squeeze(lax.slice_in_dim(pc, 0, 1), (0,))

    cnt_s = lax.fori_loop(0, NVR, scan_s, 0)
    plsc.store_scatter(svlist, [cnt_s + iota], jnp.full((L,), 14, jnp.int32))
    plsc.store_scatter(sdlist, [cnt_s + iota], jnp.zeros((L,), jnp.int32))
    ones16 = jnp.ones((L,), jnp.float32)
    zeros16 = jnp.zeros((L,), jnp.float32)

    def acc_s(j, _):
        sv = svlist[pl.ds(j * L, L)]
        dv = sdlist[pl.ds(j * L, L)]
        plsc.store_scatter(vb, [iota, sv], ones16)
        pltpu.sync_copy(vb, k_sh.at[dv], add=True)
        plsc.store_scatter(vb, [iota, sv], zeros16)
        return 0

    lax.fori_loop(0, (cnt_s + L - 1) // L, acc_s, 0)
    plsc.subcore_barrier()
    pltpu.sync_copy(k_sh.at[pl.ds(sid * RPT, RPT)],
                    k_out.at[cid, pl.ds(sid * RPT, RPT)])


def _tc_combine_body(sums_ref, counts_ref, k_ref, w_ref, b_ref,
                     gb_ref, flags_ref):
    sums = sums_ref[0] + sums_ref[1]
    counts = counts_ref[0] + counts_ref[1]
    rmask = lax.broadcasted_iota(jnp.int32, (16, 1), 0) < 14
    mean14 = jnp.where(rmask, sums / jnp.maximum(counts, 1.0), 0.0)
    kk = (k_ref[0] + k_ref[1])[:N_NODES, :16]
    cmask = lax.broadcasted_iota(jnp.int32, (N_NODES, 16), 1) < 14
    kkm = jnp.where(cmask, kk, 0.0)
    h1 = lax.dot_general(kkm, mean14, (((1,), (0,)), ((), ())),
                         preferred_element_type=jnp.float32,
                         precision=lax.Precision.HIGHEST)
    g = lax.dot_general(h1, w_ref[...], (((1,), (1,)), ((), ())),
                        preferred_element_type=jnp.float32,
                        precision=lax.Precision.HIGHEST)
    gb_ref[...] = 0.5 * g + 0.5 * b_ref[...]
    flags_ref[...] = (jnp.sum(kkm, axis=1) > 0.0).astype(jnp.int32)


_tc_combine = pl.pallas_call(
    _tc_combine_body,
    out_shape=(
        jax.ShapeDtypeStruct((N_NODES, F), jnp.float32),
        jax.ShapeDtypeStruct((N_NODES,), jnp.int32),
    ),
)


_SC_EMIT_KW = dict(
    out_type=jax.ShapeDtypeStruct((N_EDGES + 8, F), jnp.float32),
    scratch_types=[
        pltpu.VMEM((EPW,), jnp.int32),
        pltpu.VMEM((EPW,), jnp.int32),
        pltpu.VMEM((N_NODES,), jnp.int32),
        pltpu.VMEM((LIST,), jnp.int32),
        pltpu.VMEM((LIST,), jnp.int32),
        pltpu.VMEM((LIST,), jnp.int32),
        pltpu.VMEM((CB, F), jnp.float32),
        pltpu.VMEM((L, F), jnp.float32),
        pltpu.VMEM((L, F), jnp.float32),
        pltpu.SemaphoreType.DMA,
        pltpu.SemaphoreType.DMA,
    ],
)


def _sc_emit_body(src_hbm, dst_hbm, gb_hbm, flags_hbm, brow_hbm, out_hbm,
             srcv, dstv, flv, el, sl, dl, bbuf, bufA, bufB, fsem, gsem):
    cid = lax.axis_index("c")
    sid = lax.axis_index("s")
    wid = sid * NC + cid
    base = wid * EPW
    iota = lax.iota(jnp.int32, L)

    pltpu.sync_copy(brow_hbm, bbuf)
    fills = []
    for k in range(NFILL):
        fills.append(pltpu.async_copy(
            bbuf, out_hbm.at[pl.ds(base + k * CB, CB)], fsem))

    pltpu.sync_copy(src_hbm.at[pl.ds(base, EPW)], srcv)
    pltpu.sync_copy(dst_hbm.at[pl.ds(base, EPW)], dstv)
    pltpu.sync_copy(flags_hbm, flv)

    def scan(i, cnt):
        s = srcv[pl.ds(i * L, L)]
        d = dstv[pl.ds(i * L, L)]
        fs = plsc.load_gather(flv, [s])
        fd = plsc.load_gather(flv, [d])
        m = (fs | fd) != 0
        inc = plsc.cumsum(jnp.where(m, 1, 0))
        pos = cnt + inc - 1
        plsc.store_scatter(el, [pos], iota + (base + i * L), mask=m)
        plsc.store_scatter(sl, [pos], s, mask=m)
        plsc.store_scatter(dl, [pos], d, mask=m)
        return cnt + _last(inc)

    cnt = lax.fori_loop(0, NVR, scan, 0)
    plsc.store_scatter(el, [cnt + iota], jnp.full((L,), N_EDGES, jnp.int32))
    plsc.store_scatter(sl, [cnt + iota], jnp.zeros((L,), jnp.int32))
    plsc.store_scatter(dl, [cnt + iota], jnp.zeros((L,), jnp.int32))

    for d_ in fills:
        d_.wait()

    def fix(j, _):
        sv = sl[pl.ds(j * L, L)]
        dv = dl[pl.ds(j * L, L)]
        ev = el[pl.ds(j * L, L)]
        ca = pltpu.async_copy(gb_hbm.at[sv], bufA, gsem)
        cb = pltpu.async_copy(gb_hbm.at[dv], bufB, gsem)
        ca.wait()
        cb.wait()
        for r in range(L):
            for c in range(F // L):
                sl_ = pl.ds(c * L, L)
                bufA[r, sl_] = bufA[r, sl_] + bufB[r, sl_]
        pltpu.sync_copy(bufA, out_hbm.at[ev])
        return 0

    lax.fori_loop(0, (cnt + L - 1) // L, fix, 0)


@functools.lru_cache(maxsize=1)
def _build():
    mesh = plsc.VectorSubcoreMesh(
        core_axis_name="c", subcore_axis_name="s",
        num_cores=NC, num_subcores=NS)
    params = pltpu.CompilerParams(needs_layout_passes=False)
    sc_sums = pl.kernel(_sc_sums_body, mesh=mesh, compiler_params=params,
                        **_SC_SUMS_KW)
    sc_kmat = pl.kernel(_sc_kmat_body, mesh=mesh, compiler_params=params,
                        **_SC_KMAT_KW)
    sc_emit = pl.kernel(_sc_emit_body, mesh=mesh, compiler_params=params,
                        **_SC_EMIT_KW)
    return sc_sums, sc_kmat, sc_emit


def kernel(inputs, edge_index, W, b):
    _sc_sums, _sc_kmat, _sc_emit = _build()
    src = edge_index[0]
    dst = edge_index[1]
    zk = jnp.zeros((NNP, F), jnp.float32)
    zc = jnp.zeros((16, F), jnp.float32)
    onesc = jnp.ones((16, F), jnp.float32)
    sums_p, counts_p = _sc_sums(dst, inputs, zc, onesc)
    k_p = _sc_kmat(src, dst, zk)
    gb, flags = _tc_combine(sums_p, counts_p, k_p, W, b.reshape(1, F))
    brow = jnp.broadcast_to(b, (CB, F))
    outp = _sc_emit(src, dst, gb, flags, brow)
    return outp[:N_EDGES]

# --- scband reference (transcript-rebuilt; emitter-appended) ---
"""Pipeline reference for scband-gcnlayer-27986006901492 (READ-ONLY COPY).

The authoritative reference and input builder live on the scoring server;
editing this copy changes nothing except your own understanding.
"""

import jax, jax.numpy as jnp
import numpy as np

N_NODES = 10000
N_EDGES = 320000
IN_FEATS = 128
OUT_FEATS = 128


def setup_inputs(seed: int = 0) -> dict:
    key = jax.random.key(seed)
    k1, k2, k3, k4 = jax.random.split(key, 4)
    inputs = jax.random.normal(k1, (N_EDGES, IN_FEATS), dtype=jnp.float32)
    edge_index = jax.random.randint(k2, (2, N_EDGES), 0, N_NODES, dtype=jnp.int32)
    # nn.Linear(in_feats, out_feats) parameters
    W = jax.random.normal(k3, (OUT_FEATS, IN_FEATS), dtype=jnp.float32) * 0.02
    b = jax.random.normal(k4, (OUT_FEATS,), dtype=jnp.float32) * 0.02
    return {"inputs": inputs, "edge_index": edge_index, "W": W, "b": b}


def reference(inputs, edge_index, W, b):
    # g.edata['h'] = inputs  (edge features)
    src = edge_index[0]
    dst = edge_index[1]

    # for i in range(14): node i's 'h' = mean of its in-edges' edge features.
    # DGL zero-initializes 'h' for all other nodes when a subset is assigned.
    sums = jax.ops.segment_sum(inputs, dst, num_segments=N_NODES)
    counts = jax.ops.segment_sum(jnp.ones((N_EDGES, 1), inputs.dtype), dst, num_segments=N_NODES)
    mean14 = sums[:14] / jnp.maximum(counts[:14], 1.0)
    h0 = jnp.zeros((N_NODES, IN_FEATS), inputs.dtype).at[:14].set(mean14)

    # send(gcn_message)/recv(gcn_reduce): h_new[v] = sum over in-edges (u,v) of h0[u]
    h1 = jax.ops.segment_sum(h0[src], dst, num_segments=N_NODES)

    # for (src, dst) in edge_list: edge 'h' = mean(h1[src], h1[dst])
    edge_h = (h1[src] + h1[dst]) * 0.5

    # return self.linear(g.edata['h'])
    return edge_h @ W.T + b

if __name__ == "__main__":
    import jax
    _d = setup_inputs()
    print(jax.jit(kernel)(*tuple(_d.values())))

</pallas_src>

<mosaic_0001>
#map = affine_map<(d0, d1) -> (0)>
#map1 = affine_map<(d0, d1) -> (0, 0)>
#map2 = affine_map<(d0, d1) -> (0, 0, 0)>
module attributes {stable_mosaic.version = 14 : i64} {
  func.func @_sc_kmat_body(%arg0: i32, %arg1: i32, %arg2: memref<320000xi32, #tpu.memory_space<hbm>>, %arg3: memref<320000xi32, #tpu.memory_space<hbm>>, %arg4: memref<10240x128xf32, #tpu.memory_space<hbm>>, %arg5: memref<2x10240x128xf32, #tpu.memory_space<hbm>>, %arg6: memref<10000xi32, #tpu.memory_space<vmem>>, %arg7: memref<10000xi32, #tpu.memory_space<vmem>>, %arg8: memref<10016xi32, #tpu.memory_space<vmem>>, %arg9: memref<10016xi32, #tpu.memory_space<vmem>>, %arg10: memref<16x128xf32, #tpu.memory_space<vmem>>, %arg11: memref<10240x128xf32, #tpu.memory_space<vmem_shared>>) attributes {dimension_semantics = [#tpu.dimension_semantics<core_parallel>, #tpu.dimension_semantics<subcore_parallel>], iteration_bounds = array<i64: 2, 16>, scalar_prefetch = 0 : i64, scratch_operands = 6 : i64, tpu.core_type = #tpu.core_type<sc_vector_subcore>, window_params = [{transform_indices = #map}, {transform_indices = #map}, {transform_indices = #map1}, {transform_indices = #map2}]} {
    %mul3A = arith.constant 2 : i32
    %mul3A_0 = arith.muli %arg1, %mul3A : i32
    %add3A = arith.addi %mul3A_0, %arg0 : i32
    %mul3A_1 = arith.constant 10000 : i32
    %mul3A_2 = arith.muli %add3A, %mul3A_1 : i32
    %iota3A = tpu.iota {dimensions = array<i32: 0>} : vector<16xi32>
    %mul3A_3 = arith.constant 640 : i32
    %mul3A_4 = arith.muli %arg1, %mul3A_3 : i32
    %mul3A_5 = arith.constant 640 : i32
    %mul3A_6 = arith.muli %arg1, %mul3A_5 : i32
    "tpu.region"() ({
      %run_scoped3A = tpu.sem_alloc : memref<!tpu.dma_semaphore, #tpu.memory_space<semaphore_mem>>
      %dma_start3A = arith.constant 0 : i32
      %dma_start3A_60 = tpu.memref_slice %arg11[%mul3A_6, %dma_start3A] : memref<10240x128xf32, #tpu.memory_space<vmem_shared>> -> memref<640x128xf32, #tpu.memory_space<vmem_shared>>
      %dma_start3A_61 = arith.constant 0 : i32
      %dma_start3A_62 = tpu.memref_slice %arg4[%mul3A_4, %dma_start3A_61] : memref<10240x128xf32, #tpu.memory_space<hbm>> -> memref<640x128xf32, #tpu.memory_space<hbm>>
      tpu.enqueue_dma source(%dma_start3A_62 : memref<640x128xf32, #tpu.memory_space<hbm>>) target(%dma_start3A_60 : memref<640x128xf32, #tpu.memory_space<vmem_shared>>) target_semaphore(%run_scoped3A : memref<!tpu.dma_semaphore, #tpu.memory_space<semaphore_mem>>)
      %dma_wait3A = arith.constant 0 : i32
      %dma_wait3A_63 = tpu.memref_slice %arg11[%mul3A_6, %dma_wait3A] : memref<10240x128xf32, #tpu.memory_space<vmem_shared>> -> memref<640x128xf32, #tpu.memory_space<vmem_shared>>
      %dma_wait3A_64 = arith.constant 0 : i32
      %dma_wait3A_65 = tpu.memref_slice %arg4[%mul3A_4, %dma_wait3A_64] : memref<10240x128xf32, #tpu.memory_space<hbm>> -> memref<640x128xf32, #tpu.memory_space<hbm>>
      tpu.wait_dma2 semaphore(%run_scoped3A : memref<!tpu.dma_semaphore, #tpu.memory_space<semaphore_mem>>) src(%dma_wait3A_65 : memref<640x128xf32, #tpu.memory_space<hbm>>) dst(%dma_wait3A_63 : memref<640x128xf32, #tpu.memory_space<vmem_shared>>)
      tpu.yield
    }) : () -> ()
    "tpu.region"() ({
      %run_scoped3A = tpu.sem_alloc : memref<!tpu.dma_semaphore, #tpu.memory_space<semaphore_mem>>
      %dma_start3A = tpu.memref_slice %arg2[%mul3A_2] : memref<320000xi32, #tpu.memory_space<hbm>> -> memref<10000xi32, #tpu.memory_space<hbm>>
      %dma_start3A_60 = tpu.memref_slice %arg2[%mul3A_2] : memref<320000xi32, #tpu.memory_space<hbm>> -> memref<10000xi32, #tpu.memory_space<hbm>>
      tpu.enqueue_dma source(%dma_start3A_60 : memref<10000xi32, #tpu.memory_space<hbm>>) target(%arg6 : memref<10000xi32, #tpu.memory_space<vmem>>) target_semaphore(%run_scoped3A : memref<!tpu.dma_semaphore, #tpu.memory_space<semaphore_mem>>)
      %dma_wait3A = tpu.memref_slice %arg2[%mul3A_2] : memref<320000xi32, #tpu.memory_space<hbm>> -> memref<10000xi32, #tpu.memory_space<hbm>>
      %dma_wait3A_61 = tpu.memref_slice %arg2[%mul3A_2] : memref<320000xi32, #tpu.memory_space<hbm>> -> memref<10000xi32, #tpu.memory_space<hbm>>
      tpu.wait_dma2 semaphore(%run_scoped3A : memref<!tpu.dma_semaphore, #tpu.memory_space<semaphore_mem>>) src(%dma_wait3A_61 : memref<10000xi32, #tpu.memory_space<hbm>>) dst(%arg6 : memref<10000xi32, #tpu.memory_space<vmem>>)
      tpu.yield
    }) : () -> ()
    "tpu.region"() ({
      %run_scoped3A = tpu.sem_alloc : memref<!tpu.dma_semaphore, #tpu.memory_space<semaphore_mem>>
      %dma_start3A = tpu.memref_slice %arg3[%mul3A_2] : memref<320000xi32, #tpu.memory_space<hbm>> -> memref<10000xi32, #tpu.memory_space<hbm>>
      %dma_start3A_60 = tpu.memref_slice %arg3[%mul3A_2] : memref<320000xi32, #tpu.memory_space<hbm>> -> memref<10000xi32, #tpu.memory_space<hbm>>
      tpu.enqueue_dma source(%dma_start3A_60 : memref<10000xi32, #tpu.memory_space<hbm>>) target(%arg7 : memref<10000xi32, #tpu.memory_space<vmem>>) target_semaphore(%run_scoped3A : memref<!tpu.dma_semaphore, #tpu.memory_space<semaphore_mem>>)
      %dma_wait3A = tpu.memref_slice %arg3[%mul3A_2] : memref<320000xi32, #tpu.memory_space<hbm>> -> memref<10000xi32, #tpu.memory_space<hbm>>
      %dma_wait3A_61 = tpu.memref_slice %arg3[%mul3A_2] : memref<320000xi32, #tpu.memory_space<hbm>> -> memref<10000xi32, #tpu.memory_space<hbm>>
      tpu.wait_dma2 semaphore(%run_scoped3A : memref<!tpu.dma_semaphore, #tpu.memory_space<semaphore_mem>>) src(%dma_wait3A_61 : memref<10000xi32, #tpu.memory_space<hbm>>) dst(%arg7 : memref<10000xi32, #tpu.memory_space<vmem>>)
      tpu.yield
    }) : () -> ()
    "tpu.region"() ({
      %run_scoped3A = tpu.sem_alloc : memref<!tpu.dma_semaphore, #tpu.memory_space<semaphore_mem>>
      %dma_start3A = arith.constant 0 : i32
      %dma_start3A_60 = arith.constant 0 : i32
      %dma_start3A_61 = tpu.memref_slice %arg4[%dma_start3A, %dma_start3A_60] : memref<10240x128xf32, #tpu.memory_space<hbm>> -> memref<16x128xf32, #tpu.memory_space<hbm>>
      %dma_start3A_62 = arith.constant 0 : i32
      %dma_start3A_63 = arith.constant 0 : i32
      %dma_start3A_64 = tpu.memref_slice %arg4[%dma_start3A_62, %dma_start3A_63] : memref<10240x128xf32, #tpu.memory_space<hbm>> -> memref<16x128xf32, #tpu.memory_space<hbm>>
      tpu.enqueue_dma source(%dma_start3A_64 : memref<16x128xf32, #tpu.memory_space<hbm>>) target(%arg10 : memref<16x128xf32, #tpu.memory_space<vmem>>) target_semaphore(%run_scoped3A : memref<!tpu.dma_semaphore, #tpu.memory_space<semaphore_mem>>)
      %dma_wait3A = arith.constant 0 : i32
      %dma_wait3A_65 = arith.constant 0 : i32
      %dma_wait3A_66 = tpu.memref_slice %arg4[%dma_wait3A, %dma_wait3A_65] : memref<10240x128xf32, #tpu.memory_space<hbm>> -> memref<16x128xf32, #tpu.memory_space<hbm>>
      %dma_wait3A_67 = arith.constant 0 : i32
      %dma_wait3A_68 = arith.constant 0 : i32
      %dma_wait3A_69 = tpu.memref_slice %arg4[%dma_wait3A_67, %dma_wait3A_68] : memref<10240x128xf32, #tpu.memory_space<hbm>> -> memref<16x128xf32, #tpu.memory_space<hbm>>
      tpu.wait_dma2 semaphore(%run_scoped3A : memref<!tpu.dma_semaphore, #tpu.memory_space<semaphore_mem>>) src(%dma_wait3A_69 : memref<16x128xf32, #tpu.memory_space<hbm>>) dst(%arg10 : memref<16x128xf32, #tpu.memory_space<vmem>>)
      tpu.yield
    }) : () -> ()
    %barrier3A = arith.constant 0 : index
    tpu.barrier barrier_id(%barrier3A)
    %scan3A = arith.constant 0 : i32
    %scan3A_7 = arith.constant 0 : i32
    %scan3A_8 = arith.constant 625 : i32
    %scan3A_9 = arith.addi %scan3A_7, %scan3A_8 : i32
    %scan3A_10 = arith.constant 1 : i32
    %scan3A_11 = scf.for %scan3A_60 = %scan3A_7 to %scan3A_9 step %scan3A_10 iter_args(%scan3A_61 = %scan3A) -> (i32)  : i32 {
      %mul3A_62 = arith.constant 16 : i32
      %mul3A_63 = arith.muli %scan3A_60, %mul3A_62 : i32
      %get3A = arith.index_cast %mul3A_63 : i32 to index
      %get3A_64 = tpu.vector_load %arg6[%get3A] {strides = array<i32>} : memref<10000xi32, #tpu.memory_space<vmem>>, vector<16xi32>,
      %lt3A = arith.constant 14 : i32
      %lt3A_65 = vector.broadcast %lt3A : i32 to vector<16xi32>
      %lt3A_66 = arith.cmpi slt, %get3A_64, %lt3A_65 : vector<16xi32>
      %swap3A = arith.index_cast %scan3A_61 : i32 to index
      %swap3A_67 = tpu.vector_load %arg8[%swap3A] masked %lt3A_66 {strides = array<i32>} : memref<10016xi32, #tpu.memory_space<vmem>>, vector<16xi32>, vector<16xi1>
      tpu.vector_store %arg8[%swap3A], %get3A_64 masked %lt3A_66 {strides = array<i32>} : memref<10016xi32, #tpu.memory_space<vmem>>, vector<16xi32>, vector<16xi1>
      %mul3A_68 = arith.constant 16 : i32
      %mul3A_69 = arith.muli %scan3A_60, %mul3A_68 : i32
      %get3A_70 = arith.index_cast %mul3A_69 : i32 to index
      %get3A_71 = tpu.vector_load %arg7[%get3A_70] {strides = array<i32>} : memref<10000xi32, #tpu.memory_space<vmem>>, vector<16xi32>,
      %swap3A_72 = arith.index_cast %scan3A_61 : i32 to index
      %swap3A_73 = tpu.vector_load %arg9[%swap3A_72] masked %lt3A_66 {strides = array<i32>} : memref<10016xi32, #tpu.memory_space<vmem>>, vector<16xi32>, vector<16xi1>
      tpu.vector_store %arg9[%swap3A_72], %get3A_71 masked %lt3A_66 {strides = array<i32>} : memref<10016xi32, #tpu.memory_space<vmem>>, vector<16xi32>, vector<16xi1>
      %all_reduce_population_count3A = tpu.all_reduce %lt3A_66 {dim = 0 : i64, kind = #tpu.reduction_kind<sum>} : vector<16xi1> -> vector<16xi32>
      %slice3A = vector.extract_strided_slice %all_reduce_population_count3A {offsets = [0], sizes = [1], strides = [1]} : vector<16xi32> to vector<1xi32>
      %squeeze3A = vector.extract %slice3A[0] : i32 from vector<1xi32>
      %add3A_74 = arith.addi %scan3A_61, %squeeze3A : i32
      scf.yield %add3A_74 : i32
    }
    %scan3A_12 = arith.constant 625 : i32
    %add3A_13 = vector.broadcast %scan3A_11 : i32 to vector<16xi32>
    %add3A_14 = arith.addi %add3A_13, %iota3A : vector<16xi32>
    %broadcast_in_dim3A = arith.constant 14 : i32
    %broadcast_in_dim3A_15 = vector.broadcast %broadcast_in_dim3A : i32 to vector<16xi32>
    tpu.vector_store_idx %arg8[%add3A_14], %broadcast_in_dim3A_15 : memref<10016xi32, #tpu.memory_space<vmem>>[vector<16xi32>], vector<16xi32>,
    %add3A_16 = vector.broadcast %scan3A_11 : i32 to vector<16xi32>
    %add3A_17 = arith.addi %add3A_16, %iota3A : vector<16xi32>
    %broadcast_in_dim3A_18 = arith.constant 0 : i32
    %broadcast_in_dim3A_19 = vector.broadcast %broadcast_in_dim3A_18 : i32 to vector<16xi32>
    tpu.vector_store_idx %arg9[%add3A_17], %broadcast_in_dim3A_19 : memref<10016xi32, #tpu.memory_space<vmem>>[vector<16xi32>], vector<16xi32>,
    %broadcast_in_dim3A_20 = arith.constant 1.000000e+00 : f32
    %broadcast_in_dim3A_21 = vector.broadcast %broadcast_in_dim3A_20 : f32 to vector<16xf32>
    %broadcast_in_dim3A_22 = arith.constant 0.000000e+00 : f32
    %broadcast_in_dim3A_23 = vector.broadcast %broadcast_in_dim3A_22 : f32 to vector<16xf32>
    %add3A_24 = arith.constant 16 : i32
    %add3A_25 = arith.addi %scan3A_11, %add3A_24 : i32
    %sub3A = arith.constant 1 : i32
    %sub3A_26 = arith.subi %add3A_25, %sub3A : i32
    %jit3A = arith.constant 16 : i32
    %div3A = arith.divsi %sub3A_26, %jit3A : i32
    %sign3A = arith.constant 0 : i32
    %sign3A_27 = arith.cmpi sgt, %sub3A_26, %sign3A : i32
    %sign3A_28 = arith.extui %sign3A_27 : i1 to i32
    %sign3A_29 = arith.constant 0 : i32
    %sign3A_30 = arith.cmpi slt, %sub3A_26, %sign3A_29 : i32
    %sign3A_31 = arith.extui %sign3A_30 : i1 to i32
    %sign3A_32 = arith.subi %sign3A_28, %sign3A_31 : i32
    %sign3A_33 = arith.constant 0 : i32
    %sign3A_34 = arith.cmpi sgt, %jit3A, %sign3A_33 : i32
    %sign3A_35 = arith.extui %sign3A_34 : i1 to i32
    %sign3A_36 = arith.constant 0 : i32
    %sign3A_37 = arith.cmpi slt, %jit3A, %sign3A_36 : i32
    %sign3A_38 = arith.extui %sign3A_37 : i1 to i32
    %sign3A_39 = arith.subi %sign3A_35, %sign3A_38 : i32
    %ne3A = arith.cmpi ne, %sign3A_32, %sign3A_39 : i32
    %rem3A = arith.remsi %sub3A_26, %jit3A : i32
    %ne3A_40 = arith.constant 0 : i32
    %ne3A_41 = arith.cmpi ne, %rem3A, %ne3A_40 : i32
    %and3A = arith.andi %ne3A, %ne3A_41 : i1
    %sub3A_42 = arith.constant 1 : i32
    %sub3A_43 = arith.subi %div3A, %sub3A_42 : i32
    %select_n3A = arith.select %and3A, %sub3A_43, %div3A : i32
    %while3A = arith.constant 0 : i32
    %while3A_44 = arith.constant 0 : i32
    %while3A_45 = arith.subi %select_n3A, %while3A : i32
    %while3A_46 = arith.addi %while3A, %while3A_45 : i32
    %while3A_47 = arith.constant 1 : i32
    %while3A_48 = arith.divsi %while3A_45, %while3A_47 : i32
    %while3A_49 = arith.muli %while3A_48, %while3A_47 : i32
    %while3A_50 = arith.addi %while3A, %while3A_49 : i32
    %while3A_51 = arith.constant 1 : i32
    %while3A_52 = scf.for %while3A_60 = %while3A to %while3A_50 step %while3A_51 iter_args(%while3A_61 = %while3A_44) -> (i32)  : i32 {
      %mul3A_62 = arith.constant 16 : i32
      %mul3A_63 = arith.muli %while3A_60, %mul3A_62 : i32
      %get3A = arith.index_cast %mul3A_63 : i32 to index
      %get3A_64 = tpu.vector_load %arg8[%get3A] {strides = array<i32>} : memref<10016xi32, #tpu.memory_space<vmem>>, vector<16xi32>,
      %mul3A_65 = arith.constant 16 : i32
      %mul3A_66 = arith.muli %while3A_60, %mul3A_65 : i32
      %get3A_67 = arith.index_cast %mul3A_66 : i32 to index
      %get3A_68 = tpu.vector_load %arg9[%get3A_67] {strides = array<i32>} : memref<10016xi32, #tpu.memory_space<vmem>>, vector<16xi32>,
      tpu.vector_store_idx %arg10[%iota3A, %get3A_64], %broadcast_in_dim3A_21 : memref<16x128xf32, #tpu.memory_space<vmem>>[vector<16xi32>, vector<16xi32>], vector<16xf32>,
      "tpu.region"() ({
        %run_scoped3A = tpu.sem_alloc : memref<!tpu.dma_semaphore, #tpu.memory_space<semaphore_mem>>
        %dma_start3A = arith.constant 0 : i32
        %dma_start3A_70 = arith.constant 0 : i32
        %dma_start3A_71 = tpu.memref_slice %arg11[%dma_start3A, %dma_start3A_70] : memref<10240x128xf32, #tpu.memory_space<vmem_shared>> -> memref<10240x128xf32, #tpu.memory_space<vmem_shared>>
        tpu.enqueue_indirect_dma source(%arg10 : memref<16x128xf32, #tpu.memory_space<vmem>>) target(%dma_start3A_71 : memref<10240x128xf32, #tpu.memory_space<vmem_shared>>) offsets(%get3A_68 : vector<16xi32>) semaphore(%run_scoped3A : memref<!tpu.dma_semaphore, #tpu.memory_space<semaphore_mem>>) {add = true}
        %dma_wait3A = arith.constant 0 : i32
        %dma_wait3A_72 = arith.constant 0 : i32
        %dma_wait3A_73 = tpu.memref_slice %arg11[%dma_wait3A, %dma_wait3A_72] : memref<10240x128xf32, #tpu.memory_space<vmem_shared>> -> memref<10240x128xf32, #tpu.memory_space<vmem_shared>>
        tpu.wait_indirect_dma semaphore(%run_scoped3A : memref<!tpu.dma_semaphore, #tpu.memory_space<semaphore_mem>>) src(%arg10 : memref<16x128xf32, #tpu.memory_space<vmem>>) dst(%dma_wait3A_73 : memref<10240x128xf32, #tpu.memory_space<vmem_shared>>)
        tpu.yield
      }) : () -> ()
      tpu.vector_store_idx %arg10[%iota3A, %get3A_64], %broadcast_in_dim3A_23 : memref<16x128xf32, #tpu.memory_space<vmem>>[vector<16xi32>, vector<16xi32>], vector<16xf32>,
      %while3A_69 = arith.constant 0 : i32
      scf.yield %while3A_69 : i32
    }
    %while3A_53 = arith.constant 1 : i32
    %while3A_54 = scf.for %while3A_60 = %while3A_50 to %while3A_46 step %while3A_53 iter_args(%while3A_61 = %while3A_52) -> (i32)  : i32 {
      %mul3A_62 = arith.constant 16 : i32
      %mul3A_63 = arith.muli %while3A_60, %mul3A_62 : i32
      %get3A = arith.index_cast %mul3A_63 : i32 to index
      %get3A_64 = tpu.vector_load %arg8[%get3A] {strides = array<i32>} : memref<10016xi32, #tpu.memory_space<vmem>>, vector<16xi32>,
      %mul3A_65 = arith.constant 16 : i32
      %mul3A_66 = arith.muli %while3A_60, %mul3A_65 : i32
      %get3A_67 = arith.index_cast %mul3A_66 : i32 to index
      %get3A_68 = tpu.vector_load %arg9[%get3A_67] {strides = array<i32>} : memref<10016xi32, #tpu.memory_space<vmem>>, vector<16xi32>,
      tpu.vector_store_idx %arg10[%iota3A, %get3A_64], %broadcast_in_dim3A_21 : memref<16x128xf32, #tpu.memory_space<vmem>>[vector<16xi32>, vector<16xi32>], vector<16xf32>,
      "tpu.region"() ({
        %run_scoped3A = tpu.sem_alloc : memref<!tpu.dma_semaphore, #tpu.memory_space<semaphore_mem>>
        %dma_start3A = arith.constant 0 : i32
        %dma_start3A_70 = arith.constant 0 : i32
        %dma_start3A_71 = tpu.memref_slice %arg11[%dma_start3A, %dma_start3A_70] : memref<10240x128xf32, #tpu.memory_space<vmem_shared>> -> memref<10240x128xf32, #tpu.memory_space<vmem_shared>>
        tpu.enqueue_indirect_dma source(%arg10 : memref<16x128xf32, #tpu.memory_space<vmem>>) target(%dma_start3A_71 : memref<10240x128xf32, #tpu.memory_space<vmem_shared>>) offsets(%get3A_68 : vector<16xi32>) semaphore(%run_scoped3A : memref<!tpu.dma_semaphore, #tpu.memory_space<semaphore_mem>>) {add = true}
        %dma_wait3A = arith.constant 0 : i32
        %dma_wait3A_72 = arith.constant 0 : i32
        %dma_wait3A_73 = tpu.memref_slice %arg11[%dma_wait3A, %dma_wait3A_72] : memref<10240x128xf32, #tpu.memory_space<vmem_shared>> -> memref<10240x128xf32, #tpu.memory_space<vmem_shared>>
        tpu.wait_indirect_dma semaphore(%run_scoped3A : memref<!tpu.dma_semaphore, #tpu.memory_space<semaphore_mem>>) src(%arg10 : memref<16x128xf32, #tpu.memory_space<vmem>>) dst(%dma_wait3A_73 : memref<10240x128xf32, #tpu.memory_space<vmem_shared>>)
        tpu.yield
      }) : () -> ()
      tpu.vector_store_idx %arg10[%iota3A, %get3A_64], %broadcast_in_dim3A_23 : memref<16x128xf32, #tpu.memory_space<vmem>>[vector<16xi32>, vector<16xi32>], vector<16xf32>,
      %while3A_69 = arith.constant 0 : i32
      scf.yield %while3A_69 : i32
    }
    %barrier3A_55 = arith.constant 0 : index
    tpu.barrier barrier_id(%barrier3A_55)
    %mul3A_56 = arith.constant 640 : i32
    %mul3A_57 = arith.muli %arg1, %mul3A_56 : i32
    %mul3A_58 = arith.constant 640 : i32
    %mul3A_59 = arith.muli %arg1, %mul3A_58 : i32
    "tpu.region"() ({
      %run_scoped3A = tpu.sem_alloc : memref<!tpu.dma_semaphore, #tpu.memory_space<semaphore_mem>>
      %dma_start3A = arith.constant 0 : i32
      %dma_start3A_60 = tpu.memref_slice %arg5[%arg0, %mul3A_59, %dma_start3A] : memref<2x10240x128xf32, #tpu.memory_space<hbm>> -> memref<1x640x128xf32, #tpu.memory_space<hbm>>
      %dma_start3A_61 = tpu.memref_squeeze %dma_start3A_60 : memref<1x640x128xf32, #tpu.memory_space<hbm>> -> memref<640x128xf32, #tpu.memory_space<hbm>>
      %dma_start3A_62 = arith.constant 0 : i32
      %dma_start3A_63 = tpu.memref_slice %arg11[%mul3A_57, %dma_start3A_62] : memref<10240x128xf32, #tpu.memory_space<vmem_shared>> -> memref<640x128xf32, #tpu.memory_space<vmem_shared>>
      tpu.enqueue_dma source(%dma_start3A_63 : memref<640x128xf32, #tpu.memory_space<vmem_shared>>) target(%dma_start3A_61 : memref<640x128xf32, #tpu.memory_space<hbm>>) target_semaphore(%run_scoped3A : memref<!tpu.dma_semaphore, #tpu.memory_space<semaphore_mem>>)
      %dma_wait3A = arith.constant 0 : i32
      %dma_wait3A_64 = tpu.memref_slice %arg5[%arg0, %mul3A_59, %dma_wait3A] : memref<2x10240x128xf32, #tpu.memory_space<hbm>> -> memref<1x640x128xf32, #tpu.memory_space<hbm>>
      %dma_wait3A_65 = tpu.memref_squeeze %dma_wait3A_64 : memref<1x640x128xf32, #tpu.memory_space<hbm>> -> memref<640x128xf32, #tpu.memory_space<hbm>>
      %dma_wait3A_66 = arith.constant 0 : i32
      %dma_wait3A_67 = tpu.memref_slice %arg11[%mul3A_57, %dma_wait3A_66] : memref<10240x128xf32, #tpu.memory_space<vmem_shared>> -> memref<640x128xf32, #tpu.memory_space<vmem_shared>>
      tpu.wait_dma2 semaphore(%run_scoped3A : memref<!tpu.dma_semaphore, #tpu.memory_space<semaphore_mem>>) src(%dma_wait3A_67 : memref<640x128xf32, #tpu.memory_space<vmem_shared>>) dst(%dma_wait3A_65 : memref<640x128xf32, #tpu.memory_space<hbm>>)
      tpu.yield
    }) : () -> ()
    return
  }
}

#map = affine_map<(d0, d1) -> (0)>
#map1 = affine_map<(d0, d1) -> (0, 0)>
#map2 = affine_map<(d0, d1) -> (0, 0, 0)>
module attributes {stable_mosaic.version = 14 : i64} {
  func.func @_sc_sums_body(%arg0: i32, %arg1: i32, %arg2: memref<320000xi32, #tpu.memory_space<hbm>>, %arg3: memref<320000x128xf32, #tpu.memory_space<hbm>>, %arg4: memref<16x128xf32, #tpu.memory_space<hbm>>, %arg5: memref<16x128xf32, #tpu.memory_space<hbm>>, %arg6: memref<2x16x128xf32, #tpu.memory_space<hbm>>, %arg7: memref<2x16x128xf32, #tpu.memory_space<hbm>>, %arg8: memref<10000xi32, #tpu.memory_space<vmem>>, %arg9: memref<10016xi32, #tpu.memory_space<vmem>>, %arg10: memref<10016xi32, #tpu.memory_space<vmem>>, %arg11: memref<16x128xf32, #tpu.memory_space<vmem>>, %arg12: memref<16x128xf32, #tpu.memory_space<vmem>>, %arg13: memref<16x128xf32, #tpu.memory_space<vmem_shared>>, %arg14: memref<16x128xf32, #tpu.memory_space<vmem_shared>>, %arg15: memref<!tpu.dma_semaphore, #tpu.memory_space<semaphore_mem>>) attributes {dimension_semantics = [#tpu.dimension_semantics<core_parallel>, #tpu.dimension_semantics<subcore_parallel>], iteration_bounds = array<i64: 2, 16>, scalar_prefetch = 0 : i64, scratch_operands = 8 : i64, tpu.core_type = #tpu.core_type<sc_vector_subcore>, window_params = [{transform_indices = #map}, {transform_indices = #map1}, {transform_indices = #map1}, {transform_indices = #map1}, {transform_indices = #map2}, {transform_indices = #map2}]} {
    %mul3A = arith.constant 2 : i32
    %mul3A_0 = arith.muli %arg1, %mul3A : i32
    %add3A = arith.addi %mul3A_0, %arg0 : i32
    %mul3A_1 = arith.constant 10000 : i32
    %mul3A_2 = arith.muli %add3A, %mul3A_1 : i32
    %iota3A = tpu.iota {dimensions = array<i32: 0>} : vector<16xi32>
    %eq3A = arith.constant 0 : i32
    %eq3A_3 = arith.cmpi eq, %arg1, %eq3A : i32
    %convert_element_type3A = arith.extui %eq3A_3 : i1 to i32
    %cond3A = arith.constant 0 : i32
    %cond3A_4 = arith.cmpi ne, %convert_element_type3A, %cond3A : i32
    scf.if %cond3A_4 {
      "tpu.region"() ({
        %run_scoped3A = tpu.sem_alloc : memref<!tpu.dma_semaphore, #tpu.memory_space<semaphore_mem>>
        tpu.enqueue_dma source(%arg4 : memref<16x128xf32, #tpu.memory_space<hbm>>) target(%arg13 : memref<16x128xf32, #tpu.memory_space<vmem_shared>>) target_semaphore(%run_scoped3A : memref<!tpu.dma_semaphore, #tpu.memory_space<semaphore_mem>>)
        tpu.wait_dma2 semaphore(%run_scoped3A : memref<!tpu.dma_semaphore, #tpu.memory_space<semaphore_mem>>) src(%arg4 : memref<16x128xf32, #tpu.memory_space<hbm>>) dst(%arg13 : memref<16x128xf32, #tpu.memory_space<vmem_shared>>)
        tpu.yield
      }) : () -> ()
      "tpu.region"() ({
        %run_scoped3A = tpu.sem_alloc : memref<!tpu.dma_semaphore, #tpu.memory_space<semaphore_mem>>
        tpu.enqueue_dma source(%arg4 : memref<16x128xf32, #tpu.memory_space<hbm>>) target(%arg14 : memref<16x128xf32, #tpu.memory_space<vmem_shared>>) target_semaphore(%run_scoped3A : memref<!tpu.dma_semaphore, #tpu.memory_space<semaphore_mem>>)
        tpu.wait_dma2 semaphore(%run_scoped3A : memref<!tpu.dma_semaphore, #tpu.memory_space<semaphore_mem>>) src(%arg4 : memref<16x128xf32, #tpu.memory_space<hbm>>) dst(%arg14 : memref<16x128xf32, #tpu.memory_space<vmem_shared>>)
        tpu.yield
      }) : () -> ()
    } else {
    }
    "tpu.region"() ({
      %run_scoped3A = tpu.sem_alloc : memref<!tpu.dma_semaphore, #tpu.memory_space<semaphore_mem>>
      %dma_start3A = tpu.memref_slice %arg2[%mul3A_2] : memref<320000xi32, #tpu.memory_space<hbm>> -> memref<10000xi32, #tpu.memory_space<hbm>>
      %dma_start3A_55 = tpu.memref_slice %arg2[%mul3A_2] : memref<320000xi32, #tpu.memory_space<hbm>> -> memref<10000xi32, #tpu.memory_space<hbm>>
      tpu.enqueue_dma source(%dma_start3A_55 : memref<10000xi32, #tpu.memory_space<hbm>>) target(%arg8 : memref<10000xi32, #tpu.memory_space<vmem>>) target_semaphore(%run_scoped3A : memref<!tpu.dma_semaphore, #tpu.memory_space<semaphore_mem>>)
      %dma_wait3A = tpu.memref_slice %arg2[%mul3A_2] : memref<320000xi32, #tpu.memory_space<hbm>> -> memref<10000xi32, #tpu.memory_space<hbm>>
      %dma_wait3A_56 = tpu.memref_slice %arg2[%mul3A_2] : memref<320000xi32, #tpu.memory_space<hbm>> -> memref<10000xi32, #tpu.memory_space<hbm>>
      tpu.wait_dma2 semaphore(%run_scoped3A : memref<!tpu.dma_semaphore, #tpu.memory_space<semaphore_mem>>) src(%dma_wait3A_56 : memref<10000xi32, #tpu.memory_space<hbm>>) dst(%arg8 : memref<10000xi32, #tpu.memory_space<vmem>>)
      tpu.yield
    }) : () -> ()
    "tpu.region"() ({
      %run_scoped3A = tpu.sem_alloc : memref<!tpu.dma_semaphore, #tpu.memory_space<semaphore_mem>>
      tpu.enqueue_dma source(%arg5 : memref<16x128xf32, #tpu.memory_space<hbm>>) target(%arg12 : memref<16x128xf32, #tpu.memory_space<vmem>>) target_semaphore(%run_scoped3A : memref<!tpu.dma_semaphore, #tpu.memory_space<semaphore_mem>>)
      tpu.wait_dma2 semaphore(%run_scoped3A : memref<!tpu.dma_semaphore, #tpu.memory_space<semaphore_mem>>) src(%arg5 : memref<16x128xf32, #tpu.memory_space<hbm>>) dst(%arg12 : memref<16x128xf32, #tpu.memory_space<vmem>>)
      tpu.yield
    }) : () -> ()
    %barrier3A = arith.constant 0 : index
    tpu.barrier barrier_id(%barrier3A)
    %scan3A = arith.constant 0 : i32
    %scan3A_5 = arith.constant 0 : i32
    %scan3A_6 = arith.constant 625 : i32
    %scan3A_7 = arith.addi %scan3A_5, %scan3A_6 : i32
    %scan3A_8 = arith.constant 1 : i32
    %scan3A_9 = scf.for %scan3A_55 = %scan3A_5 to %scan3A_7 step %scan3A_8 iter_args(%scan3A_56 = %scan3A) -> (i32)  : i32 {
      %mul3A_57 = arith.constant 16 : i32
      %mul3A_58 = arith.muli %scan3A_55, %mul3A_57 : i32
      %get3A = arith.index_cast %mul3A_58 : i32 to index
      %get3A_59 = tpu.vector_load %arg8[%get3A] {strides = array<i32>} : memref<10000xi32, #tpu.memory_space<vmem>>, vector<16xi32>,
      %lt3A = arith.constant 14 : i32
      %lt3A_60 = vector.broadcast %lt3A : i32 to vector<16xi32>
      %lt3A_61 = arith.cmpi slt, %get3A_59, %lt3A_60 : vector<16xi32>
      %mul3A_62 = arith.constant 16 : i32
      %mul3A_63 = arith.muli %scan3A_55, %mul3A_62 : i32
      %add3A_64 = arith.addi %mul3A_2, %mul3A_63 : i32
      %add3A_65 = vector.broadcast %add3A_64 : i32 to vector<16xi32>
      %add3A_66 = arith.addi %iota3A, %add3A_65 : vector<16xi32>
      %swap3A = arith.index_cast %scan3A_56 : i32 to index
      %swap3A_67 = tpu.vector_load %arg9[%swap3A] masked %lt3A_61 {strides = array<i32>} : memref<10016xi32, #tpu.memory_space<vmem>>, vector<16xi32>, vector<16xi1>
      tpu.vector_store %arg9[%swap3A], %add3A_66 masked %lt3A_61 {strides = array<i32>} : memref<10016xi32, #tpu.memory_space<vmem>>, vector<16xi32>, vector<16xi1>
      %swap3A_68 = arith.index_cast %scan3A_56 : i32 to index
      %swap3A_69 = tpu.vector_load %arg10[%swap3A_68] masked %lt3A_61 {strides = array<i32>} : memref<10016xi32, #tpu.memory_space<vmem>>, vector<16xi32>, vector<16xi1>
      tpu.vector_store %arg10[%swap3A_68], %get3A_59 masked %lt3A_61 {strides = array<i32>} : memref<10016xi32, #tpu.memory_space<vmem>>, vector<16xi32>, vector<16xi1>
      %all_reduce_population_count3A = tpu.all_reduce %lt3A_61 {dim = 0 : i64, kind = #tpu.reduction_kind<sum>} : vector<16xi1> -> vector<16xi32>
      %slice3A = vector.extract_strided_slice %all_reduce_population_count3A {offsets = [0], sizes = [1], strides = [1]} : vector<16xi32> to vector<1xi32>
      %squeeze3A = vector.extract %slice3A[0] : i32 from vector<1xi32>
      %add3A_70 = arith.addi %scan3A_56, %squeeze3A : i32
      scf.yield %add3A_70 : i32
    }
    %scan3A_10 = arith.constant 625 : i32
    %add3A_11 = vector.broadcast %scan3A_9 : i32 to vector<16xi32>
    %add3A_12 = arith.addi %add3A_11, %iota3A : vector<16xi32>
    %broadcast_in_dim3A = arith.constant 0 : i32
    %broadcast_in_dim3A_13 = vector.broadcast %broadcast_in_dim3A : i32 to vector<16xi32>
    tpu.vector_store_idx %arg9[%add3A_12], %broadcast_in_dim3A_13 : memref<10016xi32, #tpu.memory_space<vmem>>[vector<16xi32>], vector<16xi32>,
    %add3A_14 = vector.broadcast %scan3A_9 : i32 to vector<16xi32>
    %add3A_15 = arith.addi %add3A_14, %iota3A : vector<16xi32>
    %broadcast_in_dim3A_16 = arith.constant 14 : i32
    %broadcast_in_dim3A_17 = vector.broadcast %broadcast_in_dim3A_16 : i32 to vector<16xi32>
    tpu.vector_store_idx %arg10[%add3A_15], %broadcast_in_dim3A_17 : memref<10016xi32, #tpu.memory_space<vmem>>[vector<16xi32>], vector<16xi32>,
    %add3A_18 = arith.constant 16 : i32
    %add3A_19 = arith.addi %scan3A_9, %add3A_18 : i32
    %sub3A = arith.constant 1 : i32
    %sub3A_20 = arith.subi %add3A_19, %sub3A : i32
    %jit3A = arith.constant 16 : i32
    %div3A = arith.divsi %sub3A_20, %jit3A : i32
    %sign3A = arith.constant 0 : i32
    %sign3A_21 = arith.cmpi sgt, %sub3A_20, %sign3A : i32
    %sign3A_22 = arith.extui %sign3A_21 : i1 to i32
    %sign3A_23 = arith.constant 0 : i32
    %sign3A_24 = arith.cmpi slt, %sub3A_20, %sign3A_23 : i32
    %sign3A_25 = arith.extui %sign3A_24 : i1 to i32
    %sign3A_26 = arith.subi %sign3A_22, %sign3A_25 : i32
    %sign3A_27 = arith.constant 0 : i32
    %sign3A_28 = arith.cmpi sgt, %jit3A, %sign3A_27 : i32
    %sign3A_29 = arith.extui %sign3A_28 : i1 to i32
    %sign3A_30 = arith.constant 0 : i32
    %sign3A_31 = arith.cmpi slt, %jit3A, %sign3A_30 : i32
    %sign3A_32 = arith.extui %sign3A_31 : i1 to i32
    %sign3A_33 = arith.subi %sign3A_29, %sign3A_32 : i32
    %ne3A = arith.cmpi ne, %sign3A_26, %sign3A_33 : i32
    %rem3A = arith.remsi %sub3A_20, %jit3A : i32
    %ne3A_34 = arith.constant 0 : i32
    %ne3A_35 = arith.cmpi ne, %rem3A, %ne3A_34 : i32
    %and3A = arith.andi %ne3A, %ne3A_35 : i1
    %sub3A_36 = arith.constant 1 : i32
    %sub3A_37 = arith.subi %div3A, %sub3A_36 : i32
    %select_n3A = arith.select %and3A, %sub3A_37, %div3A : i32
    %while3A = arith.constant 0 : i32
    %while3A_38 = arith.constant 0 : i32
    %while3A_39 = arith.subi %select_n3A, %while3A : i32
    %while3A_40 = arith.addi %while3A, %while3A_39 : i32
    %while3A_41 = arith.constant 1 : i32
    %while3A_42 = arith.divsi %while3A_39, %while3A_41 : i32
    %while3A_43 = arith.muli %while3A_42, %while3A_41 : i32
    %while3A_44 = arith.addi %while3A, %while3A_43 : i32
    %while3A_45 = arith.constant 1 : i32
    %while3A_46 = scf.for %while3A_55 = %while3A to %while3A_44 step %while3A_45 iter_args(%while3A_56 = %while3A_38) -> (i32)  : i32 {
      %mul3A_57 = arith.constant 16 : i32
      %mul3A_58 = arith.muli %while3A_55, %mul3A_57 : i32
      %get3A = arith.index_cast %mul3A_58 : i32 to index
      %get3A_59 = tpu.vector_load %arg9[%get3A] {strides = array<i32>} : memref<10016xi32, #tpu.memory_space<vmem>>, vector<16xi32>,
      %mul3A_60 = arith.constant 16 : i32
      %mul3A_61 = arith.muli %while3A_55, %mul3A_60 : i32
      %get3A_62 = arith.index_cast %mul3A_61 : i32 to index
      %get3A_63 = tpu.vector_load %arg10[%get3A_62] {strides = array<i32>} : memref<10016xi32, #tpu.memory_space<vmem>>, vector<16xi32>,
      %dma_start3A = arith.constant 0 : i32
      %dma_start3A_64 = arith.constant 0 : i32
      %dma_start3A_65 = tpu.memref_slice %arg3[%dma_start3A, %dma_start3A_64] : memref<320000x128xf32, #tpu.memory_space<hbm>> -> memref<320000x128xf32, #tpu.memory_space<hbm>>
      tpu.enqueue_indirect_dma source(%dma_start3A_65 : memref<320000x128xf32, #tpu.memory_space<hbm>>) target(%arg11 : memref<16x128xf32, #tpu.memory_space<vmem>>) offsets(%get3A_59 : vector<16xi32>) semaphore(%arg15 : memref<!tpu.dma_semaphore, #tpu.memory_space<semaphore_mem>>)
      %dma_wait3A = arith.constant 0 : i32
      %dma_wait3A_66 = arith.constant 0 : i32
      %dma_wait3A_67 = tpu.memref_slice %arg3[%dma_wait3A, %dma_wait3A_66] : memref<320000x128xf32, #tpu.memory_space<hbm>> -> memref<320000x128xf32, #tpu.memory_space<hbm>>
      tpu.wait_indirect_dma semaphore(%arg15 : memref<!tpu.dma_semaphore, #tpu.memory_space<semaphore_mem>>) src(%dma_wait3A_67 : memref<320000x128xf32, #tpu.memory_space<hbm>>) dst(%arg11 : memref<16x128xf32, #tpu.memory_space<vmem>>)
      "tpu.region"() ({
        %run_scoped3A = tpu.sem_alloc : memref<!tpu.dma_semaphore, #tpu.memory_space<semaphore_mem>>
        %dma_start3A_69 = arith.constant 0 : i32
        %dma_start3A_70 = arith.constant 0 : i32
        %dma_start3A_71 = tpu.memref_slice %arg13[%dma_start3A_69, %dma_start3A_70] : memref<16x128xf32, #tpu.memory_space<vmem_shared>> -> memref<16x128xf32, #tpu.memory_space<vmem_shared>>
        tpu.enqueue_indirect_dma source(%arg11 : memref<16x128xf32, #tpu.memory_space<vmem>>) target(%dma_start3A_71 : memref<16x128xf32, #tpu.memory_space<vmem_shared>>) offsets(%get3A_63 : vector<16xi32>) semaphore(%run_scoped3A : memref<!tpu.dma_semaphore, #tpu.memory_space<semaphore_mem>>) {add = true}
        %dma_wait3A_72 = arith.constant 0 : i32
        %dma_wait3A_73 = arith.constant 0 : i32
        %dma_wait3A_74 = tpu.memref_slice %arg13[%dma_wait3A_72, %dma_wait3A_73] : memref<16x128xf32, #tpu.memory_space<vmem_shared>> -> memref<16x128xf32, #tpu.memory_space<vmem_shared>>
        tpu.wait_indirect_dma semaphore(%run_scoped3A : memref<!tpu.dma_semaphore, #tpu.memory_space<semaphore_mem>>) src(%arg11 : memref<16x128xf32, #tpu.memory_space<vmem>>) dst(%dma_wait3A_74 : memref<16x128xf32, #tpu.memory_space<vmem_shared>>)
        tpu.yield
      }) : () -> ()
      "tpu.region"() ({
        %run_scoped3A = tpu.sem_alloc : memref<!tpu.dma_semaphore, #tpu.memory_space<semaphore_mem>>
        %dma_start3A_69 = arith.constant 0 : i32
        %dma_start3A_70 = arith.constant 0 : i32
        %dma_start3A_71 = tpu.memref_slice %arg14[%dma_start3A_69, %dma_start3A_70] : memref<16x128xf32, #tpu.memory_space<vmem_shared>> -> memref<16x128xf32, #tpu.memory_space<vmem_shared>>
        tpu.enqueue_indirect_dma source(%arg12 : memref<16x128xf32, #tpu.memory_space<vmem>>) target(%dma_start3A_71 : memref<16x128xf32, #tpu.memory_space<vmem_shared>>) offsets(%get3A_63 : vector<16xi32>) semaphore(%run_scoped3A : memref<!tpu.dma_semaphore, #tpu.memory_space<semaphore_mem>>) {add = true}
        %dma_wait3A_72 = arith.constant 0 : i32
        %dma_wait3A_73 = arith.constant 0 : i32
        %dma_wait3A_74 = tpu.memref_slice %arg14[%dma_wait3A_72, %dma_wait3A_73] : memref<16x128xf32, #tpu.memory_space<vmem_shared>> -> memref<16x128xf32, #tpu.memory_space<vmem_shared>>
        tpu.wait_indirect_dma semaphore(%run_scoped3A : memref<!tpu.dma_semaphore, #tpu.memory_space<semaphore_mem>>) src(%arg12 : memref<16x128xf32, #tpu.memory_space<vmem>>) dst(%dma_wait3A_74 : memref<16x128xf32, #tpu.memory_space<vmem_shared>>)
        tpu.yield
      }) : () -> ()
      %while3A_68 = arith.constant 0 : i32
      scf.yield %while3A_68 : i32
    }
    %while3A_47 = arith.constant 1 : i32
    %while3A_48 = scf.for %while3A_55 = %while3A_44 to %while3A_40 step %while3A_47 iter_args(%while3A_56 = %while3A_46) -> (i32)  : i32 {
      %mul3A_57 = arith.constant 16 : i32
      %mul3A_58 = arith.muli %while3A_55, %mul3A_57 : i32
      %get3A = arith.index_cast %mul3A_58 : i32 to index
      %get3A_59 = tpu.vector_load %arg9[%get3A] {strides = array<i32>} : memref<10016xi32, #tpu.memory_space<vmem>>, vector<16xi32>,
      %mul3A_60 = arith.constant 16 : i32
      %mul3A_61 = arith.muli %while3A_55, %mul3A_60 : i32
      %get3A_62 = arith.index_cast %mul3A_61 : i32 to index
      %get3A_63 = tpu.vector_load %arg10[%get3A_62] {strides = array<i32>} : memref<10016xi32, #tpu.memory_space<vmem>>, vector<16xi32>,
      %dma_start3A = arith.constant 0 : i32
      %dma_start3A_64 = arith.constant 0 : i32
      %dma_start3A_65 = tpu.memref_slice %arg3[%dma_start3A, %dma_start3A_64] : memref<320000x128xf32, #tpu.memory_space<hbm>> -> memref<320000x128xf32, #tpu.memory_space<hbm>>
      tpu.enqueue_indirect_dma source(%dma_start3A_65 : memref<320000x128xf32, #tpu.memory_space<hbm>>) target(%arg11 : memref<16x128xf32, #tpu.memory_space<vmem>>) offsets(%get3A_59 : vector<16xi32>) semaphore(%arg15 : memref<!tpu.dma_semaphore, #tpu.memory_space<semaphore_mem>>)
      %dma_wait3A = arith.constant 0 : i32
      %dma_wait3A_66 = arith.constant 0 : i32
      %dma_wait3A_67 = tpu.memref_slice %arg3[%dma_wait3A, %dma_wait3A_66] : memref<320000x128xf32, #tpu.memory_space<hbm>> -> memref<320000x128xf32, #tpu.memory_space<hbm>>
      tpu.wait_indirect_dma semaphore(%arg15 : memref<!tpu.dma_semaphore, #tpu.memory_space<semaphore_mem>>) src(%dma_wait3A_67 : memref<320000x128xf32, #tpu.memory_space<hbm>>) dst(%arg11 : memref<16x128xf32, #tpu.memory_space<vmem>>)
      "tpu.region"() ({
        %run_scoped3A = tpu.sem_alloc : memref<!tpu.dma_semaphore, #tpu.memory_space<semaphore_mem>>
        %dma_start3A_69 = arith.constant 0 : i32
        %dma_start3A_70 = arith.constant 0 : i32
        %dma_start3A_71 = tpu.memref_slice %arg13[%dma_start3A_69, %dma_start3A_70] : memref<16x128xf32, #tpu.memory_space<vmem_shared>> -> memref<16x128xf32, #tpu.memory_space<vmem_shared>>
        tpu.enqueue_indirect_dma source(%arg11 : memref<16x128xf32, #tpu.memory_space<vmem>>) target(%dma_start3A_71 : memref<16x128xf32, #tpu.memory_space<vmem_shared>>) offsets(%get3A_63 : vector<16xi32>) semaphore(%run_scoped3A : memref<!tpu.dma_semaphore, #tpu.memory_space<semaphore_mem>>) {add = true}
        %dma_wait3A_72 = arith.constant 0 : i32
        %dma_wait3A_73 = arith.constant 0 : i32
        %dma_wait3A_74 = tpu.memref_slice %arg13[%dma_wait3A_72, %dma_wait3A_73] : memref<16x128xf32, #tpu.memory_space<vmem_shared>> -> memref<16x128xf32, #tpu.memory_space<vmem_shared>>
        tpu.wait_indirect_dma semaphore(%run_scoped3A : memref<!tpu.dma_semaphore, #tpu.memory_space<semaphore_mem>>) src(%arg11 : memref<16x128xf32, #tpu.memory_space<vmem>>) dst(%dma_wait3A_74 : memref<16x128xf32, #tpu.memory_space<vmem_shared>>)
        tpu.yield
      }) : () -> ()
      "tpu.region"() ({
        %run_scoped3A = tpu.sem_alloc : memref<!tpu.dma_semaphore, #tpu.memory_space<semaphore_mem>>
        %dma_start3A_69 = arith.constant 0 : i32
        %dma_start3A_70 = arith.constant 0 : i32
        %dma_start3A_71 = tpu.memref_slice %arg14[%dma_start3A_69, %dma_start3A_70] : memref<16x128xf32, #tpu.memory_space<vmem_shared>> -> memref<16x128xf32, #tpu.memory_space<vmem_shared>>
        tpu.enqueue_indirect_dma source(%arg12 : memref<16x128xf32, #tpu.memory_space<vmem>>) target(%dma_start3A_71 : memref<16x128xf32, #tpu.memory_space<vmem_shared>>) offsets(%get3A_63 : vector<16xi32>) semaphore(%run_scoped3A : memref<!tpu.dma_semaphore, #tpu.memory_space<semaphore_mem>>) {add = true}
        %dma_wait3A_72 = arith.constant 0 : i32
        %dma_wait3A_73 = arith.constant 0 : i32
        %dma_wait3A_74 = tpu.memref_slice %arg14[%dma_wait3A_72, %dma_wait3A_73] : memref<16x128xf32, #tpu.memory_space<vmem_shared>> -> memref<16x128xf32, #tpu.memory_space<vmem_shared>>
        tpu.wait_indirect_dma semaphore(%run_scoped3A : memref<!tpu.dma_semaphore, #tpu.memory_space<semaphore_mem>>) src(%arg12 : memref<16x128xf32, #tpu.memory_space<vmem>>) dst(%dma_wait3A_74 : memref<16x128xf32, #tpu.memory_space<vmem_shared>>)
        tpu.yield
      }) : () -> ()
      %while3A_68 = arith.constant 0 : i32
      scf.yield %while3A_68 : i32
    }
    %barrier3A_49 = arith.constant 0 : index
    tpu.barrier barrier_id(%barrier3A_49)
    %eq3A_50 = arith.constant 0 : i32
    %eq3A_51 = arith.cmpi eq, %arg1, %eq3A_50 : i32
    %convert_element_type3A_52 = arith.extui %eq3A_51 : i1 to i32
    %cond3A_53 = arith.constant 0 : i32
    %cond3A_54 = arith.cmpi ne, %convert_element_type3A_52, %cond3A_53 : i32
    scf.if %cond3A_54 {
      "tpu.region"() ({
        %run_scoped3A = tpu.sem_alloc : memref<!tpu.dma_semaphore, #tpu.memory_space<semaphore_mem>>
        %dma_start3A = arith.constant 0 : i32
        %dma_start3A_55 = arith.constant 0 : i32
        %dma_start3A_56 = tpu.memref_slice %arg6[%arg0, %dma_start3A, %dma_start3A_55] : memref<2x16x128xf32, #tpu.memory_space<hbm>> -> memref<1x16x128xf32, #tpu.memory_space<hbm>>
        %dma_start3A_57 = tpu.memref_squeeze %dma_start3A_56 : memref<1x16x128xf32, #tpu.memory_space<hbm>> -> memref<16x128xf32, #tpu.memory_space<hbm>>
        tpu.enqueue_dma source(%arg13 : memref<16x128xf32, #tpu.memory_space<vmem_shared>>) target(%dma_start3A_57 : memref<16x128xf32, #tpu.memory_space<hbm>>) target_semaphore(%run_scoped3A : memref<!tpu.dma_semaphore, #tpu.memory_space<semaphore_mem>>)
        %dma_wait3A = arith.constant 0 : i32
        %dma_wait3A_58 = arith.constant 0 : i32
        %dma_wait3A_59 = tpu.memref_slice %arg6[%arg0, %dma_wait3A, %dma_wait3A_58] : memref<2x16x128xf32, #tpu.memory_space<hbm>> -> memref<1x16x128xf32, #tpu.memory_space<hbm>>
        %dma_wait3A_60 = tpu.memref_squeeze %dma_wait3A_59 : memref<1x16x128xf32, #tpu.memory_space<hbm>> -> memref<16x128xf32, #tpu.memory_space<hbm>>
        tpu.wait_dma2 semaphore(%run_scoped3A : memref<!tpu.dma_semaphore, #tpu.memory_space<semaphore_mem>>) src(%arg13 : memref<16x128xf32, #tpu.memory_space<vmem_shared>>) dst(%dma_wait3A_60 : memref<16x128xf32, #tpu.memory_space<hbm>>)
        tpu.yield
      }) : () -> ()
      "tpu.region"() ({
        %run_scoped3A = tpu.sem_alloc : memref<!tpu.dma_semaphore, #tpu.memory_space<semaphore_mem>>
        %dma_start3A = arith.constant 0 : i32
        %dma_start3A_55 = arith.constant 0 : i32
        %dma_start3A_56 = tpu.memref_slice %arg7[%arg0, %dma_start3A, %dma_start3A_55] : memref<2x16x128xf32, #tpu.memory_space<hbm>> -> memref<1x16x128xf32, #tpu.memory_space<hbm>>
        %dma_start3A_57 = tpu.memref_squeeze %dma_start3A_56 : memref<1x16x128xf32, #tpu.memory_space<hbm>> -> memref<16x128xf32, #tpu.memory_space<hbm>>
        tpu.enqueue_dma source(%arg14 : memref<16x128xf32, #tpu.memory_space<vmem_shared>>) target(%dma_start3A_57 : memref<16x128xf32, #tpu.memory_space<hbm>>) target_semaphore(%run_scoped3A : memref<!tpu.dma_semaphore, #tpu.memory_space<semaphore_mem>>)
        %dma_wait3A = arith.constant 0 : i32
        %dma_wait3A_58 = arith.constant 0 : i32
        %dma_wait3A_59 = tpu.memref_slice %arg7[%arg0, %dma_wait3A, %dma_wait3A_58] : memref<2x16x128xf32, #tpu.memory_space<hbm>> -> memref<1x16x128xf32, #tpu.memory_space<hbm>>
        %dma_wait3A_60 = tpu.memref_squeeze %dma_wait3A_59 : memref<1x16x128xf32, #tpu.memory_space<hbm>> -> memref<16x128xf32, #tpu.memory_space<hbm>>
        tpu.wait_dma2 semaphore(%run_scoped3A : memref<!tpu.dma_semaphore, #tpu.memory_space<semaphore_mem>>) src(%arg14 : memref<16x128xf32, #tpu.memory_space<vmem_shared>>) dst(%dma_wait3A_60 : memref<16x128xf32, #tpu.memory_space<hbm>>)
        tpu.yield
      }) : () -> ()
    } else {
    }
    return
  }
}

#map = affine_map<(d0, d1) -> (0)>
#map1 = affine_map<(d0, d1) -> (0, 0)>
module attributes {stable_mosaic.version = 14 : i64} {
  func.func @_sc_emit_body(%arg0: i32, %arg1: i32, %arg2: memref<320000xi32, #tpu.memory_space<hbm>>, %arg3: memref<320000xi32, #tpu.memory_space<hbm>>, %arg4: memref<10000x128xf32, #tpu.memory_space<hbm>>, %arg5: memref<10000xi32, #tpu.memory_space<hbm>>, %arg6: memref<400x128xf32, #tpu.memory_space<hbm>>, %arg7: memref<320008x128xf32, #tpu.memory_space<hbm>>, %arg8: memref<10000xi32, #tpu.memory_space<vmem>>, %arg9: memref<10000xi32, #tpu.memory_space<vmem>>, %arg10: memref<10000xi32, #tpu.memory_space<vmem>>, %arg11: memref<10016xi32, #tpu.memory_space<vmem>>, %arg12: memref<10016xi32, #tpu.memory_space<vmem>>, %arg13: memref<10016xi32, #tpu.memory_space<vmem>>, %arg14: memref<400x128xf32, #tpu.memory_space<vmem>>, %arg15: memref<16x128xf32, #tpu.memory_space<vmem>>, %arg16: memref<16x128xf32, #tpu.memory_space<vmem>>, %arg17: memref<!tpu.dma_semaphore, #tpu.memory_space<semaphore_mem>>, %arg18: memref<!tpu.dma_semaphore, #tpu.memory_space<semaphore_mem>>) attributes {dimension_semantics = [#tpu.dimension_semantics<core_parallel>, #tpu.dimension_semantics<subcore_parallel>], iteration_bounds = array<i64: 2, 16>, scalar_prefetch = 0 : i64, scratch_operands = 11 : i64, tpu.core_type = #tpu.core_type<sc_vector_subcore>, window_params = [{transform_indices = #map}, {transform_indices = #map}, {transform_indices = #map1}, {transform_indices = #map}, {transform_indices = #map1}, {transform_indices = #map1}]} {
    %mul3A = arith.constant 2 : i32
    %mul3A_0 = arith.muli %arg1, %mul3A : i32
    %add3A = arith.addi %mul3A_0, %arg0 : i32
    %mul3A_1 = arith.constant 10000 : i32
    %mul3A_2 = arith.muli %add3A, %mul3A_1 : i32
    %iota3A = tpu.iota {dimensions = array<i32: 0>} : vector<16xi32>
    "tpu.region"() ({
      %run_scoped3A = tpu.sem_alloc : memref<!tpu.dma_semaphore, #tpu.memory_space<semaphore_mem>>
      tpu.enqueue_dma source(%arg6 : memref<400x128xf32, #tpu.memory_space<hbm>>) target(%arg14 : memref<400x128xf32, #tpu.memory_space<vmem>>) target_semaphore(%run_scoped3A : memref<!tpu.dma_semaphore, #tpu.memory_space<semaphore_mem>>)
      tpu.wait_dma2 semaphore(%run_scoped3A : memref<!tpu.dma_semaphore, #tpu.memory_space<semaphore_mem>>) src(%arg6 : memref<400x128xf32, #tpu.memory_space<hbm>>) dst(%arg14 : memref<400x128xf32, #tpu.memory_space<vmem>>)
      tpu.yield
    }) : () -> ()
    %add3A_3 = arith.constant 0 : i32
    %add3A_4 = arith.addi %mul3A_2, %add3A_3 : i32
    %dma_start3A = arith.constant 0 : i32
    %dma_start3A_5 = tpu.memref_slice %arg7[%add3A_4, %dma_start3A] : memref<320008x128xf32, #tpu.memory_space<hbm>> -> memref<400x128xf32, #tpu.memory_space<hbm>>
    %dma_start3A_6 = arith.constant 0 : i32
    %dma_start3A_7 = tpu.memref_slice %arg7[%add3A_4, %dma_start3A_6] : memref<320008x128xf32, #tpu.memory_space<hbm>> -> memref<400x128xf32, #tpu.memory_space<hbm>>
    tpu.enqueue_dma source(%arg14 : memref<400x128xf32, #tpu.memory_space<vmem>>) target(%dma_start3A_7 : memref<400x128xf32, #tpu.memory_space<hbm>>) target_semaphore(%arg17 : memref<!tpu.dma_semaphore, #tpu.memory_space<semaphore_mem>>)
    %add3A_8 = arith.constant 400 : i32
    %add3A_9 = arith.addi %mul3A_2, %add3A_8 : i32
    %dma_start3A_10 = arith.constant 0 : i32
    %dma_start3A_11 = tpu.memref_slice %arg7[%add3A_9, %dma_start3A_10] : memref<320008x128xf32, #tpu.memory_space<hbm>> -> memref<400x128xf32, #tpu.memory_space<hbm>>
    %dma_start3A_12 = arith.constant 0 : i32
    %dma_start3A_13 = tpu.memref_slice %arg7[%add3A_9, %dma_start3A_12] : memref<320008x128xf32, #tpu.memory_space<hbm>> -> memref<400x128xf32, #tpu.memory_space<hbm>>
    tpu.enqueue_dma source(%arg14 : memref<400x128xf32, #tpu.memory_space<vmem>>) target(%dma_start3A_13 : memref<400x128xf32, #tpu.memory_space<hbm>>) target_semaphore(%arg17 : memref<!tpu.dma_semaphore, #tpu.memory_space<semaphore_mem>>)
    %add3A_14 = arith.constant 800 : i32
    %add3A_15 = arith.addi %mul3A_2, %add3A_14 : i32
    %dma_start3A_16 = arith.constant 0 : i32
    %dma_start3A_17 = tpu.memref_slice %arg7[%add3A_15, %dma_start3A_16] : memref<320008x128xf32, #tpu.memory_space<hbm>> -> memref<400x128xf32, #tpu.memory_space<hbm>>
    %dma_start3A_18 = arith.constant 0 : i32
    %dma_start3A_19 = tpu.memref_slice %arg7[%add3A_15, %dma_start3A_18] : memref<320008x128xf32, #tpu.memory_space<hbm>> -> memref<400x128xf32, #tpu.memory_space<hbm>>
    tpu.enqueue_dma source(%arg14 : memref<400x128xf32, #tpu.memory_space<vmem>>) target(%dma_start3A_19 : memref<400x128xf32, #tpu.memory_space<hbm>>) target_semaphore(%arg17 : memref<!tpu.dma_semaphore, #tpu.memory_space<semaphore_mem>>)
    %add3A_20 = arith.constant 1200 : i32
    %add3A_21 = arith.addi %mul3A_2, %add3A_20 : i32
    %dma_start3A_22 = arith.constant 0 : i32
    %dma_start3A_23 = tpu.memref_slice %arg7[%add3A_21, %dma_start3A_22] : memref<320008x128xf32, #tpu.memory_space<hbm>> -> memref<400x128xf32, #tpu.memory_space<hbm>>
    %dma_start3A_24 = arith.constant 0 : i32
    %dma_start3A_25 = tpu.memref_slice %arg7[%add3A_21, %dma_start3A_24] : memref<320008x128xf32, #tpu.memory_space<hbm>> -> memref<400x128xf32, #tpu.memory_space<hbm>>
    tpu.enqueue_dma source(%arg14 : memref<400x128xf32, #tpu.memory_space<vmem>>) target(%dma_start3A_25 : memref<400x128xf32, #tpu.memory_space<hbm>>) target_semaphore(%arg17 : memref<!tpu.dma_semaphore, #tpu.memory_space<semaphore_mem>>)
    %add3A_26 = arith.constant 1600 : i32
    %add3A_27 = arith.addi %mul3A_2, %add3A_26 : i32
    %dma_start3A_28 = arith.constant 0 : i32
    %dma_start3A_29 = tpu.memref_slice %arg7[%add3A_27, %dma_start3A_28] : memref<320008x128xf32, #tpu.memory_space<hbm>> -> memref<400x128xf32, #tpu.memory_space<hbm>>
    %dma_start3A_30 = arith.constant 0 : i32
    %dma_start3A_31 = tpu.memref_slice %arg7[%add3A_27, %dma_start3A_30] : memref<320008x128xf32, #tpu.memory_space<hbm>> -> memref<400x128xf32, #tpu.memory_space<hbm>>
    tpu.enqueue_dma source(%arg14 : memref<400x128xf32, #tpu.memory_space<vmem>>) target(%dma_start3A_31 : memref<400x128xf32, #tpu.memory_space<hbm>>) target_semaphore(%arg17 : memref<!tpu.dma_semaphore, #tpu.memory_space<semaphore_mem>>)
    %add3A_32 = arith.constant 2000 : i32
    %add3A_33 = arith.addi %mul3A_2, %add3A_32 : i32
    %dma_start3A_34 = arith.constant 0 : i32
    %dma_start3A_35 = tpu.memref_slice %arg7[%add3A_33, %dma_start3A_34] : memref<320008x128xf32, #tpu.memory_space<hbm>> -> memref<400x128xf32, #tpu.memory_space<hbm>>
    %dma_start3A_36 = arith.constant 0 : i32
    %dma_start3A_37 = tpu.memref_slice %arg7[%add3A_33, %dma_start3A_36] : memref<320008x128xf32, #tpu.memory_space<hbm>> -> memref<400x128xf32, #tpu.memory_space<hbm>>
    tpu.enqueue_dma source(%arg14 : memref<400x128xf32, #tpu.memory_space<vmem>>) target(%dma_start3A_37 : memref<400x128xf32, #tpu.memory_space<hbm>>) target_semaphore(%arg17 : memref<!tpu.dma_semaphore, #tpu.memory_space<semaphore_mem>>)
    %add3A_38 = arith.constant 2400 : i32
    %add3A_39 = arith.addi %mul3A_2, %add3A_38 : i32
    %dma_start3A_40 = arith.constant 0 : i32
    %dma_start3A_41 = tpu.memref_slice %arg7[%add3A_39, %dma_start3A_40] : memref<320008x128xf32, #tpu.memory_space<hbm>> -> memref<400x128xf32, #tpu.memory_space<hbm>>
    %dma_start3A_42 = arith.constant 0 : i32
    %dma_start3A_43 = tpu.memref_slice %arg7[%add3A_39, %dma_start3A_42] : memref<320008x128xf32, #tpu.memory_space<hbm>> -> memref<400x128xf32, #tpu.memory_space<hbm>>
    tpu.enqueue_dma source(%arg14 : memref<400x128xf32, #tpu.memory_space<vmem>>) target(%dma_start3A_43 : memref<400x128xf32, #tpu.memory_space<hbm>>) target_semaphore(%arg17 : memref<!tpu.dma_semaphore, #tpu.memory_space<semaphore_mem>>)
    %add3A_44 = arith.constant 2800 : i32
    %add3A_45 = arith.addi %mul3A_2, %add3A_44 : i32
    %dma_start3A_46 = arith.constant 0 : i32
    %dma_start3A_47 = tpu.memref_slice %arg7[%add3A_45, %dma_start3A_46] : memref<320008x128xf32, #tpu.memory_space<hbm>> -> memref<400x128xf32, #tpu.memory_space<hbm>>
    %dma_start3A_48 = arith.constant 0 : i32
    %dma_start3A_49 = tpu.memref_slice %arg7[%add3A_45, %dma_start3A_48] : memref<320008x128xf32, #tpu.memory_space<hbm>> -> memref<400x128xf32, #tpu.memory_space<hbm>>
    tpu.enqueue_dma source(%arg14 : memref<400x128xf32, #tpu.memory_space<vmem>>) target(%dma_start3A_49 : memref<400x128xf32, #tpu.memory_space<hbm>>) target_semaphore(%arg17 : memref<!tpu.dma_semaphore, #tpu.memory_space<semaphore_mem>>)
    %add3A_50 = arith.constant 3200 : i32
    %add3A_51 = arith.addi %mul3A_2, %add3A_50 : i32
    %dma_start3A_52 = arith.constant 0 : i32
    %dma_start3A_53 = tpu.memref_slice %arg7[%add3A_51, %dma_start3A_52] : memref<320008x128xf32, #tpu.memory_space<hbm>> -> memref<400x128xf32, #tpu.memory_space<hbm>>
    %dma_start3A_54 = arith.constant 0 : i32
    %dma_start3A_55 = tpu.memref_slice %arg7[%add3A_51, %dma_start3A_54] : memref<320008x128xf32, #tpu.memory_space<hbm>> -> memref<400x128xf32, #tpu.memory_space<hbm>>
    tpu.enqueue_dma source(%arg14 : memref<400x128xf32, #tpu.memory_space<vmem>>) target(%dma_start3A_55 : memref<400x128xf32, #tpu.memory_space<hbm>>) target_semaphore(%arg17 : memref<!tpu.dma_semaphore, #tpu.memory_space<semaphore_mem>>)
    %add3A_56 = arith.constant 3600 : i32
    %add3A_57 = arith.addi %mul3A_2, %add3A_56 : i32
    %dma_start3A_58 = arith.constant 0 : i32
    %dma_start3A_59 = tpu.memref_slice %arg7[%add3A_57, %dma_start3A_58] : memref<320008x128xf32, #tpu.memory_space<hbm>> -> memref<400x128xf32, #tpu.memory_space<hbm>>
    %dma_start3A_60 = arith.constant 0 : i32
    %dma_start3A_61 = tpu.memref_slice %arg7[%add3A_57, %dma_start3A_60] : memref<320008x128xf32, #tpu.memory_space<hbm>> -> memref<400x128xf32, #tpu.memory_space<hbm>>
    tpu.enqueue_dma source(%arg14 : memref<400x128xf32, #tpu.memory_space<vmem>>) target(%dma_start3A_61 : memref<400x128xf32, #tpu.memory_space<hbm>>) target_semaphore(%arg17 : memref<!tpu.dma_semaphore, #tpu.memory_space<semaphore_mem>>)
    %add3A_62 = arith.constant 4000 : i32
    %add3A_63 = arith.addi %mul3A_2, %add3A_62 : i32
    %dma_start3A_64 = arith.constant 0 : i32
    %dma_start3A_65 = tpu.memref_slice %arg7[%add3A_63, %dma_start3A_64] : memref<320008x128xf32, #tpu.memory_space<hbm>> -> memref<400x128xf32, #tpu.memory_space<hbm>>
    %dma_start3A_66 = arith.constant 0 : i32
    %dma_start3A_67 = tpu.memref_slice %arg7[%add3A_63, %dma_start3A_66] : memref<320008x128xf32, #tpu.memory_space<hbm>> -> memref<400x128xf32, #tpu.memory_space<hbm>>
    tpu.enqueue_dma source(%arg14 : memref<400x128xf32, #tpu.memory_space<vmem>>) target(%dma_start3A_67 : memref<400x128xf32, #tpu.memory_space<hbm>>) target_semaphore(%arg17 : memref<!tpu.dma_semaphore, #tpu.memory_space<semaphore_mem>>)
    %add3A_68 = arith.constant 4400 : i32
    %add3A_69 = arith.addi %mul3A_2, %add3A_68 : i32
    %dma_start3A_70 = arith.constant 0 : i32
    %dma_start3A_71 = tpu.memref_slice %arg7[%add3A_69, %dma_start3A_70] : memref<320008x128xf32, #tpu.memory_space<hbm>> -> memref<400x128xf32, #tpu.memory_space<hbm>>
    %dma_start3A_72 = arith.constant 0 : i32
    %dma_start3A_73 = tpu.memref_slice %arg7[%add3A_69, %dma_start3A_72] : memref<320008x128xf32, #tpu.memory_space<hbm>> -> memref<400x128xf32, #tpu.memory_space<hbm>>
    tpu.enqueue_dma source(%arg14 : memref<400x128xf32, #tpu.memory_space<vmem>>) target(%dma_start3A_73 : memref<400x128xf32, #tpu.memory_space<hbm>>) target_semaphore(%arg17 : memref<!tpu.dma_semaphore, #tpu.memory_space<semaphore_mem>>)
    %add3A_74 = arith.constant 4800 : i32
    %add3A_75 = arith.addi %mul3A_2, %add3A_74 : i32
    %dma_start3A_76 = arith.constant 0 : i32
    %dma_start3A_77 = tpu.memref_slice %arg7[%add3A_75, %dma_start3A_76] : memref<320008x128xf32, #tpu.memory_space<hbm>> -> memref<400x128xf32, #tpu.memory_space<hbm>>
    %dma_start3A_78 = arith.constant 0 : i32
    %dma_start3A_79 = tpu.memref_slice %arg7[%add3A_75, %dma_start3A_78] : memref<320008x128xf32, #tpu.memory_space<hbm>> -> memref<400x128xf32, #tpu.memory_space<hbm>>
    tpu.enqueue_dma source(%arg14 : memref<400x128xf32, #tpu.memory_space<vmem>>) target(%dma_start3A_79 : memref<400x128xf32, #tpu.memory_space<hbm>>) target_semaphore(%arg17 : memref<!tpu.dma_semaphore, #tpu.memory_space<semaphore_mem>>)
    %add3A_80 = arith.constant 5200 : i32
    %add3A_81 = arith.addi %mul3A_2, %add3A_80 : i32
    %dma_start3A_82 = arith.constant 0 : i32
    %dma_start3A_83 = tpu.memref_slice %arg7[%add3A_81, %dma_start3A_82] : memref<320008x128xf32, #tpu.memory_space<hbm>> -> memref<400x128xf32, #tpu.memory_space<hbm>>
    %dma_start3A_84 = arith.constant 0 : i32
    %dma_start3A_85 = tpu.memref_slice %arg7[%add3A_81, %dma_start3A_84] : memref<320008x128xf32, #tpu.memory_space<hbm>> -> memref<400x128xf32, #tpu.memory_space<hbm>>
    tpu.enqueue_dma source(%arg14 : memref<400x128xf32, #tpu.memory_space<vmem>>) target(%dma_start3A_85 : memref<400x128xf32, #tpu.memory_space<hbm>>) target_semaphore(%arg17 : memref<!tpu.dma_semaphore, #tpu.memory_space<semaphore_mem>>)
    %add3A_86 = arith.constant 5600 : i32
    %add3A_87 = arith.addi %mul3A_2, %add3A_86 : i32
    %dma_start3A_88 = arith.constant 0 : i32
    %dma_start3A_89 = tpu.memref_slice %arg7[%add3A_87, %dma_start3A_88] : memref<320008x128xf32, #tpu.memory_space<hbm>> -> memref<400x128xf32, #tpu.memory_space<hbm>>
    %dma_start3A_90 = arith.constant 0 : i32
    %dma_start3A_91 = tpu.memref_slice %arg7[%add3A_87, %dma_start3A_90] : memref<320008x128xf32, #tpu.memory_space<hbm>> -> memref<400x128xf32, #tpu.memory_space<hbm>>
    tpu.enqueue_dma source(%arg14 : memref<400x128xf32, #tpu.memory_space<vmem>>) target(%dma_start3A_91 : memref<400x128xf32, #tpu.memory_space<hbm>>) target_semaphore(%arg17 : memref<!tpu.dma_semaphore, #tpu.memory_space<semaphore_mem>>)
    %add3A_92 = arith.constant 6000 : i32
    %add3A_93 = arith.addi %mul3A_2, %add3A_92 : i32
    %dma_start3A_94 = arith.constant 0 : i32
    %dma_start3A_95 = tpu.memref_slice %arg7[%add3A_93, %dma_start3A_94] : memref<320008x128xf32, #tpu.memory_space<hbm>> -> memref<400x128xf32, #tpu.memory_space<hbm>>
    %dma_start3A_96 = arith.constant 0 : i32
    %dma_start3A_97 = tpu.memref_slice %arg7[%add3A_93, %dma_start3A_96] : memref<320008x128xf32, #tpu.memory_space<hbm>> -> memref<400x128xf32, #tpu.memory_space<hbm>>
    tpu.enqueue_dma source(%arg14 : memref<400x128xf32, #tpu.memory_space<vmem>>) target(%dma_start3A_97 : memref<400x128xf32, #tpu.memory_space<hbm>>) target_semaphore(%arg17 : memref<!tpu.dma_semaphore, #tpu.memory_space<semaphore_mem>>)
    %add3A_98 = arith.constant 6400 : i32
    %add3A_99 = arith.addi %mul3A_2, %add3A_98 : i32
    %dma_start3A_100 = arith.constant 0 : i32
    %dma_start3A_101 = tpu.memref_slice %arg7[%add3A_99, %dma_start3A_100] : memref<320008x128xf32, #tpu.memory_space<hbm>> -> memref<400x128xf32, #tpu.memory_space<hbm>>
    %dma_start3A_102 = arith.constant 0 : i32
    %dma_start3A_103 = tpu.memref_slice %arg7[%add3A_99, %dma_start3A_102] : memref<320008x128xf32, #tpu.memory_space<hbm>> -> memref<400x128xf32, #tpu.memory_space<hbm>>
    tpu.enqueue_dma source(%arg14 : memref<400x128xf32, #tpu.memory_space<vmem>>) target(%dma_start3A_103 : memref<400x128xf32, #tpu.memory_space<hbm>>) target_semaphore(%arg17 : memref<!tpu.dma_semaphore, #tpu.memory_space<semaphore_mem>>)
    %add3A_104 = arith.constant 6800 : i32
    %add3A_105 = arith.addi %mul3A_2, %add3A_104 : i32
    %dma_start3A_106 = arith.constant 0 : i32
    %dma_start3A_107 = tpu.memref_slice %arg7[%add3A_105, %dma_start3A_106] : memref<320008x128xf32, #tpu.memory_space<hbm>> -> memref<400x128xf32, #tpu.memory_space<hbm>>
    %dma_start3A_108 = arith.constant 0 : i32
    %dma_start3A_109 = tpu.memref_slice %arg7[%add3A_105, %dma_start3A_108] : memref<320008x128xf32, #tpu.memory_space<hbm>> -> memref<400x128xf32, #tpu.memory_space<hbm>>
    tpu.enqueue_dma source(%arg14 : memref<400x128xf32, #tpu.memory_space<vmem>>) target(%dma_start3A_109 : memref<400x128xf32, #tpu.memory_space<hbm>>) target_semaphore(%arg17 : memref<!tpu.dma_semaphore, #tpu.memory_space<semaphore_mem>>)
    %add3A_110 = arith.constant 7200 : i32
    %add3A_111 = arith.addi %mul3A_2, %add3A_110 : i32
    %dma_start3A_112 = arith.constant 0 : i32
    %dma_start3A_113 = tpu.memref_slice %arg7[%add3A_111, %dma_start3A_112] : memref<320008x128xf32, #tpu.memory_space<hbm>> -> memref<400x128xf32, #tpu.memory_space<hbm>>
    %dma_start3A_114 = arith.constant 0 : i32
    %dma_start3A_115 = tpu.memref_slice %arg7[%add3A_111, %dma_start3A_114] : memref<320008x128xf32, #tpu.memory_space<hbm>> -> memref<400x128xf32, #tpu.memory_space<hbm>>
    tpu.enqueue_dma source(%arg14 : memref<400x128xf32, #tpu.memory_space<vmem>>) target(%dma_start3A_115 : memref<400x128xf32, #tpu.memory_space<hbm>>) target_semaphore(%arg17 : memref<!tpu.dma_semaphore, #tpu.memory_space<semaphore_mem>>)
    %add3A_116 = arith.constant 7600 : i32
    %add3A_117 = arith.addi %mul3A_2, %add3A_116 : i32
    %dma_start3A_118 = arith.constant 0 : i32
    %dma_start3A_119 = tpu.memref_slice %arg7[%add3A_117, %dma_start3A_118] : memref<320008x128xf32, #tpu.memory_space<hbm>> -> memref<400x128xf32, #tpu.memory_space<hbm>>
    %dma_start3A_120 = arith.constant 0 : i32
    %dma_start3A_121 = tpu.memref_slice %arg7[%add3A_117, %dma_start3A_120] : memref<320008x128xf32, #tpu.memory_space<hbm>> -> memref<400x128xf32, #tpu.memory_space<hbm>>
    tpu.enqueue_dma source(%arg14 : memref<400x128xf32, #tpu.memory_space<vmem>>) target(%dma_start3A_121 : memref<400x128xf32, #tpu.memory_space<hbm>>) target_semaphore(%arg17 : memref<!tpu.dma_semaphore, #tpu.memory_space<semaphore_mem>>)
    %add3A_122 = arith.constant 8000 : i32
    %add3A_123 = arith.addi %mul3A_2, %add3A_122 : i32
    %dma_start3A_124 = arith.constant 0 : i32
    %dma_start3A_125 = tpu.memref_slice %arg7[%add3A_123, %dma_start3A_124] : memref<320008x128xf32, #tpu.memory_space<hbm>> -> memref<400x128xf32, #tpu.memory_space<hbm>>
    %dma_start3A_126 = arith.constant 0 : i32
    %dma_start3A_127 = tpu.memref_slice %arg7[%add3A_123, %dma_start3A_126] : memref<320008x128xf32, #tpu.memory_space<hbm>> -> memref<400x128xf32, #tpu.memory_space<hbm>>
    tpu.enqueue_dma source(%arg14 : memref<400x128xf32, #tpu.memory_space<vmem>>) target(%dma_start3A_127 : memref<400x128xf32, #tpu.memory_space<hbm>>) target_semaphore(%arg17 : memref<!tpu.dma_semaphore, #tpu.memory_space<semaphore_mem>>)
    %add3A_128 = arith.constant 8400 : i32
    %add3A_129 = arith.addi %mul3A_2, %add3A_128 : i32
    %dma_start3A_130 = arith.constant 0 : i32
    %dma_start3A_131 = tpu.memref_slice %arg7[%add3A_129, %dma_start3A_130] : memref<320008x128xf32, #tpu.memory_space<hbm>> -> memref<400x128xf32, #tpu.memory_space<hbm>>
    %dma_start3A_132 = arith.constant 0 : i32
    %dma_start3A_133 = tpu.memref_slice %arg7[%add3A_129, %dma_start3A_132] : memref<320008x128xf32, #tpu.memory_space<hbm>> -> memref<400x128xf32, #tpu.memory_space<hbm>>
    tpu.enqueue_dma source(%arg14 : memref<400x128xf32, #tpu.memory_space<vmem>>) target(%dma_start3A_133 : memref<400x128xf32, #tpu.memory_space<hbm>>) target_semaphore(%arg17 : memref<!tpu.dma_semaphore, #tpu.memory_space<semaphore_mem>>)
    %add3A_134 = arith.constant 8800 : i32
    %add3A_135 = arith.addi %mul3A_2, %add3A_134 : i32
    %dma_start3A_136 = arith.constant 0 : i32
    %dma_start3A_137 = tpu.memref_slice %arg7[%add3A_135, %dma_start3A_136] : memref<320008x128xf32, #tpu.memory_space<hbm>> -> memref<400x128xf32, #tpu.memory_space<hbm>>
    %dma_start3A_138 = arith.constant 0 : i32
    %dma_start3A_139 = tpu.memref_slice %arg7[%add3A_135, %dma_start3A_138] : memref<320008x128xf32, #tpu.memory_space<hbm>> -> memref<400x128xf32, #tpu.memory_space<hbm>>
    tpu.enqueue_dma source(%arg14 : memref<400x128xf32, #tpu.memory_space<vmem>>) target(%dma_start3A_139 : memref<400x128xf32, #tpu.memory_space<hbm>>) target_semaphore(%arg17 : memref<!tpu.dma_semaphore, #tpu.memory_space<semaphore_mem>>)
    %add3A_140 = arith.constant 9200 : i32
    %add3A_141 = arith.addi %mul3A_2, %add3A_140 : i32
    %dma_start3A_142 = arith.constant 0 : i32
    %dma_start3A_143 = tpu.memref_slice %arg7[%add3A_141, %dma_start3A_142] : memref<320008x128xf32, #tpu.memory_space<hbm>> -> memref<400x128xf32, #tpu.memory_space<hbm>>
    %dma_start3A_144 = arith.constant 0 : i32
    %dma_start3A_145 = tpu.memref_slice %arg7[%add3A_141, %dma_start3A_144] : memref<320008x128xf32, #tpu.memory_space<hbm>> -> memref<400x128xf32, #tpu.memory_space<hbm>>
    tpu.enqueue_dma source(%arg14 : memref<400x128xf32, #tpu.memory_space<vmem>>) target(%dma_start3A_145 : memref<400x128xf32, #tpu.memory_space<hbm>>) target_semaphore(%arg17 : memref<!tpu.dma_semaphore, #tpu.memory_space<semaphore_mem>>)
    %add3A_146 = arith.constant 9600 : i32
    %add3A_147 = arith.addi %mul3A_2, %add3A_146 : i32
    %dma_start3A_148 = arith.constant 0 : i32
    %dma_start3A_149 = tpu.memref_slice %arg7[%add3A_147, %dma_start3A_148] : memref<320008x128xf32, #tpu.memory_space<hbm>> -> memref<400x128xf32, #tpu.memory_space<hbm>>
    %dma_start3A_150 = arith.constant 0 : i32
    %dma_start3A_151 = tpu.memref_slice %arg7[%add3A_147, %dma_start3A_150] : memref<320008x128xf32, #tpu.memory_space<hbm>> -> memref<400x128xf32, #tpu.memory_space<hbm>>
    tpu.enqueue_dma source(%arg14 : memref<400x128xf32, #tpu.memory_space<vmem>>) target(%dma_start3A_151 : memref<400x128xf32, #tpu.memory_space<hbm>>) target_semaphore(%arg17 : memref<!tpu.dma_semaphore, #tpu.memory_space<semaphore_mem>>)
    "tpu.region"() ({
      %run_scoped3A = tpu.sem_alloc : memref<!tpu.dma_semaphore, #tpu.memory_space<semaphore_mem>>
      %dma_start3A_299 = tpu.memref_slice %arg2[%mul3A_2] : memref<320000xi32, #tpu.memory_space<hbm>> -> memref<10000xi32, #tpu.memory_space<hbm>>
      %dma_start3A_300 = tpu.memref_slice %arg2[%mul3A_2] : memref<320000xi32, #tpu.memory_space<hbm>> -> memref<10000xi32, #tpu.memory_space<hbm>>
      tpu.enqueue_dma source(%dma_start3A_300 : memref<10000xi32, #tpu.memory_space<hbm>>) target(%arg8 : memref<10000xi32, #tpu.memory_space<vmem>>) target_semaphore(%run_scoped3A : memref<!tpu.dma_semaphore, #tpu.memory_space<semaphore_mem>>)
      %dma_wait3A_301 = tpu.memref_slice %arg2[%mul3A_2] : memref<320000xi32, #tpu.memory_space<hbm>> -> memref<10000xi32, #tpu.memory_space<hbm>>
      %dma_wait3A_302 = tpu.memref_slice %arg2[%mul3A_2] : memref<320000xi32, #tpu.memory_space<hbm>> -> memref<10000xi32, #tpu.memory_space<hbm>>
      tpu.wait_dma2 semaphore(%run_scoped3A : memref<!tpu.dma_semaphore, #tpu.memory_space<semaphore_mem>>) src(%dma_wait3A_302 : memref<10000xi32, #tpu.memory_space<hbm>>) dst(%arg8 : memref<10000xi32, #tpu.memory_space<vmem>>)
      tpu.yield
    }) : () -> ()
    "tpu.region"() ({
      %run_scoped3A = tpu.sem_alloc : memref<!tpu.dma_semaphore, #tpu.memory_space<semaphore_mem>>
      %dma_start3A_299 = tpu.memref_slice %arg3[%mul3A_2] : memref<320000xi32, #tpu.memory_space<hbm>> -> memref<10000xi32, #tpu.memory_space<hbm>>
      %dma_start3A_300 = tpu.memref_slice %arg3[%mul3A_2] : memref<320000xi32, #tpu.memory_space<hbm>> -> memref<10000xi32, #tpu.memory_space<hbm>>
      tpu.enqueue_dma source(%dma_start3A_300 : memref<10000xi32, #tpu.memory_space<hbm>>) target(%arg9 : memref<10000xi32, #tpu.memory_space<vmem>>) target_semaphore(%run_scoped3A : memref<!tpu.dma_semaphore, #tpu.memory_space<semaphore_mem>>)
      %dma_wait3A_301 = tpu.memref_slice %arg3[%mul3A_2] : memref<320000xi32, #tpu.memory_space<hbm>> -> memref<10000xi32, #tpu.memory_space<hbm>>
      %dma_wait3A_302 = tpu.memref_slice %arg3[%mul3A_2] : memref<320000xi32, #tpu.memory_space<hbm>> -> memref<10000xi32, #tpu.memory_space<hbm>>
      tpu.wait_dma2 semaphore(%run_scoped3A : memref<!tpu.dma_semaphore, #tpu.memory_space<semaphore_mem>>) src(%dma_wait3A_302 : memref<10000xi32, #tpu.memory_space<hbm>>) dst(%arg9 : memref<10000xi32, #tpu.memory_space<vmem>>)
      tpu.yield
    }) : () -> ()
    "tpu.region"() ({
      %run_scoped3A = tpu.sem_alloc : memref<!tpu.dma_semaphore, #tpu.memory_space<semaphore_mem>>
      tpu.enqueue_dma source(%arg5 : memref<10000xi32, #tpu.memory_space<hbm>>) target(%arg10 : memref<10000xi32, #tpu.memory_space<vmem>>) target_semaphore(%run_scoped3A : memref<!tpu.dma_semaphore, #tpu.memory_space<semaphore_mem>>)
      tpu.wait_dma2 semaphore(%run_scoped3A : memref<!tpu.dma_semaphore, #tpu.memory_space<semaphore_mem>>) src(%arg5 : memref<10000xi32, #tpu.memory_space<hbm>>) dst(%arg10 : memref<10000xi32, #tpu.memory_space<vmem>>)
      tpu.yield
    }) : () -> ()
    %scan3A = arith.constant 0 : i32
    %scan3A_152 = arith.constant 0 : i32
    %scan3A_153 = arith.constant 625 : i32
    %scan3A_154 = arith.addi %scan3A_152, %scan3A_153 : i32
    %scan3A_155 = arith.constant 1 : i32
    %scan3A_156 = scf.for %scan3A_299 = %scan3A_152 to %scan3A_154 step %scan3A_155 iter_args(%scan3A_300 = %scan3A) -> (i32)  : i32 {
      %mul3A_301 = arith.constant 16 : i32
      %mul3A_302 = arith.muli %scan3A_299, %mul3A_301 : i32
      %get3A = arith.index_cast %mul3A_302 : i32 to index
      %get3A_303 = tpu.vector_load %arg8[%get3A] {strides = array<i32>} : memref<10000xi32, #tpu.memory_space<vmem>>, vector<16xi32>,
      %mul3A_304 = arith.constant 16 : i32
      %mul3A_305 = arith.muli %scan3A_299, %mul3A_304 : i32
      %get3A_306 = arith.index_cast %mul3A_305 : i32 to index
      %get3A_307 = tpu.vector_load %arg9[%get3A_306] {strides = array<i32>} : memref<10000xi32, #tpu.memory_space<vmem>>, vector<16xi32>,
      %gather3A = tpu.vector_load_idx %arg10[%get3A_303] : memref<10000xi32, #tpu.memory_space<vmem>>[vector<16xi32>], vector<16xi32>,
      %gather3A_308 = tpu.vector_load_idx %arg10[%get3A_307] : memref<10000xi32, #tpu.memory_space<vmem>>[vector<16xi32>], vector<16xi32>,
      %or3A = arith.ori %gather3A, %gather3A_308 : vector<16xi32>
      %ne3A_309 = arith.constant 0 : i32
      %ne3A_310 = vector.broadcast %ne3A_309 : i32 to vector<16xi32>
      %ne3A_311 = arith.cmpi ne, %or3A, %ne3A_310 : vector<16xi32>
      %jit3A_312 = arith.constant 1 : i32
      %jit3A_313 = arith.constant 0 : i32
      %broadcast_in_dim3A_314 = vector.broadcast %jit3A_312 : i32 to vector<16xi32>
      %broadcast_in_dim3A_315 = vector.broadcast %jit3A_313 : i32 to vector<16xi32>
      %select_n3A_316 = arith.select %ne3A_311, %broadcast_in_dim3A_314, %broadcast_in_dim3A_315 : vector<16xi1>, vector<16xi32>
      %broadcast_in_dim3A_317 = arith.constant true
      %broadcast_in_dim3A_318 = vector.broadcast %broadcast_in_dim3A_317 : i1 to vector<16xi1>
      %masked_cumsum3A = tpu.scan <sum>, %select_n3A_316 masked %broadcast_in_dim3A_318 : vector<16xi32>, vector<16xi1> -> vector<16xi32>
      %add3A_319 = vector.broadcast %scan3A_300 : i32 to vector<16xi32>
      %add3A_320 = arith.addi %add3A_319, %masked_cumsum3A : vector<16xi32>
      %sub3A_321 = arith.constant 1 : i32
      %sub3A_322 = vector.broadcast %sub3A_321 : i32 to vector<16xi32>
      %sub3A_323 = arith.subi %add3A_320, %sub3A_322 : vector<16xi32>
      %mul3A_324 = arith.constant 16 : i32
      %mul3A_325 = arith.muli %scan3A_299, %mul3A_324 : i32
      %add3A_326 = arith.addi %mul3A_2, %mul3A_325 : i32
      %add3A_327 = vector.broadcast %add3A_326 : i32 to vector<16xi32>
      %add3A_328 = arith.addi %iota3A, %add3A_327 : vector<16xi32>
      tpu.vector_store_idx %arg11[%sub3A_323], %add3A_328 masked %ne3A_311 : memref<10016xi32, #tpu.memory_space<vmem>>[vector<16xi32>], vector<16xi32>, vector<16xi1>
      tpu.vector_store_idx %arg12[%sub3A_323], %get3A_303 masked %ne3A_311 : memref<10016xi32, #tpu.memory_space<vmem>>[vector<16xi32>], vector<16xi32>, vector<16xi1>
      tpu.vector_store_idx %arg13[%sub3A_323], %get3A_307 masked %ne3A_311 : memref<10016xi32, #tpu.memory_space<vmem>>[vector<16xi32>], vector<16xi32>, vector<16xi1>
      %slice3A = vector.extract_strided_slice %masked_cumsum3A {offsets = [15], sizes = [1], strides = [1]} : vector<16xi32> to vector<1xi32>
      %squeeze3A = vector.extract %slice3A[0] : i32 from vector<1xi32>
      %add3A_329 = arith.addi %scan3A_300, %squeeze3A : i32
      scf.yield %add3A_329 : i32
    }
    %scan3A_157 = arith.constant 625 : i32
    %add3A_158 = vector.broadcast %scan3A_156 : i32 to vector<16xi32>
    %add3A_159 = arith.addi %add3A_158, %iota3A : vector<16xi32>
    %broadcast_in_dim3A = arith.constant 320000 : i32
    %broadcast_in_dim3A_160 = vector.broadcast %broadcast_in_dim3A : i32 to vector<16xi32>
    tpu.vector_store_idx %arg11[%add3A_159], %broadcast_in_dim3A_160 : memref<10016xi32, #tpu.memory_space<vmem>>[vector<16xi32>], vector<16xi32>,
    %add3A_161 = vector.broadcast %scan3A_156 : i32 to vector<16xi32>
    %add3A_162 = arith.addi %add3A_161, %iota3A : vector<16xi32>
    %broadcast_in_dim3A_163 = arith.constant 0 : i32
    %broadcast_in_dim3A_164 = vector.broadcast %broadcast_in_dim3A_163 : i32 to vector<16xi32>
    tpu.vector_store_idx %arg12[%add3A_162], %broadcast_in_dim3A_164 : memref<10016xi32, #tpu.memory_space<vmem>>[vector<16xi32>], vector<16xi32>,
    %add3A_165 = vector.broadcast %scan3A_156 : i32 to vector<16xi32>
    %add3A_166 = arith.addi %add3A_165, %iota3A : vector<16xi32>
    %broadcast_in_dim3A_167 = arith.constant 0 : i32
    %broadcast_in_dim3A_168 = vector.broadcast %broadcast_in_dim3A_167 : i32 to vector<16xi32>
    tpu.vector_store_idx %arg13[%add3A_166], %broadcast_in_dim3A_168 : memref<10016xi32, #tpu.memory_space<vmem>>[vector<16xi32>], vector<16xi32>,
    %dma_wait3A = arith.constant 0 : i32
    %dma_wait3A_169 = tpu.memref_slice %arg7[%add3A_4, %dma_wait3A] : memref<320008x128xf32, #tpu.memory_space<hbm>> -> memref<400x128xf32, #tpu.memory_space<hbm>>
    %dma_wait3A_170 = arith.constant 0 : i32
    %dma_wait3A_171 = tpu.memref_slice %arg7[%add3A_4, %dma_wait3A_170] : memref<320008x128xf32, #tpu.memory_space<hbm>> -> memref<400x128xf32, #tpu.memory_space<hbm>>
    tpu.wait_dma2 semaphore(%arg17 : memref<!tpu.dma_semaphore, #tpu.memory_space<semaphore_mem>>) src(%arg14 : memref<400x128xf32, #tpu.memory_space<vmem>>) dst(%dma_wait3A_171 : memref<400x128xf32, #tpu.memory_space<hbm>>)
    %dma_wait3A_172 = arith.constant 0 : i32
    %dma_wait3A_173 = tpu.memref_slice %arg7[%add3A_9, %dma_wait3A_172] : memref<320008x128xf32, #tpu.memory_space<hbm>> -> memref<400x128xf32, #tpu.memory_space<hbm>>
    %dma_wait3A_174 = arith.constant 0 : i32
    %dma_wait3A_175 = tpu.memref_slice %arg7[%add3A_9, %dma_wait3A_174] : memref<320008x128xf32, #tpu.memory_space<hbm>> -> memref<400x128xf32, #tpu.memory_space<hbm>>
    tpu.wait_dma2 semaphore(%arg17 : memref<!tpu.dma_semaphore, #tpu.memory_space<semaphore_mem>>) src(%arg14 : memref<400x128xf32, #tpu.memory_space<vmem>>) dst(%dma_wait3A_175 : memref<400x128xf32, #tpu.memory_space<hbm>>)
    %dma_wait3A_176 = arith.constant 0 : i32
    %dma_wait3A_177 = tpu.memref_slice %arg7[%add3A_15, %dma_wait3A_176] : memref<320008x128xf32, #tpu.memory_space<hbm>> -> memref<400x128xf32, #tpu.memory_space<hbm>>
    %dma_wait3A_178 = arith.constant 0 : i32
    %dma_wait3A_179 = tpu.memref_slice %arg7[%add3A_15, %dma_wait3A_178] : memref<320008x128xf32, #tpu.memory_space<hbm>> -> memref<400x128xf32, #tpu.memory_space<hbm>>
    tpu.wait_dma2 semaphore(%arg17 : memref<!tpu.dma_semaphore, #tpu.memory_space<semaphore_mem>>) src(%arg14 : memref<400x128xf32, #tpu.memory_space<vmem>>) dst(%dma_wait3A_179 : memref<400x128xf32, #tpu.memory_space<hbm>>)
    %dma_wait3A_180 = arith.constant 0 : i32
    %dma_wait3A_181 = tpu.memref_slice %arg7[%add3A_21, %dma_wait3A_180] : memref<320008x128xf32, #tpu.memory_space<hbm>> -> memref<400x128xf32, #tpu.memory_space<hbm>>
    %dma_wait3A_182 = arith.constant 0 : i32
    %dma_wait3A_183 = tpu.memref_slice %arg7[%add3A_21, %dma_wait3A_182] : memref<320008x128xf32, #tpu.memory_space<hbm>> -> memref<400x128xf32, #tpu.memory_space<hbm>>
    tpu.wait_dma2 semaphore(%arg17 : memref<!tpu.dma_semaphore, #tpu.memory_space<semaphore_mem>>) src(%arg14 : memref<400x128xf32, #tpu.memory_space<vmem>>) dst(%dma_wait3A_183 : memref<400x128xf32, #tpu.memory_space<hbm>>)
    %dma_wait3A_184 = arith.constant 0 : i32
    %dma_wait3A_185 = tpu.memref_slice %arg7[%add3A_27, %dma_wait3A_184] : memref<320008x128xf32, #tpu.memory_space<hbm>> -> memref<400x128xf32, #tpu.memory_space<hbm>>
    %dma_wait3A_186 = arith.constant 0 : i32
    %dma_wait3A_187 = tpu.memref_slice %arg7[%add3A_27, %dma_wait3A_186] : memref<320008x128xf32, #tpu.memory_space<hbm>> -> memref<400x128xf32, #tpu.memory_space<hbm>>
    tpu.wait_dma2 semaphore(%arg17 : memref<!tpu.dma_semaphore, #tpu.memory_space<semaphore_mem>>) src(%arg14 : memref<400x128xf32, #tpu.memory_space<vmem>>) dst(%dma_wait3A_187 : memref<400x128xf32, #tpu.memory_space<hbm>>)
    %dma_wait3A_188 = arith.constant 0 : i32
    %dma_wait3A_189 = tpu.memref_slice %arg7[%add3A_33, %dma_wait3A_188] : memref<320008x128xf32, #tpu.memory_space<hbm>> -> memref<400x128xf32, #tpu.memory_space<hbm>>
    %dma_wait3A_190 = arith.constant 0 : i32
    %dma_wait3A_191 = tpu.memref_slice %arg7[%add3A_33, %dma_wait3A_190] : memref<320008x128xf32, #tpu.memory_space<hbm>> -> memref<400x128xf32, #tpu.memory_space<hbm>>
    tpu.wait_dma2 semaphore(%arg17 : memref<!tpu.dma_semaphore, #tpu.memory_space<semaphore_mem>>) src(%arg14 : memref<400x128xf32, #tpu.memory_space<vmem>>) dst(%dma_wait3A_191 : memref<400x128xf32, #tpu.memory_space<hbm>>)
    %dma_wait3A_192 = arith.constant 0 : i32
    %dma_wait3A_193 = tpu.memref_slice %arg7[%add3A_39, %dma_wait3A_192] : memref<320008x128xf32, #tpu.memory_space<hbm>> -> memref<400x128xf32, #tpu.memory_space<hbm>>
    %dma_wait3A_194 = arith.constant 0 : i32
    %dma_wait3A_195 = tpu.memref_slice %arg7[%add3A_39, %dma_wait3A_194] : memref<320008x128xf32, #tpu.memory_space<hbm>> -> memref<400x128xf32, #tpu.memory_space<hbm>>
    tpu.wait_dma2 semaphore(%arg17 : memref<!tpu.dma_semaphore, #tpu.memory_space<semaphore_mem>>) src(%arg14 : memref<400x128xf32, #tpu.memory_space<vmem>>) dst(%dma_wait3A_195 : memref<400x128xf32, #tpu.memory_space<hbm>>)
    %dma_wait3A_196 = arith.constant 0 : i32
    %dma_wait3A_197 = tpu.memref_slice %arg7[%add3A_45, %dma_wait3A_196] : memref<320008x128xf32, #tpu.memory_space<hbm>> -> memref<400x128xf32, #tpu.memory_space<hbm>>
    %dma_wait3A_198 = arith.constant 0 : i32
    %dma_wait3A_199 = tpu.memref_slice %arg7[%add3A_45, %dma_wait3A_198] : memref<320008x128xf32, #tpu.memory_space<hbm>> -> memref<400x128xf32, #tpu.memory_space<hbm>>
    tpu.wait_dma2 semaphore(%arg17 : memref<!tpu.dma_semaphore, #tpu.memory_space<semaphore_mem>>) src(%arg14 : memref<400x128xf32, #tpu.memory_space<vmem>>) dst(%dma_wait3A_199 : memref<400x128xf32, #tpu.memory_space<hbm>>)
    %dma_wait3A_200 = arith.constant 0 : i32
    %dma_wait3A_201 = tpu.memref_slice %arg7[%add3A_51, %dma_wait3A_200] : memref<320008x128xf32, #tpu.memory_space<hbm>> -> memref<400x128xf32, #tpu.memory_space<hbm>>
    %dma_wait3A_202 = arith.constant 0 : i32
    %dma_wait3A_203 = tpu.memref_slice %arg7[%add3A_51, %dma_wait3A_202] : memref<320008x128xf32, #tpu.memory_space<hbm>> -> memref<400x128xf32, #tpu.memory_space<hbm>>
    tpu.wait_dma2 semaphore(%arg17 : memref<!tpu.dma_semaphore, #tpu.memory_space<semaphore_mem>>) src(%arg14 : memref<400x128xf32, #tpu.memory_space<vmem>>) dst(%dma_wait3A_203 : memref<400x128xf32, #tpu.memory_space<hbm>>)
    %dma_wait3A_204 = arith.constant 0 : i32
    %dma_wait3A_205 = tpu.memref_slice %arg7[%add3A_57, %dma_wait3A_204] : memref<320008x128xf32, #tpu.memory_space<hbm>> -> memref<400x128xf32, #tpu.memory_space<hbm>>
    %dma_wait3A_206 = arith.constant 0 : i32
    %dma_wait3A_207 = tpu.memref_slice %arg7[%add3A_57, %dma_wait3A_206] : memref<320008x128xf32, #tpu.memory_space<hbm>> -> memref<400x128xf32, #tpu.memory_space<hbm>>
    tpu.wait_dma2 semaphore(%arg17 : memref<!tpu.dma_semaphore, #tpu.memory_space<semaphore_mem>>) src(%arg14 : memref<400x128xf32, #tpu.memory_space<vmem>>) dst(%dma_wait3A_207 : memref<400x128xf32, #tpu.memory_space<hbm>>)
    %dma_wait3A_208 = arith.constant 0 : i32
    %dma_wait3A_209 = tpu.memref_slice %arg7[%add3A_63, %dma_wait3A_208] : memref<320008x128xf32, #tpu.memory_space<hbm>> -> memref<400x128xf32, #tpu.memory_space<hbm>>
    %dma_wait3A_210 = arith.constant 0 : i32
    %dma_wait3A_211 = tpu.memref_slice %arg7[%add3A_63, %dma_wait3A_210] : memref<320008x128xf32, #tpu.memory_space<hbm>> -> memref<400x128xf32, #tpu.memory_space<hbm>>
    tpu.wait_dma2 semaphore(%arg17 : memref<!tpu.dma_semaphore, #tpu.memory_space<semaphore_mem>>) src(%arg14 : memref<400x128xf32, #tpu.memory_space<vmem>>) dst(%dma_wait3A_211 : memref<400x128xf32, #tpu.memory_space<hbm>>)
    %dma_wait3A_212 = arith.constant 0 : i32
    %dma_wait3A_213 = tpu.memref_slice %arg7[%add3A_69, %dma_wait3A_212] : memref<320008x128xf32, #tpu.memory_space<hbm>> -> memref<400x128xf32, #tpu.memory_space<hbm>>
    %dma_wait3A_214 = arith.constant 0 : i32
    %dma_wait3A_215 = tpu.memref_slice %arg7[%add3A_69, %dma_wait3A_214] : memref<320008x128xf32, #tpu.memory_space<hbm>> -> memref<400x128xf32, #tpu.memory_space<hbm>>
    tpu.wait_dma2 semaphore(%arg17 : memref<!tpu.dma_semaphore, #tpu.memory_space<semaphore_mem>>) src(%arg14 : memref<400x128xf32, #tpu.memory_space<vmem>>) dst(%dma_wait3A_215 : memref<400x128xf32, #tpu.memory_space<hbm>>)
    %dma_wait3A_216 = arith.constant 0 : i32
    %dma_wait3A_217 = tpu.memref_slice %arg7[%add3A_75, %dma_wait3A_216] : memref<320008x128xf32, #tpu.memory_space<hbm>> -> memref<400x128xf32, #tpu.memory_space<hbm>>
    %dma_wait3A_218 = arith.constant 0 : i32
    %dma_wait3A_219 = tpu.memref_slice %arg7[%add3A_75, %dma_wait3A_218] : memref<320008x128xf32, #tpu.memory_space<hbm>> -> memref<400x128xf32, #tpu.memory_space<hbm>>
    tpu.wait_dma2 semaphore(%arg17 : memref<!tpu.dma_semaphore, #tpu.memory_space<semaphore_mem>>) src(%arg14 : memref<400x128xf32, #tpu.memory_space<vmem>>) dst(%dma_wait3A_219 : memref<400x128xf32, #tpu.memory_space<hbm>>)
    %dma_wait3A_220 = arith.constant 0 : i32
    %dma_wait3A_221 = tpu.memref_slice %arg7[%add3A_81, %dma_wait3A_220] : memref<320008x128xf32, #tpu.memory_space<hbm>> -> memref<400x128xf32, #tpu.memory_space<hbm>>
    %dma_wait3A_222 = arith.constant 0 : i32
    %dma_wait3A_223 = tpu.memref_slice %arg7[%add3A_81, %dma_wait3A_222] : memref<320008x128xf32, #tpu.memory_space<hbm>> -> memref<400x128xf32, #tpu.memory_space<hbm>>
    tpu.wait_dma2 semaphore(%arg17 : memref<!tpu.dma_semaphore, #tpu.memory_space<semaphore_mem>>) src(%arg14 : memref<400x128xf32, #tpu.memory_space<vmem>>) dst(%dma_wait3A_223 : memref<400x128xf32, #tpu.memory_space<hbm>>)
    %dma_wait3A_224 = arith.constant 0 : i32
    %dma_wait3A_225 = tpu.memref_slice %arg7[%add3A_87, %dma_wait3A_224] : memref<320008x128xf32, #tpu.memory_space<hbm>> -> memref<400x128xf32, #tpu.memory_space<hbm>>
    %dma_wait3A_226 = arith.constant 0 : i32
    %dma_wait3A_227 = tpu.memref_slice %arg7[%add3A_87, %dma_wait3A_226] : memref<320008x128xf32, #tpu.memory_space<hbm>> -> memref<400x128xf32, #tpu.memory_space<hbm>>
    tpu.wait_dma2 semaphore(%arg17 : memref<!tpu.dma_semaphore, #tpu.memory_space<semaphore_mem>>) src(%arg14 : memref<400x128xf32, #tpu.memory_space<vmem>>) dst(%dma_wait3A_227 : memref<400x128xf32, #tpu.memory_space<hbm>>)
    %dma_wait3A_228 = arith.constant 0 : i32
    %dma_wait3A_229 = tpu.memref_slice %arg7[%add3A_93, %dma_wait3A_228] : memref<320008x128xf32, #tpu.memory_space<hbm>> -> memref<400x128xf32, #tpu.memory_space<hbm>>
    %dma_wait3A_230 = arith.constant 0 : i32
    %dma_wait3A_231 = tpu.memref_slice %arg7[%add3A_93, %dma_wait3A_230] : memref<320008x128xf32, #tpu.memory_space<hbm>> -> memref<400x128xf32, #tpu.memory_space<hbm>>
    tpu.wait_dma2 semaphore(%arg17 : memref<!tpu.dma_semaphore, #tpu.memory_space<semaphore_mem>>) src(%arg14 : memref<400x128xf32, #tpu.memory_space<vmem>>) dst(%dma_wait3A_231 : memref<400x128xf32, #tpu.memory_space<hbm>>)
    %dma_wait3A_232 = arith.constant 0 : i32
    %dma_wait3A_233 = tpu.memref_slice %arg7[%add3A_99, %dma_wait3A_232] : memref<320008x128xf32, #tpu.memory_space<hbm>> -> memref<400x128xf32, #tpu.memory_space<hbm>>
    %dma_wait3A_234 = arith.constant 0 : i32
    %dma_wait3A_235 = tpu.memref_slice %arg7[%add3A_99, %dma_wait3A_234] : memref<320008x128xf32, #tpu.memory_space<hbm>> -> memref<400x128xf32, #tpu.memory_space<hbm>>
    tpu.wait_dma2 semaphore(%arg17 : memref<!tpu.dma_semaphore, #tpu.memory_space<semaphore_mem>>) src(%arg14 : memref<400x128xf32, #tpu.memory_space<vmem>>) dst(%dma_wait3A_235 : memref<400x128xf32, #tpu.memory_space<hbm>>)
    %dma_wait3A_236 = arith.constant 0 : i32
    %dma_wait3A_237 = tpu.memref_slice %arg7[%add3A_105, %dma_wait3A_236] : memref<320008x128xf32, #tpu.memory_space<hbm>> -> memref<400x128xf32, #tpu.memory_space<hbm>>
    %dma_wait3A_238 = arith.constant 0 : i32
    %dma_wait3A_239 = tpu.memref_slice %arg7[%add3A_105, %dma_wait3A_238] : memref<320008x128xf32, #tpu.memory_space<hbm>> -> memref<400x128xf32, #tpu.memory_space<hbm>>
    tpu.wait_dma2 semaphore(%arg17 : memref<!tpu.dma_semaphore, #tpu.memory_space<semaphore_mem>>) src(%arg14 : memref<400x128xf32, #tpu.memory_space<vmem>>) dst(%dma_wait3A_239 : memref<400x128xf32, #tpu.memory_space<hbm>>)
    %dma_wait3A_240 = arith.constant 0 : i32
    %dma_wait3A_241 = tpu.memref_slice %arg7[%add3A_111, %dma_wait3A_240] : memref<320008x128xf32, #tpu.memory_space<hbm>> -> memref<400x128xf32, #tpu.memory_space<hbm>>
    %dma_wait3A_242 = arith.constant 0 : i32
    %dma_wait3A_243 = tpu.memref_slice %arg7[%add3A_111, %dma_wait3A_242] : memref<320008x128xf32, #tpu.memory_space<hbm>> -> memref<400x128xf32, #tpu.memory_space<hbm>>
    tpu.wait_dma2 semaphore(%arg17 : memref<!tpu.dma_semaphore, #tpu.memory_space<semaphore_mem>>) src(%arg14 : memref<400x128xf32, #tpu.memory_space<vmem>>) dst(%dma_wait3A_243 : memref<400x128xf32, #tpu.memory_space<hbm>>)
    %dma_wait3A_244 = arith.constant 0 : i32
    %dma_wait3A_245 = tpu.memref_slice %arg7[%add3A_117, %dma_wait3A_244] : memref<320008x128xf32, #tpu.memory_space<hbm>> -> memref<400x128xf32, #tpu.memory_space<hbm>>
    %dma_wait3A_246 = arith.constant 0 : i32
    %dma_wait3A_247 = tpu.memref_slice %arg7[%add3A_117, %dma_wait3A_246] : memref<320008x128xf32, #tpu.memory_space<hbm>> -> memref<400x128xf32, #tpu.memory_space<hbm>>
    tpu.wait_dma2 semaphore(%arg17 : memref<!tpu.dma_semaphore, #tpu.memory_space<semaphore_mem>>) src(%arg14 : memref<400x128xf32, #tpu.memory_space<vmem>>) dst(%dma_wait3A_247 : memref<400x128xf32, #tpu.memory_space<hbm>>)
    %dma_wait3A_248 = arith.constant 0 : i32
    %dma_wait3A_249 = tpu.memref_slice %arg7[%add3A_123, %dma_wait3A_248] : memref<320008x128xf32, #tpu.memory_space<hbm>> -> memref<400x128xf32, #tpu.memory_space<hbm>>
    %dma_wait3A_250 = arith.constant 0 : i32
    %dma_wait3A_251 = tpu.memref_slice %arg7[%add3A_123, %dma_wait3A_250] : memref<320008x128xf32, #tpu.memory_space<hbm>> -> memref<400x128xf32, #tpu.memory_space<hbm>>
    tpu.wait_dma2 semaphore(%arg17 : memref<!tpu.dma_semaphore, #tpu.memory_space<semaphore_mem>>) src(%arg14 : memref<400x128xf32, #tpu.memory_space<vmem>>) dst(%dma_wait3A_251 : memref<400x128xf32, #tpu.memory_space<hbm>>)
    %dma_wait3A_252 = arith.constant 0 : i32
    %dma_wait3A_253 = tpu.memref_slice %arg7[%add3A_129, %dma_wait3A_252] : memref<320008x128xf32, #tpu.memory_space<hbm>> -> memref<400x128xf32, #tpu.memory_space<hbm>>
    %dma_wait3A_254 = arith.constant 0 : i32
    %dma_wait3A_255 = tpu.memref_slice %arg7[%add3A_129, %dma_wait3A_254] : memref<320008x128xf32, #tpu.memory_space<hbm>> -> memref<400x128xf32, #tpu.memory_space<hbm>>
    tpu.wait_dma2 semaphore(%arg17 : memref<!tpu.dma_semaphore, #tpu.memory_space<semaphore_mem>>) src(%arg14 : memref<400x128xf32, #tpu.memory_space<vmem>>) dst(%dma_wait3A_255 : memref<400x128xf32, #tpu.memory_space<hbm>>)
    %dma_wait3A_256 = arith.constant 0 : i32
    %dma_wait3A_257 = tpu.memref_slice %arg7[%add3A_135, %dma_wait3A_256] : memref<320008x128xf32, #tpu.memory_space<hbm>> -> memref<400x128xf32, #tpu.memory_space<hbm>>
    %dma_wait3A_258 = arith.constant 0 : i32
    %dma_wait3A_259 = tpu.memref_slice %arg7[%add3A_135, %dma_wait3A_258] : memref<320008x128xf32, #tpu.memory_space<hbm>> -> memref<400x128xf32, #tpu.memory_space<hbm>>
    tpu.wait_dma2 semaphore(%arg17 : memref<!tpu.dma_semaphore, #tpu.memory_space<semaphore_mem>>) src(%arg14 : memref<400x128xf32, #tpu.memory_space<vmem>>) dst(%dma_wait3A_259 : memref<400x128xf32, #tpu.memory_space<hbm>>)
    %dma_wait3A_260 = arith.constant 0 : i32
    %dma_wait3A_261 = tpu.memref_slice %arg7[%add3A_141, %dma_wait3A_260] : memref<320008x128xf32, #tpu.memory_space<hbm>> -> memref<400x128xf32, #tpu.memory_space<hbm>>
    %dma_wait3A_262 = arith.constant 0 : i32
    %dma_wait3A_263 = tpu.memref_slice %arg7[%add3A_141, %dma_wait3A_262] : memref<320008x128xf32, #tpu.memory_space<hbm>> -> memref<400x128xf32, #tpu.memory_space<hbm>>
    tpu.wait_dma2 semaphore(%arg17 : memref<!tpu.dma_semaphore, #tpu.memory_space<semaphore_mem>>) src(%arg14 : memref<400x128xf32, #tpu.memory_space<vmem>>) dst(%dma_wait3A_263 : memref<400x128xf32, #tpu.memory_space<hbm>>)
    %dma_wait3A_264 = arith.constant 0 : i32
    %dma_wait3A_265 = tpu.memref_slice %arg7[%add3A_147, %dma_wait3A_264] : memref<320008x128xf32, #tpu.memory_space<hbm>> -> memref<400x128xf32, #tpu.memory_space<hbm>>
    %dma_wait3A_266 = arith.constant 0 : i32
    %dma_wait3A_267 = tpu.memref_slice %arg7[%add3A_147, %dma_wait3A_266] : memref<320008x128xf32, #tpu.memory_space<hbm>> -> memref<400x128xf32, #tpu.memory_space<hbm>>
    tpu.wait_dma2 semaphore(%arg17 : memref<!tpu.dma_semaphore, #tpu.memory_space<semaphore_mem>>) src(%arg14 : memref<400x128xf32, #tpu.memory_space<vmem>>) dst(%dma_wait3A_267 : memref<400x128xf32, #tpu.memory_space<hbm>>)
    %add3A_268 = arith.constant 16 : i32
    %add3A_269 = arith.addi %scan3A_156, %add3A_268 : i32
    %sub3A = arith.constant 1 : i32
    %sub3A_270 = arith.subi %add3A_269, %sub3A : i32
    %jit3A = arith.constant 16 : i32
    %div3A = arith.divsi %sub3A_270, %jit3A : i32
    %sign3A = arith.constant 0 : i32
    %sign3A_271 = arith.cmpi sgt, %sub3A_270, %sign3A : i32
    %sign3A_272 = arith.extui %sign3A_271 : i1 to i32
    %sign3A_273 = arith.constant 0 : i32
    %sign3A_274 = arith.cmpi slt, %sub3A_270, %sign3A_273 : i32
    %sign3A_275 = arith.extui %sign3A_274 : i1 to i32
    %sign3A_276 = arith.subi %sign3A_272, %sign3A_275 : i32
    %sign3A_277 = arith.constant 0 : i32
    %sign3A_278 = arith.cmpi sgt, %jit3A, %sign3A_277 : i32
    %sign3A_279 = arith.extui %sign3A_278 : i1 to i32
    %sign3A_280 = arith.constant 0 : i32
    %sign3A_281 = arith.cmpi slt, %jit3A, %sign3A_280 : i32
    %sign3A_282 = arith.extui %sign3A_281 : i1 to i32
    %sign3A_283 = arith.subi %sign3A_279, %sign3A_282 : i32
    %ne3A = arith.cmpi ne, %sign3A_276, %sign3A_283 : i32
    %rem3A = arith.remsi %sub3A_270, %jit3A : i32
    %ne3A_284 = arith.constant 0 : i32
    %ne3A_285 = arith.cmpi ne, %rem3A, %ne3A_284 : i32
    %and3A = arith.andi %ne3A, %ne3A_285 : i1
    %sub3A_286 = arith.constant 1 : i32
    %sub3A_287 = arith.subi %div3A, %sub3A_286 : i32
    %select_n3A = arith.select %and3A, %sub3A_287, %div3A : i32
    %while3A = arith.constant 0 : i32
    %while3A_288 = arith.constant 0 : i32
    %while3A_289 = arith.subi %select_n3A, %while3A : i32
    %while3A_290 = arith.addi %while3A, %while3A_289 : i32
    %while3A_291 = arith.constant 1 : i32
    %while3A_292 = arith.divsi %while3A_289, %while3A_291 : i32
    %while3A_293 = arith.muli %while3A_292, %while3A_291 : i32
    %while3A_294 = arith.addi %while3A, %while3A_293 : i32
    %while3A_295 = arith.constant 1 : i32
    %while3A_296 = scf.for %while3A_299 = %while3A to %while3A_294 step %while3A_295 iter_args(%while3A_300 = %while3A_288) -> (i32)  : i32 {
      %mul3A_301 = arith.constant 16 : i32
      %mul3A_302 = arith.muli %while3A_299, %mul3A_301 : i32
      %get3A = arith.index_cast %mul3A_302 : i32 to index
      %get3A_303 = tpu.vector_load %arg12[%get3A] {strides = array<i32>} : memref<10016xi32, #tpu.memory_space<vmem>>, vector<16xi32>,
      %mul3A_304 = arith.constant 16 : i32
      %mul3A_305 = arith.muli %while3A_299, %mul3A_304 : i32
      %get3A_306 = arith.index_cast %mul3A_305 : i32 to index
      %get3A_307 = tpu.vector_load %arg13[%get3A_306] {strides = array<i32>} : memref<10016xi32, #tpu.memory_space<vmem>>, vector<16xi32>,
      %mul3A_308 = arith.constant 16 : i32
      %mul3A_309 = arith.muli %while3A_299, %mul3A_308 : i32
      %get3A_310 = arith.index_cast %mul3A_309 : i32 to index
      %get3A_311 = tpu.vector_load %arg11[%get3A_310] {strides = array<i32>} : memref<10016xi32, #tpu.memory_space<vmem>>, vector<16xi32>,
      %dma_start3A_312 = arith.constant 0 : i32
      %dma_start3A_313 = arith.constant 0 : i32
      %dma_start3A_314 = tpu.memref_slice %arg4[%dma_start3A_312, %dma_start3A_313] : memref<10000x128xf32, #tpu.memory_space<hbm>> -> memref<10000x128xf32, #tpu.memory_space<hbm>>
      tpu.enqueue_indirect_dma source(%dma_start3A_314 : memref<10000x128xf32, #tpu.memory_space<hbm>>) target(%arg15 : memref<16x128xf32, #tpu.memory_space<vmem>>) offsets(%get3A_303 : vector<16xi32>) semaphore(%arg18 : memref<!tpu.dma_semaphore, #tpu.memory_space<semaphore_mem>>)
      %dma_start3A_315 = arith.constant 0 : i32
      %dma_start3A_316 = arith.constant 0 : i32
      %dma_start3A_317 = tpu.memref_slice %arg4[%dma_start3A_315, %dma_start3A_316] : memref<10000x128xf32, #tpu.memory_space<hbm>> -> memref<10000x128xf32, #tpu.memory_space<hbm>>
      tpu.enqueue_indirect_dma source(%dma_start3A_317 : memref<10000x128xf32, #tpu.memory_space<hbm>>) target(%arg16 : memref<16x128xf32, #tpu.memory_space<vmem>>) offsets(%get3A_307 : vector<16xi32>) semaphore(%arg18 : memref<!tpu.dma_semaphore, #tpu.memory_space<semaphore_mem>>)
      %dma_wait3A_318 = arith.constant 0 : i32
      %dma_wait3A_319 = arith.constant 0 : i32
      %dma_wait3A_320 = tpu.memref_slice %arg4[%dma_wait3A_318, %dma_wait3A_319] : memref<10000x128xf32, #tpu.memory_space<hbm>> -> memref<10000x128xf32, #tpu.memory_space<hbm>>
      tpu.wait_indirect_dma semaphore(%arg18 : memref<!tpu.dma_semaphore, #tpu.memory_space<semaphore_mem>>) src(%dma_wait3A_320 : memref<10000x128xf32, #tpu.memory_space<hbm>>) dst(%arg15 : memref<16x128xf32, #tpu.memory_space<vmem>>)
      %dma_wait3A_321 = arith.constant 0 : i32
      %dma_wait3A_322 = arith.constant 0 : i32
      %dma_wait3A_323 = tpu.memref_slice %arg4[%dma_wait3A_321, %dma_wait3A_322] : memref<10000x128xf32, #tpu.memory_space<hbm>> -> memref<10000x128xf32, #tpu.memory_space<hbm>>
      tpu.wait_indirect_dma semaphore(%arg18 : memref<!tpu.dma_semaphore, #tpu.memory_space<semaphore_mem>>) src(%dma_wait3A_323 : memref<10000x128xf32, #tpu.memory_space<hbm>>) dst(%arg16 : memref<16x128xf32, #tpu.memory_space<vmem>>)
      %get3A_324 = arith.constant 0 : i32
      %get3A_325 = arith.index_cast %get3A_324 : i32 to index
      %get3A_326 = arith.constant 0 : index
      %get3A_327 = tpu.vector_load %arg15[%get3A_325, %get3A_326] {strides = array<i32>} : memref<16x128xf32, #tpu.memory_space<vmem>>, vector<16xf32>,
      %get3A_328 = arith.constant 0 : i32
      %get3A_329 = arith.index_cast %get3A_328 : i32 to index
      %get3A_330 = arith.constant 0 : index
      %get3A_331 = tpu.vector_load %arg16[%get3A_329, %get3A_330] {strides = array<i32>} : memref<16x128xf32, #tpu.memory_space<vmem>>, vector<16xf32>,
      %add3A_332 = arith.addf %get3A_327, %get3A_331 : vector<16xf32>
      %swap3A = arith.constant 0 : i32
      %swap3A_333 = arith.index_cast %swap3A : i32 to index
      %swap3A_334 = arith.constant 0 : index
      %swap3A_335 = tpu.vector_load %arg15[%swap3A_333, %swap3A_334] {strides = array<i32>} : memref<16x128xf32, #tpu.memory_space<vmem>>, vector<16xf32>,
      tpu.vector_store %arg15[%swap3A_333, %swap3A_334], %add3A_332 {strides = array<i32>} : memref<16x128xf32, #tpu.memory_space<vmem>>, vector<16xf32>,
      %get3A_336 = arith.constant 0 : i32
      %get3A_337 = arith.index_cast %get3A_336 : i32 to index
      %get3A_338 = arith.constant 16 : index
      %get3A_339 = tpu.vector_load %arg15[%get3A_337, %get3A_338] {strides = array<i32>} : memref<16x128xf32, #tpu.memory_space<vmem>>, vector<16xf32>,
      %get3A_340 = arith.constant 0 : i32
      %get3A_341 = arith.index_cast %get3A_340 : i32 to index
      %get3A_342 = arith.constant 16 : index
      %get3A_343 = tpu.vector_load %arg16[%get3A_341, %get3A_342] {strides = array<i32>} : memref<16x128xf32, #tpu.memory_space<vmem>>, vector<16xf32>,
      %add3A_344 = arith.addf %get3A_339, %get3A_343 : vector<16xf32>
      %swap3A_345 = arith.constant 0 : i32
      %swap3A_346 = arith.index_cast %swap3A_345 : i32 to index
      %swap3A_347 = arith.constant 16 : index
      %swap3A_348 = tpu.vector_load %arg15[%swap3A_346, %swap3A_347] {strides = array<i32>} : memref<16x128xf32, #tpu.memory_space<vmem>>, vector<16xf32>,
      tpu.vector_store %arg15[%swap3A_346, %swap3A_347], %add3A_344 {strides = array<i32>} : memref<16x128xf32, #tpu.memory_space<vmem>>, vector<16xf32>,
      %get3A_349 = arith.constant 0 : i32
      %get3A_350 = arith.index_cast %get3A_349 : i32 to index
      %get3A_351 = arith.constant 32 : index
      %get3A_352 = tpu.vector_load %arg15[%get3A_350, %get3A_351] {strides = array<i32>} : memref<16x128xf32, #tpu.memory_space<vmem>>, vector<16xf32>,
      %get3A_353 = arith.constant 0 : i32
      %get3A_354 = arith.index_cast %get3A_353 : i32 to index
      %get3A_355 = arith.constant 32 : index
      %get3A_356 = tpu.vector_load %arg16[%get3A_354, %get3A_355] {strides = array<i32>} : memref<16x128xf32, #tpu.memory_space<vmem>>, vector<16xf32>,
      %add3A_357 = arith.addf %get3A_352, %get3A_356 : vector<16xf32>
      %swap3A_358 = arith.constant 0 : i32
      %swap3A_359 = arith.index_cast %swap3A_358 : i32 to index
      %swap3A_360 = arith.constant 32 : index
      %swap3A_361 = tpu.vector_load %arg15[%swap3A_359, %swap3A_360] {strides = array<i32>} : memref<16x128xf32, #tpu.memory_space<vmem>>, vector<16xf32>,
      tpu.vector_store %arg15[%swap3A_359, %swap3A_360], %add3A_357 {strides = array<i32>} : memref<16x128xf32, #tpu.memory_space<vmem>>, vector<16xf32>,
      %get3A_362 = arith.constant 0 : i32
      %get3A_363 = arith.index_cast %get3A_362 : i32 to index
      %get3A_364 = arith.constant 48 : index
      %get3A_365 = tpu.vector_load %arg15[%get3A_363, %get3A_364] {strides = array<i32>} : memref<16x128xf32, #tpu.memory_space<vmem>>, vector<16xf32>,
      %get3A_366 = arith.constant 0 : i32
      %get3A_367 = arith.index_cast %get3A_366 : i32 to index
      %get3A_368 = arith.constant 48 : index
      %get3A_369 = tpu.vector_load %arg16[%get3A_367, %get3A_368] {strides = array<i32>} : memref<16x128xf32, #tpu.memory_space<vmem>>, vector<16xf32>,
      %add3A_370 = arith.addf %get3A_365, %get3A_369 : vector<16xf32>
      %swap3A_371 = arith.constant 0 : i32
      %swap3A_372 = arith.index_cast %swap3A_371 : i32 to index
      %swap3A_373 = arith.constant 48 : index
      %swap3A_374 = tpu.vector_load %arg15[%swap3A_372, %swap3A_373] {strides = array<i32>} : memref<16x128xf32, #tpu.memory_space<vmem>>, vector<16xf32>,
      tpu.vector_store %arg15[%swap3A_372, %swap3A_373], %add3A_370 {strides = array<i32>} : memref<16x128xf32, #tpu.memory_space<vmem>>, vector<16xf32>,
      %get3A_375 = arith.constant 0 : i32
      %get3A_376 = arith.index_cast %get3A_375 : i32 to index
      %get3A_377 = arith.constant 64 : index
      %get3A_378 = tpu.vector_load %arg15[%get3A_376, %get3A_377] {strides = array<i32>} : memref<16x128xf32, #tpu.memory_space<vmem>>, vector<16xf32>,
      %get3A_379 = arith.constant 0 : i32
      %get3A_380 = arith.index_cast %get3A_379 : i32 to index
      %get3A_381 = arith.constant 64 : index
      %get3A_382 = tpu.vector_load %arg16[%get3A_380, %get3A_381] {strides = array<i32>} : memref<16x128xf32, #tpu.memory_space<vmem>>, vector<16xf32>,
      %add3A_383 = arith.addf %get3A_378, %get3A_382 : vector<16xf32>
      %swap3A_384 = arith.constant 0 : i32
      %swap3A_385 = arith.index_cast %swap3A_384 : i32 to index
      %swap3A_386 = arith.constant 64 : index
      %swap3A_387 = tpu.vector_load %arg15[%swap3A_385, %swap3A_386] {strides = array<i32>} : memref<16x128xf32, #tpu.memory_space<vmem>>, vector<16xf32>,
      tpu.vector_store %arg15[%swap3A_385, %swap3A_386], %add3A_383 {strides = array<i32>} : memref<16x128xf32, #tpu.memory_space<vmem>>, vector<16xf32>,
      %get3A_388 = arith.constant 0 : i32
      %get3A_389 = arith.index_cast %get3A_388 : i32 to index
      %get3A_390 = arith.constant 80 : index
      %get3A_391 = tpu.vector_load %arg15[%get3A_389, %get3A_390] {strides = array<i32>} : memref<16x128xf32, #tpu.memory_space<vmem>>, vector<16xf32>,
      %get3A_392 = arith.constant 0 : i32
      %get3A_393 = arith.index_cast %get3A_392 : i32 to index
      %get3A_394 = arith.constant 80 : index
      %get3A_395 = tpu.vector_load %arg16[%get3A_393, %get3A_394] {strides = array<i32>} : memref<16x128xf32, #tpu.memory_space<vmem>>, vector<16xf32>,
      %add3A_396 = arith.addf %get3A_391, %get3A_395 : vector<16xf32>
      %swap3A_397 = arith.constant 0 : i32
      %swap3A_398 = arith.index_cast %swap3A_397 : i32 to index
      %swap3A_399 = arith.constant 80 : index
      %swap3A_400 = tpu.vector_load %arg15[%swap3A_398, %swap3A_399] {strides = array<i32>} : memref<16x128xf32, #tpu.memory_space<vmem>>, vector<16xf32>,
      tpu.vector_store %arg15[%swap3A_398, %swap3A_399], %add3A_396 {strides = array<i32>} : memref<16x128xf32, #tpu.memory_space<vmem>>, vector<16xf32>,
      %get3A_401 = arith.constant 0 : i32
      %get3A_402 = arith.index_cast %get3A_401 : i32 to index
      %get3A_403 = arith.constant 96 : index
      %get3A_404 = tpu.vector_load %arg15[%get3A_402, %get3A_403] {strides = array<i32>} : memref<16x128xf32, #tpu.memory_space<vmem>>, vector<16xf32>,
      %get3A_405 = arith.constant 0 : i32
      %get3A_406 = arith.index_cast %get3A_405 : i32 to index
      %get3A_407 = arith.constant 96 : index
      %get3A_408 = tpu.vector_load %arg16[%get3A_406, %get3A_407] {strides = array<i32>} : memref<16x128xf32, #tpu.memory_space<vmem>>, vector<16xf32>,
      %add3A_409 = arith.addf %get3A_404, %get3A_408 : vector<16xf32>
      %swap3A_410 = arith.constant 0 : i32
      %swap3A_411 = arith.index_cast %swap3A_410 : i32 to index
      %swap3A_412 = arith.constant 96 : index
      %swap3A_413 = tpu.vector_load %arg15[%swap3A_411, %swap3A_412] {strides = array<i32>} : memref<16x128xf32, #tpu.memory_space<vmem>>, vector<16xf32>,
      tpu.vector_store %arg15[%swap3A_411, %swap3A_412], %add3A_409 {strides = array<i32>} : memref<16x128xf32, #tpu.memory_space<vmem>>, vector<16xf32>,
      %get3A_414 = arith.constant 0 : i32
      %get3A_415 = arith.index_cast %get3A_414 : i32 to index
      %get3A_416 = arith.constant 112 : index
      %get3A_417 = tpu.vector_load %arg15[%get3A_415, %get3A_416] {strides = array<i32>} : memref<16x128xf32, #tpu.memory_space<vmem>>, vector<16xf32>,
      %get3A_418 = arith.constant 0 : i32
      %get3A_419 = arith.index_cast %get3A_418 : i32 to index
      %get3A_420 = arith.constant 112 : index
      %get3A_421 = tpu.vector_load %arg16[%get3A_419, %get3A_420] {strides = array<i32>} : memref<16x128xf32, #tpu.memory_space<vmem>>, vector<16xf32>,
      %add3A_422 = arith.addf %get3A_417, %get3A_421 : vector<16xf32>
      %swap3A_423 = arith.constant 0 : i32
      %swap3A_424 = arith.index_cast %swap3A_423 : i32 to index
      %swap3A_425 = arith.constant 112 : index
      %swap3A_426 = tpu.vector_load %arg15[%swap3A_424, %swap3A_425] {strides = array<i32>} : memref<16x128xf32, #tpu.memory_space<vmem>>, vector<16xf32>,
      tpu.vector_store %arg15[%swap3A_424, %swap3A_425], %add3A_422 {strides = array<i32>} : memref<16x128xf32, #tpu.memory_space<vmem>>, vector<16xf32>,
      %get3A_427 = arith.constant 1 : i32
      %get3A_428 = arith.index_cast %get3A_427 : i32 to index
      %get3A_429 = arith.constant 0 : index
      %get3A_430 = tpu.vector_load %arg15[%get3A_428, %get3A_429] {strides = array<i32>} : memref<16x128xf32, #tpu.memory_space<vmem>>, vector<16xf32>,
      %get3A_431 = arith.constant 1 : i32
      %get3A_432 = arith.index_cast %get3A_431 : i32 to index
      %get3A_433 = arith.constant 0 : index
      %get3A_434 = tpu.vector_load %arg16[%get3A_432, %get3A_433] {strides = array<i32>} : memref<16x128xf32, #tpu.memory_space<vmem>>, vector<16xf32>,
      %add3A_435 = arith.addf %get3A_430, %get3A_434 : vector<16xf32>
      %swap3A_436 = arith.constant 1 : i32
      %swap3A_437 = arith.index_cast %swap3A_436 : i32 to index
      %swap3A_438 = arith.constant 0 : index
      %swap3A_439 = tpu.vector_load %arg15[%swap3A_437, %swap3A_438] {strides = array<i32>} : memref<16x128xf32, #tpu.memory_space<vmem>>, vector<16xf32>,
      tpu.vector_store %arg15[%swap3A_437, %swap3A_438], %add3A_435 {strides = array<i32>} : memref<16x128xf32, #tpu.memory_space<vmem>>, vector<16xf32>,
      %get3A_440 = arith.constant 1 : i32
      %get3A_441 = arith.index_cast %get3A_440 : i32 to index
      %get3A_442 = arith.constant 16 : index
      %get3A_443 = tpu.vector_load %arg15[%get3A_441, %get3A_442] {strides = array<i32>} : memref<16x128xf32, #tpu.memory_space<vmem>>, vector<16xf32>,
      %get3A_444 = arith.constant 1 : i32
      %get3A_445 = arith.index_cast %get3A_444 : i32 to index
      %get3A_446 = arith.constant 16 : index
      %get3A_447 = tpu.vector_load %arg16[%get3A_445, %get3A_446] {strides = array<i32>} : memref<16x128xf32, #tpu.memory_space<vmem>>, vector<16xf32>,
      %add3A_448 = arith.addf %get3A_443, %get3A_447 : vector<16xf32>
      %swap3A_449 = arith.constant 1 : i32
      %swap3A_450 = arith.index_cast %swap3A_449 : i32 to index
      %swap3A_451 = arith.constant 16 : index
      %swap3A_452 = tpu.vector_load %arg15[%swap3A_450, %swap3A_451] {strides = array<i32>} : memref<16x128xf32, #tpu.memory_space<vmem>>, vector<16xf32>,
      tpu.vector_store %arg15[%swap3A_450, %swap3A_451], %add3A_448 {strides = array<i32>} : memref<16x128xf32, #tpu.memory_space<vmem>>, vector<16xf32>,
      %get3A_453 = arith.constant 1 : i32
      %get3A_454 = arith.index_cast %get3A_453 : i32 to index
      %get3A_455 = arith.constant 32 : index
      %get3A_456 = tpu.vector_load %arg15[%get3A_454, %get3A_455] {strides = array<i32>} : memref<16x128xf32, #tpu.memory_space<vmem>>, vector<16xf32>,
      %get3A_457 = arith.constant 1 : i32
      %get3A_458 = arith.index_cast %get3A_457 : i32 to index
      %get3A_459 = arith.constant 32 : index
      %get3A_460 = tpu.vector_load %arg16[%get3A_458, %get3A_459] {strides = array<i32>} : memref<16x128xf32, #tpu.memory_space<vmem>>, vector<16xf32>,
      %add3A_461 = arith.addf %get3A_456, %get3A_460 : vector<16xf32>
      %swap3A_462 = arith.constant 1 : i32
      %swap3A_463 = arith.index_cast %swap3A_462 : i32 to index
      %swap3A_464 = arith.constant 32 : index
      %swap3A_465 = tpu.vector_load %arg15[%swap3A_463, %swap3A_464] {strides = array<i32>} : memref<16x128xf32, #tpu.memory_space<vmem>>, vector<16xf32>,
      tpu.vector_store %arg15[%swap3A_463, %swap3A_464], %add3A_461 {strides = array<i32>} : memref<16x128xf32, #tpu.memory_space<vmem>>, vector<16xf32>,
      %get3A_466 = arith.constant 1 : i32
      %get3A_467 = arith.index_cast %get3A_466 : i32 to index
      %get3A_468 = arith.constant 48 : index
      %get3A_469 = tpu.vector_load %arg15[%get3A_467, %get3A_468] {strides = array<i32>} : memref<16x128xf32, #tpu.memory_space<vmem>>, vector<16xf32>,
      %get3A_470 = arith.constant 1 : i32
      %get3A_471 = arith.index_cast %get3A_470 : i32 to index
      %get3A_472 = arith.constant 48 : index
      %get3A_473 = tpu.vector_load %arg16[%get3A_471, %get3A_472] {strides = array<i32>} : memref<16x128xf32, #tpu.memory_space<vmem>>, vector<16xf32>,
      %add3A_474 = arith.addf %get3A_469, %get3A_473 : vector<16xf32>
      %swap3A_475 = arith.constant 1 : i32
      %swap3A_476 = arith.index_cast %swap3A_475 : i32 to index
      %swap3A_477 = arith.constant 48 : index
      %swap3A_478 = tpu.vector_load %arg15[%swap3A_476, %swap3A_477] {strides = array<i32>} : memref<16x128xf32, #tpu.memory_space<vmem>>, vector<16xf32>,
      tpu.vector_store %arg15[%swap3A_476, %swap3A_477], %add3A_474 {strides = array<i32>} : memref<16x128xf32, #tpu.memory_space<vmem>>, vector<16xf32>,
      %get3A_479 = arith.constant 1 : i32
      %get3A_480 = arith.index_cast %get3A_479 : i32 to index
      %get3A_481 = arith.constant 64 : index
      %get3A_482 = tpu.vector_load %arg15[%get3A_480, %get3A_481] {strides = array<i32>} : memref<16x128xf32, #tpu.memory_space<vmem>>, vector<16xf32>,
      %get3A_483 = arith.constant 1 : i32
      %get3A_484 = arith.index_cast %get3A_483 : i32 to index
      %get3A_485 = arith.constant 64 : index
      %get3A_486 = tpu.vector_load %arg16[%get3A_484, %get3A_485] {strides = array<i32>} : memref<16x128xf32, #tpu.memory_space<vmem>>, vector<16xf32>,
      %add3A_487 = arith.addf %get3A_482, %get3A_486 : vector<16xf32>
      %swap3A_488 = arith.constant 1 : i32
      %swap3A_489 = arith.index_cast %swap3A_488 : i32 to index
      %swap3A_490 = arith.constant 64 : index
      %swap3A_491 = tpu.vector_load %arg15[%swap3A_489, %swap3A_490] {strides = array<i32>} : memref<16x128xf32, #tpu.memory_space<vmem>>, vector<16xf32>,
      tpu.vector_store %arg15[%swap3A_489, %swap3A_490], %add3A_487 {strides = array<i32>} : memref<16x128xf32, #tpu.memory_space<vmem>>, vector<16xf32>,
      %get3A_492 = arith.constant 1 : i32
      %get3A_493 = arith.index_cast %get3A_492 : i32 to index
      %get3A_494 = arith.constant 80 : index
      %get3A_495 = tpu.vector_load %arg15[%get3A_493, %get3A_494] {strides = array<i32>} : memref<16x128xf32, #tpu.memory_space<vmem>>, vector<16xf32>,
      %get3A_496 = arith.constant 1 : i32
      %get3A_497 = arith.index_cast %get3A_496 : i32 to index
      %get3A_498 = arith.constant 80 : index
      %get3A_499 = tpu.vector_load %arg16[%get3A_497, %get3A_498] {strides = array<i32>} : memref<16x128xf32, #tpu.memory_space<vmem>>, vector<16xf32>,
      %add3A_500 = arith.addf %get3A_495, %get3A_499 : vector<16xf32>
      %swap3A_501 = arith.constant 1 : i32
      %swap3A_502 = arith.index_cast %swap3A_501 : i32 to index
      %swap3A_503 = arith.constant 80 : index
      %swap3A_504 = tpu.vector_load %arg15[%swap3A_502, %swap3A_503] {strides = array<i32>} : memref<16x128xf32, #tpu.memory_space<vmem>>, vector<16xf32>,
      tpu.vector_store %arg15[%swap3A_502, %swap3A_503], %add3A_500 {strides = array<i32>} : memref<16x128xf32, #tpu.memory_space<vmem>>, vector<16xf32>,
      %get3A_505 = arith.constant 1 : i32
      %get3A_506 = arith.index_cast %get3A_505 : i32 to index
      %get3A_507 = arith.constant 96 : index
      %get3A_508 = tpu.vector_load %arg15[%get3A_506, %get3A_507] {strides = array<i32>} : memref<16x128xf32, #tpu.memory_space<vmem>>, vector<16xf32>,
      %get3A_509 = arith.constant 1 : i32
      %get3A_510 = arith.index_cast %get3A_509 : i32 to index
      %get3A_511 = arith.constant 96 : index
      %get3A_512 = tpu.vector_load %arg16[%get3A_510, %get3A_511] {strides = array<i32>} : memref<16x128xf32, #tpu.memory_space<vmem>>, vector<16xf32>,
      %add3A_513 = arith.addf %get3A_508, %get3A_512 : vector<16xf32>
      %swap3A_514 = arith.constant 1 : i32
      %swap3A_515 = arith.index_cast %swap3A_514 : i32 to index
      %swap3A_516 = arith.constant 96 : index
      %swap3A_517 = tpu.vector_load %arg15[%swap3A_515, %swap3A_516] {strides = array<i32>} : memref<16x128xf32, #tpu.memory_space<vmem>>, vector<16xf32>,
      tpu.vector_store %arg15[%swap3A_515, %swap3A_516], %add3A_513 {strides = array<i32>} : memref<16x128xf32, #tpu.memory_space<vmem>>, vector<16xf32>,
      %get3A_518 = arith.constant 1 : i32
      %get3A_519 = arith.index_cast %get3A_518 : i32 to index
      %get3A_520 = arith.constant 112 : index
      %get3A_521 = tpu.vector_load %arg15[%get3A_519, %get3A_520] {strides = array<i32>} : memref<16x128xf32, #tpu.memory_space<vmem>>, vector<16xf32>,
      %get3A_522 = arith.constant 1 : i32
      %get3A_523 = arith.index_cast %get3A_522 : i32 to index
      %get3A_524 = arith.constant 112 : index
      %get3A_525 = tpu.vector_load %arg16[%get3A_523, %get3A_524] {strides = array<i32>} : memref<16x128xf32, #tpu.memory_space<vmem>>, vector<16xf32>,
      %add3A_526 = arith.addf %get3A_521, %get3A_525 : vector<16xf32>
      %swap3A_527 = arith.constant 1 : i32
      %swap3A_528 = arith.index_cast %swap3A_527 : i32 to index
      %swap3A_529 = arith.constant 112 : index
      %swap3A_530 = tpu.vector_load %arg15[%swap3A_528, %swap3A_529] {strides = array<i32>} : memref<16x128xf32, #tpu.memory_space<vmem>>, vector<16xf32>,
      tpu.vector_store %arg15[%swap3A_528, %swap3A_529], %add3A_526 {strides = array<i32>} : memref<16x128xf32, #tpu.memory_space<vmem>>, vector<16xf32>,
      %get3A_531 = arith.constant 2 : i32
      %get3A_532 = arith.index_cast %get3A_531 : i32 to index
      %get3A_533 = arith.constant 0 : index
      %get3A_534 = tpu.vector_load %arg15[%get3A_532, %get3A_533] {strides = array<i32>} : memref<16x128xf32, #tpu.memory_space<vmem>>, vector<16xf32>,
      %get3A_535 = arith.constant 2 : i32
      %get3A_536 = arith.index_cast %get3A_535 : i32 to index
      %get3A_537 = arith.constant 0 : index
      %get3A_538 = tpu.vector_load %arg16[%get3A_536, %get3A_537] {strides = array<i32>} : memref<16x128xf32, #tpu.memory_space<vmem>>, vector<16xf32>,
      %add3A_539 = arith.addf %get3A_534, %get3A_538 : vector<16xf32>
      %swap3A_540 = arith.constant 2 : i32
      %swap3A_541 = arith.index_cast %swap3A_540 : i32 to index
      %swap3A_542 = arith.constant 0 : index
      %swap3A_543 = tpu.vector_load %arg15[%swap3A_541, %swap3A_542] {strides = array<i32>} : memref<16x128xf32, #tpu.memory_space<vmem>>, vector<16xf32>,
      tpu.vector_store %arg15[%swap3A_541, %swap3A_542], %add3A_539 {strides = array<i32>} : memref<16x128xf32, #tpu.memory_space<vmem>>, vector<16xf32>,
      %get3A_544 = arith.constant 2 : i32
      %get3A_545 = arith.index_cast %get3A_544 : i32 to index
      %get3A_546 = arith.constant 16 : index
      %get3A_547 = tpu.vector_load %arg15[%get3A_545, %get3A_546] {strides = array<i32>} : memref<16x128xf32, #tpu.memory_space<vmem>>, vector<16xf32>,
      %get3A_548 = arith.constant 2 : i32
      %get3A_549 = arith.index_cast %get3A_548 : i32 to index
      %get3A_550 = arith.constant 16 : index
      %get3A_551 = tpu.vector_load %arg16[%get3A_549, %get3A_550] {strides = array<i32>} : memref<16x128xf32, #tpu.memory_space<vmem>>, vector<16xf32>,
      %add3A_552 = arith.addf %get3A_547, %get3A_551 : vector<16xf32>
      %swap3A_553 = arith.constant 2 : i32
      %swap3A_554 = arith.index_cast %swap3A_553 : i32 to index
      %swap3A_555 = arith.constant 16 : index
      %swap3A_556 = tpu.vector_load %arg15[%swap3A_554, %swap3A_555] {strides = array<i32>} : memref<16x128xf32, #tpu.memory_space<vmem>>, vector<16xf32>,
      tpu.vector_store %arg15[%swap3A_554, %swap3A_555], %add3A_552 {strides = array<i32>} : memref<16x128xf32, #tpu.memory_space<vmem>>, vector<16xf32>,
      %get3A_557 = arith.constant 2 : i32
      %get3A_558 = arith.index_cast %get3A_557 : i32 to index
      %get3A_559 = arith.constant 32 : index
      %get3A_560 = tpu.vector_load %arg15[%get3A_558, %get3A_559] {strides = array<i32>} : memref<16x128xf32, #tpu.memory_space<vmem>>, vector<16xf32>,
      %get3A_561 = arith.constant 2 : i32
      %get3A_562 = arith.index_cast %get3A_561 : i32 to index
      %get3A_563 = arith.constant 32 : index
      %get3A_564 = tpu.vector_load %arg16[%get3A_562, %get3A_563] {strides = array<i32>} : memref<16x128xf32, #tpu.memory_space<vmem>>, vector<16xf32>,
      %add3A_565 = arith.addf %get3A_560, %get3A_564 : vector<16xf32>
      %swap3A_566 = arith.constant 2 : i32
      %swap3A_567 = arith.index_cast %swap3A_566 : i32 to index
      %swap3A_568 = arith.constant 32 : index
      %swap3A_569 = tpu.vector_load %arg15[%swap3A_567, %swap3A_568] {strides = array<i32>} : memref<16x128xf32, #tpu.memory_space<vmem>>, vector<16xf32>,
      tpu.vector_store %arg15[%swap3A_567, %swap3A_568], %add3A_565 {strides = array<i32>} : memref<16x128xf32, #tpu.memory_space<vmem>>, vector<16xf32>,
      %get3A_570 = arith.constant 2 : i32
      %get3A_571 = arith.index_cast %get3A_570 : i32 to index
      %get3A_572 = arith.constant 48 : index
      %get3A_573 = tpu.vector_load %arg15[%get3A_571, %get3A_572] {strides = array<i32>} : memref<16x128xf32, #tpu.memory_space<vmem>>, vector<16xf32>,
      %get3A_574 = arith.constant 2 : i32
      %get3A_575 = arith.index_cast %get3A_574 : i32 to index
      %get3A_576 = arith.constant 48 : index
      %get3A_577 = tpu.vector_load %arg16[%get3A_575, %get3A_576] {strides = array<i32>} : memref<16x128xf32, #tpu.memory_space<vmem>>, vector<16xf32>,
      %add3A_578 = arith.addf %get3A_573, %get3A_577 : vector<16xf32>
      %swap3A_579 = arith.constant 2 : i32
      %swap3A_580 = arith.index_cast %swap3A_579 : i32 to index
      %swap3A_581 = arith.constant 48 : index
      %swap3A_582 = tpu.vector_load %arg15[%swap3A_580, %swap3A_581] {strides = array<i32>} : memref<16x128xf32, #tpu.memory_space<vmem>>, vector<16xf32>,
      tpu.vector_store %arg15[%swap3A_580, %swap3A_581], %add3A_578 {strides = array<i32>} : memref<16x128xf32, #tpu.memory_space<vmem>>, vector<16xf32>,
      %get3A_583 = arith.constant 2 : i32
      %get3A_584 = arith.index_cast %get3A_583 : i32 to index
      %get3A_585 = arith.constant 64 : index
      %get3A_586 = tpu.vector_load %arg15[%get3A_584, %get3A_585] {strides = array<i32>} : memref<16x128xf32, #tpu.memory_space<vmem>>, vector<16xf32>,
      %get3A_587 = arith.constant 2 : i32
      %get3A_588 = arith.index_cast %get3A_587 : i32 to index
      %get3A_589 = arith.constant 64 : index
      %get3A_590 = tpu.vector_load %arg16[%get3A_588, %get3A_589] {strides = array<i32>} : memref<16x128xf32, #tpu.memory_space<vmem>>, vector<16xf32>,
      %add3A_591 = arith.addf %get3A_586, %get3A_590 : vector<16xf32>
      %swap3A_592 = arith.constant 2 : i32
      %swap3A_593 = arith.index_cast %swap3A_592 : i32 to index
      %swap3A_594 = arith.constant 64 : index
      %swap3A_595 = tpu.vector_load %arg15[%swap3A_593, %swap3A_594] {strides = array<i32>} : memref<16x128xf32, #tpu.memory_space<vmem>>, vector<16xf32>,
      tpu.vector_store %arg15[%swap3A_593, %swap3A_594], %add3A_591 {strides = array<i32>} : memref<16x128xf32, #tpu.memory_space<vmem>>, vector<16xf32>,
      %get3A_596 = arith.constant 2 : i32
      %get3A_597 = arith.index_cast %get3A_596 : i32 to index
      %get3A_598 = arith.constant 80 : index
      %get3A_599 = tpu.vector_load %arg15[%get3A_597, %get3A_598] {strides = array<i32>} : memref<16x128xf32, #tpu.memory_space<vmem>>, vector<16xf32>,
      %get3A_600 = arith.constant 2 : i32
      %get3A_601 = arith.index_cast %get3A_600 : i32 to index
      %get3A_602 = arith.constant 80 : index
      %get3A_603 = tpu.vector_load %arg16[%get3A_601, %get3A_602] {strides = array<i32>} : memref<16x128xf32, #tpu.memory_space<vmem>>, vector<16xf32>,
      %add3A_604 = arith.addf %get3A_599, %get3A_603 : vector<16xf32>
      %swap3A_605 = arith.constant 2 : i32
      %swap3A_606 = arith.index_cast %swap3A_605 : i32 to index
      %swap3A_607 = arith.constant 80 : index
      %swap3A_608 = tpu.vector_load %arg15[%swap3A_606, %swap3A_607] {strides = array<i32>} : memref<16x128xf32, #tpu.memory_space<vmem>>, vector<16xf32>,
      tpu.vector_store %arg15[%swap3A_606, %swap3A_607], %add3A_604 {strides = array<i32>} : memref<16x128xf32, #tpu.memory_space<vmem>>, vector<16xf32>,
      %get3A_609 = arith.constant 2 : i32
      %get3A_610 = arith.index_cast %get3A_609 : i32 to index
      %get3A_611 = arith.constant 96 : index
      %get3A_612 = tpu.vector_load %arg15[%get3A_610, %get3A_611] {strides = array<i32>} : memref<16x128xf32, #tpu.memory_space<vmem>>, vector<16xf32>,
      %get3A_613 = arith.constant 2 : i32
      %get3A_614 = arith.index_cast %get3A_613 : i32 to index
      %get3A_615 = arith.constant 96 : index
      %get3A_616 = tpu.vector_load %arg16[%get3A_614, %get3A_615] {strides = array<i32>} : memref<16x128xf32, #tpu.memory_space<vmem>>, vector<16xf32>,
      %add3A_617 = arith.addf %get3A_612, %get3A_616 : vector<16xf32>
      %swap3A_618 = arith.constant 2 : i32
      %swap3A_619 = arith.index_cast %swap3A_618 : i32 to index
      %swap3A_620 = arith.constant 96 : index
      %swap3A_621 = tpu.vector_load %arg15[%swap3A_619, %swap3A_620] {strides = array<i32>} : memref<16x128xf32, #tpu.memory_space<vmem>>, vector<16xf32>,
      tpu.vector_store %arg15[%swap3A_619, %swap3A_620], %add3A_617 {strides = array<i32>} : memref<16x128xf32, #tpu.memory_space<vmem>>, vector<16xf32>,
      %get3A_622 = arith.constant 2 : i32
      %get3A_623 = arith.index_cast %get3A_622 : i32 to index
      %get3A_624 = arith.constant 112 : index
      %get3A_625 = tpu.vector_load %arg15[%get3A_623, %get3A_624] {strides = array<i32>} : memref<16x128xf32, #tpu.memory_space<vmem>>, vector<16xf32>,
      %get3A_626 = arith.constant 2 : i32
      %get3A_627 = arith.index_cast %get3A_626 : i32 to index
      %get3A_628 = arith.constant 112 : index
      %get3A_629 = tpu.vector_load %arg16[%get3A_627, %get3A_628] {strides = array<i32>} : memref<16x128xf32, #tpu.memory_space<vmem>>, vector<16xf32>,
      %add3A_630 = arith.addf %get3A_625, %get3A_629 : vector<16xf32>
      %swap3A_631 = arith.constant 2 : i32
      %swap3A_632 = arith.index_cast %swap3A_631 : i32 to index
      %swap3A_633 = arith.constant 112 : index
      %swap3A_634 = tpu.vector_load %arg15[%swap3A_632, %swap3A_633] {strides = array<i32>} : memref<16x128xf32, #tpu.memory_space<vmem>>, vector<16xf32>,
      tpu.vector_store %arg15[%swap3A_632, %swap3A_633], %add3A_630 {strides = array<i32>} : memref<16x128xf32, #tpu.memory_space<vmem>>, vector<16xf32>,
      %get3A_635 = arith.constant 3 : i32
      %get3A_636 = arith.index_cast %get3A_635 : i32 to index
      %get3A_637 = arith.constant 0 : index
      %get3A_638 = tpu.vector_load %arg15[%get3A_636, %get3A_637] {strides = array<i32>} : memref<16x128xf32, #tpu.memory_space<vmem>>, vector<16xf32>,
      %get3A_639 = arith.constant 3 : i32
      %get3A_640 = arith.index_cast %get3A_639 : i32 to index
      %get3A_641 = arith.constant 0 : index
      %get3A_642 = tpu.vector_load %arg16[%get3A_640, %get3A_641] {strides = array<i32>} : memref<16x128xf32, #tpu.memory_space<vmem>>, vector<16xf32>,
      %add3A_643 = arith.addf %get3A_638, %get3A_642 : vector<16xf32>
      %swap3A_644 = arith.constant 3 : i32
      %swap3A_645 = arith.index_cast %swap3A_644 : i32 to index
      %swap3A_646 = arith.constant 0 : index
      %swap3A_647 = tpu.vector_load %arg15[%swap3A_645, %swap3A_646] {strides = array<i32>} : memref<16x128xf32, #tpu.memory_space<vmem>>, vector<16xf32>,
      tpu.vector_store %arg15[%swap3A_645, %swap3A_646], %add3A_643 {strides = array<i32>} : memref<16x128xf32, #tpu.memory_space<vmem>>, vector<16xf32>,
      %get3A_648 = arith.constant 3 : i32
      %get3A_649 = arith.index_cast %get3A_648 : i32 to index
      %get3A_650 = arith.constant 16 : index
      %get3A_651 = tpu.vector_load %arg15[%get3A_649, %get3A_650] {strides = array<i32>} : memref<16x128xf32, #tpu.memory_space<vmem>>, vector<16xf32>,
      %get3A_652 = arith.constant 3 : i32
      %get3A_653 = arith.index_cast %get3A_652 : i32 to index
      %get3A_654 = arith.constant 16 : index
      %get3A_655 = tpu.vector_load %arg16[%get3A_653, %get3A_654] {strides = array<i32>} : memref<16x128xf32, #tpu.memory_space<vmem>>, vector<16xf32>,
      %add3A_656 = arith.addf %get3A_651, %get3A_655 : vector<16xf32>
      %swap3A_657 = arith.constant 3 : i32
      %swap3A_658 = arith.index_cast %swap3A_657 : i32 to index
      %swap3A_659 = arith.constant 16 : index
      %swap3A_660 = tpu.vector_load %arg15[%swap3A_658, %swap3A_659] {strides = array<i32>} : memref<16x128xf32, #tpu.memory_space<vmem>>, vector<16xf32>,
      tpu.vector_store %arg15[%swap3A_658, %swap3A_659], %add3A_656 {strides = array<i32>} : memref<16x128xf32, #tpu.memory_space<vmem>>, vector<16xf32>,
      %get3A_661 = arith.constant 3 : i32
      %get3A_662 = arith.index_cast %get3A_661 : i32 to index
      %get3A_663 = arith.constant 32 : index
      %get3A_664 = tpu.vector_load %arg15[%get3A_662, %get3A_663] {strides = array<i32>} : memref<16x128xf32, #tpu.memory_space<vmem>>, vector<16xf32>,
      %get3A_665 = arith.constant 3 : i32
      %get3A_666 = arith.index_cast %get3A_665 : i32 to index
      %get3A_667 = arith.constant 32 : index
      %get3A_668 = tpu.vector_load %arg16[%get3A_666, %get3A_667] {strides = array<i32>} : memref<16x128xf32, #tpu.memory_space<vmem>>, vector<16xf32>,
      %add3A_669 = arith.addf %get3A_664, %get3A_668 : vector<16xf32>
      %swap3A_670 = arith.constant 3 : i32
      %swap3A_671 = arith.index_cast %swap3A_670 : i32 to index
      %swap3A_672 = arith.constant 32 : index
      %swap3A_673 = tpu.vector_load %arg15[%swap3A_671, %swap3A_672] {strides = array<i32>} : memref<16x128xf32, #tpu.memory_space<vmem>>, vector<16xf32>,
      tpu.vector_store %arg15[%swap3A_671, %swap3A_672], %add3A_669 {strides = array<i32>} : memref<16x128xf32, #tpu.memory_space<vmem>>, vector<16xf32>,
      %get3A_674 = arith.constant 3 : i32
      %get3A_675 = arith.index_cast %get3A_674 : i32 to index
      %get3A_676 = arith.constant 48 : index
      %get3A_677 = tpu.vector_load %arg15[%get3A_675, %get3A_676] {strides = array<i32>} : memref<16x128xf32, #tpu.memory_space<vmem>>, vector<16xf32>,
      %get3A_678 = arith.constant 3 : i32
      %get3A_679 = arith.index_cast %get3A_678 : i32 to index
      %get3A_680 = arith.constant 48 : index
      %get3A_681 = tpu.vector_load %arg16[%get3A_679, %get3A_680] {strides = array<i32>} : memref<16x128xf32, #tpu.memory_space<vmem>>, vector<16xf32>,
      %add3A_682 = arith.addf %get3A_677, %get3A_681 : vector<16xf32>
      %swap3A_683 = arith.constant 3 : i32
      %swap3A_684 = arith.index_cast %swap3A_683 : i32 to index
      %swap3A_685 = arith.constant 48 : index
      %swap3A_686 = tpu.vector_load %arg15[%swap3A_684, %swap3A_685] {strides = array<i32>} : memref<16x128xf32, #tpu.memory_space<vmem>>, vector<16xf32>,
      tpu.vector_store %arg15[%swap3A_684, %swap3A_685], %add3A_682 {strides = array<i32>} : memref<16x128xf32, #tpu.memory_space<vmem>>, vector<16xf32>,
      %get3A_687 = arith.constant 3 : i32
      %get3A_688 = arith.index_cast %get3A_687 : i32 to index
      %get3A_689 = arith.constant 64 : index
      %get3A_690 = tpu.vector_load %arg15[%get3A_688, %get3A_689] {strides = array<i32>} : memref<16x128xf32, #tpu.memory_space<vmem>>, vector<16xf32>,
      %get3A_691 = arith.constant 3 : i32
      %get3A_692 = arith.index_cast %get3A_691 : i32 to index
      %get3A_693 = arith.constant 64 : index
      %get3A_694 = tpu.vector_load %arg16[%get3A_692, %get3A_693] {strides = array<i32>} : memref<16x128xf32, #tpu.memory_space<vmem>>, vector<16xf32>,
      %add3A_695 = arith.addf %get3A_690, %get3A_694 : vector<16xf32>
      %swap3A_696 = arith.constant 3 : i32
      %swap3A_697 = arith.index_cast %swap3A_696 : i32 to index
      %swap3A_698 = arith.constant 64 : index
      %swap3A_699 = tpu.vector_load %arg15[%swap3A_697, %swap3A_698] {strides = array<i32>} : memref<16x128xf32, #tpu.memory_space<vmem>>, vector<16xf32>,
      tpu.vector_store %arg15[%swap3A_697, %swap3A_698], %add3A_695 {strides = array<i32>} : memref<16x128xf32, #tpu.memory_space<vmem>>, vector<16xf32>,
      %get3A_700 = arith.constant 3 : i32
      %get3A_701 = arith.index_cast %get3A_700 : i32 to index
      %get3A_702 = arith.constant 80 : index
      %get3A_703 = tpu.vector_load %arg15[%get3A_701, %get3A_702] {strides = array<i32>} : memref<16x128xf32, #tpu.memory_space<vmem>>, vector<16xf32>,
      %get3A_704 = arith.constant 3 : i32
      %get3A_705 = arith.index_cast %get3A_704 : i32 to index
      %get3A_706 = arith.constant 80 : index
      %get3A_707 = tpu.vector_load %arg16[%get3A_705, %get3A_706] {strides = array<i32>} : memref<16x128xf32, #tpu.memory_space<vmem>>, vector<16xf32>,
      %add3A_708 = arith.addf %get3A_703, %get3A_707 : vector<16xf32>
      %swap3A_709 = arith.constant 3 : i32
      %swap3A_710 = arith.index_cast %swap3A_709 : i32 to index
      %swap3A_711 = arith.constant 80 : index
      %swap3A_712 = tpu.vector_load %arg15[%swap3A_710, %swap3A_711] {strides = array<i32>} : memref<16x128xf32, #tpu.memory_space<vmem>>, vector<16xf32>,
      tpu.vector_store %arg15[%swap3A_710, %swap3A_711], %add3A_708 {strides = array<i32>} : memref<16x128xf32, #tpu.memory_space<vmem>>, vector<16xf32>,
      %get3A_713 = arith.constant 3 : i32
      %get3A_714 = arith.index_cast %get3A_713 : i32 to index
      %get3A_715 = arith.constant 96 : index
      %get3A_716 = tpu.vector_load %arg15[%get3A_714, %get3A_715] {strides = array<i32>} : memref<16x128xf32, #tpu.memory_space<vmem>>, vector<16xf32>,
      %get3A_717 = arith.constant 3 : i32
      %get3A_718 = arith.index_cast %get3A_717 : i32 to index
      %get3A_719 = arith.constant 96 : index
      %get3A_720 = tpu.vector_load %arg16[%get3A_718, %get3A_719] {strides = array<i32>} : memref<16x128xf32, #tpu.memory_space<vmem>>, vector<16xf32>,
      %add3A_721 = arith.addf %get3A_716, %get3A_720 : vector<16xf32>
      %swap3A_722 = arith.constant 3 : i32
      %swap3A_723 = arith.index_cast %swap3A_722 : i32 to index
      %swap3A_724 = arith.constant 96 : index
      %swap3A_725 = tpu.vector_load %arg15[%swap3A_723, %swap3A_724] {strides = array<i32>} : memref<16x128xf32, #tpu.memory_space<vmem>>, vector<16xf32>,
      tpu.vector_store %arg15[%swap3A_723, %swap3A_724], %add3A_721 {strides = array<i32>} : memref<16x128xf32, #tpu.memory_space<vmem>>, vector<16xf32>,
      %get3A_726 = arith.constant 3 : i32
      %get3A_727 = arith.index_cast %get3A_726 : i32 to index
      %get3A_728 = arith.constant 112 : index
      %get3A_729 = tpu.vector_load %arg15[%get3A_727, %get3A_728] {strides = array<i32>} : memref<16x128xf32, #tpu.memory_space<vmem>>, vector<16xf32>,
      %get3A_730 = arith.constant 3 : i32
      %get3A_731 = arith.index_cast %get3A_730 : i32 to index
      %get3A_732 = arith.constant 112 : index
      %get3A_733 = tpu.vector_load %arg16[%get3A_731, %get3A_732] {strides = array<i32>} : memref<16x128xf32, #tpu.memory_space<vmem>>, vector<16xf32>,
      %add3A_734 = arith.addf %get3A_729, %get3A_733 : vector<16xf32>
      %swap3A_735 = arith.constant 3 : i32
      %swap3A_736 = arith.index_cast %swap3A_735 : i32 to index
      %swap3A_737 = arith.constant 112 : index
      %swap3A_738 = tpu.vector_load %arg15[%swap3A_736, %swap3A_737] {strides = array<i32>} : memref<16x128xf32, #tpu.memory_space<vmem>>, vector<16xf32>,
      tpu.vector_store %arg15[%swap3A_736, %swap3A_737], %add3A_734 {strides = array<i32>} : memref<16x128xf32, #tpu.memory_space<vmem>>, vector<16xf32>,
      %get3A_739 = arith.constant 4 : i32
      %get3A_740 = arith.index_cast %get3A_739 : i32 to index
      %get3A_741 = arith.constant 0 : index
      %get3A_742 = tpu.vector_load %arg15[%get3A_740, %get3A_741] {strides = array<i32>} : memref<16x128xf32, #tpu.memory_space<vmem>>, vector<16xf32>,
      %get3A_743 = arith.constant 4 : i32
      %get3A_744 = arith.index_cast %get3A_743 : i32 to index
      %get3A_745 = arith.constant 0 : index
      %get3A_746 = tpu.vector_load %arg16[%get3A_744, %get3A_745] {strides = array<i32>} : memref<16x128xf32, #tpu.memory_space<vmem>>, vector<16xf32>,
      %add3A_747 = arith.addf %get3A_742, %get3A_746 : vector<16xf32>
      %swap3A_748 = arith.constant 4 : i32
      %swap3A_749 = arith.index_cast %swap3A_748 : i32 to index
      %swap3A_750 = arith.constant 0 : index
      %swap3A_751 = tpu.vector_load %arg15[%swap3A_749, %swap3A_750] {strides = array<i32>} : memref<16x128xf32, #tpu.memory_space<vmem>>, vector<16xf32>,
      tpu.vector_store %arg15[%swap3A_749, %swap3A_750], %add3A_747 {strides = array<i32>} : memref<16x128xf32, #tpu.memory_space<vmem>>, vector<16xf32>,
      %get3A_752 = arith.constant 4 : i32
      %get3A_753 = arith.index_cast %get3A_752 : i32 to index
      %get3A_754 = arith.constant 16 : index
      %get3A_755 = tpu.vector_load %arg15[%get3A_753, %get3A_754] {strides = array<i32>} : memref<16x128xf32, #tpu.memory_space<vmem>>, vector<16xf32>,
      %get3A_756 = arith.constant 4 : i32
      %get3A_757 = arith.index_cast %get3A_756 : i32 to index
      %get3A_758 = arith.constant 16 : index
      %get3A_759 = tpu.vector_load %arg16[%get3A_757, %get3A_758] {strides = array<i32>} : memref<16x128xf32, #tpu.memory_space<vmem>>, vector<16xf32>,
      %add3A_760 = arith.addf %get3A_755, %get3A_759 : vector<16xf32>
      %swap3A_761 = arith.constant 4 : i32
      %swap3A_762 = arith.index_cast %swap3A_761 : i32 to index
      %swap3A_763 = arith.constant 16 : index
      %swap3A_764 = tpu.vector_load %arg15[%swap3A_762, %swap3A_763] {strides = array<i32>} : memref<16x128xf32, #tpu.memory_space<vmem>>, vector<16xf32>,
      tpu.vector_store %arg15[%swap3A_762, %swap3A_763], %add3A_760 {strides = array<i32>} : memref<16x128xf32, #tpu.memory_space<vmem>>, vector<16xf32>,
      %get3A_765 = arith.constant 4 : i32
      %get3A_766 = arith.index_cast %get3A_765 : i32 to index
      %get3A_767 = arith.constant 32 : index
      %get3A_768 = tpu.vector_load %arg15[%get3A_766, %get3A_767] {strides = array<i32>} : memref<16x128xf32, #tpu.memory_space<vmem>>, vector<16xf32>,
      %get3A_769 = arith.constant 4 : i32
      %get3A_770 = arith.index_cast %get3A_769 : i32 to index
      %get3A_771 = arith.constant 32 : index
      %get3A_772 = tpu.vector_load %arg16[%get3A_770, %get3A_771] {strides = array<i32>} : memref<16x128xf32, #tpu.memory_space<vmem>>, vector<16xf32>,
      %add3A_773 = arith.addf %get3A_768, %get3A_772 : vector<16xf32>
      %swap3A_774 = arith.constant 4 : i32
      %swap3A_775 = arith.index_cast %swap3A_774 : i32 to index
      %swap3A_776 = arith.constant 32 : index
      %swap3A_777 = tpu.vector_load %arg15[%swap3A_775, %swap3A_776] {strides = array<i32>} : memref<16x128xf32, #tpu.memory_space<vmem>>, vector<16xf32>,
      tpu.vector_store %arg15[%swap3A_775, %swap3A_776], %add3A_773 {strides = array<i32>} : memref<16x128xf32, #tpu.memory_space<vmem>>, vector<16xf32>,
      %get3A_778 = arith.constant 4 : i32
      %get3A_779 = arith.index_cast %get3A_778 : i32 to index
      %get3A_780 = arith.constant 48 : index
      %get3A_781 = tpu.vector_load %arg15[%get3A_779, %get3A_780] {strides = array<i32>} : memref<16x128xf32, #tpu.memory_space<vmem>>, vector<16xf32>,
      %get3A_782 = arith.constant 4 : i32
      %get3A_783 = arith.index_cast %get3A_782 : i32 to index
      %get3A_784 = arith.constant 48 : index
      %get3A_785 = tpu.vector_load %arg16[%get3A_783, %get3A_784] {strides = array<i32>} : memref<16x128xf32, #tpu.memory_space<vmem>>, vector<16xf32>,
      %add3A_786 = arith.addf %get3A_781, %get3A_785 : vector<16xf32>
      %swap3A_787 = arith.constant 4 : i32
      %swap3A_788 = arith.index_cast %swap3A_787 : i32 to index
      %swap3A_789 = arith.constant 48 : index
      %swap3A_790 = tpu.vector_load %arg15[%swap3A_788, %swap3A_789] {strides = array<i32>} : memref<16x128xf32, #tpu.memory_space<vmem>>, vector<16xf32>,
      tpu.vector_store %arg15[%swap3A_788, %swap3A_789], %add3A_786 {strides = array<i32>} : memref<16x128xf32, #tpu.memory_space<vmem>>, vector<16xf32>,
      %get3A_791 = arith.constant 4 : i32
      %get3A_792 = arith.index_cast %get3A_791 : i32 to index
      %get3A_793 = arith.constant 64 : index
      %get3A_794 = tpu.vector_load %arg15[%get3A_792, %get3A_793] {strides = array<i32>} : memref<16x128xf32, #tpu.memory_space<vmem>>, vector<16xf32>,
      %get3A_795 = arith.constant 4 : i32
      %get3A_796 = arith.index_cast %get3A_795 : i32 to index
      %get3A_797 = arith.constant 64 : index
      %get3A_798 = tpu.vector_load %arg16[%get3A_796, %get3A_797] {strides = array<i32>} : memref<16x128xf32, #tpu.memory_space<vmem>>, vector<16xf32>,
      %add3A_799 = arith.addf %get3A_794, %get3A_798 : vector<16xf32>
      %swap3A_800 = arith.constant 4 : i32
      %swap3A_801 = arith.index_cast %swap3A_800 : i32 to index
      %swap3A_802 = arith.constant 64 : index
      %swap3A_803 = tpu.vector_load %arg15[%swap3A_801, %swap3A_802] {strides = array<i32>} : memref<16x128xf32, #tpu.memory_space<vmem>>, vector<16xf32>,
      tpu.vector_store %arg15[%swap3A_801, %swap3A_802], %add3A_799 {strides = array<i32>} : memref<16x128xf32, #tpu.memory_space<vmem>>, vector<16xf32>,
      %get3A_804 = arith.constant 4 : i32
      %get3A_805 = arith.index_cast %get3A_804 : i32 to index
      %get3A_806 = arith.constant 80 : index
      %get3A_807 = tpu.vector_load %arg15[%get3A_805, %get3A_806] {strides = array<i32>} : memref<16x128xf32, #tpu.memory_space<vmem>>, vector<16xf32>,
      %get3A_808 = arith.constant 4 : i32
      %get3A_809 = arith.index_cast %get3A_808 : i32 to index
      %get3A_810 = arith.constant 80 : index
      %get3A_811 = tpu.vector_load %arg16[%get3A_809, %get3A_810] {strides = array<i32>} : memref<16x128xf32, #tpu.memory_space<vmem>>, vector<16xf32>,
      %add3A_812 = arith.addf %get3A_807, %get3A_811 : vector<16xf32>
      %swap3A_813 = arith.constant 4 : i32
      %swap3A_814 = arith.index_cast %swap3A_813 : i32 to index
      %swap3A_815 = arith.constant 80 : index
      %swap3A_816 = tpu.vector_load %arg15[%swap3A_814, %swap3A_815] {strides = array<i32>} : memref<16x128xf32, #tpu.memory_space<vmem>>, vector<16xf32>,
      tpu.vector_store %arg15[%swap3A_814, %swap3A_815], %add3A_812 {strides = array<i32>} : memref<16x128xf32, #tpu.memory_space<vmem>>, vector<16xf32>,
      %get3A_817 = arith.constant 4 : i32
      %get3A_818 = arith.index_cast %get3A_817 : i32 to index
      %get3A_819 = arith.constant 96 : index
      %get3A_820 = tpu.vector_load %arg15[%get3A_818, %get3A_819] {strides = array<i32>} : memref<16x128xf32, #tpu.memory_space<vmem>>, vector<16xf32>,
      %get3A_821 = arith.constant 4 : i32
      %get3A_822 = arith.index_cast %get3A_821 : i32 to index
      %get3A_823 = arith.constant 96 : index
      %get3A_824 = tpu.vector_load %arg16[%get3A_822, %get3A_823] {strides = array<i32>} : memref<16x128xf32, #tpu.memory_space<vmem>>, vector<16xf32>,
      %add3A_825 = arith.addf %get3A_820, %get3A_824 : vector<16xf32>
      %swap3A_826 = arith.constant 4 : i32
      %swap3A_827 = arith.index_cast %swap3A_826 : i32 to index
      %swap3A_828 = arith.constant 96 : index
      %swap3A_829 = tpu.vector_load %arg15[%swap3A_827, %swap3A_828] {strides = array<i32>} : memref<16x128xf32, #tpu.memory_space<vmem>>, vector<16xf32>,
      tpu.vector_store %arg15[%swap3A_827, %swap3A_828], %add3A_825 {strides = array<i32>} : memref<16x128xf32, #tpu.memory_space<vmem>>, vector<16xf32>,
      %get3A_830 = arith.constant 4 : i32
      %get3A_831 = arith.index_cast %get3A_830 : i32 to index
      %get3A_832 = arith.constant 112 : index
      %get3A_833 = tpu.vector_load %arg15[%get3A_831, %get3A_832] {strides = array<i32>} : memref<16x128xf32, #tpu.memory_space<vmem>>, vector<16xf32>,
      %get3A_834 = arith.constant 4 : i32
      %get3A_835 = arith.index_cast %get3A_834 : i32 to index
      %get3A_836 = arith.constant 112 : index
      %get3A_837 = tpu.vector_load %arg16[%get3A_835, %get3A_836] {strides = array<i32>} : memref<16x128xf32, #tpu.memory_space<vmem>>, vector<16xf32>,
      %add3A_838 = arith.addf %get3A_833, %get3A_837 : vector<16xf32>
      %swap3A_839 = arith.constant 4 : i32
      %swap3A_840 = arith.index_cast %swap3A_839 : i32 to index
      %swap3A_841 = arith.constant 112 : index
      %swap3A_842 = tpu.vector_load %arg15[%swap3A_840, %swap3A_841] {strides = array<i32>} : memref<16x128xf32, #tpu.memory_space<vmem>>, vector<16xf32>,
      tpu.vector_store %arg15[%swap3A_840, %swap3A_841], %add3A_838 {strides = array<i32>} : memref<16x128xf32, #tpu.memory_space<vmem>>, vector<16xf32>,
      %get3A_843 = arith.constant 5 : i32
      %get3A_844 = arith.index_cast %get3A_843 : i32 to index
      %get3A_845 = arith.constant 0 : index
      %get3A_846 = tpu.vector_load %arg15[%get3A_844, %get3A_845] {strides = array<i32>} : memref<16x128xf32, #tpu.memory_space<vmem>>, vector<16xf32>,
      %get3A_847 = arith.constant 5 : i32
      %get3A_848 = arith.index_cast %get3A_847 : i32 to index
      %get3A_849 = arith.constant 0 : index
      %get3A_850 = tpu.vector_load %arg16[%get3A_848, %get3A_849] {strides = array<i32>} : memref<16x128xf32, #tpu.memory_space<vmem>>, vector<16xf32>,
      %add3A_851 = arith.addf %get3A_846, %get3A_850 : vector<16xf32>
      %swap3A_852 = arith.constant 5 : i32
      %swap3A_853 = arith.index_cast %swap3A_852 : i32 to index
      %swap3A_854 = arith.constant 0 : index
      %swap3A_855 = tpu.vector_load %arg15[%swap3A_853, %swap3A_854] {strides = array<i32>} : memref<16x128xf32, #tpu.memory_space<vmem>>, vector<16xf32>,
      tpu.vector_store %arg15[%swap3A_853, %swap3A_854], %add3A_851 {strides = array<i32>} : memref<16x128xf32, #tpu.memory_space<vmem>>, vector<16xf32>,
      %get3A_856 = arith.constant 5 : i32
      %get3A_857 = arith.index_cast %get3A_856 : i32 to index
      %get3A_858 = arith.constant 16 : index
      %get3A_859 = tpu.vector_load %arg15[%get3A_857, %get3A_858] {strides = array<i32>} : memref<16x128xf32, #tpu.memory_space<vmem>>, vector<16xf32>,
      %get3A_860 = arith.constant 5 : i32
      %get3A_861 = arith.index_cast %get3A_860 : i32 to index
      %get3A_862 = arith.constant 16 : index
      %get3A_863 = tpu.vector_load %arg16[%get3A_861, %get3A_862] {strides = array<i32>} : memref<16x128xf32, #tpu.memory_space<vmem>>, vector<16xf32>,
      %add3A_864 = arith.addf %get3A_859, %get3A_863 : vector<16xf32>
      %swap3A_865 = arith.constant 5 : i32
      %swap3A_866 = arith.index_cast %swap3A_865 : i32 to index
      %swap3A_867 = arith.constant 16 : index
      %swap3A_868 = tpu.vector_load %arg15[%swap3A_866, %swap3A_867] {strides = array<i32>} : memref<16x128xf32, #tpu.memory_space<vmem>>, vector<16xf32>,
      tpu.vector_store %arg15[%swap3A_866, %swap3A_867], %add3A_864 {strides = array<i32>} : memref<16x128xf32, #tpu.memory_space<vmem>>, vector<16xf32>,
      %get3A_869 = arith.constant 5 : i32
      %get3A_870 = arith.index_cast %get3A_869 : i32 to index
      %get3A_871 = arith.constant 32 : index
      %get3A_872 = tpu.vector_load %arg15[%get3A_870, %get3A_871] {strides = array<i32>} : memref<16x128xf32, #tpu.memory_space<vmem>>, vector<16xf32>,
      %get3A_873 = arith.constant 5 : i32
      %get3A_874 = arith.index_cast %get3A_873 : i32 to index
      %get3A_875 = arith.constant 32 : index
      %get3A_876 = tpu.vector_load %arg16[%get3A_874, %get3A_875] {strides = array<i32>} : memref<16x128xf32, #tpu.memory_space<vmem>>, vector<16xf32>,
      %add3A_877 = arith.addf %get3A_872, %get3A_876 : vector<16xf32>
      %swap3A_878 = arith.constant 5 : i32
      %swap3A_879 = arith.index_cast %swap3A_878 : i32 to index
      %swap3A_880 = arith.constant 32 : index
      %swap3A_881 = tpu.vector_load %arg15[%swap3A_879, %swap3A_880] {strides = array<i32>} : memref<16x128xf32, #tpu.memory_space<vmem>>, vector<16xf32>,
      tpu.vector_store %arg15[%swap3A_879, %swap3A_880], %add3A_877 {strides = array<i32>} : memref<16x128xf32, #tpu.memory_space<vmem>>, vector<16xf32>,
      %get3A_882 = arith.constant 5 : i32
      %get3A_883 = arith.index_cast %get3A_882 : i32 to index
      %get3A_884 = arith.constant 48 : index
      %get3A_885 = tpu.vector_load %arg15[%get3A_883, %get3A_884] {strides = array<i32>} : memref<16x128xf32, #tpu.memory_space<vmem>>, vector<16xf32>,
      %get3A_886 = arith.constant 5 : i32
      %get3A_887 = arith.index_cast %get3A_886 : i32 to index
      %get3A_888 = arith.constant 48 : index
      %get3A_889 = tpu.vector_load %arg16[%get3A_887, %get3A_888] {strides = array<i32>} : memref<16x128xf32, #tpu.memory_space<vmem>>, vector<16xf32>,
      %add3A_890 = arith.addf %get3A_885, %get3A_889 : vector<16xf32>
      %swap3A_891 = arith.constant 5 : i32
      %swap3A_892 = arith.index_cast %swap3A_891 : i32 to index
      %swap3A_893 = arith.constant 48 : index
      %swap3A_894 = tpu.vector_load %arg15[%swap3A_892, %swap3A_893] {strides = array<i32>} : memref<16x128xf32, #tpu.memory_space<vmem>>, vector<16xf32>,
      tpu.vector_store %arg15[%swap3A_892, %swap3A_893], %add3A_890 {strides = array<i32>} : memref<16x128xf32, #tpu.memory_space<vmem>>, vector<16xf32>,
      %get3A_895 = arith.constant 5 : i32
      %get3A_896 = arith.index_cast %get3A_895 : i32 to index
      %get3A_897 = arith.constant 64 : index
      %get3A_898 = tpu.vector_load %arg15[%get3A_896, %get3A_897] {strides = array<i32>} : memref<16x128xf32, #tpu.memory_space<vmem>>, vector<16xf32>,
      %get3A_899 = arith.constant 5 : i32
      %get3A_900 = arith.index_cast %get3A_899 : i32 to index
      %get3A_901 = arith.constant 64 : index
      %get3A_902 = tpu.vector_load %arg16[%get3A_900, %get3A_901] {strides = array<i32>} : memref<16x128xf32, #tpu.memory_space<vmem>>, vector<16xf32>,
      %add3A_903 = arith.addf %get3A_898, %get3A_902 : vector<16xf32>
      %swap3A_904 = arith.constant 5 : i32
      %swap3A_905 = arith.index_cast %swap3A_904 : i32 to index
      %swap3A_906 = arith.constant 64 : index
      %swap3A_907 = tpu.vector_load %arg15[%swap3A_905, %swap3A_906] {strides = array<i32>} : memref<16x128xf32, #tpu.memory_space<vmem>>, vector<16xf32>,
      tpu.vector_store %arg15[%swap3A_905, %swap3A_906], %add3A_903 {strides = array<i32>} : memref<16x128xf32, #tpu.memory_space<vmem>>, vector<16xf32>,
      %get3A_908 = arith.constant 5 : i32
      %get3A_909 = arith.index_cast %get3A_908 : i32 to index
      %get3A_910 = arith.constant 80 : index
      %get3A_911 = tpu.vector_load %arg15[%get3A_909, %get3A_910] {strides = array<i32>} : memref<16x128xf32, #tpu.memory_space<vmem>>, vector<16xf32>,
      %get3A_912 = arith.constant 5 : i32
      %get3A_913 = arith.index_cast %get3A_912 : i32 to index
      %get3A_914 = arith.constant 80 : index
      %get3A_915 = tpu.vector_load %arg16[%get3A_913, %get3A_914] {strides = array<i32>} : memref<16x128xf32, #tpu.memory_space<vmem>>, vector<16xf32>,
      %add3A_916 = arith.addf %get3A_911, %get3A_915 : vector<16xf32>
      %swap3A_917 = arith.constant 5 : i32
      %swap3A_918 = arith.index_cast %swap3A_917 : i32 to index
      %swap3A_919 = arith.constant 80 : index
      %swap3A_920 = tpu.vector_load %arg15[%swap3A_918, %swap3A_919] {strides = array<i32>} : memref<16x128xf32, #tpu.memory_space<vmem>>, vector<16xf32>,
      tpu.vector_store %arg15[%swap3A_918, %swap3A_919], %add3A_916 {strides = array<i32>} : memref<16x128xf32, #tpu.memory_space<vmem>>, vector<16xf32>,
      %get3A_921 = arith.constant 5 : i32
      %get3A_922 = arith.index_cast %get3A_921 : i32 to index
      %get3A_923 = arith.constant 96 : index
      %get3A_924 = tpu.vector_load %arg15[%get3A_922, %get3A_923] {strides = array<i32>} : memref<16x128xf32, #tpu.memory_space<vmem>>, vector<16xf32>,
      %get3A_925 = arith.constant 5 : i32
      %get3A_926 = arith.index_cast %get3A_925 : i32 to index
      %get3A_927 = arith.constant 96 : index
      %get3A_928 = tpu.vector_load %arg16[%get3A_926, %get3A_927] {strides = array<i32>} : memref<16x128xf32, #tpu.memory_space<vmem>>, vector<16xf32>,
      %add3A_929 = arith.addf %get3A_924, %get3A_928 : vector<16xf32>
      %swap3A_930 = arith.constant 5 : i32
      %swap3A_931 = arith.index_cast %swap3A_930 : i32 to index
      %swap3A_932 = arith.constant 96 : index
      %swap3A_933 = tpu.vector_load %arg15[%swap3A_931, %swap3A_932] {strides = array<i32>} : memref<16x128xf32, #tpu.memory_space<vmem>>, vector<16xf32>,
      tpu.vector_store %arg15[%swap3A_931, %swap3A_932], %add3A_929 {strides = array<i32>} : memref<16x128xf32, #tpu.memory_space<vmem>>, vector<16xf32>,
      %get3A_934 = arith.constant 5 : i32
      %get3A_935 = arith.index_cast %get3A_934 : i32 to index
      %get3A_936 = arith.constant 112 : index
      %get3A_937 = tpu.vector_load %arg15[%get3A_935, %get3A_936] {strides = array<i32>} : memref<16x128xf32, #tpu.memory_space<vmem>>, vector<16xf32>,
      %get3A_938 = arith.constant 5 : i32
      %get3A_939 = arith.index_cast %get3A_938 : i32 to index
      %get3A_940 = arith.constant 112 : index
      %get3A_941 = tpu.vector_load %arg16[%get3A_939, %get3A_940] {strides = array<i32>} : memref<16x128xf32, #tpu.memory_space<vmem>>, vector<16xf32>,
      %add3A_942 = arith.addf %get3A_937, %get3A_941 : vector<16xf32>
      %swap3A_943 = arith.constant 5 : i32
      %swap3A_944 = arith.index_cast %swap3A_943 : i32 to index
      %swap3A_945 = arith.constant 112 : index
      %swap3A_946 = tpu.vector_load %arg15[%swap3A_944, %swap3A_945] {strides = array<i32>} : memref<16x128xf32, #tpu.memory_space<vmem>>, vector<16xf32>,
      tpu.vector_store %arg15[%swap3A_944, %swap3A_945], %add3A_942 {strides = array<i32>} : memref<16x128xf32, #tpu.memory_space<vmem>>, vector<16xf32>,
      %get3A_947 = arith.constant 6 : i32
      %get3A_948 = arith.index_cast %get3A_947 : i32 to index
      %get3A_949 = arith.constant 0 : index
      %get3A_950 = tpu.vector_load %arg15[%get3A_948, %get3A_949] {strides = array<i32>} : memref<16x128xf32, #tpu.memory_space<vmem>>, vector<16xf32>,
      %get3A_951 = arith.constant 6 : i32
      %get3A_952 = arith.index_cast %get3A_951 : i32 to index
      %get3A_953 = arith.constant 0 : index
      %get3A_954 = tpu.vector_load %arg16[%get3A_952, %get3A_953] {strides = array<i32>} : memref<16x128xf32, #tpu.memory_space<vmem>>, vector<16xf32>,
      %add3A_955 = arith.addf %get3A_950, %get3A_954 : vector<16xf32>
      %swap3A_956 = arith.constant 6 : i32
      %swap3A_957 = arith.index_cast %swap3A_956 : i32 to index
      %swap3A_958 = arith.constant 0 : index
      %swap3A_959 = tpu.vector_load %arg15[%swap3A_957, %swap3A_958] {strides = array<i32>} : memref<16x128xf32, #tpu.memory_space<vmem>>, vector<16xf32>,
      tpu.vector_store %arg15[%swap3A_957, %swap3A_958], %add3A_955 {strides = array<i32>} : memref<16x128xf32, #tpu.memory_space<vmem>>, vector<16xf32>,
      %get3A_960 = arith.constant 6 : i32
      %get3A_961 = arith.index_cast %get3A_960 : i32 to index
      %get3A_962 = arith.constant 16 : index
      %get3A_963 = tpu.vector_load %arg15[%get3A_961, %get3A_962] {strides = array<i32>} : memref<16x128xf32, #tpu.memory_space<vmem>>, vector<16xf32>,
      %get3A_964 = arith.constant 6 : i32
      %get3A_965 = arith.index_cast %get3A_964 : i32 to index
      %get3A_966 = arith.constant 16 : index
      %get3A_967 = tpu.vector_load %arg16[%get3A_965, %get3A_966] {strides = array<i32>} : memref<16x128xf32, #tpu.memory_space<vmem>>, vector<16xf32>,
      %add3A_968 = arith.addf %get3A_963, %get3A_967 : vector<16xf32>
      %swap3A_969 = arith.constant 6 : i32
      %swap3A_970 = arith.index_cast %swap3A_969 : i32 to index
      %swap3A_971 = arith.constant 16 : index
      %swap3A_972 = tpu.vector_load %arg15[%swap3A_970, %swap3A_971] {strides = array<i32>} : memref<16x128xf32, #tpu.memory_space<vmem>>, vector<16xf32>,
      tpu.vector_store %arg15[%swap3A_970, %swap3A_971], %add3A_968 {strides = array<i32>} : memref<16x128xf32, #tpu.memory_space<vmem>>, vector<16xf32>,
      %get3A_973 = arith.constant 6 : i32
      %get3A_974 = arith.index_cast %get3A_973 : i32 to index
      %get3A_975 = arith.constant 32 : index
      %get3A_976 = tpu.vector_load %arg15[%get3A_974, %get3A_975] {strides = array<i32>} : memref<16x128xf32, #tpu.memory_space<vmem>>, vector<16xf32>,
      %get3A_977 = arith.constant 6 : i32
      %get3A_978 = arith.index_cast %get3A_977 : i32 to index
      %get3A_979 = arith.constant 32 : index
      %get3A_980 = tpu.vector_load %arg16[%get3A_978, %get3A_979] {strides = array<i32>} : memref<16x128xf32, #tpu.memory_space<vmem>>, vector<16xf32>,
      %add3A_981 = arith.addf %get3A_976, %get3A_980 : vector<16xf32>
      %swap3A_982 = arith.constant 6 : i32
      %swap3A_983 = arith.index_cast %swap3A_982 : i32 to index
      %swap3A_984 = arith.constant 32 : index
      %swap3A_985 = tpu.vector_load %arg15[%swap3A_983, %swap3A_984] {strides = array<i32>} : memref<16x128xf32, #tpu.memory_space<vmem>>, vector<16xf32>,
      tpu.vector_store %arg15[%swap3A_983, %swap3A_984], %add3A_981 {strides = array<i32>} : memref<16x128xf32, #tpu.memory_space<vmem>>, vector<16xf32>,
      %get3A_986 = arith.constant 6 : i32
      %get3A_987 = arith.index_cast %get3A_986 : i32 to index
      %get3A_988 = arith.constant 48 : index
      %get3A_989 = tpu.vector_load %arg15[%get3A_987, %get3A_988] {strides = array<i32>} : memref<16x128xf32, #tpu.memory_space<vmem>>, vector<16xf32>,
      %get3A_990 = arith.constant 6 : i32
      %get3A_991 = arith.index_cast %get3A_990 : i32 to index
      %get3A_992 = arith.constant 48 : index
      %get3A_993 = tpu.vector_load %arg16[%get3A_991, %get3A_992] {strides = array<i32>} : memref<16x128xf32, #tpu.memory_space<vmem>>, vector<16xf32>,
      %add3A_994 = arith.addf %get3A_989, %get3A_993 : vector<16xf32>
      %swap3A_995 = arith.constant 6 : i32
      %swap3A_996 = arith.index_cast %swap3A_995 : i32 to index
      %swap3A_997 = arith.constant 48 : index
      %swap3A_998 = tpu.vector_load %arg15[%swap3A_996, %swap3A_997] {strides = array<i32>} : memref<16x128xf32, #tpu.memory_space<vmem>>, vector<16xf32>,
      tpu.vector_store %arg15[%swap3A_996, %swap3A_997], %add3A_994 {strides = array<i32>} : memref<16x128xf32, #tpu.memory_space<vmem>>, vector<16xf32>,
      %get3A_999 = arith.constant 6 : i32
      %get3A_1000 = arith.index_cast %get3A_999 : i32 to index
      %get3A_1001 = arith.constant 64 : index
      %get3A_1002 = tpu.vector_load %arg15[%get3A_1000, %get3A_1001] {strides = array<i32>} : memref<16x128xf32, #tpu.memory_space<vmem>>, vector<16xf32>,
      %get3A_1003 = arith.constant 6 : i32
      %get3A_1004 = arith.index_cast %get3A_1003 : i32 to index
      %get3A_1005 = arith.constant 64 : index
      %get3A_1006 = tpu.vector_load %arg16[%get3A_1004, %get3A_1005] {strides = array<i32>} : memref<16x128xf32, #tpu.memory_space<vmem>>, vector<16xf32>,
      %add3A_1007 = arith.addf %get3A_1002, %get3A_1006 : vector<16xf32>
      %swap3A_1008 = arith.constant 6 : i32
      %swap3A_1009 = arith.index_cast %swap3A_1008 : i32 to index
      %swap3A_1010 = arith.constant 64 : index
      %swap3A_1011 = tpu.vector_load %arg15[%swap3A_1009, %swap3A_1010] {strides = array<i32>} : memref<16x128xf32, #tpu.memory_space<vmem>>, vector<16xf32>,
      tpu.vector_store %arg15[%swap3A_1009, %swap3A_1010], %add3A_1007 {strides = array<i32>} : memref<16x128xf32, #tpu.memory_space<vmem>>, vector<16xf32>,
      %get3A_1012 = arith.constant 6 : i32
      %get3A_1013 = arith.index_cast %get3A_1012 : i32 to index
      %get3A_1014 = arith.constant 80 : index
      %get3A_1015 = tpu.vector_load %arg15[%get3A_1013, %get3A_1014] {strides = array<i32>} : memref<16x128xf32, #tpu.memory_space<vmem>>, vector<16xf32>,
      %get3A_1016 = arith.constant 6 : i32
      %get3A_1017 = arith.index_cast %get3A_1016 : i32 to index
      %get3A_1018 = arith.constant 80 : index
      %get3A_1019 = tpu.vector_load %arg16[%get3A_1017, %get3A_1018] {strides = array<i32>} : memref<16x128xf32, #tpu.memory_space<vmem>>, vector<16xf32>,
      %add3A_1020 = arith.addf %get3A_1015, %get3A_1019 : vector<16xf32>
      %swap3A_1021 = arith.constant 6 : i32
      %swap3A_1022 = arith.index_cast %swap3A_1021 : i32 to index
      %swap3A_1023 = arith.constant 80 : index
      %swap3A_1024 = tpu.vector_load %arg15[%swap3A_1022, %swap3A_1023] {strides = array<i32>} : memref<16x128xf32, #tpu.memory_space<vmem>>, vector<16xf32>,
      tpu.vector_store %arg15[%swap3A_1022, %swap3A_1023], %add3A_1020 {strides = array<i32>} : memref<16x128xf32, #tpu.memory_space<vmem>>, vector<16xf32>,
      %get3A_1025 = arith.constant 6 : i32
      %get3A_1026 = arith.index_cast %get3A_1025 : i32 to index
      %get3A_1027 = arith.constant 96 : index
      %get3A_1028 = tpu.vector_load %arg15[%get3A_1026, %get3A_1027] {strides = array<i32>} : memref<16x128xf32, #tpu.memory_space<vmem>>, vector<16xf32>,
      %get3A_1029 = arith.constant 6 : i32
      %get3A_1030 = arith.index_cast %get3A_1029 : i32 to index
      %get3A_1031 = arith.constant 96 : index
      %get3A_1032 = tpu.vector_load %arg16[%get3A_1030, %get3A_1031] {strides = array<i32>} : memref<16x128xf32, #tpu.memory_space<vmem>>, vector<16xf32>,
      %add3A_1033 = arith.addf %get3A_1028, %get3A_1032 : vector<16xf32>
      %swap3A_1034 = arith.constant 6 : i32
      %swap3A_1035 = arith.index_cast %swap3A_1034 : i32 to index
      %swap3A_1036 = arith.constant 96 : index
      %swap3A_1037 = tpu.vector_load %arg15[%swap3A_1035, %swap3A_1036] {strides = array<i32>} : memref<16x128xf32, #tpu.memory_space<vmem>>, vector<16xf32>,
      tpu.vector_store %arg15[%swap3A_1035, %swap3A_1036], %add3A_1033 {strides = array<i32>} : memref<16x128xf32, #tpu.memory_space<vmem>>, vector<16xf32>,
      %get3A_1038 = arith.constant 6 : i32
      %get3A_1039 = arith.index_cast %get3A_1038 : i32 to index
      %get3A_1040 = arith.constant 112 : index
      %get3A_1041 = tpu.vector_load %arg15[%get3A_1039, %get3A_1040] {strides = array<i32>} : memref<16x128xf32, #tpu.memory_space<vmem>>, vector<16xf32>,
      %get3A_1042 = arith.constant 6 : i32
      %get3A_1043 = arith.index_cast %get3A_1042 : i32 to index
      %get3A_1044 = arith.constant 112 : index
      %get3A_1045 = tpu.vector_load %arg16[%get3A_1043, %get3A_1044] {strides = array<i32>} : memref<16x128xf32, #tpu.memory_space<vmem>>, vector<16xf32>,
      %add3A_1046 = arith.addf %get3A_1041, %get3A_1045 : vector<16xf32>
      %swap3A_1047 = arith.constant 6 : i32
      %swap3A_1048 = arith.index_cast %swap3A_1047 : i32 to index
      %swap3A_1049 = arith.constant 112 : index
      %swap3A_1050 = tpu.vector_load %arg15[%swap3A_1048, %swap3A_1049] {strides = array<i32>} : memref<16x128xf32, #tpu.memory_space<vmem>>, vector<16xf32>,
      tpu.vector_store %arg15[%swap3A_1048, %swap3A_1049], %add3A_1046 {strides = array<i32>} : memref<16x128xf32, #tpu.memory_space<vmem>>, vector<16xf32>,
      %get3A_1051 = arith.constant 7 : i32
      %get3A_1052 = arith.index_cast %get3A_1051 : i32 to index
      %get3A_1053 = arith.constant 0 : index
      %get3A_1054 = tpu.vector_load %arg15[%get3A_1052, %get3A_1053] {strides = array<i32>} : memref<16x128xf32, #tpu.memory_space<vmem>>, vector<16xf32>,
      %get3A_1055 = arith.constant 7 : i32
      %get3A_1056 = arith.index_cast %get3A_1055 : i32 to index
      %get3A_1057 = arith.constant 0 : index
      %get3A_1058 = tpu.vector_load %arg16[%get3A_1056, %get3A_1057] {strides = array<i32>} : memref<16x128xf32, #tpu.memory_space<vmem>>, vector<16xf32>,
      %add3A_1059 = arith.addf %get3A_1054, %get3A_1058 : vector<16xf32>
      %swap3A_1060 = arith.constant 7 : i32
      %swap3A_1061 = arith.index_cast %swap3A_1060 : i32 to index
      %swap3A_1062 = arith.constant 0 : index
      %swap3A_1063 = tpu.vector_load %arg15[%swap3A_1061, %swap3A_1062] {strides = array<i32>} : memref<16x128xf32, #tpu.memory_space<vmem>>, vector<16xf32>,
      tpu.vector_store %arg15[%swap3A_1061, %swap3A_1062], %add3A_1059 {strides = array<i32>} : memref<16x128xf32, #tpu.memory_space<vmem>>, vector<16xf32>,
      %get3A_1064 = arith.constant 7 : i32
      %get3A_1065 = arith.index_cast %get3A_1064 : i32 to index
      %get3A_1066 = arith.constant 16 : index
      %get3A_1067 = tpu.vector_load %arg15[%get3A_1065, %get3A_1066] {strides = array<i32>} : memref<16x128xf32, #tpu.memory_space<vmem>>, vector<16xf32>,
      %get3A_1068 = arith.constant 7 : i32
      %get3A_1069 = arith.index_cast %get3A_1068 : i32 to index
      %get3A_1070 = arith.constant 16 : index
      %get3A_1071 = tpu.vector_load %arg16[%get3A_1069, %get3A_1070] {strides = array<i32>} : memref<16x128xf32, #tpu.memory_space<vmem>>, vector<16xf32>,
      %add3A_1072 = arith.addf %get3A_1067, %get3A_1071 : vector<16xf32>
      %swap3A_1073 = arith.constant 7 : i32
      %swap3A_1074 = arith.index_cast %swap3A_1073 : i32 to index
      %swap3A_1075 = arith.constant 16 : index
      %swap3A_1076 = tpu.vector_load %arg15[%swap3A_1074, %swap3A_1075] {strides = array<i32>} : memref<16x128xf32, #tpu.memory_space<vmem>>, vector<16xf32>,
      tpu.vector_store %arg15[%swap3A_1074, %swap3A_1075], %add3A_1072 {strides = array<i32>} : memref<16x128xf32, #tpu.memory_space<vmem>>, vector<16xf32>,
      %get3A_1077 = arith.constant 7 : i32
      %get3A_1078 = arith.index_cast %get3A_1077 : i32 to index
      %get3A_1079 = arith.constant 32 : index
      %get3A_1080 = tpu.vector_load %arg15[%get3A_1078, %get3A_1079] {strides = array<i32>} : memref<16x128xf32, #tpu.memory_space<vmem>>, vector<16xf32>,
      %get3A_1081 = arith.constant 7 : i32
      %get3A_1082 = arith.index_cast %get3A_1081 : i32 to index
      %get3A_1083 = arith.constant 32 : index
      %get3A_1084 = tpu.vector_load %arg16[%get3A_1082, %get3A_1083] {strides = array<i32>} : memref<16x128xf32, #tpu.memory_space<vmem>>, vector<16xf32>,
      %add3A_1085 = arith.addf %get3A_1080, %get3A_1084 : vector<16xf32>
      %swap3A_1086 = arith.constant 7 : i32
      %swap3A_1087 = arith.index_cast %swap3A_1086 : i32 to index
      %swap3A_1088 = arith.constant 32 : index
      %swap3A_1089 = tpu.vector_load %arg15[%swap3A_1087, %swap3A_1088] {strides = array<i32>} : memref<16x128xf32, #tpu.memory_space<vmem>>, vector<16xf32>,
      tpu.vector_store %arg15[%swap3A_1087, %swap3A_1088], %add3A_1085 {strides = array<i32>} : memref<16x128xf32, #tpu.memory_space<vmem>>, vector<16xf32>,
      %get3A_1090 = arith.constant 7 : i32
      %get3A_1091 = arith.index_cast %get3A_1090 : i32 to index
      %get3A_1092 = arith.constant 48 : index
      %get3A_1093 = tpu.vector_load %arg15[%get3A_1091, %get3A_1092] {strides = array<i32>} : memref<16x128xf32, #tpu.memory_space<vmem>>, vector<16xf32>,
      %get3A_1094 = arith.constant 7 : i32
      %get3A_1095 = arith.index_cast %get3A_1094 : i32 to index
      %get3A_1096 = arith.constant 48 : index
      %get3A_1097 = tpu.vector_load %arg16[%get3A_1095, %get3A_1096] {strides = array<i32>} : memref<16x128xf32, #tpu.memory_space<vmem>>, vector<16xf32>,
      %add3A_1098 = arith.addf %get3A_1093, %get3A_1097 : vector<16xf32>
      %swap3A_1099 = arith.constant 7 : i32
      %swap3A_1100 = arith.index_cast %swap3A_1099 : i32 to index
      %swap3A_1101 = arith.constant 48 : index
      %swap3A_1102 = tpu.vector_load %arg15[%swap3A_1100, %swap3A_1101] {strides = array<i32>} : memref<16x128xf32, #tpu.memory_space<vmem>>, vector<16xf32>,
      tpu.vector_store %arg15[%swap3A_1100, %swap3A_1101], %add3A_1098 {strides = array<i32>} : memref<16x128xf32, #tpu.memory_space<vmem>>, vector<16xf32>,
      %get3A_1103 = arith.constant 7 : i32
      %get3A_1104 = arith.index_cast %get3A_1103 : i32 to index
      %get3A_1105 = arith.constant 64 : index
      %get3A_1106 = tpu.vector_load %arg15[%get3A_1104, %get3A_1105] {strides = array<i32>} : memref<16x128xf32, #tpu.memory_space<vmem>>, vector<16xf32>,
      %get3A_1107 = arith.constant 7 : i32
      %get3A_1108 = arith.index_cast %get3A_1107 : i32 to index
      %get3A_1109 = arith.constant 64 : index
      %get3A_1110 = tpu.vector_load %arg16[%get3A_1108, %get3A_1109] {strides = array<i32>} : memref<16x128xf32, #tpu.memory_space<vmem>>, vector<16xf32>,
      %add3A_1111 = arith.addf %get3A_1106, %get3A_1110 : vector<16xf32>
      %swap3A_1112 = arith.constant 7 : i32
      %swap3A_1113 = arith.index_cast %swap3A_1112 : i32 to index
      %swap3A_1114 = arith.constant 64 : index
      %swap3A_1115 = tpu.vector_load %arg15[%swap3A_1113, %swap3A_1114] {strides = array<i32>} : memref<16x128xf32, #tpu.memory_space<vmem>>, vector<16xf32>,
      tpu.vector_store %arg15[%swap3A_1113, %swap3A_1114], %add3A_1111 {strides = array<i32>} : memref<16x128xf32, #tpu.memory_space<vmem>>, vector<16xf32>,
      %get3A_1116 = arith.constant 7 : i32
      %get3A_1117 = arith.index_cast %get3A_1116 : i32 to index
      %get3A_1118 = arith.constant 80 : index
      %get3A_1119 = tpu.vector_load %arg15[%get3A_1117, %get3A_1118] {strides = array<i32>} : memref<16x128xf32, #tpu.memory_space<vmem>>, vector<16xf32>,
      %get3A_1120 = arith.constant 7 : i32
      %get3A_1121 = arith.index_cast %get3A_1120 : i32 to index
      %get3A_1122 = arith.constant 80 : index
      %get3A_1123 = tpu.vector_load %arg16[%get3A_1121, %get3A_1122] {strides = array<i32>} : memref<16x128xf32, #tpu.memory_space<vmem>>, vector<16xf32>,
      %add3A_1124 = arith.addf %get3A_1119, %get3A_1123 : vector<16xf32>
      %swap3A_1125 = arith.constant 7 : i32
      %swap3A_1126 = arith.index_cast %swap3A_1125 : i32 to index
      %swap3A_1127 = arith.constant 80 : index
      %swap3A_1128 = tpu.vector_load %arg15[%swap3A_1126, %swap3A_1127] {strides = array<i32>} : memref<16x128xf32, #tpu.memory_space<vmem>>, vector<16xf32>,
      tpu.vector_store %arg15[%swap3A_1126, %swap3A_1127], %add3A_1124 {strides = array<i32>} : memref<16x128xf32, #tpu.memory_space<vmem>>, vector<16xf32>,
      %get3A_1129 = arith.constant 7 : i32
      %get3A_1130 = arith.index_cast %get3A_1129 : i32 to index
      %get3A_1131 = arith.constant 96 : index
      %get3A_1132 = tpu.vector_load %arg15[%get3A_1130, %get3A_1131] {strides = array<i32>} : memref<16x128xf32, #tpu.memory_space<vmem>>, vector<16xf32>,
      %get3A_1133 = arith.constant 7 : i32
      %get3A_1134 = arith.index_cast %get3A_1133 : i32 to index
      %get3A_1135 = arith.constant 96 : index
      %get3A_1136 = tpu.vector_load %arg16[%get3A_1134, %get3A_1135] {strides = array<i32>} : memref<16x128xf32, #tpu.memory_space<vmem>>, vector<16xf32>,
      %add3A_1137 = arith.addf %get3A_1132, %get3A_1136 : vector<16xf32>
      %swap3A_1138 = arith.constant 7 : i32
      %swap3A_1139 = arith.index_cast %swap3A_1138 : i32 to index
      %swap3A_1140 = arith.constant 96 : index
      %swap3A_1141 = tpu.vector_load %arg15[%swap3A_1139, %swap3A_1140] {strides = array<i32>} : memref<16x128xf32, #tpu.memory_space<vmem>>, vector<16xf32>,
      tpu.vector_store %arg15[%swap3A_1139, %swap3A_1140], %add3A_1137 {strides = array<i32>} : memref<16x128xf32, #tpu.memory_space<vmem>>, vector<16xf32>,
      %get3A_1142 = arith.constant 7 : i32
      %get3A_1143 = arith.index_cast %get3A_1142 : i32 to index
      %get3A_1144 = arith.constant 112 : index
      %get3A_1145 = tpu.vector_load %arg15[%get3A_1143, %get3A_1144] {strides = array<i32>} : memref<16x128xf32, #tpu.memory_space<vmem>>, vector<16xf32>,
      %get3A_1146 = arith.constant 7 : i32
      %get3A_1147 = arith.index_cast %get3A_1146 : i32 to index
      %get3A_1148 = arith.constant 112 : index
      %get3A_1149 = tpu.vector_load %arg16[%get3A_1147, %get3A_1148] {strides = array<i32>} : memref<16x128xf32, #tpu.memory_space<vmem>>, vector<16xf32>,
      %add3A_1150 = arith.addf %get3A_1145, %get3A_1149 : vector<16xf32>
      %swap3A_1151 = arith.constant 7 : i32
      %swap3A_1152 = arith.index_cast %swap3A_1151 : i32 to index
      %swap3A_1153 = arith.constant 112 : index
      %swap3A_1154 = tpu.vector_load %arg15[%swap3A_1152, %swap3A_1153] {strides = array<i32>} : memref<16x128xf32, #tpu.memory_space<vmem>>, vector<16xf32>,
      tpu.vector_store %arg15[%swap3A_1152, %swap3A_1153], %add3A_1150 {strides = array<i32>} : memref<16x128xf32, #tpu.memory_space<vmem>>, vector<16xf32>,
      %get3A_1155 = arith.constant 8 : i32
      %get3A_1156 = arith.index_cast %get3A_1155 : i32 to index
      %get3A_1157 = arith.constant 0 : index
      %get3A_1158 = tpu.vector_load %arg15[%get3A_1156, %get3A_1157] {strides = array<i32>} : memref<16x128xf32, #tpu.memory_space<vmem>>, vector<16xf32>,
      %get3A_1159 = arith.constant 8 : i32
      %get3A_1160 = arith.index_cast %get3A_1159 : i32 to index
      %get3A_1161 = arith.constant 0 : index
      %get3A_1162 = tpu.vector_load %arg16[%get3A_1160, %get3A_1161] {strides = array<i32>} : memref<16x128xf32, #tpu.memory_space<vmem>>, vector<16xf32>,
      %add3A_1163 = arith.addf %get3A_1158, %get3A_1162 : vector<16xf32>
      %swap3A_1164 = arith.constant 8 : i32
      %swap3A_1165 = arith.index_cast %swap3A_1164 : i32 to index
      %swap3A_1166 = arith.constant 0 : index
      %swap3A_1167 = tpu.vector_load %arg15[%swap3A_1165, %swap3A_1166] {strides = array<i32>} : memref<16x128xf32, #tpu.memory_space<vmem>>, vector<16xf32>,
      tpu.vector_store %arg15[%swap3A_1165, %swap3A_1166], %add3A_1163 {strides = array<i32>} : memref<16x128xf32, #tpu.memory_space<vmem>>, vector<16xf32>,
      %get3A_1168 = arith.constant 8 : i32
      %get3A_1169 = arith.index_cast %get3A_1168 : i32 to index
      %get3A_1170 = arith.constant 16 : index
      %get3A_1171 = tpu.vector_load %arg15[%get3A_1169, %get3A_1170] {strides = array<i32>} : memref<16x128xf32, #tpu.memory_space<vmem>>, vector<16xf32>,
      %get3A_1172 = arith.constant 8 : i32
      %get3A_1173 = arith.index_cast %get3A_1172 : i32 to index
      %get3A_1174 = arith.constant 16 : index
      %get3A_1175 = tpu.vector_load %arg16[%get3A_1173, %get3A_1174] {strides = array<i32>} : memref<16x128xf32, #tpu.memory_space<vmem>>, vector<16xf32>,
      %add3A_1176 = arith.addf %get3A_1171, %get3A_1175 : vector<16xf32>
      %swap3A_1177 = arith.constant 8 : i32
      %swap3A_1178 = arith.index_cast %swap3A_1177 : i32 to index
      %swap3A_1179 = arith.constant 16 : index
      %swap3A_1180 = tpu.vector_load %arg15[%swap3A_1178, %swap3A_1179] {strides = array<i32>} : memref<16x128xf32, #tpu.memory_space<vmem>>, vector<16xf32>,
      tpu.vector_store %arg15[%swap3A_1178, %swap3A_1179], %add3A_1176 {strides = array<i32>} : memref<16x128xf32, #tpu.memory_space<vmem>>, vector<16xf32>,
      %get3A_1181 = arith.constant 8 : i32
      %get3A_1182 = arith.index_cast %get3A_1181 : i32 to index
      %get3A_1183 = arith.constant 32 : index
      %get3A_1184 = tpu.vector_load %arg15[%get3A_1182, %get3A_1183] {strides = array<i32>} : memref<16x128xf32, #tpu.memory_space<vmem>>, vector<16xf32>,
      %get3A_1185 = arith.constant 8 : i32
      %get3A_1186 = arith.index_cast %get3A_1185 : i32 to index
      %get3A_1187 = arith.constant 32 : index
      %get3A_1188 = tpu.vector_load %arg16[%get3A_1186, %get3A_1187] {strides = array<i32>} : memref<16x128xf32, #tpu.memory_space<vmem>>, vector<16xf32>,
      %add3A_1189 = arith.addf %get3A_1184, %get3A_1188 : vector<16xf32>
      %swap3A_1190 = arith.constant 8 : i32
      %swap3A_1191 = arith.index_cast %swap3A_1190 : i32 to index
      %swap3A_1192 = arith.constant 32 : index
      %swap3A_1193 = tpu.vector_load %arg15[%swap3A_1191, %swap3A_1192] {strides = array<i32>} : memref<16x128xf32, #tpu.memory_space<vmem>>, vector<16xf32>,
      tpu.vector_store %arg15[%swap3A_1191, %swap3A_1192], %add3A_1189 {strides = array<i32>} : memref<16x128xf32, #tpu.memory_space<vmem>>, vector<16xf32>,
      %get3A_1194 = arith.constant 8 : i32
      %get3A_1195 = arith.index_cast %get3A_1194 : i32 to index
      %get3A_1196 = arith.constant 48 : index
      %get3A_1197 = tpu.vector_load %arg15[%get3A_1195, %get3A_1196] {strides = array<i32>} : memref<16x128xf32, #tpu.memory_space<vmem>>, vector<16xf32>,
      %get3A_1198 = arith.constant 8 : i32
      %get3A_1199 = arith.index_cast %get3A_1198 : i32 to index
      %get3A_1200 = arith.constant 48 : index
      %get3A_1201 = tpu.vector_load %arg16[%get3A_1199, %get3A_1200] {strides = array<i32>} : memref<16x128xf32, #tpu.memory_space<vmem>>, vector<16xf32>,
      %add3A_1202 = arith.addf %get3A_1197, %get3A_1201 : vector<16xf32>
      %swap3A_1203 = arith.constant 8 : i32
      %swap3A_1204 = arith.index_cast %swap3A_1203 : i32 to index
      %swap3A_1205 = arith.constant 48 : index
      %swap3A_1206 = tpu.vector_load %arg15[%swap3A_1204, %swap3A_1205] {strides = array<i32>} : memref<16x128xf32, #tpu.memory_space<vmem>>, vector<16xf32>,
      tpu.vector_store %arg15[%swap3A_1204, %swap3A_1205], %add3A_1202 {strides = array<i32>} : memref<16x128xf32, #tpu.memory_space<vmem>>, vector<16xf32>,
      %get3A_1207 = arith.constant 8 : i32
      %get3A_1208 = arith.index_cast %get3A_1207 : i32 to index
      %get3A_1209 = arith.constant 64 : index
      %get3A_1210 = tpu.vector_load %arg15[%get3A_1208, %get3A_1209] {strides = array<i32>} : memref<16x128xf32, #tpu.memory_space<vmem>>, vector<16xf32>,
      %get3A_1211 = arith.constant 8 : i32
      %get3A_1212 = arith.index_cast %get3A_1211 : i32 to index
      %get3A_1213 = arith.constant 64 : index
      %get3A_1214 = tpu.vector_load %arg16[%get3A_1212, %get3A_1213] {strides = array<i32>} : memref<16x128xf32, #tpu.memory_space<vmem>>, vector<16xf32>,
      %add3A_1215 = arith.addf %get3A_1210, %get3A_1214 : vector<16xf32>
      %swap3A_1216 = arith.constant 8 : i32
      %swap3A_1217 = arith.index_cast %swap3A_1216 : i32 to index
      %swap3A_1218 = arith.constant 64 : index
      %swap3A_1219 = tpu.vector_load %arg15[%swap3A_1217, %swap3A_1218] {strides = array<i32>} : memref<16x128xf32, #tpu.memory_space<vmem>>, vector<16xf32>,
      tpu.vector_store %arg15[%swap3A_1217, %swap3A_1218], %add3A_1215 {strides = array<i32>} : memref<16x128xf32, #tpu.memory_space<vmem>>, vector<16xf32>,
      %get3A_1220 = arith.constant 8 : i32
      %get3A_1221 = arith.index_cast %get3A_1220 : i32 to index
      %get3A_1222 = arith.constant 80 : index
      %get3A_1223 = tpu.vector_load %arg15[%get3A_1221, %get3A_1222] {strides = array<i32>} : memref<16x128xf32, #tpu.memory_space<vmem>>, vector<16xf32>,
      %get3A_1224 = arith.constant 8 : i32
      %get3A_1225 = arith.index_cast %get3A_1224 : i32 to index
      %get3A_1226 = arith.constant 80 : index
      %get3A_1227 = tpu.vector_load %arg16[%get3A_1225, %get3A_1226] {strides = array<i32>} : memref<16x128xf32, #tpu.memory_space<vmem>>, vector<16xf32>,
      %add3A_1228 = arith.addf %get3A_1223, %get3A_1227 : vector<16xf32>
      %swap3A_1229 = arith.constant 8 : i32
      %swap3A_1230 = arith.index_cast %swap3A_1229 : i32 to index
      %swap3A_1231 = arith.constant 80 : index
      %swap3A_1232 = tpu.vector_load %arg15[%swap3A_1230, %swap3A_1231] {strides = array<i32>} : memref<16x128xf32, #tpu.memory_space<vmem>>, vector<16xf32>,
      tpu.vector_store %arg15[%swap3A_1230, %swap3A_1231], %add3A_1228 {strides = array<i32>} : memref<16x128xf32, #tpu.memory_space<vmem>>, vector<16xf32>,
      %get3A_1233 = arith.constant 8 : i32
      %get3A_1234 = arith.index_cast %get3A_1233 : i32 to index
      %get3A_1235 = arith.constant 96 : index
      %get3A_1236 = tpu.vector_load %arg15[%get3A_1234, %get3A_1235] {strides = array<i32>} : memref<16x128xf32, #tpu.memory_space<vmem>>, vector<16xf32>,
      %get3A_1237 = arith.constant 8 : i32
      %get3A_1238 = arith.index_cast %get3A_1237 : i32 to index
      %get3A_1239 = arith.constant 96 : index
      %get3A_1240 = tpu.vector_load %arg16[%get3A_1238, %get3A_1239] {strides = array<i32>} : memref<16x128xf32, #tpu.memory_space<vmem>>, vector<16xf32>,
      %add3A_1241 = arith.addf %get3A_1236, %get3A_1240 : vector<16xf32>
      %swap3A_1242 = arith.constant 8 : i32
      %swap3A_1243 = arith.index_cast %swap3A_1242 : i32 to index
      %swap3A_1244 = arith.constant 96 : index
      %swap3A_1245 = tpu.vector_load %arg15[%swap3A_1243, %swap3A_1244] {strides = array<i32>} : memref<16x128xf32, #tpu.memory_space<vmem>>, vector<16xf32>,
      tpu.vector_store %arg15[%swap3A_1243, %swap3A_1244], %add3A_1241 {strides = array<i32>} : memref<16x128xf32, #tpu.memory_space<vmem>>, vector<16xf32>,
      %get3A_1246 = arith.constant 8 : i32
      %get3A_1247 = arith.index_cast %get3A_1246 : i32 to index
      %get3A_1248 = arith.constant 112 : index
      %get3A_1249 = tpu.vector_load %arg15[%get3A_1247, %get3A_1248] {strides = array<i32>} : memref<16x128xf32, #tpu.memory_space<vmem>>, vector<16xf32>,
      %get3A_1250 = arith.constant 8 : i32
      %get3A_1251 = arith.index_cast %get3A_1250 : i32 to index
      %get3A_1252 = arith.constant 112 : index
      %get3A_1253 = tpu.vector_load %arg16[%get3A_1251, %get3A_1252] {strides = array<i32>} : memref<16x128xf32, #tpu.memory_space<vmem>>, vector<16xf32>,
      %add3A_1254 = arith.addf %get3A_1249, %get3A_1253 : vector<16xf32>
      %swap3A_1255 = arith.constant 8 : i32
      %swap3A_1256 = arith.index_cast %swap3A_1255 : i32 to index
      %swap3A_1257 = arith.constant 112 : index
      %swap3A_1258 = tpu.vector_load %arg15[%swap3A_1256, %swap3A_1257] {strides = array<i32>} : memref<16x128xf32, #tpu.memory_space<vmem>>, vector<16xf32>,
      tpu.vector_store %arg15[%swap3A_1256, %swap3A_1257], %add3A_1254 {strides = array<i32>} : memref<16x128xf32, #tpu.memory_space<vmem>>, vector<16xf32>,
      %get3A_1259 = arith.constant 9 : i32
      %get3A_1260 = arith.index_cast %get3A_1259 : i32 to index
      %get3A_1261 = arith.constant 0 : index
      %get3A_1262 = tpu.vector_load %arg15[%get3A_1260, %get3A_1261] {strides = array<i32>} : memref<16x128xf32, #tpu.memory_space<vmem>>, vector<16xf32>,
      %get3A_1263 = arith.constant 9 : i32
      %get3A_1264 = arith.index_cast %get3A_1263 : i32 to index
      %get3A_1265 = arith.constant 0 : index
      %get3A_1266 = tpu.vector_load %arg16[%get3A_1264, %get3A_1265] {strides = array<i32>} : memref<16x128xf32, #tpu.memory_space<vmem>>, vector<16xf32>,
      %add3A_1267 = arith.addf %get3A_1262, %get3A_1266 : vector<16xf32>
      %swap3A_1268 = arith.constant 9 : i32
      %swap3A_1269 = arith.index_cast %swap3A_1268 : i32 to index
      %swap3A_1270 = arith.constant 0 : index
      %swap3A_1271 = tpu.vector_load %arg15[%swap3A_1269, %swap3A_1270] {strides = array<i32>} : memref<16x128xf32, #tpu.memory_space<vmem>>, vector<16xf32>,
      tpu.vector_store %arg15[%swap3A_1269, %swap3A_1270], %add3A_1267 {strides = array<i32>} : memref<16x128xf32, #tpu.memory_space<vmem>>, vector<16xf32>,
      %get3A_1272 = arith.constant 9 : i32
      %get3A_1273 = arith.index_cast %get3A_1272 : i32 to index
      %get3A_1274 = arith.constant 16 : index
      %get3A_1275 = tpu.vector_load %arg15[%get3A_1273, %get3A_1274] {strides = array<i32>} : memref<16x128xf32, #tpu.memory_space<vmem>>, vector<16xf32>,
      %get3A_1276 = arith.constant 9 : i32
      %get3A_1277 = arith.index_cast %get3A_1276 : i32 to index
      %get3A_1278 = arith.constant 16 : index
      %get3A_1279 = tpu.vector_load %arg16[%get3A_1277, %get3A_1278] {strides = array<i32>} : memref<16x128xf32, #tpu.memory_space<vmem>>, vector<16xf32>,
      %add3A_1280 = arith.addf %get3A_1275, %get3A_1279 : vector<16xf32>
      %swap3A_1281 = arith.constant 9 : i32
      %swap3A_1282 = arith.index_cast %swap3A_1281 : i32 to index
      %swap3A_1283 = arith.constant 16 : index
      %swap3A_1284 = tpu.vector_load %arg15[%swap3A_1282, %swap3A_1283] {strides = array<i32>} : memref<16x128xf32, #tpu.memory_space<vmem>>, vector<16xf32>,
      tpu.vector_store %arg15[%swap3A_1282, %swap3A_1283], %add3A_1280 {strides = array<i32>} : memref<16x128xf32, #tpu.memory_space<vmem>>, vector<16xf32>,
      %get3A_1285 = arith.constant 9 : i32
      %get3A_1286 = arith.index_cast %get3A_1285 : i32 to index
      %get3A_1287 = arith.constant 32 : index
      %get3A_1288 = tpu.vector_load %arg15[%get3A_1286, %get3A_1287] {strides = array<i32>} : memref<16x128xf32, #tpu.memory_space<vmem>>, vector<16xf32>,
      %get3A_1289 = arith.constant 9 : i32
      %get3A_1290 = arith.index_cast %get3A_1289 : i32 to index
      %get3A_1291 = arith.constant 32 : index
      %get3A_1292 = tpu.vector_load %arg16[%get3A_1290, %get3A_1291] {strides = array<i32>} : memref<16x128xf32, #tpu.memory_space<vmem>>, vector<16xf32>,
      %add3A_1293 = arith.addf %get3A_1288, %get3A_1292 : vector<16xf32>
      %swap3A_1294 = arith.constant 9 : i32
      %swap3A_1295 = arith.index_cast %swap3A_1294 : i32 to index
      %swap3A_1296 = arith.constant 32 : index
      %swap3A_1297 = tpu.vector_load %arg15[%swap3A_1295, %swap3A_1296] {strides = array<i32>} : memref<16x128xf32, #tpu.memory_space<vmem>>, vector<16xf32>,
      tpu.vector_store %arg15[%swap3A_1295, %swap3A_1296], %add3A_1293 {strides = array<i32>} : memref<16x128xf32, #tpu.memory_space<vmem>>, vector<16xf32>,
      %get3A_1298 = arith.constant 9 : i32
      %get3A_1299 = arith.index_cast %get3A_1298 : i32 to index
      %get3A_1300 = arith.constant 48 : index
      %get3A_1301 = tpu.vector_load %arg15[%get3A_1299, %get3A_1300] {strides = array<i32>} : memref<16x128xf32, #tpu.memory_space<vmem>>, vector<16xf32>,
      %get3A_1302 = arith.constant 9 : i32
      %get3A_1303 = arith.index_cast %get3A_1302 : i32 to index
      %get3A_1304 = arith.constant 48 : index
      %get3A_1305 = tpu.vector_load %arg16[%get3A_1303, %get3A_1304] {strides = array<i32>} : memref<16x128xf32, #tpu.memory_space<vmem>>, vector<16xf32>,
      %add3A_1306 = arith.addf %get3A_1301, %get3A_1305 : vector<16xf32>
      %swap3A_1307 = arith.constant 9 : i32
      %swap3A_1308 = arith.index_cast %swap3A_1307 : i32 to index
      %swap3A_1309 = arith.constant 48 : index
      %swap3A_1310 = tpu.vector_load %arg15[%swap3A_1308, %swap3A_1309] {strides = array<i32>} : memref<16x128xf32, #tpu.memory_space<vmem>>, vector<16xf32>,
      tpu.vector_store %arg15[%swap3A_1308, %swap3A_1309], %add3A_1306 {strides = array<i32>} : memref<16x128xf32, #tpu.memory_space<vmem>>, vector<16xf32>,
      %get3A_1311 = arith.constant 9 : i32
      %get3A_1312 = arith.index_cast %get3A_1311 : i32 to index
      %get3A_1313 = arith.constant 64 : index
      %get3A_1314 = tpu.vector_load %arg15[%get3A_1312, %get3A_1313] {strides = array<i32>} : memref<16x128xf32, #tpu.memory_space<vmem>>, vector<16xf32>,
      %get3A_1315 = arith.constant 9 : i32
      %get3A_1316 = arith.index_cast %get3A_1315 : i32 to index
      %get3A_1317 = arith.constant 64 : index
      %get3A_1318 = tpu.vector_load %arg16[%get3A_1316, %get3A_1317] {strides = array<i32>} : memref<16x128xf32, #tpu.memory_space<vmem>>, vector<16xf32>,
      %add3A_1319 = arith.addf %get3A_1314, %get3A_1318 : vector<16xf32>
      %swap3A_1320 = arith.constant 9 : i32
      %swap3A_1321 = arith.index_cast %swap3A_1320 : i32 to index
      %swap3A_1322 = arith.constant 64 : index
      %swap3A_1323 = tpu.vector_load %arg15[%swap3A_1321, %swap3A_1322] {strides = array<i32>} : memref<16x128xf32, #tpu.memory_space<vmem>>, vector<16xf32>,
      tpu.vector_store %arg15[%swap3A_1321, %swap3A_1322], %add3A_1319 {strides = array<i32>} : memref<16x128xf32, #tpu.memory_space<vmem>>, vector<16xf32>,
      %get3A_1324 = arith.constant 9 : i32
      %get3A_1325 = arith.index_cast %get3A_1324 : i32 to index
      %get3A_1326 = arith.constant 80 : index
      %get3A_1327 = tpu.vector_load %arg15[%get3A_1325, %get3A_1326] {strides = array<i32>} : memref<16x128xf32, #tpu.memory_space<vmem>>, vector<16xf32>,
      %get3A_1328 = arith.constant 9 : i32
      %get3A_1329 = arith.index_cast %get3A_1328 : i32 to index
      %get3A_1330 = arith.constant 80 : index
      %get3A_1331 = tpu.vector_load %arg16[%get3A_1329, %get3A_1330] {strides = array<i32>} : memref<16x128xf32, #tpu.memory_space<vmem>>, vector<16xf32>,
      %add3A_1332 = arith.addf %get3A_1327, %get3A_1331 : vector<16xf32>
      %swap3A_1333 = arith.constant 9 : i32
      %swap3A_1334 = arith.index_cast %swap3A_1333 : i32 to index
      %swap3A_1335 = arith.constant 80 : index
      %swap3A_1336 = tpu.vector_load %arg15[%swap3A_1334, %swap3A_1335] {strides = array<i32>} : memref<16x128xf32, #tpu.memory_space<vmem>>, vector<16xf32>,
      tpu.vector_store %arg15[%swap3A_1334, %swap3A_1335], %add3A_1332 {strides = array<i32>} : memref<16x128xf32, #tpu.memory_space<vmem>>, vector<16xf32>,
      %get3A_1337 = arith.constant 9 : i32
      %get3A_1338 = arith.index_cast %get3A_1337 : i32 to index
      %get3A_1339 = arith.constant 96 : index
      %get3A_1340 = tpu.vector_load %arg15[%get3A_1338, %get3A_1339] {strides = array<i32>} : memref<16x128xf32, #tpu.memory_space<vmem>>, vector<16xf32>,
      %get3A_1341 = arith.constant 9 : i32
      %get3A_1342 = arith.index_cast %get3A_1341 : i32 to index
      %get3A_1343 = arith.constant 96 : index
      %get3A_1344 = tpu.vector_load %arg16[%get3A_1342, %get3A_1343] {strides = array<i32>} : memref<16x128xf32, #tpu.memory_space<vmem>>, vector<16xf32>,
      %add3A_1345 = arith.addf %get3A_1340, %get3A_1344 : vector<16xf32>
      %swap3A_1346 = arith.constant 9 : i32
      %swap3A_1347 = arith.index_cast %swap3A_1346 : i32 to index
      %swap3A_1348 = arith.constant 96 : index
      %swap3A_1349 = tpu.vector_load %arg15[%swap3A_1347, %swap3A_1348] {strides = array<i32>} : memref<16x128xf32, #tpu.memory_space<vmem>>, vector<16xf32>,
      tpu.vector_store %arg15[%swap3A_1347, %swap3A_1348], %add3A_1345 {strides = array<i32>} : memref<16x128xf32, #tpu.memory_space<vmem>>, vector<16xf32>,
      %get3A_1350 = arith.constant 9 : i32
      %get3A_1351 = arith.index_cast %get3A_1350 : i32 to index
      %get3A_1352 = arith.constant 112 : index
      %get3A_1353 = tpu.vector_load %arg15[%get3A_1351, %get3A_1352] {strides = array<i32>} : memref<16x128xf32, #tpu.memory_space<vmem>>, vector<16xf32>,
      %get3A_1354 = arith.constant 9 : i32
      %get3A_1355 = arith.index_cast %get3A_1354 : i32 to index
      %get3A_1356 = arith.constant 112 : index
      %get3A_1357 = tpu.vector_load %arg16[%get3A_1355, %get3A_1356] {strides = array<i32>} : memref<16x128xf32, #tpu.memory_space<vmem>>, vector<16xf32>,
      %add3A_1358 = arith.addf %get3A_1353, %get3A_1357 : vector<16xf32>
      %swap3A_1359 = arith.constant 9 : i32
      %swap3A_1360 = arith.index_cast %swap3A_1359 : i32 to index
      %swap3A_1361 = arith.constant 112 : index
      %swap3A_1362 = tpu.vector_load %arg15[%swap3A_1360, %swap3A_1361] {strides = array<i32>} : memref<16x128xf32, #tpu.memory_space<vmem>>, vector<16xf32>,
      tpu.vector_store %arg15[%swap3A_1360, %swap3A_1361], %add3A_1358 {strides = array<i32>} : memref<16x128xf32, #tpu.memory_space<vmem>>, vector<16xf32>,
      %get3A_1363 = arith.constant 10 : i32
      %get3A_1364 = arith.index_cast %get3A_1363 : i32 to index
      %get3A_1365 = arith.constant 0 : index
      %get3A_1366 = tpu.vector_load %arg15[%get3A_1364, %get3A_1365] {strides = array<i32>} : memref<16x128xf32, #tpu.memory_space<vmem>>, vector<16xf32>,
      %get3A_1367 = arith.constant 10 : i32
      %get3A_1368 = arith.index_cast %get3A_1367 : i32 to index
      %get3A_1369 = arith.constant 0 : index
      %get3A_1370 = tpu.vector_load %arg16[%get3A_1368, %get3A_1369] {strides = array<i32>} : memref<16x128xf32, #tpu.memory_space<vmem>>, vector<16xf32>,
      %add3A_1371 = arith.addf %get3A_1366, %get3A_1370 : vector<16xf32>
      %swap3A_1372 = arith.constant 10 : i32
      %swap3A_1373 = arith.index_cast %swap3A_1372 : i32 to index
      %swap3A_1374 = arith.constant 0 : index
      %swap3A_1375 = tpu.vector_load %arg15[%swap3A_1373, %swap3A_1374] {strides = array<i32>} : memref<16x128xf32, #tpu.memory_space<vmem>>, vector<16xf32>,
      tpu.vector_store %arg15[%swap3A_1373, %swap3A_1374], %add3A_1371 {strides = array<i32>} : memref<16x128xf32, #tpu.memory_space<vmem>>, vector<16xf32>,
      %get3A_1376 = arith.constant 10 : i32
      %get3A_1377 = arith.index_cast %get3A_1376 : i32 to index
      %get3A_1378 = arith.constant 16 : index
      %get3A_1379 = tpu.vector_load %arg15[%get3A_1377, %get3A_1378] {strides = array<i32>} : memref<16x128xf32, #tpu.memory_space<vmem>>, vector<16xf32>,
      %get3A_1380 = arith.constant 10 : i32
      %get3A_1381 = arith.index_cast %get3A_1380 : i32 to index
      %get3A_1382 = arith.constant 16 : index
      %get3A_1383 = tpu.vector_load %arg16[%get3A_1381, %get3A_1382] {strides = array<i32>} : memref<16x128xf32, #tpu.memory_space<vmem>>, vector<16xf32>,
      %add3A_1384 = arith.addf %get3A_1379, %get3A_1383 : vector<16xf32>
      %swap3A_1385 = arith.constant 10 : i32
      %swap3A_1386 = arith.index_cast %swap3A_1385 : i32 to index
      %swap3A_1387 = arith.constant 16 : index
      %swap3A_1388 = tpu.vector_load %arg15[%swap3A_1386, %swap3A_1387] {strides = array<i32>} : memref<16x128xf32, #tpu.memory_space<vmem>>, vector<16xf32>,
      tpu.vector_store %arg15[%swap3A_1386, %swap3A_1387], %add3A_1384 {strides = array<i32>} : memref<16x128xf32, #tpu.memory_space<vmem>>, vector<16xf32>,
      %get3A_1389 = arith.constant 10 : i32
      %get3A_1390 = arith.index_cast %get3A_1389 : i32 to index
      %get3A_1391 = arith.constant 32 : index
      %get3A_1392 = tpu.vector_load %arg15[%get3A_1390, %get3A_1391] {strides = array<i32>} : memref<16x128xf32, #tpu.memory_space<vmem>>, vector<16xf32>,
      %get3A_1393 = arith.constant 10 : i32
      %get3A_1394 = arith.index_cast %get3A_1393 : i32 to index
      %get3A_1395 = arith.constant 32 : index
      %get3A_1396 = tpu.vector_load %arg16[%get3A_1394, %get3A_1395] {strides = array<i32>} : memref<16x128xf32, #tpu.memory_space<vmem>>, vector<16xf32>,
      %add3A_1397 = arith.addf %get3A_1392, %get3A_1396 : vector<16xf32>
      %swap3A_1398 = arith.constant 10 : i32
      %swap3A_1399 = arith.index_cast %swap3A_1398 : i32 to index
      %swap3A_1400 = arith.constant 32 : index
      %swap3A_1401 = tpu.vector_load %arg15[%swap3A_1399, %swap3A_1400] {strides = array<i32>} : memref<16x128xf32, #tpu.memory_space<vmem>>, vector<16xf32>,
      tpu.vector_store %arg15[%swap3A_1399, %swap3A_1400], %add3A_1397 {strides = array<i32>} : memref<16x128xf32, #tpu.memory_space<vmem>>, vector<16xf32>,
      %get3A_1402 = arith.constant 10 : i32
      %get3A_1403 = arith.index_cast %get3A_1402 : i32 to index
      %get3A_1404 = arith.constant 48 : index
      %get3A_1405 = tpu.vector_load %arg15[%get3A_1403, %get3A_1404] {strides = array<i32>} : memref<16x128xf32, #tpu.memory_space<vmem>>, vector<16xf32>,
      %get3A_1406 = arith.constant 10 : i32
      %get3A_1407 = arith.index_cast %get3A_1406 : i32 to index
      %get3A_1408 = arith.constant 48 : index
      %get3A_1409 = tpu.vector_load %arg16[%get3A_1407, %get3A_1408] {strides = array<i32>} : memref<16x128xf32, #tpu.memory_space<vmem>>, vector<16xf32>,
      %add3A_1410 = arith.addf %get3A_1405, %get3A_1409 : vector<16xf32>
      %swap3A_1411 = arith.constant 10 : i32
      %swap3A_1412 = arith.index_cast %swap3A_1411 : i32 to index
      %swap3A_1413 = arith.constant 48 : index
      %swap3A_1414 = tpu.vector_load %arg15[%swap3A_1412, %swap3A_1413] {strides = array<i32>} : memref<16x128xf32, #tpu.memory_space<vmem>>, vector<16xf32>,
      tpu.vector_store %arg15[%swap3A_1412, %swap3A_1413], %add3A_1410 {strides = array<i32>} : memref<16x128xf32, #tpu.memory_space<vmem>>, vector<16xf32>,
      %get3A_1415 = arith.constant 10 : i32
      %get3A_1416 = arith.index_cast %get3A_1415 : i32 to index
      %get3A_1417 = arith.constant 64 : index
      %get3A_1418 = tpu.vector_load %arg15[%get3A_1416, %get3A_1417] {strides = array<i32>} : memref<16x128xf32, #tpu.memory_space<vmem>>, vector<16xf32>,
      %get3A_1419 = arith.constant 10 : i32
      %get3A_1420 = arith.index_cast %get3A_1419 : i32 to index
      %get3A_1421 = arith.constant 64 : index
      %get3A_1422 = tpu.vector_load %arg16[%get3A_1420, %get3A_1421] {strides = array<i32>} : memref<16x128xf32, #tpu.memory_space<vmem>>, vector<16xf32>,
      %add3A_1423 = arith.addf %get3A_1418, %get3A_1422 : vector<16xf32>
      %swap3A_1424 = arith.constant 10 : i32
      %swap3A_1425 = arith.index_cast %swap3A_1424 : i32 to index
      %swap3A_1426 = arith.constant 64 : index
      %swap3A_1427 = tpu.vector_load %arg15[%swap3A_1425, %swap3A_1426] {strides = array<i32>} : memref<16x128xf32, #tpu.memory_space<vmem>>, vector<16xf32>,
      tpu.vector_store %arg15[%swap3A_1425, %swap3A_1426], %add3A_1423 {strides = array<i32>} : memref<16x128xf32, #tpu.memory_space<vmem>>, vector<16xf32>,
      %get3A_1428 = arith.constant 10 : i32
      %get3A_1429 = arith.index_cast %get3A_1428 : i32 to index
      %get3A_1430 = arith.constant 80 : index
      %get3A_1431 = tpu.vector_load %arg15[%get3A_1429, %get3A_1430] {strides = array<i32>} : memref<16x128xf32, #tpu.memory_space<vmem>>, vector<16xf32>,
      %get3A_1432 = arith.constant 10 : i32
      %get3A_1433 = arith.index_cast %get3A_1432 : i32 to index
      %get3A_1434 = arith.constant 80 : index
      %get3A_1435 = tpu.vector_load %arg16[%get3A_1433, %get3A_1434] {strides = array<i32>} : memref<16x128xf32, #tpu.memory_space<vmem>>, vector<16xf32>,
      %add3A_1436 = arith.addf %get3A_1431, %get3A_1435 : vector<16xf32>
      %swap3A_1437 = arith.constant 10 : i32
      %swap3A_1438 = arith.index_cast %swap3A_1437 : i32 to index
      %swap3A_1439 = arith.constant 80 : index
      %swap3A_1440 = tpu.vector_load %arg15[%swap3A_1438, %swap3A_1439] {strides = array<i32>} : memref<16x128xf32, #tpu.memory_space<vmem>>, vector<16xf32>,
      tpu.vector_store %arg15[%swap3A_1438, %swap3A_1439], %add3A_1436 {strides = array<i32>} : memref<16x128xf32, #tpu.memory_space<vmem>>, vector<16xf32>,
      %get3A_1441 = arith.constant 10 : i32
      %get3A_1442 = arith.index_cast %get3A_1441 : i32 to index
      %get3A_1443 = arith.constant 96 : index
      %get3A_1444 = tpu.vector_load %arg15[%get3A_1442, %get3A_1443] {strides = array<i32>} : memref<16x128xf32, #tpu.memory_space<vmem>>, vector<16xf32>,
      %get3A_1445 = arith.constant 10 : i32
      %get3A_1446 = arith.index_cast %get3A_1445 : i32 to index
      %get3A_1447 = arith.constant 96 : index
      %get3A_1448 = tpu.vector_load %arg16[%get3A_1446, %get3A_1447] {strides = array<i32>} : memref<16x128xf32, #tpu.memory_space<vmem>>, vector<16xf32>,
      %add3A_1449 = arith.addf %get3A_1444, %get3A_1448 : vector<16xf32>
      %swap3A_1450 = arith.constant 10 : i32
      %swap3A_1451 = arith.index_cast %swap3A_1450 : i32 to index
      %swap3A_1452 = arith.constant 96 : index
      %swap3A_1453 = tpu.vector_load %arg15[%swap3A_1451, %swap3A_1452] {strides = array<i32>} : memref<16x128xf32, #tpu.memory_space<vmem>>, vector<16xf32>,
      tpu.vector_store %arg15[%swap3A_1451, %swap3A_1452], %add3A_1449 {strides = array<i32>} : memref<16x128xf32, #tpu.memory_space<vmem>>, vector<16xf32>,
      %get3A_1454 = arith.constant 10 : i32
      %get3A_1455 = arith.index_cast %get3A_1454 : i32 to index
      %get3A_1456 = arith.constant 112 : index
      %get3A_1457 = tpu.vector_load %arg15[%get3A_1455, %get3A_1456] {strides = array<i32>} : memref<16x128xf32, #tpu.memory_space<vmem>>, vector<16xf32>,
      %get3A_1458 = arith.constant 10 : i32
      %get3A_1459 = arith.index_cast %get3A_1458 : i32 to index
      %get3A_1460 = arith.constant 112 : index
      %get3A_1461 = tpu.vector_load %arg16[%get3A_1459, %get3A_1460] {strides = array<i32>} : memref<16x128xf32, #tpu.memory_space<vmem>>, vector<16xf32>,
      %add3A_1462 = arith.addf %get3A_1457, %get3A_1461 : vector<16xf32>
      %swap3A_1463 = arith.constant 10 : i32
      %swap3A_1464 = arith.index_cast %swap3A_1463 : i32 to index
      %swap3A_1465 = arith.constant 112 : index
      %swap3A_1466 = tpu.vector_load %arg15[%swap3A_1464, %swap3A_1465] {strides = array<i32>} : memref<16x128xf32, #tpu.memory_space<vmem>>, vector<16xf32>,
      tpu.vector_store %arg15[%swap3A_1464, %swap3A_1465], %add3A_1462 {strides = array<i32>} : memref<16x128xf32, #tpu.memory_space<vmem>>, vector<16xf32>,
      %get3A_1467 = arith.constant 11 : i32
      %get3A_1468 = arith.index_cast %get3A_1467 : i32 to index
      %get3A_1469 = arith.constant 0 : index
      %get3A_1470 = tpu.vector_load %arg15[%get3A_1468, %get3A_1469] {strides = array<i32>} : memref<16x128xf32, #tpu.memory_space<vmem>>, vector<16xf32>,
      %get3A_1471 = arith.constant 11 : i32
      %get3A_1472 = arith.index_cast %get3A_1471 : i32 to index
      %get3A_1473 = arith.constant 0 : index
      %get3A_1474 = tpu.vector_load %arg16[%get3A_1472, %get3A_1473] {strides = array<i32>} : memref<16x128xf32, #tpu.memory_space<vmem>>, vector<16xf32>,
      %add3A_1475 = arith.addf %get3A_1470, %get3A_1474 : vector<16xf32>
      %swap3A_1476 = arith.constant 11 : i32
      %swap3A_1477 = arith.index_cast %swap3A_1476 : i32 to index
      %swap3A_1478 = arith.constant 0 : index
      %swap3A_1479 = tpu.vector_load %arg15[%swap3A_1477, %swap3A_1478] {strides = array<i32>} : memref<16x128xf32, #tpu.memory_space<vmem>>, vector<16xf32>,
      tpu.vector_store %arg15[%swap3A_1477, %swap3A_1478], %add3A_1475 {strides = array<i32>} : memref<16x128xf32, #tpu.memory_space<vmem>>, vector<16xf32>,
      %get3A_1480 = arith.constant 11 : i32
      %get3A_1481 = arith.index_cast %get3A_1480 : i32 to index
      %get3A_1482 = arith.constant 16 : index
      %get3A_1483 = tpu.vector_load %arg15[%get3A_1481, %get3A_1482] {strides = array<i32>} : memref<16x128xf32, #tpu.memory_space<vmem>>, vector<16xf32>,
      %get3A_1484 = arith.constant 11 : i32
      %get3A_1485 = arith.index_cast %get3A_1484 : i32 to index
      %get3A_1486 = arith.constant 16 : index
      %get3A_1487 = tpu.vector_load %arg16[%get3A_1485, %get3A_1486] {strides = array<i32>} : memref<16x128xf32, #tpu.memory_space<vmem>>, vector<16xf32>,
      %add3A_1488 = arith.addf %get3A_1483, %get3A_1487 : vector<16xf32>
      %swap3A_1489 = arith.constant 11 : i32
      %swap3A_1490 = arith.index_cast %swap3A_1489 : i32 to index
      %swap3A_1491 = arith.constant 16 : index
      %swap3A_1492 = tpu.vector_load %arg15[%swap3A_1490, %swap3A_1491] {strides = array<i32>} : memref<16x128xf32, #tpu.memory_space<vmem>>, vector<16xf32>,
      tpu.vector_store %arg15[%swap3A_1490, %swap3A_1491], %add3A_1488 {strides = array<i32>} : memref<16x128xf32, #tpu.memory_space<vmem>>, vector<16xf32>,
      %get3A_1493 = arith.constant 11 : i32
      %get3A_1494 = arith.index_cast %get3A_1493 : i32 to index
      %get3A_1495 = arith.constant 32 : index
      %get3A_1496 = tpu.vector_load %arg15[%get3A_1494, %get3A_1495] {strides = array<i32>} : memref<16x128xf32, #tpu.memory_space<vmem>>, vector<16xf32>,
      %get3A_1497 = arith.constant 11 : i32
      %get3A_1498 = arith.index_cast %get3A_1497 : i32 to index
      %get3A_1499 = arith.constant 32 : index
      %get3A_1500 = tpu.vector_load %arg16[%get3A_1498, %get3A_1499] {strides = array<i32>} : memref<16x128xf32, #tpu.memory_space<vmem>>, vector<16xf32>,
      %add3A_1501 = arith.addf %get3A_1496, %get3A_1500 : vector<16xf32>
      %swap3A_1502 = arith.constant 11 : i32
      %swap3A_1503 = arith.index_cast %swap3A_1502 : i32 to index
      %swap3A_1504 = arith.constant 32 : index
      %swap3A_1505 = tpu.vector_load %arg15[%swap3A_1503, %swap3A_1504] {strides = array<i32>} : memref<16x128xf32, #tpu.memory_space<vmem>>, vector<16xf32>,
      tpu.vector_store %arg15[%swap3A_1503, %swap3A_1504], %add3A_1501 {strides = array<i32>} : memref<16x128xf32, #tpu.memory_space<vmem>>, vector<16xf32>,
      %get3A_1506 = arith.constant 11 : i32
      %get3A_1507 = arith.index_cast %get3A_1506 : i32 to index
      %get3A_1508 = arith.constant 48 : index
      %get3A_1509 = tpu.vector_load %arg15[%get3A_1507, %get3A_1508] {strides = array<i32>} : memref<16x128xf32, #tpu.memory_space<vmem>>, vector<16xf32>,
      %get3A_1510 = arith.constant 11 : i32
      %get3A_1511 = arith.index_cast %get3A_1510 : i32 to index
      %get3A_1512 = arith.constant 48 : index
      %get3A_1513 = tpu.vector_load %arg16[%get3A_1511, %get3A_1512] {strides = array<i32>} : memref<16x128xf32, #tpu.memory_space<vmem>>, vector<16xf32>,
      %add3A_1514 = arith.addf %get3A_1509, %get3A_1513 : vector<16xf32>
      %swap3A_1515 = arith.constant 11 : i32
      %swap3A_1516 = arith.index_cast %swap3A_1515 : i32 to index
      %swap3A_1517 = arith.constant 48 : index
      %swap3A_1518 = tpu.vector_load %arg15[%swap3A_1516, %swap3A_1517] {strides = array<i32>} : memref<16x128xf32, #tpu.memory_space<vmem>>, vector<16xf32>,
      tpu.vector_store %arg15[%swap3A_1516, %swap3A_1517], %add3A_1514 {strides = array<i32>} : memref<16x128xf32, #tpu.memory_space<vmem>>, vector<16xf32>,
      %get3A_1519 = arith.constant 11 : i32
      %get3A_1520 = arith.index_cast %get3A_1519 : i32 to index
      %get3A_1521 = arith.constant 64 : index
      %get3A_1522 = tpu.vector_load %arg15[%get3A_1520, %get3A_1521] {strides = array<i32>} : memref<16x128xf32, #tpu.memory_space<vmem>>, vector<16xf32>,
      %get3A_1523 = arith.constant 11 : i32
      %get3A_1524 = arith.index_cast %get3A_1523 : i32 to index
      %get3A_1525 = arith.constant 64 : index
      %get3A_1526 = tpu.vector_load %arg16[%get3A_1524, %get3A_1525] {strides = array<i32>} : memref<16x128xf32, #tpu.memory_space<vmem>>, vector<16xf32>,
      %add3A_1527 = arith.addf %get3A_1522, %get3A_1526 : vector<16xf32>
      %swap3A_1528 = arith.constant 11 : i32
      %swap3A_1529 = arith.index_cast %swap3A_1528 : i32 to index
      %swap3A_1530 = arith.constant 64 : index
      %swap3A_1531 = tpu.vector_load %arg15[%swap3A_1529, %swap3A_1530] {strides = array<i32>} : memref<16x128xf32, #tpu.memory_space<vmem>>, vector<16xf32>,
      tpu.vector_store %arg15[%swap3A_1529, %swap3A_1530], %add3A_1527 {strides = array<i32>} : memref<16x128xf32, #tpu.memory_space<vmem>>, vector<16xf32>,
      %get3A_1532 = arith.constant 11 : i32
      %get3A_1533 = arith.index_cast %get3A_1532 : i32 to index
      %get3A_1534 = arith.constant 80 : index
      %get3A_1535 = tpu.vector_load %arg15[%get3A_1533, %get3A_1534] {strides = array<i32>} : memref<16x128xf32, #tpu.memory_space<vmem>>, vector<16xf32>,
      %get3A_1536 = arith.constant 11 : i32
      %get3A_1537 = arith.index_cast %get3A_1536 : i32 to index
      %get3A_1538 = arith.constant 80 : index
      %get3A_1539 = tpu.vector_load %arg16[%get3A_1537, %get3A_1538] {strides = array<i32>} : memref<16x128xf32, #tpu.memory_space<vmem>>, vector<16xf32>,
      %add3A_1540 = arith.addf %get3A_1535, %get3A_1539 : vector<16xf32>
      %swap3A_1541 = arith.constant 11 : i32
      %swap3A_1542 = arith.index_cast %swap3A_1541 : i32 to index
      %swap3A_1543 = arith.constant 80 : index
      %swap3A_1544 = tpu.vector_load %arg15[%swap3A_1542, %swap3A_1543] {strides = array<i32>} : memref<16x128xf32, #tpu.memory_space<vmem>>, vector<16xf32>,
      tpu.vector_store %arg15[%swap3A_1542, %swap3A_1543], %add3A_1540 {strides = array<i32>} : memref<16x128xf32, #tpu.memory_space<vmem>>, vector<16xf32>,
      %get3A_1545 = arith.constant 11 : i32
      %get3A_1546 = arith.index_cast %get3A_1545 : i32 to index
      %get3A_1547 = arith.constant 96 : index
      %get3A_1548 = tpu.vector_load %arg15[%get3A_1546, %get3A_1547] {strides = array<i32>} : memref<16x128xf32, #tpu.memory_space<vmem>>, vector<16xf32>,
      %get3A_1549 = arith.constant 11 : i32
      %get3A_1550 = arith.index_cast %get3A_1549 : i32 to index
      %get3A_1551 = arith.constant 96 : index
      %get3A_1552 = tpu.vector_load %arg16[%get3A_1550, %get3A_1551] {strides = array<i32>} : memref<16x128xf32, #tpu.memory_space<vmem>>, vector<16xf32>,
      %add3A_1553 = arith.addf %get3A_1548, %get3A_1552 : vector<16xf32>
      %swap3A_1554 = arith.constant 11 : i32
      %swap3A_1555 = arith.index_cast %swap3A_1554 : i32 to index
      %swap3A_1556 = arith.constant 96 : index
      %swap3A_1557 = tpu.vector_load %arg15[%swap3A_1555, %swap3A_1556] {strides = array<i32>} : memref<16x128xf32, #tpu.memory_space<vmem>>, vector<16xf32>,
      tpu.vector_store %arg15[%swap3A_1555, %swap3A_1556], %add3A_1553 {strides = array<i32>} : memref<16x128xf32, #tpu.memory_space<vmem>>, vector<16xf32>,
      %get3A_1558 = arith.constant 11 : i32
      %get3A_1559 = arith.index_cast %get3A_1558 : i32 to index
      %get3A_1560 = arith.constant 112 : index
      %get3A_1561 = tpu.vector_load %arg15[%get3A_1559, %get3A_1560] {strides = array<i32>} : memref<16x128xf32, #tpu.memory_space<vmem>>, vector<16xf32>,
      %get3A_1562 = arith.constant 11 : i32
      %get3A_1563 = arith.index_cast %get3A_1562 : i32 to index
      %get3A_1564 = arith.constant 112 : index
      %get3A_1565 = tpu.vector_load %arg16[%get3A_1563, %get3A_1564] {strides = array<i32>} : memref<16x128xf32, #tpu.memory_space<vmem>>, vector<16xf32>,
      %add3A_1566 = arith.addf %get3A_1561, %get3A_1565 : vector<16xf32>
      %swap3A_1567 = arith.constant 11 : i32
      %swap3A_1568 = arith.index_cast %swap3A_1567 : i32 to index
      %swap3A_1569 = arith.constant 112 : index
      %swap3A_1570 = tpu.vector_load %arg15[%swap3A_1568, %swap3A_1569] {strides = array<i32>} : memref<16x128xf32, #tpu.memory_space<vmem>>, vector<16xf32>,
      tpu.vector_store %arg15[%swap3A_1568, %swap3A_1569], %add3A_1566 {strides = array<i32>} : memref<16x128xf32, #tpu.memory_space<vmem>>, vector<16xf32>,
      %get3A_1571 = arith.constant 12 : i32
      %get3A_1572 = arith.index_cast %get3A_1571 : i32 to index
      %get3A_1573 = arith.constant 0 : index
      %get3A_1574 = tpu.vector_load %arg15[%get3A_1572, %get3A_1573] {strides = array<i32>} : memref<16x128xf32, #tpu.memory_space<vmem>>, vector<16xf32>,
      %get3A_1575 = arith.constant 12 : i32
      %get3A_1576 = arith.index_cast %get3A_1575 : i32 to index
      %get3A_1577 = arith.constant 0 : index
      %get3A_1578 = tpu.vector_load %arg16[%get3A_1576, %get3A_1577] {strides = array<i32>} : memref<16x128xf32, #tpu.memory_space<vmem>>, vector<16xf32>,
      %add3A_1579 = arith.addf %get3A_1574, %get3A_1578 : vector<16xf32>
      %swap3A_1580 = arith.constant 12 : i32
      %swap3A_1581 = arith.index_cast %swap3A_1580 : i32 to index
      %swap3A_1582 = arith.constant 0 : index
      %swap3A_1583 = tpu.vector_load %arg15[%swap3A_1581, %swap3A_1582] {strides = array<i32>} : memref<16x128xf32, #tpu.memory_space<vmem>>, vector<16xf32>,
      tpu.vector_store %arg15[%swap3A_1581, %swap3A_1582], %add3A_1579 {strides = array<i32>} : memref<16x128xf32, #tpu.memory_space<vmem>>, vector<16xf32>,
      %get3A_1584 = arith.constant 12 : i32
      %get3A_1585 = arith.index_cast %get3A_1584 : i32 to index
      %get3A_1586 = arith.constant 16 : index
      %get3A_1587 = tpu.vector_load %arg15[%get3A_1585, %get3A_1586] {strides = array<i32>} : memref<16x128xf32, #tpu.memory_space<vmem>>, vector<16xf32>,
      %get3A_1588 = arith.constant 12 : i32
      %get3A_1589 = arith.index_cast %get3A_1588 : i32 to index
      %get3A_1590 = arith.constant 16 : index
      %get3A_1591 = tpu.vector_load %arg16[%get3A_1589, %get3A_1590] {strides = array<i32>} : memref<16x128xf32, #tpu.memory_space<vmem>>, vector<16xf32>,
      %add3A_1592 = arith.addf %get3A_1587, %get3A_1591 : vector<16xf32>
      %swap3A_1593 = arith.constant 12 : i32
      %swap3A_1594 = arith.index_cast %swap3A_1593 : i32 to index
      %swap3A_1595 = arith.constant 16 : index
      %swap3A_1596 = tpu.vector_load %arg15[%swap3A_1594, %swap3A_1595] {strides = array<i32>} : memref<16x128xf32, #tpu.memory_space<vmem>>, vector<16xf32>,
      tpu.vector_store %arg15[%swap3A_1594, %swap3A_1595], %add3A_1592 {strides = array<i32>} : memref<16x128xf32, #tpu.memory_space<vmem>>, vector<16xf32>,
      %get3A_1597 = arith.constant 12 : i32
      %get3A_1598 = arith.index_cast %get3A_1597 : i32 to index
      %get3A_1599 = arith.constant 32 : index
      %get3A_1600 = tpu.vector_load %arg15[%get3A_1598, %get3A_1599] {strides = array<i32>} : memref<16x128xf32, #tpu.memory_space<vmem>>, vector<16xf32>,
      %get3A_1601 = arith.constant 12 : i32
      %get3A_1602 = arith.index_cast %get3A_1601 : i32 to index
      %get3A_1603 = arith.constant 32 : index
      %get3A_1604 = tpu.vector_load %arg16[%get3A_1602, %get3A_1603] {strides = array<i32>} : memref<16x128xf32, #tpu.memory_space<vmem>>, vector<16xf32>,
      %add3A_1605 = arith.addf %get3A_1600, %get3A_1604 : vector<16xf32>
      %swap3A_1606 = arith.constant 12 : i32
      %swap3A_1607 = arith.index_cast %swap3A_1606 : i32 to index
      %swap3A_1608 = arith.constant 32 : index
      %swap3A_1609 = tpu.vector_load %arg15[%swap3A_1607, %swap3A_1608] {strides = array<i32>} : memref<16x128xf32, #tpu.memory_space<vmem>>, vector<16xf32>,
      tpu.vector_store %arg15[%swap3A_1607, %swap3A_1608], %add3A_1605 {strides = array<i32>} : memref<16x128xf32, #tpu.memory_space<vmem>>, vector<16xf32>,
      %get3A_1610 = arith.constant 12 : i32
      %get3A_1611 = arith.index_cast %get3A_1610 : i32 to index
      %get3A_1612 = arith.constant 48 : index
      %get3A_1613 = tpu.vector_load %arg15[%get3A_1611, %get3A_1612] {strides = array<i32>} : memref<16x128xf32, #tpu.memory_space<vmem>>, vector<16xf32>,
      %get3A_1614 = arith.constant 12 : i32
      %get3A_1615 = arith.index_cast %get3A_1614 : i32 to index
      %get3A_1616 = arith.constant 48 : index
      %get3A_1617 = tpu.vector_load %arg16[%get3A_1615, %get3A_1616] {strides = array<i32>} : memref<16x128xf32, #tpu.memory_space<vmem>>, vector<16xf32>,
      %add3A_1618 = arith.addf %get3A_1613, %get3A_1617 : vector<16xf32>
      %swap3A_1619 = arith.constant 12 : i32
      %swap3A_1620 = arith.index_cast %swap3A_1619 : i32 to index
      %swap3A_1621 = arith.constant 48 : index
      %swap3A_1622 = tpu.vector_load %arg15[%swap3A_1620, %swap3A_1621] {strides = array<i32>} : memref<16x128xf32, #tpu.memory_space<vmem>>, vector<16xf32>,
      tpu.vector_store %arg15[%swap3A_1620, %swap3A_1621], %add3A_1618 {strides = array<i32>} : memref<16x128xf32, #tpu.memory_space<vmem>>, vector<16xf32>,
      %get3A_1623 = arith.constant 12 : i32
      %get3A_1624 = arith.index_cast %get3A_1623 : i32 to index
      %get3A_1625 = arith.constant 64 : index
      %get3A_1626 = tpu.vector_load %arg15[%get3A_1624, %get3A_1625] {strides = array<i32>} : memref<16x128xf32, #tpu.memory_space<vmem>>, vector<16xf32>,
      %get3A_1627 = arith.constant 12 : i32
      %get3A_1628 = arith.index_cast %get3A_1627 : i32 to index
      %get3A_1629 = arith.constant 64 : index
      %get3A_1630 = tpu.vector_load %arg16[%get3A_1628, %get3A_1629] {strides = array<i32>} : memref<16x128xf32, #tpu.memory_space<vmem>>, vector<16xf32>,
      %add3A_1631 = arith.addf %get3A_1626, %get3A_1630 : vector<16xf32>
      %swap3A_1632 = arith.constant 12 : i32
      %swap3A_1633 = arith.index_cast %swap3A_1632 : i32 to index
      %swap3A_1634 = arith.constant 64 : index
      %swap3A_1635 = tpu.vector_load %arg15[%swap3A_1633, %swap3A_1634] {strides = array<i32>} : memref<16x128xf32, #tpu.memory_space<vmem>>, vector<16xf32>,
      tpu.vector_store %arg15[%swap3A_1633, %swap3A_1634], %add3A_1631 {strides = array<i32>} : memref<16x128xf32, #tpu.memory_space<vmem>>, vector<16xf32>,
      %get3A_1636 = arith.constant 12 : i32
      %get3A_1637 = arith.index_cast %get3A_1636 : i32 to index
      %get3A_1638 = arith.constant 80 : index
      %get3A_1639 = tpu.vector_load %arg15[%get3A_1637, %get3A_1638] {strides = array<i32>} : memref<16x128xf32, #tpu.memory_space<vmem>>, vector<16xf32>,
      %get3A_1640 = arith.constant 12 : i32
      %get3A_1641 = arith.index_cast %get3A_1640 : i32 to index
      %get3A_1642 = arith.constant 80 : index
      %get3A_1643 = tpu.vector_load %arg16[%get3A_1641, %get3A_1642] {strides = array<i32>} : memref<16x128xf32, #tpu.memory_space<vmem>>, vector<16xf32>,
      %add3A_1644 = arith.addf %get3A_1639, %get3A_1643 : vector<16xf32>
      %swap3A_1645 = arith.constant 12 : i32
      %swap3A_1646 = arith.index_cast %swap3A_1645 : i32 to index
      %swap3A_1647 = arith.constant 80 : index
      %swap3A_1648 = tpu.vector_load %arg15[%swap3A_1646, %swap3A_1647] {strides = array<i32>} : memref<16x128xf32, #tpu.memory_space<vmem>>, vector<16xf32>,
      tpu.vector_store %arg15[%swap3A_1646, %swap3A_1647], %add3A_1644 {strides = array<i32>} : memref<16x128xf32, #tpu.memory_space<vmem>>, vector<16xf32>,
      %get3A_1649 = arith.constant 12 : i32
      %get3A_1650 = arith.index_cast %get3A_1649 : i32 to index
      %get3A_1651 = arith.constant 96 : index
      %get3A_1652 = tpu.vector_load %arg15[%get3A_1650, %get3A_1651] {strides = array<i32>} : memref<16x128xf32, #tpu.memory_space<vmem>>, vector<16xf32>,
      %get3A_1653 = arith.constant 12 : i32
      %get3A_1654 = arith.index_cast %get3A_1653 : i32 to index
      %get3A_1655 = arith.constant 96 : index
      %get3A_1656 = tpu.vector_load %arg16[%get3A_1654, %get3A_1655] {strides = array<i32>} : memref<16x128xf32, #tpu.memory_space<vmem>>, vector<16xf32>,
      %add3A_1657 = arith.addf %get3A_1652, %get3A_1656 : vector<16xf32>
      %swap3A_1658 = arith.constant 12 : i32
      %swap3A_1659 = arith.index_cast %swap3A_1658 : i32 to index
      %swap3A_1660 = arith.constant 96 : index
      %swap3A_1661 = tpu.vector_load %arg15[%swap3A_1659, %swap3A_1660] {strides = array<i32>} : memref<16x128xf32, #tpu.memory_space<vmem>>, vector<16xf32>,
      tpu.vector_store %arg15[%swap3A_1659, %swap3A_1660], %add3A_1657 {strides = array<i32>} : memref<16x128xf32, #tpu.memory_space<vmem>>, vector<16xf32>,
      %get3A_1662 = arith.constant 12 : i32
      %get3A_1663 = arith.index_cast %get3A_1662 : i32 to index
      %get3A_1664 = arith.constant 112 : index
      %get3A_1665 = tpu.vector_load %arg15[%get3A_1663, %get3A_1664] {strides = array<i32>} : memref<16x128xf32, #tpu.memory_space<vmem>>, vector<16xf32>,
      %get3A_1666 = arith.constant 12 : i32
      %get3A_1667 = arith.index_cast %get3A_1666 : i32 to index
      %get3A_1668 = arith.constant 112 : index
      %get3A_1669 = tpu.vector_load %arg16[%get3A_1667, %get3A_1668] {strides = array<i32>} : memref<16x128xf32, #tpu.memory_space<vmem>>, vector<16xf32>,
      %add3A_1670 = arith.addf %get3A_1665, %get3A_1669 : vector<16xf32>
      %swap3A_1671 = arith.constant 12 : i32
      %swap3A_1672 = arith.index_cast %swap3A_1671 : i32 to index
      %swap3A_1673 = arith.constant 112 : index
      %swap3A_1674 = tpu.vector_load %arg15[%swap3A_1672, %swap3A_1673] {strides = array<i32>} : memref<16x128xf32, #tpu.memory_space<vmem>>, vector<16xf32>,
      tpu.vector_store %arg15[%swap3A_1672, %swap3A_1673], %add3A_1670 {strides = array<i32>} : memref<16x128xf32, #tpu.memory_space<vmem>>, vector<16xf32>,
      %get3A_1675 = arith.constant 13 : i32
      %get3A_1676 = arith.index_cast %get3A_1675 : i32 to index
      %get3A_1677 = arith.constant 0 : index
      %get3A_1678 = tpu.vector_load %arg15[%get3A_1676, %get3A_1677] {strides = array<i32>} : memref<16x128xf32, #tpu.memory_space<vmem>>, vector<16xf32>,
      %get3A_1679 = arith.constant 13 : i32
      %get3A_1680 = arith.index_cast %get3A_1679 : i32 to index
      %get3A_1681 = arith.constant 0 : index
      %get3A_1682 = tpu.vector_load %arg16[%get3A_1680, %get3A_1681] {strides = array<i32>} : memref<16x128xf32, #tpu.memory_space<vmem>>, vector<16xf32>,
      %add3A_1683 = arith.addf %get3A_1678, %get3A_1682 : vector<16xf32>
      %swap3A_1684 = arith.constant 13 : i32
      %swap3A_1685 = arith.index_cast %swap3A_1684 : i32 to index
      %swap3A_1686 = arith.constant 0 : index
      %swap3A_1687 = tpu.vector_load %arg15[%swap3A_1685, %swap3A_1686] {strides = array<i32>} : memref<16x128xf32, #tpu.memory_space<vmem>>, vector<16xf32>,
      tpu.vector_store %arg15[%swap3A_1685, %swap3A_1686], %add3A_1683 {strides = array<i32>} : memref<16x128xf32, #tpu.memory_space<vmem>>, vector<16xf32>,
      %get3A_1688 = arith.constant 13 : i32
      %get3A_1689 = arith.index_cast %get3A_1688 : i32 to index
      %get3A_1690 = arith.constant 16 : index
      %get3A_1691 = tpu.vector_load %arg15[%get3A_1689, %get3A_1690] {strides = array<i32>} : memref<16x128xf32, #tpu.memory_space<vmem>>, vector<16xf32>,
      %get3A_1692 = arith.constant 13 : i32
      %get3A_1693 = arith.index_cast %get3A_1692 : i32 to index
      %get3A_1694 = arith.constant 16 : index
      %get3A_1695 = tpu.vector_load %arg16[%get3A_1693, %get3A_1694] {strides = array<i32>} : memref<16x128xf32, #tpu.memory_space<vmem>>, vector<16xf32>,
      %add3A_1696 = arith.addf %get3A_1691, %get3A_1695 : vector<16xf32>
      %swap3A_1697 = arith.constant 13 : i32
      %swap3A_1698 = arith.index_cast %swap3A_1697 : i32 to index
      %swap3A_1699 = arith.constant 16 : index
      %swap3A_1700 = tpu.vector_load %arg15[%swap3A_1698, %swap3A_1699] {strides = array<i32>} : memref<16x128xf32, #tpu.memory_space<vmem>>, vector<16xf32>,
      tpu.vector_store %arg15[%swap3A_1698, %swap3A_1699], %add3A_1696 {strides = array<i32>} : memref<16x128xf32, #tpu.memory_space<vmem>>, vector<16xf32>,
      %get3A_1701 = arith.constant 13 : i32
      %get3A_1702 = arith.index_cast %get3A_1701 : i32 to index
      %get3A_1703 = arith.constant 32 : index
      %get3A_1704 = tpu.vector_load %arg15[%get3A_1702, %get3A_1703] {strides = array<i32>} : memref<16x128xf32, #tpu.memory_space<vmem>>, vector<16xf32>,
      %get3A_1705 = arith.constant 13 : i32
      %get3A_1706 = arith.index_cast %get3A_1705 : i32 to index
      %get3A_1707 = arith.constant 32 : index
      %get3A_1708 = tpu.vector_load %arg16[%get3A_1706, %get3A_1707] {strides = array<i32>} : memref<16x128xf32, #tpu.memory_space<vmem>>, vector<16xf32>,
      %add3A_1709 = arith.addf %get3A_1704, %get3A_1708 : vector<16xf32>
      %swap3A_1710 = arith.constant 13 : i32
      %swap3A_1711 = arith.index_cast %swap3A_1710 : i32 to index
      %swap3A_1712 = arith.constant 32 : index
      %swap3A_1713 = tpu.vector_load %arg15[%swap3A_1711, %swap3A_1712] {strides = array<i32>} : memref<16x128xf32, #tpu.memory_space<vmem>>, vector<16xf32>,
      tpu.vector_store %arg15[%swap3A_1711, %swap3A_1712], %add3A_1709 {strides = array<i32>} : memref<16x128xf32, #tpu.memory_space<vmem>>, vector<16xf32>,
      %get3A_1714 = arith.constant 13 : i32
      %get3A_1715 = arith.index_cast %get3A_1714 : i32 to index
      %get3A_1716 = arith.constant 48 : index
      %get3A_1717 = tpu.vector_load %arg15[%get3A_1715, %get3A_1716] {strides = array<i32>} : memref<16x128xf32, #tpu.memory_space<vmem>>, vector<16xf32>,
      %get3A_1718 = arith.constant 13 : i32
      %get3A_1719 = arith.index_cast %get3A_1718 : i32 to index
      %get3A_1720 = arith.constant 48 : index
      %get3A_1721 = tpu.vector_load %arg16[%get3A_1719, %get3A_1720] {strides = array<i32>} : memref<16x128xf32, #tpu.memory_space<vmem>>, vector<16xf32>,
      %add3A_1722 = arith.addf %get3A_1717, %get3A_1721 : vector<16xf32>
      %swap3A_1723 = arith.constant 13 : i32
      %swap3A_1724 = arith.index_cast %swap3A_1723 : i32 to index
      %swap3A_1725 = arith.constant 48 : index
      %swap3A_1726 = tpu.vector_load %arg15[%swap3A_1724, %swap3A_1725] {strides = array<i32>} : memref<16x128xf32, #tpu.memory_space<vmem>>, vector<16xf32>,
      tpu.vector_store %arg15[%swap3A_1724, %swap3A_1725], %add3A_1722 {strides = array<i32>} : memref<16x128xf32, #tpu.memory_space<vmem>>, vector<16xf32>,
      %get3A_1727 = arith.constant 13 : i32
      %get3A_1728 = arith.index_cast %get3A_1727 : i32 to index
      %get3A_1729 = arith.constant 64 : index
      %get3A_1730 = tpu.vector_load %arg15[%get3A_1728, %get3A_1729] {strides = array<i32>} : memref<16x128xf32, #tpu.memory_space<vmem>>, vector<16xf32>,
      %get3A_1731 = arith.constant 13 : i32
      %get3A_1732 = arith.index_cast %get3A_1731 : i32 to index
      %get3A_1733 = arith.constant 64 : index
      %get3A_1734 = tpu.vector_load %arg16[%get3A_1732, %get3A_1733] {strides = array<i32>} : memref<16x128xf32, #tpu.memory_space<vmem>>, vector<16xf32>,
      %add3A_1735 = arith.addf %get3A_1730, %get3A_1734 : vector<16xf32>
      %swap3A_1736 = arith.constant 13 : i32
      %swap3A_1737 = arith.index_cast %swap3A_1736 : i32 to index
      %swap3A_1738 = arith.constant 64 : index
      %swap3A_1739 = tpu.vector_load %arg15[%swap3A_1737, %swap3A_1738] {strides = array<i32>} : memref<16x128xf32, #tpu.memory_space<vmem>>, vector<16xf32>,
      tpu.vector_store %arg15[%swap3A_1737, %swap3A_1738], %add3A_1735 {strides = array<i32>} : memref<16x128xf32, #tpu.memory_space<vmem>>, vector<16xf32>,
      %get3A_1740 = arith.constant 13 : i32
      %get3A_1741 = arith.index_cast %get3A_1740 : i32 to index
      %get3A_1742 = arith.constant 80 : index
      %get3A_1743 = tpu.vector_load %arg15[%get3A_1741, %get3A_1742] {strides = array<i32>} : memref<16x128xf32, #tpu.memory_space<vmem>>, vector<16xf32>,
      %get3A_1744 = arith.constant 13 : i32
      %get3A_1745 = arith.index_cast %get3A_1744 : i32 to index
      %get3A_1746 = arith.constant 80 : index
      %get3A_1747 = tpu.vector_load %arg16[%get3A_1745, %get3A_1746] {strides = array<i32>} : memref<16x128xf32, #tpu.memory_space<vmem>>, vector<16xf32>,
      %add3A_1748 = arith.addf %get3A_1743, %get3A_1747 : vector<16xf32>
      %swap3A_1749 = arith.constant 13 : i32
      %swap3A_1750 = arith.index_cast %swap3A_1749 : i32 to index
      %swap3A_1751 = arith.constant 80 : index
      %swap3A_1752 = tpu.vector_load %arg15[%swap3A_1750, %swap3A_1751] {strides = array<i32>} : memref<16x128xf32, #tpu.memory_space<vmem>>, vector<16xf32>,
      tpu.vector_store %arg15[%swap3A_1750, %swap3A_1751], %add3A_1748 {strides = array<i32>} : memref<16x128xf32, #tpu.memory_space<vmem>>, vector<16xf32>,
      %get3A_1753 = arith.constant 13 : i32
      %get3A_1754 = arith.index_cast %get3A_1753 : i32 to index
      %get3A_1755 = arith.constant 96 : index
      %get3A_1756 = tpu.vector_load %arg15[%get3A_1754, %get3A_1755] {strides = array<i32>} : memref<16x128xf32, #tpu.memory_space<vmem>>, vector<16xf32>,
      %get3A_1757 = arith.constant 13 : i32
      %get3A_1758 = arith.index_cast %get3A_1757 : i32 to index
      %get3A_1759 = arith.constant 96 : index
      %get3A_1760 = tpu.vector_load %arg16[%get3A_1758, %get3A_1759] {strides = array<i32>} : memref<16x128xf32, #tpu.memory_space<vmem>>, vector<16xf32>,
      %add3A_1761 = arith.addf %get3A_1756, %get3A_1760 : vector<16xf32>
      %swap3A_1762 = arith.constant 13 : i32
      %swap3A_1763 = arith.index_cast %swap3A_1762 : i32 to index
      %swap3A_1764 = arith.constant 96 : index
      %swap3A_1765 = tpu.vector_load %arg15[%swap3A_1763, %swap3A_1764] {strides = array<i32>} : memref<16x128xf32, #tpu.memory_space<vmem>>, vector<16xf32>,
      tpu.vector_store %arg15[%swap3A_1763, %swap3A_1764], %add3A_1761 {strides = array<i32>} : memref<16x128xf32, #tpu.memory_space<vmem>>, vector<16xf32>,
      %get3A_1766 = arith.constant 13 : i32
      %get3A_1767 = arith.index_cast %get3A_1766 : i32 to index
      %get3A_1768 = arith.constant 112 : index
      %get3A_1769 = tpu.vector_load %arg15[%get3A_1767, %get3A_1768] {strides = array<i32>} : memref<16x128xf32, #tpu.memory_space<vmem>>, vector<16xf32>,
      %get3A_1770 = arith.constant 13 : i32
      %get3A_1771 = arith.index_cast %get3A_1770 : i32 to index
      %get3A_1772 = arith.constant 112 : index
      %get3A_1773 = tpu.vector_load %arg16[%get3A_1771, %get3A_1772] {strides = array<i32>} : memref<16x128xf32, #tpu.memory_space<vmem>>, vector<16xf32>,
      %add3A_1774 = arith.addf %get3A_1769, %get3A_1773 : vector<16xf32>
      %swap3A_1775 = arith.constant 13 : i32
      %swap3A_1776 = arith.index_cast %swap3A_1775 : i32 to index
      %swap3A_1777 = arith.constant 112 : index
      %swap3A_1778 = tpu.vector_load %arg15[%swap3A_1776, %swap3A_1777] {strides = array<i32>} : memref<16x128xf32, #tpu.memory_space<vmem>>, vector<16xf32>,
      tpu.vector_store %arg15[%swap3A_1776, %swap3A_1777], %add3A_1774 {strides = array<i32>} : memref<16x128xf32, #tpu.memory_space<vmem>>, vector<16xf32>,
      %get3A_1779 = arith.constant 14 : i32
      %get3A_1780 = arith.index_cast %get3A_1779 : i32 to index
      %get3A_1781 = arith.constant 0 : index
      %get3A_1782 = tpu.vector_load %arg15[%get3A_1780, %get3A_1781] {strides = array<i32>} : memref<16x128xf32, #tpu.memory_space<vmem>>, vector<16xf32>,
      %get3A_1783 = arith.constant 14 : i32
      %get3A_1784 = arith.index_cast %get3A_1783 : i32 to index
      %get3A_1785 = arith.constant 0 : index
      %get3A_1786 = tpu.vector_load %arg16[%get3A_1784, %get3A_1785] {strides = array<i32>} : memref<16x128xf32, #tpu.memory_space<vmem>>, vector<16xf32>,
      %add3A_1787 = arith.addf %get3A_1782, %get3A_1786 : vector<16xf32>
      %swap3A_1788 = arith.constant 14 : i32
      %swap3A_1789 = arith.index_cast %swap3A_1788 : i32 to index
      %swap3A_1790 = arith.constant 0 : index
      %swap3A_1791 = tpu.vector_load %arg15[%swap3A_1789, %swap3A_1790] {strides = array<i32>} : memref<16x128xf32, #tpu.memory_space<vmem>>, vector<16xf32>,
      tpu.vector_store %arg15[%swap3A_1789, %swap3A_1790], %add3A_1787 {strides = array<i32>} : memref<16x128xf32, #tpu.memory_space<vmem>>, vector<16xf32>,
      %get3A_1792 = arith.constant 14 : i32
      %get3A_1793 = arith.index_cast %get3A_1792 : i32 to index
      %get3A_1794 = arith.constant 16 : index
      %get3A_1795 = tpu.vector_load %arg15[%get3A_1793, %get3A_1794] {strides = array<i32>} : memref<16x128xf32, #tpu.memory_space<vmem>>, vector<16xf32>,
      %get3A_1796 = arith.constant 14 : i32
      %get3A_1797 = arith.index_cast %get3A_1796 : i32 to index
      %get3A_1798 = arith.constant 16 : index
      %get3A_1799 = tpu.vector_load %arg16[%get3A_1797, %get3A_1798] {strides = array<i32>} : memref<16x128xf32, #tpu.memory_space<vmem>>, vector<16xf32>,
      %add3A_1800 = arith.addf %get3A_1795, %get3A_1799 : vector<16xf32>
      %swap3A_1801 = arith.constant 14 : i32
      %swap3A_1802 = arith.index_cast %swap3A_1801 : i32 to index
      %swap3A_1803 = arith.constant 16 : index
      %swap3A_1804 = tpu.vector_load %arg15[%swap3A_1802, %swap3A_1803] {strides = array<i32>} : memref<16x128xf32, #tpu.memory_space<vmem>>, vector<16xf32>,
      tpu.vector_store %arg15[%swap3A_1802, %swap3A_1803], %add3A_1800 {strides = array<i32>} : memref<16x128xf32, #tpu.memory_space<vmem>>, vector<16xf32>,
      %get3A_1805 = arith.constant 14 : i32
      %get3A_1806 = arith.index_cast %get3A_1805 : i32 to index
      %get3A_1807 = arith.constant 32 : index
      %get3A_1808 = tpu.vector_load %arg15[%get3A_1806, %get3A_1807] {strides = array<i32>} : memref<16x128xf32, #tpu.memory_space<vmem>>, vector<16xf32>,
      %get3A_1809 = arith.constant 14 : i32
      %get3A_1810 = arith.index_cast %get3A_1809 : i32 to index
      %get3A_1811 = arith.constant 32 : index
      %get3A_1812 = tpu.vector_load %arg16[%get3A_1810, %get3A_1811] {strides = array<i32>} : memref<16x128xf32, #tpu.memory_space<vmem>>, vector<16xf32>,
      %add3A_1813 = arith.addf %get3A_1808, %get3A_1812 : vector<16xf32>
      %swap3A_1814 = arith.constant 14 : i32
      %swap3A_1815 = arith.index_cast %swap3A_1814 : i32 to index
      %swap3A_1816 = arith.constant 32 : index
      %swap3A_1817 = tpu.vector_load %arg15[%swap3A_1815, %swap3A_1816] {strides = array<i32>} : memref<16x128xf32, #tpu.memory_space<vmem>>, vector<16xf32>,
      tpu.vector_store %arg15[%swap3A_1815, %swap3A_1816], %add3A_1813 {strides = array<i32>} : memref<16x128xf32, #tpu.memory_space<vmem>>, vector<16xf32>,
      %get3A_1818 = arith.constant 14 : i32
      %get3A_1819 = arith.index_cast %get3A_1818 : i32 to index
      %get3A_1820 = arith.constant 48 : index
      %get3A_1821 = tpu.vector_load %arg15[%get3A_1819, %get3A_1820] {strides = array<i32>} : memref<16x128xf32, #tpu.memory_space<vmem>>, vector<16xf32>,
      %get3A_1822 = arith.constant 14 : i32
      %get3A_1823 = arith.index_cast %get3A_1822 : i32 to index
      %get3A_1824 = arith.constant 48 : index
      %get3A_1825 = tpu.vector_load %arg16[%get3A_1823, %get3A_1824] {strides = array<i32>} : memref<16x128xf32, #tpu.memory_space<vmem>>, vector<16xf32>,
      %add3A_1826 = arith.addf %get3A_1821, %get3A_1825 : vector<16xf32>
      %swap3A_1827 = arith.constant 14 : i32
      %swap3A_1828 = arith.index_cast %swap3A_1827 : i32 to index
      %swap3A_1829 = arith.constant 48 : index
      %swap3A_1830 = tpu.vector_load %arg15[%swap3A_1828, %swap3A_1829] {strides = array<i32>} : memref<16x128xf32, #tpu.memory_space<vmem>>, vector<16xf32>,
      tpu.vector_store %arg15[%swap3A_1828, %swap3A_1829], %add3A_1826 {strides = array<i32>} : memref<16x128xf32, #tpu.memory_space<vmem>>, vector<16xf32>,
      %get3A_1831 = arith.constant 14 : i32
      %get3A_1832 = arith.index_cast %get3A_1831 : i32 to index
      %get3A_1833 = arith.constant 64 : index
      %get3A_1834 = tpu.vector_load %arg15[%get3A_1832, %get3A_1833] {strides = array<i32>} : memref<16x128xf32, #tpu.memory_space<vmem>>, vector<16xf32>,
      %get3A_1835 = arith.constant 14 : i32
      %get3A_1836 = arith.index_cast %get3A_1835 : i32 to index
      %get3A_1837 = arith.constant 64 : index
      %get3A_1838 = tpu.vector_load %arg16[%get3A_1836, %get3A_1837] {strides = array<i32>} : memref<16x128xf32, #tpu.memory_space<vmem>>, vector<16xf32>,
      %add3A_1839 = arith.addf %get3A_1834, %get3A_1838 : vector<16xf32>
      %swap3A_1840 = arith.constant 14 : i32
      %swap3A_1841 = arith.index_cast %swap3A_1840 : i32 to index
      %swap3A_1842 = arith.constant 64 : index
      %swap3A_1843 = tpu.vector_load %arg15[%swap3A_1841, %swap3A_1842] {strides = array<i32>} : memref<16x128xf32, #tpu.memory_space<vmem>>, vector<16xf32>,
      tpu.vector_store %arg15[%swap3A_1841, %swap3A_1842], %add3A_1839 {strides = array<i32>} : memref<16x128xf32, #tpu.memory_space<vmem>>, vector<16xf32>,
      %get3A_1844 = arith.constant 14 : i32
      %get3A_1845 = arith.index_cast %get3A_1844 : i32 to index
      %get3A_1846 = arith.constant 80 : index
      %get3A_1847 = tpu.vector_load %arg15[%get3A_1845, %get3A_1846] {strides = array<i32>} : memref<16x128xf32, #tpu.memory_space<vmem>>, vector<16xf32>,
      %get3A_1848 = arith.constant 14 : i32
      %get3A_1849 = arith.index_cast %get3A_1848 : i32 to index
      %get3A_1850 = arith.constant 80 : index
      %get3A_1851 = tpu.vector_load %arg16[%get3A_1849, %get3A_1850] {strides = array<i32>} : memref<16x128xf32, #tpu.memory_space<vmem>>, vector<16xf32>,
      %add3A_1852 = arith.addf %get3A_1847, %get3A_1851 : vector<16xf32>
      %swap3A_1853 = arith.constant 14 : i32
      %swap3A_1854 = arith.index_cast %swap3A_1853 : i32 to index
      %swap3A_1855 = arith.constant 80 : index
      %swap3A_1856 = tpu.vector_load %arg15[%swap3A_1854, %swap3A_1855] {strides = array<i32>} : memref<16x128xf32, #tpu.memory_space<vmem>>, vector<16xf32>,
      tpu.vector_store %arg15[%swap3A_1854, %swap3A_1855], %add3A_1852 {strides = array<i32>} : memref<16x128xf32, #tpu.memory_space<vmem>>, vector<16xf32>,
      %get3A_1857 = arith.constant 14 : i32
      %get3A_1858 = arith.index_cast %get3A_1857 : i32 to index
      %get3A_1859 = arith.constant 96 : index
      %get3A_1860 = tpu.vector_load %arg15[%get3A_1858, %get3A_1859] {strides = array<i32>} : memref<16x128xf32, #tpu.memory_space<vmem>>, vector<16xf32>,
      %get3A_1861 = arith.constant 14 : i32
      %get3A_1862 = arith.index_cast %get3A_1861 : i32 to index
      %get3A_1863 = arith.constant 96 : index
      %get3A_1864 = tpu.vector_load %arg16[%get3A_1862, %get3A_1863] {strides = array<i32>} : memref<16x128xf32, #tpu.memory_space<vmem>>, vector<16xf32>,
      %add3A_1865 = arith.addf %get3A_1860, %get3A_1864 : vector<16xf32>
      %swap3A_1866 = arith.constant 14 : i32
      %swap3A_1867 = arith.index_cast %swap3A_1866 : i32 to index
      %swap3A_1868 = arith.constant 96 : index
      %swap3A_1869 = tpu.vector_load %arg15[%swap3A_1867, %swap3A_1868] {strides = array<i32>} : memref<16x128xf32, #tpu.memory_space<vmem>>, vector<16xf32>,
      tpu.vector_store %arg15[%swap3A_1867, %swap3A_1868], %add3A_1865 {strides = array<i32>} : memref<16x128xf32, #tpu.memory_space<vmem>>, vector<16xf32>,
      %get3A_1870 = arith.constant 14 : i32
      %get3A_1871 = arith.index_cast %get3A_1870 : i32 to index
      %get3A_1872 = arith.constant 112 : index
      %get3A_1873 = tpu.vector_load %arg15[%get3A_1871, %get3A_1872] {strides = array<i32>} : memref<16x128xf32, #tpu.memory_space<vmem>>, vector<16xf32>,
      %get3A_1874 = arith.constant 14 : i32
      %get3A_1875 = arith.index_cast %get3A_1874 : i32 to index
      %get3A_1876 = arith.constant 112 : index
      %get3A_1877 = tpu.vector_load %arg16[%get3A_1875, %get3A_1876] {strides = array<i32>} : memref<16x128xf32, #tpu.memory_space<vmem>>, vector<16xf32>,
      %add3A_1878 = arith.addf %get3A_1873, %get3A_1877 : vector<16xf32>
      %swap3A_1879 = arith.constant 14 : i32
      %swap3A_1880 = arith.index_cast %swap3A_1879 : i32 to index
      %swap3A_1881 = arith.constant 112 : index
      %swap3A_1882 = tpu.vector_load %arg15[%swap3A_1880, %swap3A_1881] {strides = array<i32>} : memref<16x128xf32, #tpu.memory_space<vmem>>, vector<16xf32>,
      tpu.vector_store %arg15[%swap3A_1880, %swap3A_1881], %add3A_1878 {strides = array<i32>} : memref<16x128xf32, #tpu.memory_space<vmem>>, vector<16xf32>,
      %get3A_1883 = arith.constant 15 : i32
      %get3A_1884 = arith.index_cast %get3A_1883 : i32 to index
      %get3A_1885 = arith.constant 0 : index
      %get3A_1886 = tpu.vector_load %arg15[%get3A_1884, %get3A_1885] {strides = array<i32>} : memref<16x128xf32, #tpu.memory_space<vmem>>, vector<16xf32>,
      %get3A_1887 = arith.constant 15 : i32
      %get3A_1888 = arith.index_cast %get3A_1887 : i32 to index
      %get3A_1889 = arith.constant 0 : index
      %get3A_1890 = tpu.vector_load %arg16[%get3A_1888, %get3A_1889] {strides = array<i32>} : memref<16x128xf32, #tpu.memory_space<vmem>>, vector<16xf32>,
      %add3A_1891 = arith.addf %get3A_1886, %get3A_1890 : vector<16xf32>
      %swap3A_1892 = arith.constant 15 : i32
      %swap3A_1893 = arith.index_cast %swap3A_1892 : i32 to index
      %swap3A_1894 = arith.constant 0 : index
      %swap3A_1895 = tpu.vector_load %arg15[%swap3A_1893, %swap3A_1894] {strides = array<i32>} : memref<16x128xf32, #tpu.memory_space<vmem>>, vector<16xf32>,
      tpu.vector_store %arg15[%swap3A_1893, %swap3A_1894], %add3A_1891 {strides = array<i32>} : memref<16x128xf32, #tpu.memory_space<vmem>>, vector<16xf32>,
      %get3A_1896 = arith.constant 15 : i32
      %get3A_1897 = arith.index_cast %get3A_1896 : i32 to index
      %get3A_1898 = arith.constant 16 : index
      %get3A_1899 = tpu.vector_load %arg15[%get3A_1897, %get3A_1898] {strides = array<i32>} : memref<16x128xf32, #tpu.memory_space<vmem>>, vector<16xf32>,
      %get3A_1900 = arith.constant 15 : i32
      %get3A_1901 = arith.index_cast %get3A_1900 : i32 to index
      %get3A_1902 = arith.constant 16 : index
      %get3A_1903 = tpu.vector_load %arg16[%get3A_1901, %get3A_1902] {strides = array<i32>} : memref<16x128xf32, #tpu.memory_space<vmem>>, vector<16xf32>,
      %add3A_1904 = arith.addf %get3A_1899, %get3A_1903 : vector<16xf32>
      %swap3A_1905 = arith.constant 15 : i32
      %swap3A_1906 = arith.index_cast %swap3A_1905 : i32 to index
      %swap3A_1907 = arith.constant 16 : index
      %swap3A_1908 = tpu.vector_load %arg15[%swap3A_1906, %swap3A_1907] {strides = array<i32>} : memref<16x128xf32, #tpu.memory_space<vmem>>, vector<16xf32>,
      tpu.vector_store %arg15[%swap3A_1906, %swap3A_1907], %add3A_1904 {strides = array<i32>} : memref<16x128xf32, #tpu.memory_space<vmem>>, vector<16xf32>,
      %get3A_1909 = arith.constant 15 : i32
      %get3A_1910 = arith.index_cast %get3A_1909 : i32 to index
      %get3A_1911 = arith.constant 32 : index
      %get3A_1912 = tpu.vector_load %arg15[%get3A_1910, %get3A_1911] {strides = array<i32>} : memref<16x128xf32, #tpu.memory_space<vmem>>, vector<16xf32>,
      %get3A_1913 = arith.constant 15 : i32
      %get3A_1914 = arith.index_cast %get3A_1913 : i32 to index
      %get3A_1915 = arith.constant 32 : index
      %get3A_1916 = tpu.vector_load %arg16[%get3A_1914, %get3A_1915] {strides = array<i32>} : memref<16x128xf32, #tpu.memory_space<vmem>>, vector<16xf32>,
      %add3A_1917 = arith.addf %get3A_1912, %get3A_1916 : vector<16xf32>
      %swap3A_1918 = arith.constant 15 : i32
      %swap3A_1919 = arith.index_cast %swap3A_1918 : i32 to index
      %swap3A_1920 = arith.constant 32 : index
      %swap3A_1921 = tpu.vector_load %arg15[%swap3A_1919, %swap3A_1920] {strides = array<i32>} : memref<16x128xf32, #tpu.memory_space<vmem>>, vector<16xf32>,
      tpu.vector_store %arg15[%swap3A_1919, %swap3A_1920], %add3A_1917 {strides = array<i32>} : memref<16x128xf32, #tpu.memory_space<vmem>>, vector<16xf32>,
      %get3A_1922 = arith.constant 15 : i32
      %get3A_1923 = arith.index_cast %get3A_1922 : i32 to index
      %get3A_1924 = arith.constant 48 : index
      %get3A_1925 = tpu.vector_load %arg15[%get3A_1923, %get3A_1924] {strides = array<i32>} : memref<16x128xf32, #tpu.memory_space<vmem>>, vector<16xf32>,
      %get3A_1926 = arith.constant 15 : i32
      %get3A_1927 = arith.index_cast %get3A_1926 : i32 to index
      %get3A_1928 = arith.constant 48 : index
      %get3A_1929 = tpu.vector_load %arg16[%get3A_1927, %get3A_1928] {strides = array<i32>} : memref<16x128xf32, #tpu.memory_space<vmem>>, vector<16xf32>,
      %add3A_1930 = arith.addf %get3A_1925, %get3A_1929 : vector<16xf32>
      %swap3A_1931 = arith.constant 15 : i32
      %swap3A_1932 = arith.index_cast %swap3A_1931 : i32 to index
      %swap3A_1933 = arith.constant 48 : index
      %swap3A_1934 = tpu.vector_load %arg15[%swap3A_1932, %swap3A_1933] {strides = array<i32>} : memref<16x128xf32, #tpu.memory_space<vmem>>, vector<16xf32>,
      tpu.vector_store %arg15[%swap3A_1932, %swap3A_1933], %add3A_1930 {strides = array<i32>} : memref<16x128xf32, #tpu.memory_space<vmem>>, vector<16xf32>,
      %get3A_1935 = arith.constant 15 : i32
      %get3A_1936 = arith.index_cast %get3A_1935 : i32 to index
      %get3A_1937 = arith.constant 64 : index
      %get3A_1938 = tpu.vector_load %arg15[%get3A_1936, %get3A_1937] {strides = array<i32>} : memref<16x128xf32, #tpu.memory_space<vmem>>, vector<16xf32>,
      %get3A_1939 = arith.constant 15 : i32
      %get3A_1940 = arith.index_cast %get3A_1939 : i32 to index
      %get3A_1941 = arith.constant 64 : index
      %get3A_1942 = tpu.vector_load %arg16[%get3A_1940, %get3A_1941] {strides = array<i32>} : memref<16x128xf32, #tpu.memory_space<vmem>>, vector<16xf32>,
      %add3A_1943 = arith.addf %get3A_1938, %get3A_1942 : vector<16xf32>
      %swap3A_1944 = arith.constant 15 : i32
      %swap3A_1945 = arith.index_cast %swap3A_1944 : i32 to index
      %swap3A_1946 = arith.constant 64 : index
      %swap3A_1947 = tpu.vector_load %arg15[%swap3A_1945, %swap3A_1946] {strides = array<i32>} : memref<16x128xf32, #tpu.memory_space<vmem>>, vector<16xf32>,
      tpu.vector_store %arg15[%swap3A_1945, %swap3A_1946], %add3A_1943 {strides = array<i32>} : memref<16x128xf32, #tpu.memory_space<vmem>>, vector<16xf32>,
      %get3A_1948 = arith.constant 15 : i32
      %get3A_1949 = arith.index_cast %get3A_1948 : i32 to index
      %get3A_1950 = arith.constant 80 : index
      %get3A_1951 = tpu.vector_load %arg15[%get3A_1949, %get3A_1950] {strides = array<i32>} : memref<16x128xf32, #tpu.memory_space<vmem>>, vector<16xf32>,
      %get3A_1952 = arith.constant 15 : i32
      %get3A_1953 = arith.index_cast %get3A_1952 : i32 to index
      %get3A_1954 = arith.constant 80 : index
      %get3A_1955 = tpu.vector_load %arg16[%get3A_1953, %get3A_1954] {strides = array<i32>} : memref<16x128xf32, #tpu.memory_space<vmem>>, vector<16xf32>,
      %add3A_1956 = arith.addf %get3A_1951, %get3A_1955 : vector<16xf32>
      %swap3A_1957 = arith.constant 15 : i32
      %swap3A_1958 = arith.index_cast %swap3A_1957 : i32 to index
      %swap3A_1959 = arith.constant 80 : index
      %swap3A_1960 = tpu.vector_load %arg15[%swap3A_1958, %swap3A_1959] {strides = array<i32>} : memref<16x128xf32, #tpu.memory_space<vmem>>, vector<16xf32>,
      tpu.vector_store %arg15[%swap3A_1958, %swap3A_1959], %add3A_1956 {strides = array<i32>} : memref<16x128xf32, #tpu.memory_space<vmem>>, vector<16xf32>,
      %get3A_1961 = arith.constant 15 : i32
      %get3A_1962 = arith.index_cast %get3A_1961 : i32 to index
      %get3A_1963 = arith.constant 96 : index
      %get3A_1964 = tpu.vector_load %arg15[%get3A_1962, %get3A_1963] {strides = array<i32>} : memref<16x128xf32, #tpu.memory_space<vmem>>, vector<16xf32>,
      %get3A_1965 = arith.constant 15 : i32
      %get3A_1966 = arith.index_cast %get3A_1965 : i32 to index
      %get3A_1967 = arith.constant 96 : index
      %get3A_1968 = tpu.vector_load %arg16[%get3A_1966, %get3A_1967] {strides = array<i32>} : memref<16x128xf32, #tpu.memory_space<vmem>>, vector<16xf32>,
      %add3A_1969 = arith.addf %get3A_1964, %get3A_1968 : vector<16xf32>
      %swap3A_1970 = arith.constant 15 : i32
      %swap3A_1971 = arith.index_cast %swap3A_1970 : i32 to index
      %swap3A_1972 = arith.constant 96 : index
      %swap3A_1973 = tpu.vector_load %arg15[%swap3A_1971, %swap3A_1972] {strides = array<i32>} : memref<16x128xf32, #tpu.memory_space<vmem>>, vector<16xf32>,
      tpu.vector_store %arg15[%swap3A_1971, %swap3A_1972], %add3A_1969 {strides = array<i32>} : memref<16x128xf32, #tpu.memory_space<vmem>>, vector<16xf32>,
      %get3A_1974 = arith.constant 15 : i32
      %get3A_1975 = arith.index_cast %get3A_1974 : i32 to index
      %get3A_1976 = arith.constant 112 : index
      %get3A_1977 = tpu.vector_load %arg15[%get3A_1975, %get3A_1976] {strides = array<i32>} : memref<16x128xf32, #tpu.memory_space<vmem>>, vector<16xf32>,
      %get3A_1978 = arith.constant 15 : i32
      %get3A_1979 = arith.index_cast %get3A_1978 : i32 to index
      %get3A_1980 = arith.constant 112 : index
      %get3A_1981 = tpu.vector_load %arg16[%get3A_1979, %get3A_1980] {strides = array<i32>} : memref<16x128xf32, #tpu.memory_space<vmem>>, vector<16xf32>,
      %add3A_1982 = arith.addf %get3A_1977, %get3A_1981 : vector<16xf32>
      %swap3A_1983 = arith.constant 15 : i32
      %swap3A_1984 = arith.index_cast %swap3A_1983 : i32 to index
      %swap3A_1985 = arith.constant 112 : index
      %swap3A_1986 = tpu.vector_load %arg15[%swap3A_1984, %swap3A_1985] {strides = array<i32>} : memref<16x128xf32, #tpu.memory_space<vmem>>, vector<16xf32>,
      tpu.vector_store %arg15[%swap3A_1984, %swap3A_1985], %add3A_1982 {strides = array<i32>} : memref<16x128xf32, #tpu.memory_space<vmem>>, vector<16xf32>,
      "tpu.region"() ({
        %run_scoped3A = tpu.sem_alloc : memref<!tpu.dma_semaphore, #tpu.memory_space<semaphore_mem>>
        %dma_start3A_1988 = arith.constant 0 : i32
        %dma_start3A_1989 = arith.constant 0 : i32
        %dma_start3A_1990 = tpu.memref_slice %arg7[%dma_start3A_1988, %dma_start3A_1989] : memref<320008x128xf32, #tpu.memory_space<hbm>> -> memref<320008x128xf32, #tpu.memory_space<hbm>>
        tpu.enqueue_indirect_dma source(%arg15 : memref<16x128xf32, #tpu.memory_space<vmem>>) target(%dma_start3A_1990 : memref<320008x128xf32, #tpu.memory_space<hbm>>) offsets(%get3A_311 : vector<16xi32>) semaphore(%run_scoped3A : memref<!tpu.dma_semaphore, #tpu.memory_space<semaphore_mem>>)
        %dma_wait3A_1991 = arith.constant 0 : i32
        %dma_wait3A_1992 = arith.constant 0 : i32
        %dma_wait3A_1993 = tpu.memref_slice %arg7[%dma_wait3A_1991, %dma_wait3A_1992] : memref<320008x128xf32, #tpu.memory_space<hbm>> -> memref<320008x128xf32, #tpu.memory_space<hbm>>
        tpu.wait_indirect_dma semaphore(%run_scoped3A : memref<!tpu.dma_semaphore, #tpu.memory_space<semaphore_mem>>) src(%arg15 : memref<16x128xf32, #tpu.memory_space<vmem>>) dst(%dma_wait3A_1993 : memref<320008x128xf32, #tpu.memory_space<hbm>>)
        tpu.yield
      }) : () -> ()
      %while3A_1987 = arith.constant 0 : i32
      scf.yield %while3A_1987 : i32
    }
    %while3A_297 = arith.constant 1 : i32
    %while3A_298 = scf.for %while3A_299 = %while3A_294 to %while3A_290 step %while3A_297 iter_args(%while3A_300 = %while3A_296) -> (i32)  : i32 {
      %mul3A_301 = arith.constant 16 : i32
      %mul3A_302 = arith.muli %while3A_299, %mul3A_301 : i32
      %get3A = arith.index_cast %mul3A_302 : i32 to index
      %get3A_303 = tpu.vector_load %arg12[%get3A] {strides = array<i32>} : memref<10016xi32, #tpu.memory_space<vmem>>, vector<16xi32>,
      %mul3A_304 = arith.constant 16 : i32
      %mul3A_305 = arith.muli %while3A_299, %mul3A_304 : i32
      %get3A_306 = arith.index_cast %mul3A_305 : i32 to index
      %get3A_307 = tpu.vector_load %arg13[%get3A_306] {strides = array<i32>} : memref<10016xi32, #tpu.memory_space<vmem>>, vector<16xi32>,
      %mul3A_308 = arith.constant 16 : i32
      %mul3A_309 = arith.muli %while3A_299, %mul3A_308 : i32
      %get3A_310 = arith.index_cast %mul3A_309 : i32 to index
      %get3A_311 = tpu.vector_load %arg11[%get3A_310] {strides = array<i32>} : memref<10016xi32, #tpu.memory_space<vmem>>, vector<16xi32>,
      %dma_start3A_312 = arith.constant 0 : i32
      %dma_start3A_313 = arith.constant 0 : i32
      %dma_start3A_314 = tpu.memref_slice %arg4[%dma_start3A_312, %dma_start3A_313] : memref<10000x128xf32, #tpu.memory_space<hbm>> -> memref<10000x128xf32, #tpu.memory_space<hbm>>
      tpu.enqueue_indirect_dma source(%dma_start3A_314 : memref<10000x128xf32, #tpu.memory_space<hbm>>) target(%arg15 : memref<16x128xf32, #tpu.memory_space<vmem>>) offsets(%get3A_303 : vector<16xi32>) semaphore(%arg18 : memref<!tpu.dma_semaphore, #tpu.memory_space<semaphore_mem>>)
      %dma_start3A_315 = arith.constant 0 : i32
      %dma_start3A_316 = arith.constant 0 : i32
      %dma_start3A_317 = tpu.memref_slice %arg4[%dma_start3A_315, %dma_start3A_316] : memref<10000x128xf32, #tpu.memory_space<hbm>> -> memref<10000x128xf32, #tpu.memory_space<hbm>>
      tpu.enqueue_indirect_dma source(%dma_start3A_317 : memref<10000x128xf32, #tpu.memory_space<hbm>>) target(%arg16 : memref<16x128xf32, #tpu.memory_space<vmem>>) offsets(%get3A_307 : vector<16xi32>) semaphore(%arg18 : memref<!tpu.dma_semaphore, #tpu.memory_space<semaphore_mem>>)
      %dma_wait3A_318 = arith.constant 0 : i32
      %dma_wait3A_319 = arith.constant 0 : i32
      %dma_wait3A_320 = tpu.memref_slice %arg4[%dma_wait3A_318, %dma_wait3A_319] : memref<10000x128xf32, #tpu.memory_space<hbm>> -> memref<10000x128xf32, #tpu.memory_space<hbm>>
      tpu.wait_indirect_dma semaphore(%arg18 : memref<!tpu.dma_semaphore, #tpu.memory_space<semaphore_mem>>) src(%dma_wait3A_320 : memref<10000x128xf32, #tpu.memory_space<hbm>>) dst(%arg15 : memref<16x128xf32, #tpu.memory_space<vmem>>)
      %dma_wait3A_321 = arith.constant 0 : i32
      %dma_wait3A_322 = arith.constant 0 : i32
      %dma_wait3A_323 = tpu.memref_slice %arg4[%dma_wait3A_321, %dma_wait3A_322] : memref<10000x128xf32, #tpu.memory_space<hbm>> -> memref<10000x128xf32, #tpu.memory_space<hbm>>
      tpu.wait_indirect_dma semaphore(%arg18 : memref<!tpu.dma_semaphore, #tpu.memory_space<semaphore_mem>>) src(%dma_wait3A_323 : memref<10000x128xf32, #tpu.memory_space<hbm>>) dst(%arg16 : memref<16x128xf32, #tpu.memory_space<vmem>>)
      %get3A_324 = arith.constant 0 : i32
      %get3A_325 = arith.index_cast %get3A_324 : i32 to index
      %get3A_326 = arith.constant 0 : index
      %get3A_327 = tpu.vector_load %arg15[%get3A_325, %get3A_326] {strides = array<i32>} : memref<16x128xf32, #tpu.memory_space<vmem>>, vector<16xf32>,
      %get3A_328 = arith.constant 0 : i32
      %get3A_329 = arith.index_cast %get3A_328 : i32 to index
      %get3A_330 = arith.constant 0 : index
      %get3A_331 = tpu.vector_load %arg16[%get3A_329, %get3A_330] {strides = array<i32>} : memref<16x128xf32, #tpu.memory_space<vmem>>, vector<16xf32>,
      %add3A_332 = arith.addf %get3A_327, %get3A_331 : vector<16xf32>
      %swap3A = arith.constant 0 : i32
      %swap3A_333 = arith.index_cast %swap3A : i32 to index
      %swap3A_334 = arith.constant 0 : index
      %swap3A_335 = tpu.vector_load %arg15[%swap3A_333, %swap3A_334] {strides = array<i32>} : memref<16x128xf32, #tpu.memory_space<vmem>>, vector<16xf32>,
      tpu.vector_store %arg15[%swap3A_333, %swap3A_334], %add3A_332 {strides = array<i32>} : memref<16x128xf32, #tpu.memory_space<vmem>>, vector<16xf32>,
      %get3A_336 = arith.constant 0 : i32
      %get3A_337 = arith.index_cast %get3A_336 : i32 to index
      %get3A_338 = arith.constant 16 : index
      %get3A_339 = tpu.vector_load %arg15[%get3A_337, %get3A_338] {strides = array<i32>} : memref<16x128xf32, #tpu.memory_space<vmem>>, vector<16xf32>,
      %get3A_340 = arith.constant 0 : i32
      %get3A_341 = arith.index_cast %get3A_340 : i32 to index
      %get3A_342 = arith.constant 16 : index
      %get3A_343 = tpu.vector_load %arg16[%get3A_341, %get3A_342] {strides = array<i32>} : memref<16x128xf32, #tpu.memory_space<vmem>>, vector<16xf32>,
      %add3A_344 = arith.addf %get3A_339, %get3A_343 : vector<16xf32>
      %swap3A_345 = arith.constant 0 : i32
      %swap3A_346 = arith.index_cast %swap3A_345 : i32 to index
      %swap3A_347 = arith.constant 16 : index
      %swap3A_348 = tpu.vector_load %arg15[%swap3A_346, %swap3A_347] {strides = array<i32>} : memref<16x128xf32, #tpu.memory_space<vmem>>, vector<16xf32>,
      tpu.vector_store %arg15[%swap3A_346, %swap3A_347], %add3A_344 {strides = array<i32>} : memref<16x128xf32, #tpu.memory_space<vmem>>, vector<16xf32>,
      %get3A_349 = arith.constant 0 : i32
      %get3A_350 = arith.index_cast %get3A_349 : i32 to index
      %get3A_351 = arith.constant 32 : index
      %get3A_352 = tpu.vector_load %arg15[%get3A_350, %get3A_351] {strides = array<i32>} : memref<16x128xf32, #tpu.memory_space<vmem>>, vector<16xf32>,
      %get3A_353 = arith.constant 0 : i32
      %get3A_354 = arith.index_cast %get3A_353 : i32 to index
      %get3A_355 = arith.constant 32 : index
      %get3A_356 = tpu.vector_load %arg16[%get3A_354, %get3A_355] {strides = array<i32>} : memref<16x128xf32, #tpu.memory_space<vmem>>, vector<16xf32>,
      %add3A_357 = arith.addf %get3A_352, %get3A_356 : vector<16xf32>
      %swap3A_358 = arith.constant 0 : i32
      %swap3A_359 = arith.index_cast %swap3A_358 : i32 to index
      %swap3A_360 = arith.constant 32 : index
      %swap3A_361 = tpu.vector_load %arg15[%swap3A_359, %swap3A_360] {strides = array<i32>} : memref<16x128xf32, #tpu.memory_space<vmem>>, vector<16xf32>,
      tpu.vector_store %arg15[%swap3A_359, %swap3A_360], %add3A_357 {strides = array<i32>} : memref<16x128xf32, #tpu.memory_space<vmem>>, vector<16xf32>,
      %get3A_362 = arith.constant 0 : i32
      %get3A_363 = arith.index_cast %get3A_362 : i32 to index
      %get3A_364 = arith.constant 48 : index
      %get3A_365 = tpu.vector_load %arg15[%get3A_363, %get3A_364] {strides = array<i32>} : memref<16x128xf32, #tpu.memory_space<vmem>>, vector<16xf32>,
      %get3A_366 = arith.constant 0 : i32
      %get3A_367 = arith.index_cast %get3A_366 : i32 to index
      %get3A_368 = arith.constant 48 : index
      %get3A_369 = tpu.vector_load %arg16[%get3A_367, %get3A_368] {strides = array<i32>} : memref<16x128xf32, #tpu.memory_space<vmem>>, vector<16xf32>,
      %add3A_370 = arith.addf %get3A_365, %get3A_369 : vector<16xf32>
      %swap3A_371 = arith.constant 0 : i32
      %swap3A_372 = arith.index_cast %swap3A_371 : i32 to index
      %swap3A_373 = arith.constant 48 : index
      %swap3A_374 = tpu.vector_load %arg15[%swap3A_372, %swap3A_373] {strides = array<i32>} : memref<16x128xf32, #tpu.memory_space<vmem>>, vector<16xf32>,
      tpu.vector_store %arg15[%swap3A_372, %swap3A_373], %add3A_370 {strides = array<i32>} : memref<16x128xf32, #tpu.memory_space<vmem>>, vector<16xf32>,
      %get3A_375 = arith.constant 0 : i32
      %get3A_376 = arith.index_cast %get3A_375 : i32 to index
      %get3A_377 = arith.constant 64 : index
      %get3A_378 = tpu.vector_load %arg15[%get3A_376, %get3A_377] {strides = array<i32>} : memref<16x128xf32, #tpu.memory_space<vmem>>, vector<16xf32>,
      %get3A_379 = arith.constant 0 : i32
      %get3A_380 = arith.index_cast %get3A_379 : i32 to index
      %get3A_381 = arith.constant 64 : index
      %get3A_382 = tpu.vector_load %arg16[%get3A_380, %get3A_381] {strides = array<i32>} : memref<16x128xf32, #tpu.memory_space<vmem>>, vector<16xf32>,
      %add3A_383 = arith.addf %get3A_378, %get3A_382 : vector<16xf32>
      %swap3A_384 = arith.constant 0 : i32
      %swap3A_385 = arith.index_cast %swap3A_384 : i32 to index
      %swap3A_386 = arith.constant 64 : index
      %swap3A_387 = tpu.vector_load %arg15[%swap3A_385, %swap3A_386] {strides = array<i32>} : memref<16x128xf32, #tpu.memory_space<vmem>>, vector<16xf32>,
      tpu.vector_store %arg15[%swap3A_385, %swap3A_386], %add3A_383 {strides = array<i32>} : memref<16x128xf32, #tpu.memory_space<vmem>>, vector<16xf32>,
      %get3A_388 = arith.constant 0 : i32
      %get3A_389 = arith.index_cast %get3A_388 : i32 to index
      %get3A_390 = arith.constant 80 : index
      %get3A_391 = tpu.vector_load %arg15[%get3A_389, %get3A_390] {strides = array<i32>} : memref<16x128xf32, #tpu.memory_space<vmem>>, vector<16xf32>,
      %get3A_392 = arith.constant 0 : i32
      %get3A_393 = arith.index_cast %get3A_392 : i32 to index
      %get3A_394 = arith.constant 80 : index
      %get3A_395 = tpu.vector_load %arg16[%get3A_393, %get3A_394] {strides = array<i32>} : memref<16x128xf32, #tpu.memory_space<vmem>>, vector<16xf32>,
      %add3A_396 = arith.addf %get3A_391, %get3A_395 : vector<16xf32>
      %swap3A_397 = arith.constant 0 : i32
      %swap3A_398 = arith.index_cast %swap3A_397 : i32 to index
      %swap3A_399 = arith.constant 80 : index
      %swap3A_400 = tpu.vector_load %arg15[%swap3A_398, %swap3A_399] {strides = array<i32>} : memref<16x128xf32, #tpu.memory_space<vmem>>, vector<16xf32>,
      tpu.vector_store %arg15[%swap3A_398, %swap3A_399], %add3A_396 {strides = array<i32>} : memref<16x128xf32, #tpu.memory_space<vmem>>, vector<16xf32>,
      %get3A_401 = arith.constant 0 : i32
      %get3A_402 = arith.index_cast %get3A_401 : i32 to index
      %get3A_403 = arith.constant 96 : index
      %get3A_404 = tpu.vector_load %arg15[%get3A_402, %get3A_403] {strides = array<i32>} : memref<16x128xf32, #tpu.memory_space<vmem>>, vector<16xf32>,
      %get3A_405 = arith.constant 0 : i32
      %get3A_406 = arith.index_cast %get3A_405 : i32 to index
      %get3A_407 = arith.constant 96 : index
      %get3A_408 = tpu.vector_load %arg16[%get3A_406, %get3A_407] {strides = array<i32>} : memref<16x128xf32, #tpu.memory_space<vmem>>, vector<16xf32>,
      %add3A_409 = arith.addf %get3A_404, %get3A_408 : vector<16xf32>
      %swap3A_410 = arith.constant 0 : i32
      %swap3A_411 = arith.index_cast %swap3A_410 : i32 to index
      %swap3A_412 = arith.constant 96 : index
      %swap3A_413 = tpu.vector_load %arg15[%swap3A_411, %swap3A_412] {strides = array<i32>} : memref<16x128xf32, #tpu.memory_space<vmem>>, vector<16xf32>,
      tpu.vector_store %arg15[%swap3A_411, %swap3A_412], %add3A_409 {strides = array<i32>} : memref<16x128xf32, #tpu.memory_space<vmem>>, vector<16xf32>,
      %get3A_414 = arith.constant 0 : i32
      %get3A_415 = arith.index_cast %get3A_414 : i32 to index
      %get3A_416 = arith.constant 112 : index
      %get3A_417 = tpu.vector_load %arg15[%get3A_415, %get3A_416] {strides = array<i32>} : memref<16x128xf32, #tpu.memory_space<vmem>>, vector<16xf32>,
      %get3A_418 = arith.constant 0 : i32
      %get3A_419 = arith.index_cast %get3A_418 : i32 to index
      %get3A_420 = arith.constant 112 : index
      %get3A_421 = tpu.vector_load %arg16[%get3A_419, %get3A_420] {strides = array<i32>} : memref<16x128xf32, #tpu.memory_space<vmem>>, vector<16xf32>,
      %add3A_422 = arith.addf %get3A_417, %get3A_421 : vector<16xf32>
      %swap3A_423 = arith.constant 0 : i32
      %swap3A_424 = arith.index_cast %swap3A_423 : i32 to index
      %swap3A_425 = arith.constant 112 : index
      %swap3A_426 = tpu.vector_load %arg15[%swap3A_424, %swap3A_425] {strides = array<i32>} : memref<16x128xf32, #tpu.memory_space<vmem>>, vector<16xf32>,
      tpu.vector_store %arg15[%swap3A_424, %swap3A_425], %add3A_422 {strides = array<i32>} : memref<16x128xf32, #tpu.memory_space<vmem>>, vector<16xf32>,
      %get3A_427 = arith.constant 1 : i32
      %get3A_428 = arith.index_cast %get3A_427 : i32 to index
      %get3A_429 = arith.constant 0 : index
      %get3A_430 = tpu.vector_load %arg15[%get3A_428, %get3A_429] {strides = array<i32>} : memref<16x128xf32, #tpu.memory_space<vmem>>, vector<16xf32>,
      %get3A_431 = arith.constant 1 : i32
      %get3A_432 = arith.index_cast %get3A_431 : i32 to index
      %get3A_433 = arith.constant 0 : index
      %get3A_434 = tpu.vector_load %arg16[%get3A_432, %get3A_433] {strides = array<i32>} : memref<16x128xf32, #tpu.memory_space<vmem>>, vector<16xf32>,
      %add3A_435 = arith.addf %get3A_430, %get3A_434 : vector<16xf32>
      %swap3A_436 = arith.constant 1 : i32
      %swap3A_437 = arith.index_cast %swap3A_436 : i32 to index
      %swap3A_438 = arith.constant 0 : index
      %swap3A_439 = tpu.vector_load %arg15[%swap3A_437, %swap3A_438] {strides = array<i32>} : memref<16x128xf32, #tpu.memory_space<vmem>>, vector<16xf32>,
      tpu.vector_store %arg15[%swap3A_437, %swap3A_438], %add3A_435 {strides = array<i32>} : memref<16x128xf32, #tpu.memory_space<vmem>>, vector<16xf32>,
      %get3A_440 = arith.constant 1 : i32
      %get3A_441 = arith.index_cast %get3A_440 : i32 to index
      %get3A_442 = arith.constant 16 : index
      %get3A_443 = tpu.vector_load %arg15[%get3A_441, %get3A_442] {strides = array<i32>} : memref<16x128xf32, #tpu.memory_space<vmem>>, vector<16xf32>,
      %get3A_444 = arith.constant 1 : i32
      %get3A_445 = arith.index_cast %get3A_444 : i32 to index
      %get3A_446 = arith.constant 16 : index
      %get3A_447 = tpu.vector_load %arg16[%get3A_445, %get3A_446] {strides = array<i32>} : memref<16x128xf32, #tpu.memory_space<vmem>>, vector<16xf32>,
      %add3A_448 = arith.addf %get3A_443, %get3A_447 : vector<16xf32>
      %swap3A_449 = arith.constant 1 : i32
      %swap3A_450 = arith.index_cast %swap3A_449 : i32 to index
      %swap3A_451 = arith.constant 16 : index
      %swap3A_452 = tpu.vector_load %arg15[%swap3A_450, %swap3A_451] {strides = array<i32>} : memref<16x128xf32, #tpu.memory_space<vmem>>, vector<16xf32>,
      tpu.vector_store %arg15[%swap3A_450, %swap3A_451], %add3A_448 {strides = array<i32>} : memref<16x128xf32, #tpu.memory_space<vmem>>, vector<16xf32>,
      %get3A_453 = arith.constant 1 : i32
      %get3A_454 = arith.index_cast %get3A_453 : i32 to index
      %get3A_455 = arith.constant 32 : index
      %get3A_456 = tpu.vector_load %arg15[%get3A_454, %get3A_455] {strides = array<i32>} : memref<16x128xf32, #tpu.memory_space<vmem>>, vector<16xf32>,
      %get3A_457 = arith.constant 1 : i32
      %get3A_458 = arith.index_cast %get3A_457 : i32 to index
      %get3A_459 = arith.constant 32 : index
      %get3A_460 = tpu.vector_load %arg16[%get3A_458, %get3A_459] {strides = array<i32>} : memref<16x128xf32, #tpu.memory_space<vmem>>, vector<16xf32>,
      %add3A_461 = arith.addf %get3A_456, %get3A_460 : vector<16xf32>
      %swap3A_462 = arith.constant 1 : i32
      %swap3A_463 = arith.index_cast %swap3A_462 : i32 to index
      %swap3A_464 = arith.constant 32 : index
      %swap3A_465 = tpu.vector_load %arg15[%swap3A_463, %swap3A_464] {strides = array<i32>} : memref<16x128xf32, #tpu.memory_space<vmem>>, vector<16xf32>,
      tpu.vector_store %arg15[%swap3A_463, %swap3A_464], %add3A_461 {strides = array<i32>} : memref<16x128xf32, #tpu.memory_space<vmem>>, vector<16xf32>,
      %get3A_466 = arith.constant 1 : i32
      %get3A_467 = arith.index_cast %get3A_466 : i32 to index
      %get3A_468 = arith.constant 48 : index
      %get3A_469 = tpu.vector_load %arg15[%get3A_467, %get3A_468] {strides = array<i32>} : memref<16x128xf32, #tpu.memory_space<vmem>>, vector<16xf32>,
      %get3A_470 = arith.constant 1 : i32
      %get3A_471 = arith.index_cast %get3A_470 : i32 to index
      %get3A_472 = arith.constant 48 : index
      %get3A_473 = tpu.vector_load %arg16[%get3A_471, %get3A_472] {strides = array<i32>} : memref<16x128xf32, #tpu.memory_space<vmem>>, vector<16xf32>,
      %add3A_474 = arith.addf %get3A_469, %get3A_473 : vector<16xf32>
      %swap3A_475 = arith.constant 1 : i32
      %swap3A_476 = arith.index_cast %swap3A_475 : i32 to index
      %swap3A_477 = arith.constant 48 : index
      %swap3A_478 = tpu.vector_load %arg15[%swap3A_476, %swap3A_477] {strides = array<i32>} : memref<16x128xf32, #tpu.memory_space<vmem>>, vector<16xf32>,
      tpu.vector_store %arg15[%swap3A_476, %swap3A_477], %add3A_474 {strides = array<i32>} : memref<16x128xf32, #tpu.memory_space<vmem>>, vector<16xf32>,
      %get3A_479 = arith.constant 1 : i32
      %get3A_480 = arith.index_cast %get3A_479 : i32 to index
      %get3A_481 = arith.constant 64 : index
      %get3A_482 = tpu.vector_load %arg15[%get3A_480, %get3A_481] {strides = array<i32>} : memref<16x128xf32, #tpu.memory_space<vmem>>, vector<16xf32>,
      %get3A_483 = arith.constant 1 : i32
      %get3A_484 = arith.index_cast %get3A_483 : i32 to index
      %get3A_485 = arith.constant 64 : index
      %get3A_486 = tpu.vector_load %arg16[%get3A_484, %get3A_485] {strides = array<i32>} : memref<16x128xf32, #tpu.memory_space<vmem>>, vector<16xf32>,
      %add3A_487 = arith.addf %get3A_482, %get3A_486 : vector<16xf32>
      %swap3A_488 = arith.constant 1 : i32
      %swap3A_489 = arith.index_cast %swap3A_488 : i32 to index
      %swap3A_490 = arith.constant 64 : index
      %swap3A_491 = tpu.vector_load %arg15[%swap3A_489, %swap3A_490] {strides = array<i32>} : memref<16x128xf32, #tpu.memory_space<vmem>>, vector<16xf32>,
      tpu.vector_store %arg15[%swap3A_489, %swap3A_490], %add3A_487 {strides = array<i32>} : memref<16x128xf32, #tpu.memory_space<vmem>>, vector<16xf32>,
      %get3A_492 = arith.constant 1 : i32
      %get3A_493 = arith.index_cast %get3A_492 : i32 to index
      %get3A_494 = arith.constant 80 : index
      %get3A_495 = tpu.vector_load %arg15[%get3A_493, %get3A_494] {strides = array<i32>} : memref<16x128xf32, #tpu.memory_space<vmem>>, vector<16xf32>,
      %get3A_496 = arith.constant 1 : i32
      %get3A_497 = arith.index_cast %get3A_496 : i32 to index
      %get3A_498 = arith.constant 80 : index
      %get3A_499 = tpu.vector_load %arg16[%get3A_497, %get3A_498] {strides = array<i32>} : memref<16x128xf32, #tpu.memory_space<vmem>>, vector<16xf32>,
      %add3A_500 = arith.addf %get3A_495, %get3A_499 : vector<16xf32>
      %swap3A_501 = arith.constant 1 : i32
      %swap3A_502 = arith.index_cast %swap3A_501 : i32 to index
      %swap3A_503 = arith.constant 80 : index
      %swap3A_504 = tpu.vector_load %arg15[%swap3A_502, %swap3A_503] {strides = array<i32>} : memref<16x128xf32, #tpu.memory_space<vmem>>, vector<16xf32>,
      tpu.vector_store %arg15[%swap3A_502, %swap3A_503], %add3A_500 {strides = array<i32>} : memref<16x128xf32, #tpu.memory_space<vmem>>, vector<16xf32>,
      %get3A_505 = arith.constant 1 : i32
      %get3A_506 = arith.index_cast %get3A_505 : i32 to index
      %get3A_507 = arith.constant 96 : index
      %get3A_508 = tpu.vector_load %arg15[%get3A_506, %get3A_507] {strides = array<i32>} : memref<16x128xf32, #tpu.memory_space<vmem>>, vector<16xf32>,
      %get3A_509 = arith.constant 1 : i32
      %get3A_510 = arith.index_cast %get3A_509 : i32 to index
      %get3A_511 = arith.constant 96 : index
      %get3A_512 = tpu.vector_load %arg16[%get3A_510, %get3A_511] {strides = array<i32>} : memref<16x128xf32, #tpu.memory_space<vmem>>, vector<16xf32>,
      %add3A_513 = arith.addf %get3A_508, %get3A_512 : vector<16xf32>
      %swap3A_514 = arith.constant 1 : i32
      %swap3A_515 = arith.index_cast %swap3A_514 : i32 to index
      %swap3A_516 = arith.constant 96 : index
      %swap3A_517 = tpu.vector_load %arg15[%swap3A_515, %swap3A_516] {strides = array<i32>} : memref<16x128xf32, #tpu.memory_space<vmem>>, vector<16xf32>,
      tpu.vector_store %arg15[%swap3A_515, %swap3A_516], %add3A_513 {strides = array<i32>} : memref<16x128xf32, #tpu.memory_space<vmem>>, vector<16xf32>,
      %get3A_518 = arith.constant 1 : i32
      %get3A_519 = arith.index_cast %get3A_518 : i32 to index
      %get3A_520 = arith.constant 112 : index
      %get3A_521 = tpu.vector_load %arg15[%get3A_519, %get3A_520] {strides = array<i32>} : memref<16x128xf32, #tpu.memory_space<vmem>>, vector<16xf32>,
      %get3A_522 = arith.constant 1 : i32
      %get3A_523 = arith.index_cast %get3A_522 : i32 to index
      %get3A_524 = arith.constant 112 : index
      %get3A_525 = tpu.vector_load %arg16[%get3A_523, %get3A_524] {strides = array<i32>} : memref<16x128xf32, #tpu.memory_space<vmem>>, vector<16xf32>,
      %add3A_526 = arith.addf %get3A_521, %get3A_525 : vector<16xf32>
      %swap3A_527 = arith.constant 1 : i32
      %swap3A_528 = arith.index_cast %swap3A_527 : i32 to index
      %swap3A_529 = arith.constant 112 : index
      %swap3A_530 = tpu.vector_load %arg15[%swap3A_528, %swap3A_529] {strides = array<i32>} : memref<16x128xf32, #tpu.memory_space<vmem>>, vector<16xf32>,
      tpu.vector_store %arg15[%swap3A_528, %swap3A_529], %add3A_526 {strides = array<i32>} : memref<16x128xf32, #tpu.memory_space<vmem>>, vector<16xf32>,
      %get3A_531 = arith.constant 2 : i32
      %get3A_532 = arith.index_cast %get3A_531 : i32 to index
      %get3A_533 = arith.constant 0 : index
      %get3A_534 = tpu.vector_load %arg15[%get3A_532, %get3A_533] {strides = array<i32>} : memref<16x128xf32, #tpu.memory_space<vmem>>, vector<16xf32>,
      %get3A_535 = arith.constant 2 : i32
      %get3A_536 = arith.index_cast %get3A_535 : i32 to index
      %get3A_537 = arith.constant 0 : index
      %get3A_538 = tpu.vector_load %arg16[%get3A_536, %get3A_537] {strides = array<i32>} : memref<16x128xf32, #tpu.memory_space<vmem>>, vector<16xf32>,
      %add3A_539 = arith.addf %get3A_534, %get3A_538 : vector<16xf32>
      %swap3A_540 = arith.constant 2 : i32
      %swap3A_541 = arith.index_cast %swap3A_540 : i32 to index
      %swap3A_542 = arith.constant 0 : index
      %swap3A_543 = tpu.vector_load %arg15[%swap3A_541, %swap3A_542] {strides = array<i32>} : memref<16x128xf32, #tpu.memory_space<vmem>>, vector<16xf32>,
      tpu.vector_store %arg15[%swap3A_541, %swap3A_542], %add3A_539 {strides = array<i32>} : memref<16x128xf32, #tpu.memory_space<vmem>>, vector<16xf32>,
      %get3A_544 = arith.constant 2 : i32
      %get3A_545 = arith.index_cast %get3A_544 : i32 to index
      %get3A_546 = arith.constant 16 : index
      %get3A_547 = tpu.vector_load %arg15[%get3A_545, %get3A_546] {strides = array<i32>} : memref<16x128xf32, #tpu.memory_space<vmem>>, vector<16xf32>,
      %get3A_548 = arith.constant 2 : i32
      %get3A_549 = arith.index_cast %get3A_548 : i32 to index
      %get3A_550 = arith.constant 16 : index
      %get3A_551 = tpu.vector_load %arg16[%get3A_549, %get3A_550] {strides = array<i32>} : memref<16x128xf32, #tpu.memory_space<vmem>>, vector<16xf32>,
      %add3A_552 = arith.addf %get3A_547, %get3A_551 : vector<16xf32>
      %swap3A_553 = arith.constant 2 : i32
      %swap3A_554 = arith.index_cast %swap3A_553 : i32 to index
      %swap3A_555 = arith.constant 16 : index
      %swap3A_556 = tpu.vector_load %arg15[%swap3A_554, %swap3A_555] {strides = array<i32>} : memref<16x128xf32, #tpu.memory_space<vmem>>, vector<16xf32>,
      tpu.vector_store %arg15[%swap3A_554, %swap3A_555], %add3A_552 {strides = array<i32>} : memref<16x128xf32, #tpu.memory_space<vmem>>, vector<16xf32>,
      %get3A_557 = arith.constant 2 : i32
      %get3A_558 = arith.index_cast %get3A_557 : i32 to index
      %get3A_559 = arith.constant 32 : index
      %get3A_560 = tpu.vector_load %arg15[%get3A_558, %get3A_559] {strides = array<i32>} : memref<16x128xf32, #tpu.memory_space<vmem>>, vector<16xf32>,
      %get3A_561 = arith.constant 2 : i32
      %get3A_562 = arith.index_cast %get3A_561 : i32 to index
      %get3A_563 = arith.constant 32 : index
      %get3A_564 = tpu.vector_load %arg16[%get3A_562, %get3A_563] {strides = array<i32>} : memref<16x128xf32, #tpu.memory_space<vmem>>, vector<16xf32>,
      %add3A_565 = arith.addf %get3A_560, %get3A_564 : vector<16xf32>
      %swap3A_566 = arith.constant 2 : i32
      %swap3A_567 = arith.index_cast %swap3A_566 : i32 to index
      %swap3A_568 = arith.constant 32 : index
      %swap3A_569 = tpu.vector_load %arg15[%swap3A_567, %swap3A_568] {strides = array<i32>} : memref<16x128xf32, #tpu.memory_space<vmem>>, vector<16xf32>,
      tpu.vector_store %arg15[%swap3A_567, %swap3A_568], %add3A_565 {strides = array<i32>} : memref<16x128xf32, #tpu.memory_space<vmem>>, vector<16xf32>,
      %get3A_570 = arith.constant 2 : i32
      %get3A_571 = arith.index_cast %get3A_570 : i32 to index
      %get3A_572 = arith.constant 48 : index
      %get3A_573 = tpu.vector_load %arg15[%get3A_571, %get3A_572] {strides = array<i32>} : memref<16x128xf32, #tpu.memory_space<vmem>>, vector<16xf32>,
      %get3A_574 = arith.constant 2 : i32
      %get3A_575 = arith.index_cast %get3A_574 : i32 to index
      %get3A_576 = arith.constant 48 : index
      %get3A_577 = tpu.vector_load %arg16[%get3A_575, %get3A_576] {strides = array<i32>} : memref<16x128xf32, #tpu.memory_space<vmem>>, vector<16xf32>,
      %add3A_578 = arith.addf %get3A_573, %get3A_577 : vector<16xf32>
      %swap3A_579 = arith.constant 2 : i32
      %swap3A_580 = arith.index_cast %swap3A_579 : i32 to index
      %swap3A_581 = arith.constant 48 : index
      %swap3A_582 = tpu.vector_load %arg15[%swap3A_580, %swap3A_581] {strides = array<i32>} : memref<16x128xf32, #tpu.memory_space<vmem>>, vector<16xf32>,
      tpu.vector_store %arg15[%swap3A_580, %swap3A_581], %add3A_578 {strides = array<i32>} : memref<16x128xf32, #tpu.memory_space<vmem>>, vector<16xf32>,
      %get3A_583 = arith.constant 2 : i32
      %get3A_584 = arith.index_cast %get3A_583 : i32 to index
      %get3A_585 = arith.constant 64 : index
      %get3A_586 = tpu.vector_load %arg15[%get3A_584, %get3A_585] {strides = array<i32>} : memref<16x128xf32, #tpu.memory_space<vmem>>, vector<16xf32>,
      %get3A_587 = arith.constant 2 : i32
      %get3A_588 = arith.index_cast %get3A_587 : i32 to index
      %get3A_589 = arith.constant 64 : index
      %get3A_590 = tpu.vector_load %arg16[%get3A_588, %get3A_589] {strides = array<i32>} : memref<16x128xf32, #tpu.memory_space<vmem>>, vector<16xf32>,
      %add3A_591 = arith.addf %get3A_586, %get3A_590 : vector<16xf32>
      %swap3A_592 = arith.constant 2 : i32
      %swap3A_593 = arith.index_cast %swap3A_592 : i32 to index
      %swap3A_594 = arith.constant 64 : index
      %swap3A_595 = tpu.vector_load %arg15[%swap3A_593, %swap3A_594] {strides = array<i32>} : memref<16x128xf32, #tpu.memory_space<vmem>>, vector<16xf32>,
      tpu.vector_store %arg15[%swap3A_593, %swap3A_594], %add3A_591 {strides = array<i32>} : memref<16x128xf32, #tpu.memory_space<vmem>>, vector<16xf32>,
      %get3A_596 = arith.constant 2 : i32
      %get3A_597 = arith.index_cast %get3A_596 : i32 to index
      %get3A_598 = arith.constant 80 : index
      %get3A_599 = tpu.vector_load %arg15[%get3A_597, %get3A_598] {strides = array<i32>} : memref<16x128xf32, #tpu.memory_space<vmem>>, vector<16xf32>,
      %get3A_600 = arith.constant 2 : i32
      %get3A_601 = arith.index_cast %get3A_600 : i32 to index
      %get3A_602 = arith.constant 80 : index
      %get3A_603 = tpu.vector_load %arg16[%get3A_601, %get3A_602] {strides = array<i32>} : memref<16x128xf32, #tpu.memory_space<vmem>>, vector<16xf32>,
      %add3A_604 = arith.addf %get3A_599, %get3A_603 : vector<16xf32>
      %swap3A_605 = arith.constant 2 : i32
      %swap3A_606 = arith.index_cast %swap3A_605 : i32 to index
      %swap3A_607 = arith.constant 80 : index
      %swap3A_608 = tpu.vector_load %arg15[%swap3A_606, %swap3A_607] {strides = array<i32>} : memref<16x128xf32, #tpu.memory_space<vmem>>, vector<16xf32>,
      tpu.vector_store %arg15[%swap3A_606, %swap3A_607], %add3A_604 {strides = array<i32>} : memref<16x128xf32, #tpu.memory_space<vmem>>, vector<16xf32>,
      %get3A_609 = arith.constant 2 : i32
      %get3A_610 = arith.index_cast %get3A_609 : i32 to index
      %get3A_611 = arith.constant 96 : index
      %get3A_612 = tpu.vector_load %arg15[%get3A_610, %get3A_611] {strides = array<i32>} : memref<16x128xf32, #tpu.memory_space<vmem>>, vector<16xf32>,
      %get3A_613 = arith.constant 2 : i32
      %get3A_614 = arith.index_cast %get3A_613 : i32 to index
      %get3A_615 = arith.constant 96 : index
      %get3A_616 = tpu.vector_load %arg16[%get3A_614, %get3A_615] {strides = array<i32>} : memref<16x128xf32, #tpu.memory_space<vmem>>, vector<16xf32>,
      %add3A_617 = arith.addf %get3A_612, %get3A_616 : vector<16xf32>
      %swap3A_618 = arith.constant 2 : i32
      %swap3A_619 = arith.index_cast %swap3A_618 : i32 to index
      %swap3A_620 = arith.constant 96 : index
      %swap3A_621 = tpu.vector_load %arg15[%swap3A_619, %swap3A_620] {strides = array<i32>} : memref<16x128xf32, #tpu.memory_space<vmem>>, vector<16xf32>,
      tpu.vector_store %arg15[%swap3A_619, %swap3A_620], %add3A_617 {strides = array<i32>} : memref<16x128xf32, #tpu.memory_space<vmem>>, vector<16xf32>,
      %get3A_622 = arith.constant 2 : i32
      %get3A_623 = arith.index_cast %get3A_622 : i32 to index
      %get3A_624 = arith.constant 112 : index
      %get3A_625 = tpu.vector_load %arg15[%get3A_623, %get3A_624] {strides = array<i32>} : memref<16x128xf32, #tpu.memory_space<vmem>>, vector<16xf32>,
      %get3A_626 = arith.constant 2 : i32
      %get3A_627 = arith.index_cast %get3A_626 : i32 to index
      %get3A_628 = arith.constant 112 : index
      %get3A_629 = tpu.vector_load %arg16[%get3A_627, %get3A_628] {strides = array<i32>} : memref<16x128xf32, #tpu.memory_space<vmem>>, vector<16xf32>,
      %add3A_630 = arith.addf %get3A_625, %get3A_629 : vector<16xf32>
      %swap3A_631 = arith.constant 2 : i32
      %swap3A_632 = arith.index_cast %swap3A_631 : i32 to index
      %swap3A_633 = arith.constant 112 : index
      %swap3A_634 = tpu.vector_load %arg15[%swap3A_632, %swap3A_633] {strides = array<i32>} : memref<16x128xf32, #tpu.memory_space<vmem>>, vector<16xf32>,
      tpu.vector_store %arg15[%swap3A_632, %swap3A_633], %add3A_630 {strides = array<i32>} : memref<16x128xf32, #tpu.memory_space<vmem>>, vector<16xf32>,
      %get3A_635 = arith.constant 3 : i32
      %get3A_636 = arith.index_cast %get3A_635 : i32 to index
      %get3A_637 = arith.constant 0 : index
      %get3A_638 = tpu.vector_load %arg15[%get3A_636, %get3A_637] {strides = array<i32>} : memref<16x128xf32, #tpu.memory_space<vmem>>, vector<16xf32>,
      %get3A_639 = arith.constant 3 : i32
      %get3A_640 = arith.index_cast %get3A_639 : i32 to index
      %get3A_641 = arith.constant 0 : index
      %get3A_642 = tpu.vector_load %arg16[%get3A_640, %get3A_641] {strides = array<i32>} : memref<16x128xf32, #tpu.memory_space<vmem>>, vector<16xf32>,
      %add3A_643 = arith.addf %get3A_638, %get3A_642 : vector<16xf32>
      %swap3A_644 = arith.constant 3 : i32
      %swap3A_645 = arith.index_cast %swap3A_644 : i32 to index
      %swap3A_646 = arith.constant 0 : index
      %swap3A_647 = tpu.vector_load %arg15[%swap3A_645, %swap3A_646] {strides = array<i32>} : memref<16x128xf32, #tpu.memory_space<vmem>>, vector<16xf32>,
      tpu.vector_store %arg15[%swap3A_645, %swap3A_646], %add3A_643 {strides = array<i32>} : memref<16x128xf32, #tpu.memory_space<vmem>>, vector<16xf32>,
      %get3A_648 = arith.constant 3 : i32
      %get3A_649 = arith.index_cast %get3A_648 : i32 to index
      %get3A_650 = arith.constant 16 : index
      %get3A_651 = tpu.vector_load %arg15[%get3A_649, %get3A_650] {strides = array<i32>} : memref<16x128xf32, #tpu.memory_space<vmem>>, vector<16xf32>,
      %get3A_652 = arith.constant 3 : i32
      %get3A_653 = arith.index_cast %get3A_652 : i32 to index
      %get3A_654 = arith.constant 16 : index
      %get3A_655 = tpu.vector_load %arg16[%get3A_653, %get3A_654] {strides = array<i32>} : memref<16x128xf32, #tpu.memory_space<vmem>>, vector<16xf32>,
      %add3A_656 = arith.addf %get3A_651, %get3A_655 : vector<16xf32>
      %swap3A_657 = arith.constant 3 : i32
      %swap3A_658 = arith.index_cast %swap3A_657 : i32 to index
      %swap3A_659 = arith.constant 16 : index
      %swap3A_660 = tpu.vector_load %arg15[%swap3A_658, %swap3A_659] {strides = array<i32>} : memref<16x128xf32, #tpu.memory_space<vmem>>, vector<16xf32>,
      tpu.vector_store %arg15[%swap3A_658, %swap3A_659], %add3A_656 {strides = array<i32>} : memref<16x128xf32, #tpu.memory_space<vmem>>, vector<16xf32>,
      %get3A_661 = arith.constant 3 : i32
      %get3A_662 = arith.index_cast %get3A_661 : i32 to index
      %get3A_663 = arith.constant 32 : index
      %get3A_664 = tpu.vector_load %arg15[%get3A_662, %get3A_663] {strides = array<i32>} : memref<16x128xf32, #tpu.memory_space<vmem>>, vector<16xf32>,
      %get3A_665 = arith.constant 3 : i32
      %get3A_666 = arith.index_cast %get3A_665 : i32 to index
      %get3A_667 = arith.constant 32 : index
      %get3A_668 = tpu.vector_load %arg16[%get3A_666, %get3A_667] {strides = array<i32>} : memref<16x128xf32, #tpu.memory_space<vmem>>, vector<16xf32>,
      %add3A_669 = arith.addf %get3A_664, %get3A_668 : vector<16xf32>
      %swap3A_670 = arith.constant 3 : i32
      %swap3A_671 = arith.index_cast %swap3A_670 : i32 to index
      %swap3A_672 = arith.constant 32 : index
      %swap3A_673 = tpu.vector_load %arg15[%swap3A_671, %swap3A_672] {strides = array<i32>} : memref<16x128xf32, #tpu.memory_space<vmem>>, vector<16xf32>,
      tpu.vector_store %arg15[%swap3A_671, %swap3A_672], %add3A_669 {strides = array<i32>} : memref<16x128xf32, #tpu.memory_space<vmem>>, vector<16xf32>,
      %get3A_674 = arith.constant 3 : i32
      %get3A_675 = arith.index_cast %get3A_674 : i32 to index
      %get3A_676 = arith.constant 48 : index
      %get3A_677 = tpu.vector_load %arg15[%get3A_675, %get3A_676] {strides = array<i32>} : memref<16x128xf32, #tpu.memory_space<vmem>>, vector<16xf32>,
      %get3A_678 = arith.constant 3 : i32
      %get3A_679 = arith.index_cast %get3A_678 : i32 to index
      %get3A_680 = arith.constant 48 : index
      %get3A_681 = tpu.vector_load %arg16[%get3A_679, %get3A_680] {strides = array<i32>} : memref<16x128xf32, #tpu.memory_space<vmem>>, vector<16xf32>,
      %add3A_682 = arith.addf %get3A_677, %get3A_681 : vector<16xf32>
      %swap3A_683 = arith.constant 3 : i32
      %swap3A_684 = arith.index_cast %swap3A_683 : i32 to index
      %swap3A_685 = arith.constant 48 : index
      %swap3A_686 = tpu.vector_load %arg15[%swap3A_684, %swap3A_685] {strides = array<i32>} : memref<16x128xf32, #tpu.memory_space<vmem>>, vector<16xf32>,
      tpu.vector_store %arg15[%swap3A_684, %swap3A_685], %add3A_682 {strides = array<i32>} : memref<16x128xf32, #tpu.memory_space<vmem>>, vector<16xf32>,
      %get3A_687 = arith.constant 3 : i32
      %get3A_688 = arith.index_cast %get3A_687 : i32 to index
      %get3A_689 = arith.constant 64 : index
      %get3A_690 = tpu.vector_load %arg15[%get3A_688, %get3A_689] {strides = array<i32>} : memref<16x128xf32, #tpu.memory_space<vmem>>, vector<16xf32>,
      %get3A_691 = arith.constant 3 : i32
      %get3A_692 = arith.index_cast %get3A_691 : i32 to index
      %get3A_693 = arith.constant 64 : index
      %get3A_694 = tpu.vector_load %arg16[%get3A_692, %get3A_693] {strides = array<i32>} : memref<16x128xf32, #tpu.memory_space<vmem>>, vector<16xf32>,
      %add3A_695 = arith.addf %get3A_690, %get3A_694 : vector<16xf32>
      %swap3A_696 = arith.constant 3 : i32
      %swap3A_697 = arith.index_cast %swap3A_696 : i32 to index
      %swap3A_698 = arith.constant 64 : index
      %swap3A_699 = tpu.vector_load %arg15[%swap3A_697, %swap3A_698] {strides = array<i32>} : memref<16x128xf32, #tpu.memory_space<vmem>>, vector<16xf32>,
      tpu.vector_store %arg15[%swap3A_697, %swap3A_698], %add3A_695 {strides = array<i32>} : memref<16x128xf32, #tpu.memory_space<vmem>>, vector<16xf32>,
      %get3A_700 = arith.constant 3 : i32
      %get3A_701 = arith.index_cast %get3A_700 : i32 to index
      %get3A_702 = arith.constant 80 : index
      %get3A_703 = tpu.vector_load %arg15[%get3A_701, %get3A_702] {strides = array<i32>} : memref<16x128xf32, #tpu.memory_space<vmem>>, vector<16xf32>,
      %get3A_704 = arith.constant 3 : i32
      %get3A_705 = arith.index_cast %get3A_704 : i32 to index
      %get3A_706 = arith.constant 80 : index
      %get3A_707 = tpu.vector_load %arg16[%get3A_705, %get3A_706] {strides = array<i32>} : memref<16x128xf32, #tpu.memory_space<vmem>>, vector<16xf32>,
      %add3A_708 = arith.addf %get3A_703, %get3A_707 : vector<16xf32>
      %swap3A_709 = arith.constant 3 : i32
      %swap3A_710 = arith.index_cast %swap3A_709 : i32 to index
      %swap3A_711 = arith.constant 80 : index
      %swap3A_712 = tpu.vector_load %arg15[%swap3A_710, %swap3A_711] {strides = array<i32>} : memref<16x128xf32, #tpu.memory_space<vmem>>, vector<16xf32>,
      tpu.vector_store %arg15[%swap3A_710, %swap3A_711], %add3A_708 {strides = array<i32>} : memref<16x128xf32, #tpu.memory_space<vmem>>, vector<16xf32>,
      %get3A_713 = arith.constant 3 : i32
      %get3A_714 = arith.index_cast %get3A_713 : i32 to index
      %get3A_715 = arith.constant 96 : index
      %get3A_716 = tpu.vector_load %arg15[%get3A_714, %get3A_715] {strides = array<i32>} : memref<16x128xf32, #tpu.memory_space<vmem>>, vector<16xf32>,
      %get3A_717 = arith.constant 3 : i32
      %get3A_718 = arith.index_cast %get3A_717 : i32 to index
      %get3A_719 = arith.constant 96 : index
      %get3A_720 = tpu.vector_load %arg16[%get3A_718, %get3A_719] {strides = array<i32>} : memref<16x128xf32, #tpu.memory_space<vmem>>, vector<16xf32>,
      %add3A_721 = arith.addf %get3A_716, %get3A_720 : vector<16xf32>
      %swap3A_722 = arith.constant 3 : i32
      %swap3A_723 = arith.index_cast %swap3A_722 : i32 to index
      %swap3A_724 = arith.constant 96 : index
      %swap3A_725 = tpu.vector_load %arg15[%swap3A_723, %swap3A_724] {strides = array<i32>} : memref<16x128xf32, #tpu.memory_space<vmem>>, vector<16xf32>,
      tpu.vector_store %arg15[%swap3A_723, %swap3A_724], %add3A_721 {strides = array<i32>} : memref<16x128xf32, #tpu.memory_space<vmem>>, vector<16xf32>,
      %get3A_726 = arith.constant 3 : i32
      %get3A_727 = arith.index_cast %get3A_726 : i32 to index
      %get3A_728 = arith.constant 112 : index
      %get3A_729 = tpu.vector_load %arg15[%get3A_727, %get3A_728] {strides = array<i32>} : memref<16x128xf32, #tpu.memory_space<vmem>>, vector<16xf32>,
      %get3A_730 = arith.constant 3 : i32
      %get3A_731 = arith.index_cast %get3A_730 : i32 to index
      %get3A_732 = arith.constant 112 : index
      %get3A_733 = tpu.vector_load %arg16[%get3A_731, %get3A_732] {strides = array<i32>} : memref<16x128xf32, #tpu.memory_space<vmem>>, vector<16xf32>,
      %add3A_734 = arith.addf %get3A_729, %get3A_733 : vector<16xf32>
      %swap3A_735 = arith.constant 3 : i32
      %swap3A_736 = arith.index_cast %swap3A_735 : i32 to index
      %swap3A_737 = arith.constant 112 : index
      %swap3A_738 = tpu.vector_load %arg15[%swap3A_736, %swap3A_737] {strides = array<i32>} : memref<16x128xf32, #tpu.memory_space<vmem>>, vector<16xf32>,
      tpu.vector_store %arg15[%swap3A_736, %swap3A_737], %add3A_734 {strides = array<i32>} : memref<16x128xf32, #tpu.memory_space<vmem>>, vector<16xf32>,
      %get3A_739 = arith.constant 4 : i32
      %get3A_740 = arith.index_cast %get3A_739 : i32 to index
      %get3A_741 = arith.constant 0 : index
      %get3A_742 = tpu.vector_load %arg15[%get3A_740, %get3A_741] {strides = array<i32>} : memref<16x128xf32, #tpu.memory_space<vmem>>, vector<16xf32>,
      %get3A_743 = arith.constant 4 : i32
      %get3A_744 = arith.index_cast %get3A_743 : i32 to index
      %get3A_745 = arith.constant 0 : index
      %get3A_746 = tpu.vector_load %arg16[%get3A_744, %get3A_745] {strides = array<i32>} : memref<16x128xf32, #tpu.memory_space<vmem>>, vector<16xf32>,
      %add3A_747 = arith.addf %get3A_742, %get3A_746 : vector<16xf32>
      %swap3A_748 = arith.constant 4 : i32
      %swap3A_749 = arith.index_cast %swap3A_748 : i32 to index
      %swap3A_750 = arith.constant 0 : index
      %swap3A_751 = tpu.vector_load %arg15[%swap3A_749, %swap3A_750] {strides = array<i32>} : memref<16x128xf32, #tpu.memory_space<vmem>>, vector<16xf32>,
      tpu.vector_store %arg15[%swap3A_749, %swap3A_750], %add3A_747 {strides = array<i32>} : memref<16x128xf32, #tpu.memory_space<vmem>>, vector<16xf32>,
      %get3A_752 = arith.constant 4 : i32
      %get3A_753 = arith.index_cast %get3A_752 : i32 to index
      %get3A_754 = arith.constant 16 : index
      %get3A_755 = tpu.vector_load %arg15[%get3A_753, %get3A_754] {strides = array<i32>} : memref<16x128xf32, #tpu.memory_space<vmem>>, vector<16xf32>,
      %get3A_756 = arith.constant 4 : i32
      %get3A_757 = arith.index_cast %get3A_756 : i32 to index
      %get3A_758 = arith.constant 16 : index
      %get3A_759 = tpu.vector_load %arg16[%get3A_757, %get3A_758] {strides = array<i32>} : memref<16x128xf32, #tpu.memory_space<vmem>>, vector<16xf32>,
      %add3A_760 = arith.addf %get3A_755, %get3A_759 : vector<16xf32>
      %swap3A_761 = arith.constant 4 : i32
      %swap3A_762 = arith.index_cast %swap3A_761 : i32 to index
      %swap3A_763 = arith.constant 16 : index
      %swap3A_764 = tpu.vector_load %arg15[%swap3A_762, %swap3A_763] {strides = array<i32>} : memref<16x128xf32, #tpu.memory_space<vmem>>, vector<16xf32>,
      tpu.vector_store %arg15[%swap3A_762, %swap3A_763], %add3A_760 {strides = array<i32>} : memref<16x128xf32, #tpu.memory_space<vmem>>, vector<16xf32>,
      %get3A_765 = arith.constant 4 : i32
      %get3A_766 = arith.index_cast %get3A_765 : i32 to index
      %get3A_767 = arith.constant 32 : index
      %get3A_768 = tpu.vector_load %arg15[%get3A_766, %get3A_767] {strides = array<i32>} : memref<16x128xf32, #tpu.memory_space<vmem>>, vector<16xf32>,
      %get3A_769 = arith.constant 4 : i32
      %get3A_770 = arith.index_cast %get3A_769 : i32 to index
      %get3A_771 = arith.constant 32 : index
      %get3A_772 = tpu.vector_load %arg16[%get3A_770, %get3A_771] {strides = array<i32>} : memref<16x128xf32, #tpu.memory_space<vmem>>, vector<16xf32>,
      %add3A_773 = arith.addf %get3A_768, %get3A_772 : vector<16xf32>
      %swap3A_774 = arith.constant 4 : i32
      %swap3A_775 = arith.index_cast %swap3A_774 : i32 to index
      %swap3A_776 = arith.constant 32 : index
      %swap3A_777 = tpu.vector_load %arg15[%swap3A_775, %swap3A_776] {strides = array<i32>} : memref<16x128xf32, #tpu.memory_space<vmem>>, vector<16xf32>,
      tpu.vector_store %arg15[%swap3A_775, %swap3A_776], %add3A_773 {strides = array<i32>} : memref<16x128xf32, #tpu.memory_space<vmem>>, vector<16xf32>,
      %get3A_778 = arith.constant 4 : i32
      %get3A_779 = arith.index_cast %get3A_778 : i32 to index
      %get3A_780 = arith.constant 48 : index
      %get3A_781 = tpu.vector_load %arg15[%get3A_779, %get3A_780] {strides = array<i32>} : memref<16x128xf32, #tpu.memory_space<vmem>>, vector<16xf32>,
      %get3A_782 = arith.constant 4 : i32
      %get3A_783 = arith.index_cast %get3A_782 : i32 to index
      %get3A_784 = arith.constant 48 : index
      %get3A_785 = tpu.vector_load %arg16[%get3A_783, %get3A_784] {strides = array<i32>} : memref<16x128xf32, #tpu.memory_space<vmem>>, vector<16xf32>,
      %add3A_786 = arith.addf %get3A_781, %get3A_785 : vector<16xf32>
      %swap3A_787 = arith.constant 4 : i32
      %swap3A_788 = arith.index_cast %swap3A_787 : i32 to index
      %swap3A_789 = arith.constant 48 : index
      %swap3A_790 = tpu.vector_load %arg15[%swap3A_788, %swap3A_789] {strides = array<i32>} : memref<16x128xf32, #tpu.memory_space<vmem>>, vector<16xf32>,
      tpu.vector_store %arg15[%swap3A_788, %swap3A_789], %add3A_786 {strides = array<i32>} : memref<16x128xf32, #tpu.memory_space<vmem>>, vector<16xf32>,
      %get3A_791 = arith.constant 4 : i32
      %get3A_792 = arith.index_cast %get3A_791 : i32 to index
      %get3A_793 = arith.constant 64 : index
      %get3A_794 = tpu.vector_load %arg15[%get3A_792, %get3A_793] {strides = array<i32>} : memref<16x128xf32, #tpu.memory_space<vmem>>, vector<16xf32>,
      %get3A_795 = arith.constant 4 : i32
      %get3A_796 = arith.index_cast %get3A_795 : i32 to index
      %get3A_797 = arith.constant 64 : index
      %get3A_798 = tpu.vector_load %arg16[%get3A_796, %get3A_797] {strides = array<i32>} : memref<16x128xf32, #tpu.memory_space<vmem>>, vector<16xf32>,
      %add3A_799 = arith.addf %get3A_794, %get3A_798 : vector<16xf32>
      %swap3A_800 = arith.constant 4 : i32
      %swap3A_801 = arith.index_cast %swap3A_800 : i32 to index
      %swap3A_802 = arith.constant 64 : index
      %swap3A_803 = tpu.vector_load %arg15[%swap3A_801, %swap3A_802] {strides = array<i32>} : memref<16x128xf32, #tpu.memory_space<vmem>>, vector<16xf32>,
      tpu.vector_store %arg15[%swap3A_801, %swap3A_802], %add3A_799 {strides = array<i32>} : memref<16x128xf32, #tpu.memory_space<vmem>>, vector<16xf32>,
      %get3A_804 = arith.constant 4 : i32
      %get3A_805 = arith.index_cast %get3A_804 : i32 to index
      %get3A_806 = arith.constant 80 : index
      %get3A_807 = tpu.vector_load %arg15[%get3A_805, %get3A_806] {strides = array<i32>} : memref<16x128xf32, #tpu.memory_space<vmem>>, vector<16xf32>,
      %get3A_808 = arith.constant 4 : i32
      %get3A_809 = arith.index_cast %get3A_808 : i32 to index
      %get3A_810 = arith.constant 80 : index
      %get3A_811 = tpu.vector_load %arg16[%get3A_809, %get3A_810] {strides = array<i32>} : memref<16x128xf32, #tpu.memory_space<vmem>>, vector<16xf32>,
      %add3A_812 = arith.addf %get3A_807, %get3A_811 : vector<16xf32>
      %swap3A_813 = arith.constant 4 : i32
      %swap3A_814 = arith.index_cast %swap3A_813 : i32 to index
      %swap3A_815 = arith.constant 80 : index
      %swap3A_816 = tpu.vector_load %arg15[%swap3A_814, %swap3A_815] {strides = array<i32>} : memref<16x128xf32, #tpu.memory_space<vmem>>, vector<16xf32>,
      tpu.vector_store %arg15[%swap3A_814, %swap3A_815], %add3A_812 {strides = array<i32>} : memref<16x128xf32, #tpu.memory_space<vmem>>, vector<16xf32>,
      %get3A_817 = arith.constant 4 : i32
      %get3A_818 = arith.index_cast %get3A_817 : i32 to index
      %get3A_819 = arith.constant 96 : index
      %get3A_820 = tpu.vector_load %arg15[%get3A_818, %get3A_819] {strides = array<i32>} : memref<16x128xf32, #tpu.memory_space<vmem>>, vector<16xf32>,
      %get3A_821 = arith.constant 4 : i32
      %get3A_822 = arith.index_cast %get3A_821 : i32 to index
      %get3A_823 = arith.constant 96 : index
      %get3A_824 = tpu.vector_load %arg16[%get3A_822, %get3A_823] {strides = array<i32>} : memref<16x128xf32, #tpu.memory_space<vmem>>, vector<16xf32>,
      %add3A_825 = arith.addf %get3A_820, %get3A_824 : vector<16xf32>
      %swap3A_826 = arith.constant 4 : i32
      %swap3A_827 = arith.index_cast %swap3A_826 : i32 to index
      %swap3A_828 = arith.constant 96 : index
      %swap3A_829 = tpu.vector_load %arg15[%swap3A_827, %swap3A_828] {strides = array<i32>} : memref<16x128xf32, #tpu.memory_space<vmem>>, vector<16xf32>,
      tpu.vector_store %arg15[%swap3A_827, %swap3A_828], %add3A_825 {strides = array<i32>} : memref<16x128xf32, #tpu.memory_space<vmem>>, vector<16xf32>,
      %get3A_830 = arith.constant 4 : i32
      %get3A_831 = arith.index_cast %get3A_830 : i32 to index
      %get3A_832 = arith.constant 112 : index
      %get3A_833 = tpu.vector_load %arg15[%get3A_831, %get3A_832] {strides = array<i32>} : memref<16x128xf32, #tpu.memory_space<vmem>>, vector<16xf32>,
      %get3A_834 = arith.constant 4 : i32
      %get3A_835 = arith.index_cast %get3A_834 : i32 to index
      %get3A_836 = arith.constant 112 : index
      %get3A_837 = tpu.vector_load %arg16[%get3A_835, %get3A_836] {strides = array<i32>} : memref<16x128xf32, #tpu.memory_space<vmem>>, vector<16xf32>,
      %add3A_838 = arith.addf %get3A_833, %get3A_837 : vector<16xf32>
      %swap3A_839 = arith.constant 4 : i32
      %swap3A_840 = arith.index_cast %swap3A_839 : i32 to index
      %swap3A_841 = arith.constant 112 : index
      %swap3A_842 = tpu.vector_load %arg15[%swap3A_840, %swap3A_841] {strides = array<i32>} : memref<16x128xf32, #tpu.memory_space<vmem>>, vector<16xf32>,
      tpu.vector_store %arg15[%swap3A_840, %swap3A_841], %add3A_838 {strides = array<i32>} : memref<16x128xf32, #tpu.memory_space<vmem>>, vector<16xf32>,
      %get3A_843 = arith.constant 5 : i32
      %get3A_844 = arith.index_cast %get3A_843 : i32 to index
      %get3A_845 = arith.constant 0 : index
      %get3A_846 = tpu.vector_load %arg15[%get3A_844, %get3A_845] {strides = array<i32>} : memref<16x128xf32, #tpu.memory_space<vmem>>, vector<16xf32>,
      %get3A_847 = arith.constant 5 : i32
      %get3A_848 = arith.index_cast %get3A_847 : i32 to index
      %get3A_849 = arith.constant 0 : index
      %get3A_850 = tpu.vector_load %arg16[%get3A_848, %get3A_849] {strides = array<i32>} : memref<16x128xf32, #tpu.memory_space<vmem>>, vector<16xf32>,
      %add3A_851 = arith.addf %get3A_846, %get3A_850 : vector<16xf32>
      %swap3A_852 = arith.constant 5 : i32
      %swap3A_853 = arith.index_cast %swap3A_852 : i32 to index
      %swap3A_854 = arith.constant 0 : index
      %swap3A_855 = tpu.vector_load %arg15[%swap3A_853, %swap3A_854] {strides = array<i32>} : memref<16x128xf32, #tpu.memory_space<vmem>>, vector<16xf32>,
      tpu.vector_store %arg15[%swap3A_853, %swap3A_854], %add3A_851 {strides = array<i32>} : memref<16x128xf32, #tpu.memory_space<vmem>>, vector<16xf32>,
      %get3A_856 = arith.constant 5 : i32
      %get3A_857 = arith.index_cast %get3A_856 : i32 to index
      %get3A_858 = arith.constant 16 : index
      %get3A_859 = tpu.vector_load %arg15[%get3A_857, %get3A_858] {strides = array<i32>} : memref<16x128xf32, #tpu.memory_space<vmem>>, vector<16xf32>,
      %get3A_860 = arith.constant 5 : i32
      %get3A_861 = arith.index_cast %get3A_860 : i32 to index
      %get3A_862 = arith.constant 16 : index
      %get3A_863 = tpu.vector_load %arg16[%get3A_861, %get3A_862] {strides = array<i32>} : memref<16x128xf32, #tpu.memory_space<vmem>>, vector<16xf32>,
      %add3A_864 = arith.addf %get3A_859, %get3A_863 : vector<16xf32>
      %swap3A_865 = arith.constant 5 : i32
      %swap3A_866 = arith.index_cast %swap3A_865 : i32 to index
      %swap3A_867 = arith.constant 16 : index
      %swap3A_868 = tpu.vector_load %arg15[%swap3A_866, %swap3A_867] {strides = array<i32>} : memref<16x128xf32, #tpu.memory_space<vmem>>, vector<16xf32>,
      tpu.vector_store %arg15[%swap3A_866, %swap3A_867], %add3A_864 {strides = array<i32>} : memref<16x128xf32, #tpu.memory_space<vmem>>, vector<16xf32>,
      %get3A_869 = arith.constant 5 : i32
      %get3A_870 = arith.index_cast %get3A_869 : i32 to index
      %get3A_871 = arith.constant 32 : index
      %get3A_872 = tpu.vector_load %arg15[%get3A_870, %get3A_871] {strides = array<i32>} : memref<16x128xf32, #tpu.memory_space<vmem>>, vector<16xf32>,
      %get3A_873 = arith.constant 5 : i32
      %get3A_874 = arith.index_cast %get3A_873 : i32 to index
      %get3A_875 = arith.constant 32 : index
      %get3A_876 = tpu.vector_load %arg16[%get3A_874, %get3A_875] {strides = array<i32>} : memref<16x128xf32, #tpu.memory_space<vmem>>, vector<16xf32>,
      %add3A_877 = arith.addf %get3A_872, %get3A_876 : vector<16xf32>
      %swap3A_878 = arith.constant 5 : i32
      %swap3A_879 = arith.index_cast %swap3A_878 : i32 to index
      %swap3A_880 = arith.constant 32 : index
      %swap3A_881 = tpu.vector_load %arg15[%swap3A_879, %swap3A_880] {strides = array<i32>} : memref<16x128xf32, #tpu.memory_space<vmem>>, vector<16xf32>,
      tpu.vector_store %arg15[%swap3A_879, %swap3A_880], %add3A_877 {strides = array<i32>} : memref<16x128xf32, #tpu.memory_space<vmem>>, vector<16xf32>,
      %get3A_882 = arith.constant 5 : i32
      %get3A_883 = arith.index_cast %get3A_882 : i32 to index
      %get3A_884 = arith.constant 48 : index
      %get3A_885 = tpu.vector_load %arg15[%get3A_883, %get3A_884] {strides = array<i32>} : memref<16x128xf32, #tpu.memory_space<vmem>>, vector<16xf32>,
      %get3A_886 = arith.constant 5 : i32
      %get3A_887 = arith.index_cast %get3A_886 : i32 to index
      %get3A_888 = arith.constant 48 : index
      %get3A_889 = tpu.vector_load %arg16[%get3A_887, %get3A_888] {strides = array<i32>} : memref<16x128xf32, #tpu.memory_space<vmem>>, vector<16xf32>,
      %add3A_890 = arith.addf %get3A_885, %get3A_889 : vector<16xf32>
      %swap3A_891 = arith.constant 5 : i32
      %swap3A_892 = arith.index_cast %swap3A_891 : i32 to index
      %swap3A_893 = arith.constant 48 : index
      %swap3A_894 = tpu.vector_load %arg15[%swap3A_892, %swap3A_893] {strides = array<i32>} : memref<16x128xf32, #tpu.memory_space<vmem>>, vector<16xf32>,
      tpu.vector_store %arg15[%swap3A_892, %swap3A_893], %add3A_890 {strides = array<i32>} : memref<16x128xf32, #tpu.memory_space<vmem>>, vector<16xf32>,
      %get3A_895 = arith.constant 5 : i32
      %get3A_896 = arith.index_cast %get3A_895 : i32 to index
      %get3A_897 = arith.constant 64 : index
      %get3A_898 = tpu.vector_load %arg15[%get3A_896, %get3A_897] {strides = array<i32>} : memref<16x128xf32, #tpu.memory_space<vmem>>, vector<16xf32>,
      %get3A_899 = arith.constant 5 : i32
      %get3A_900 = arith.index_cast %get3A_899 : i32 to index
      %get3A_901 = arith.constant 64 : index
      %get3A_902 = tpu.vector_load %arg16[%get3A_900, %get3A_901] {strides = array<i32>} : memref<16x128xf32, #tpu.memory_space<vmem>>, vector<16xf32>,
      %add3A_903 = arith.addf %get3A_898, %get3A_902 : vector<16xf32>
      %swap3A_904 = arith.constant 5 : i32
      %swap3A_905 = arith.index_cast %swap3A_904 : i32 to index
      %swap3A_906 = arith.constant 64 : index
      %swap3A_907 = tpu.vector_load %arg15[%swap3A_905, %swap3A_906] {strides = array<i32>} : memref<16x128xf32, #tpu.memory_space<vmem>>, vector<16xf32>,
      tpu.vector_store %arg15[%swap3A_905, %swap3A_906], %add3A_903 {strides = array<i32>} : memref<16x128xf32, #tpu.memory_space<vmem>>, vector<16xf32>,
      %get3A_908 = arith.constant 5 : i32
      %get3A_909 = arith.index_cast %get3A_908 : i32 to index
      %get3A_910 = arith.constant 80 : index
      %get3A_911 = tpu.vector_load %arg15[%get3A_909, %get3A_910] {strides = array<i32>} : memref<16x128xf32, #tpu.memory_space<vmem>>, vector<16xf32>,
      %get3A_912 = arith.constant 5 : i32
      %get3A_913 = arith.index_cast %get3A_912 : i32 to index
      %get3A_914 = arith.constant 80 : index
      %get3A_915 = tpu.vector_load %arg16[%get3A_913, %get3A_914] {strides = array<i32>} : memref<16x128xf32, #tpu.memory_space<vmem>>, vector<16xf32>,
      %add3A_916 = arith.addf %get3A_911, %get3A_915 : vector<16xf32>
      %swap3A_917 = arith.constant 5 : i32
      %swap3A_918 = arith.index_cast %swap3A_917 : i32 to index
      %swap3A_919 = arith.constant 80 : index
      %swap3A_920 = tpu.vector_load %arg15[%swap3A_918, %swap3A_919] {strides = array<i32>} : memref<16x128xf32, #tpu.memory_space<vmem>>, vector<16xf32>,
      tpu.vector_store %arg15[%swap3A_918, %swap3A_919], %add3A_916 {strides = array<i32>} : memref<16x128xf32, #tpu.memory_space<vmem>>, vector<16xf32>,
      %get3A_921 = arith.constant 5 : i32
      %get3A_922 = arith.index_cast %get3A_921 : i32 to index
      %get3A_923 = arith.constant 96 : index
      %get3A_924 = tpu.vector_load %arg15[%get3A_922, %get3A_923] {strides = array<i32>} : memref<16x128xf32, #tpu.memory_space<vmem>>, vector<16xf32>,
      %get3A_925 = arith.constant 5 : i32
      %get3A_926 = arith.index_cast %get3A_925 : i32 to index
      %get3A_927 = arith.constant 96 : index
      %get3A_928 = tpu.vector_load %arg16[%get3A_926, %get3A_927] {strides = array<i32>} : memref<16x128xf32, #tpu.memory_space<vmem>>, vector<16xf32>,
      %add3A_929 = arith.addf %get3A_924, %get3A_928 : vector<16xf32>
      %swap3A_930 = arith.constant 5 : i32
      %swap3A_931 = arith.index_cast %swap3A_930 : i32 to index
      %swap3A_932 = arith.constant 96 : index
      %swap3A_933 = tpu.vector_load %arg15[%swap3A_931, %swap3A_932] {strides = array<i32>} : memref<16x128xf32, #tpu.memory_space<vmem>>, vector<16xf32>,
      tpu.vector_store %arg15[%swap3A_931, %swap3A_932], %add3A_929 {strides = array<i32>} : memref<16x128xf32, #tpu.memory_space<vmem>>, vector<16xf32>,
      %get3A_934 = arith.constant 5 : i32
      %get3A_935 = arith.index_cast %get3A_934 : i32 to index
      %get3A_936 = arith.constant 112 : index
      %get3A_937 = tpu.vector_load %arg15[%get3A_935, %get3A_936] {strides = array<i32>} : memref<16x128xf32, #tpu.memory_space<vmem>>, vector<16xf32>,
      %get3A_938 = arith.constant 5 : i32
      %get3A_939 = arith.index_cast %get3A_938 : i32 to index
      %get3A_940 = arith.constant 112 : index
      %get3A_941 = tpu.vector_load %arg16[%get3A_939, %get3A_940] {strides = array<i32>} : memref<16x128xf32, #tpu.memory_space<vmem>>, vector<16xf32>,
      %add3A_942 = arith.addf %get3A_937, %get3A_941 : vector<16xf32>
      %swap3A_943 = arith.constant 5 : i32
      %swap3A_944 = arith.index_cast %swap3A_943 : i32 to index
      %swap3A_945 = arith.constant 112 : index
      %swap3A_946 = tpu.vector_load %arg15[%swap3A_944, %swap3A_945] {strides = array<i32>} : memref<16x128xf32, #tpu.memory_space<vmem>>, vector<16xf32>,
      tpu.vector_store %arg15[%swap3A_944, %swap3A_945], %add3A_942 {strides = array<i32>} : memref<16x128xf32, #tpu.memory_space<vmem>>, vector<16xf32>,
      %get3A_947 = arith.constant 6 : i32
      %get3A_948 = arith.index_cast %get3A_947 : i32 to index
      %get3A_949 = arith.constant 0 : index
      %get3A_950 = tpu.vector_load %arg15[%get3A_948, %get3A_949] {strides = array<i32>} : memref<16x128xf32, #tpu.memory_space<vmem>>, vector<16xf32>,
      %get3A_951 = arith.constant 6 : i32
      %get3A_952 = arith.index_cast %get3A_951 : i32 to index
      %get3A_953 = arith.constant 0 : index
      %get3A_954 = tpu.vector_load %arg16[%get3A_952, %get3A_953] {strides = array<i32>} : memref<16x128xf32, #tpu.memory_space<vmem>>, vector<16xf32>,
      %add3A_955 = arith.addf %get3A_950, %get3A_954 : vector<16xf32>
      %swap3A_956 = arith.constant 6 : i32
      %swap3A_957 = arith.index_cast %swap3A_956 : i32 to index
      %swap3A_958 = arith.constant 0 : index
      %swap3A_959 = tpu.vector_load %arg15[%swap3A_957, %swap3A_958] {strides = array<i32>} : memref<16x128xf32, #tpu.memory_space<vmem>>, vector<16xf32>,
      tpu.vector_store %arg15[%swap3A_957, %swap3A_958], %add3A_955 {strides = array<i32>} : memref<16x128xf32, #tpu.memory_space<vmem>>, vector<16xf32>,
      %get3A_960 = arith.constant 6 : i32
      %get3A_961 = arith.index_cast %get3A_960 : i32 to index
      %get3A_962 = arith.constant 16 : index
      %get3A_963 = tpu.vector_load %arg15[%get3A_961, %get3A_962] {strides = array<i32>} : memref<16x128xf32, #tpu.memory_space<vmem>>, vector<16xf32>,
      %get3A_964 = arith.constant 6 : i32
      %get3A_965 = arith.index_cast %get3A_964 : i32 to index
      %get3A_966 = arith.constant 16 : index
      %get3A_967 = tpu.vector_load %arg16[%get3A_965, %get3A_966] {strides = array<i32>} : memref<16x128xf32, #tpu.memory_space<vmem>>, vector<16xf32>,
      %add3A_968 = arith.addf %get3A_963, %get3A_967 : vector<16xf32>
      %swap3A_969 = arith.constant 6 : i32
      %swap3A_970 = arith.index_cast %swap3A_969 : i32 to index
      %swap3A_971 = arith.constant 16 : index
      %swap3A_972 = tpu.vector_load %arg15[%swap3A_970, %swap3A_971] {strides = array<i32>} : memref<16x128xf32, #tpu.memory_space<vmem>>, vector<16xf32>,
      tpu.vector_store %arg15[%swap3A_970, %swap3A_971], %add3A_968 {strides = array<i32>} : memref<16x128xf32, #tpu.memory_space<vmem>>, vector<16xf32>,
      %get3A_973 = arith.constant 6 : i32
      %get3A_974 = arith.index_cast %get3A_973 : i32 to index
      %get3A_975 = arith.constant 32 : index
      %get3A_976 = tpu.vector_load %arg15[%get3A_974, %get3A_975] {strides = array<i32>} : memref<16x128xf32, #tpu.memory_space<vmem>>, vector<16xf32>,
      %get3A_977 = arith.constant 6 : i32
      %get3A_978 = arith.index_cast %get3A_977 : i32 to index
      %get3A_979 = arith.constant 32 : index
      %get3A_980 = tpu.vector_load %arg16[%get3A_978, %get3A_979] {strides = array<i32>} : memref<16x128xf32, #tpu.memory_space<vmem>>, vector<16xf32>,
      %add3A_981 = arith.addf %get3A_976, %get3A_980 : vector<16xf32>
      %swap3A_982 = arith.constant 6 : i32
      %swap3A_983 = arith.index_cast %swap3A_982 : i32 to index
      %swap3A_984 = arith.constant 32 : index
      %swap3A_985 = tpu.vector_load %arg15[%swap3A_983, %swap3A_984] {strides = array<i32>} : memref<16x128xf32, #tpu.memory_space<vmem>>, vector<16xf32>,
      tpu.vector_store %arg15[%swap3A_983, %swap3A_984], %add3A_981 {strides = array<i32>} : memref<16x128xf32, #tpu.memory_space<vmem>>, vector<16xf32>,
      %get3A_986 = arith.constant 6 : i32
      %get3A_987 = arith.index_cast %get3A_986 : i32 to index
      %get3A_988 = arith.constant 48 : index
      %get3A_989 = tpu.vector_load %arg15[%get3A_987, %get3A_988] {strides = array<i32>} : memref<16x128xf32, #tpu.memory_space<vmem>>, vector<16xf32>,
      %get3A_990 = arith.constant 6 : i32
      %get3A_991 = arith.index_cast %get3A_990 : i32 to index
      %get3A_992 = arith.constant 48 : index
      %get3A_993 = tpu.vector_load %arg16[%get3A_991, %get3A_992] {strides = array<i32>} : memref<16x128xf32, #tpu.memory_space<vmem>>, vector<16xf32>,
      %add3A_994 = arith.addf %get3A_989, %get3A_993 : vector<16xf32>
      %swap3A_995 = arith.constant 6 : i32
      %swap3A_996 = arith.index_cast %swap3A_995 : i32 to index
      %swap3A_997 = arith.constant 48 : index
      %swap3A_998 = tpu.vector_load %arg15[%swap3A_996, %swap3A_997] {strides = array<i32>} : memref<16x128xf32, #tpu.memory_space<vmem>>, vector<16xf32>,
      tpu.vector_store %arg15[%swap3A_996, %swap3A_997], %add3A_994 {strides = array<i32>} : memref<16x128xf32, #tpu.memory_space<vmem>>, vector<16xf32>,
      %get3A_999 = arith.constant 6 : i32
      %get3A_1000 = arith.index_cast %get3A_999 : i32 to index
      %get3A_1001 = arith.constant 64 : index
      %get3A_1002 = tpu.vector_load %arg15[%get3A_1000, %get3A_1001] {strides = array<i32>} : memref<16x128xf32, #tpu.memory_space<vmem>>, vector<16xf32>,
      %get3A_1003 = arith.constant 6 : i32
      %get3A_1004 = arith.index_cast %get3A_1003 : i32 to index
      %get3A_1005 = arith.constant 64 : index
      %get3A_1006 = tpu.vector_load %arg16[%get3A_1004, %get3A_1005] {strides = array<i32>} : memref<16x128xf32, #tpu.memory_space<vmem>>, vector<16xf32>,
      %add3A_1007 = arith.addf %get3A_1002, %get3A_1006 : vector<16xf32>
      %swap3A_1008 = arith.constant 6 : i32
      %swap3A_1009 = arith.index_cast %swap3A_1008 : i32 to index
      %swap3A_1010 = arith.constant 64 : index
      %swap3A_1011 = tpu.vector_load %arg15[%swap3A_1009, %swap3A_1010] {strides = array<i32>} : memref<16x128xf32, #tpu.memory_space<vmem>>, vector<16xf32>,
      tpu.vector_store %arg15[%swap3A_1009, %swap3A_1010], %add3A_1007 {strides = array<i32>} : memref<16x128xf32, #tpu.memory_space<vmem>>, vector<16xf32>,
      %get3A_1012 = arith.constant 6 : i32
      %get3A_1013 = arith.index_cast %get3A_1012 : i32 to index
      %get3A_1014 = arith.constant 80 : index
      %get3A_1015 = tpu.vector_load %arg15[%get3A_1013, %get3A_1014] {strides = array<i32>} : memref<16x128xf32, #tpu.memory_space<vmem>>, vector<16xf32>,
      %get3A_1016 = arith.constant 6 : i32
      %get3A_1017 = arith.index_cast %get3A_1016 : i32 to index
      %get3A_1018 = arith.constant 80 : index
      %get3A_1019 = tpu.vector_load %arg16[%get3A_1017, %get3A_1018] {strides = array<i32>} : memref<16x128xf32, #tpu.memory_space<vmem>>, vector<16xf32>,
      %add3A_1020 = arith.addf %get3A_1015, %get3A_1019 : vector<16xf32>
      %swap3A_1021 = arith.constant 6 : i32
      %swap3A_1022 = arith.index_cast %swap3A_1021 : i32 to index
      %swap3A_1023 = arith.constant 80 : index
      %swap3A_1024 = tpu.vector_load %arg15[%swap3A_1022, %swap3A_1023] {strides = array<i32>} : memref<16x128xf32, #tpu.memory_space<vmem>>, vector<16xf32>,
      tpu.vector_store %arg15[%swap3A_1022, %swap3A_1023], %add3A_1020 {strides = array<i32>} : memref<16x128xf32, #tpu.memory_space<vmem>>, vector<16xf32>,
      %get3A_1025 = arith.constant 6 : i32
      %get3A_1026 = arith.index_cast %get3A_1025 : i32 to index
      %get3A_1027 = arith.constant 96 : index
      %get3A_1028 = tpu.vector_load %arg15[%get3A_1026, %get3A_1027] {strides = array<i32>} : memref<16x128xf32, #tpu.memory_space<vmem>>, vector<16xf32>,
      %get3A_1029 = arith.constant 6 : i32
      %get3A_1030 = arith.index_cast %get3A_1029 : i32 to index
      %get3A_1031 = arith.constant 96 : index
      %get3A_1032 = tpu.vector_load %arg16[%get3A_1030, %get3A_1031] {strides = array<i32>} : memref<16x128xf32, #tpu.memory_space<vmem>>, vector<16xf32>,
      %add3A_1033 = arith.addf %get3A_1028, %get3A_1032 : vector<16xf32>
      %swap3A_1034 = arith.constant 6 : i32
      %swap3A_1035 = arith.index_cast %swap3A_1034 : i32 to index
      %swap3A_1036 = arith.constant 96 : index
      %swap3A_1037 = tpu.vector_load %arg15[%swap3A_1035, %swap3A_1036] {strides = array<i32>} : memref<16x128xf32, #tpu.memory_space<vmem>>, vector<16xf32>,
      tpu.vector_store %arg15[%swap3A_1035, %swap3A_1036], %add3A_1033 {strides = array<i32>} : memref<16x128xf32, #tpu.memory_space<vmem>>, vector<16xf32>,
      %get3A_1038 = arith.constant 6 : i32
      %get3A_1039 = arith.index_cast %get3A_1038 : i32 to index
      %get3A_1040 = arith.constant 112 : index
      %get3A_1041 = tpu.vector_load %arg15[%get3A_1039, %get3A_1040] {strides = array<i32>} : memref<16x128xf32, #tpu.memory_space<vmem>>, vector<16xf32>,
      %get3A_1042 = arith.constant 6 : i32
      %get3A_1043 = arith.index_cast %get3A_1042 : i32 to index
      %get3A_1044 = arith.constant 112 : index
      %get3A_1045 = tpu.vector_load %arg16[%get3A_1043, %get3A_1044] {strides = array<i32>} : memref<16x128xf32, #tpu.memory_space<vmem>>, vector<16xf32>,
      %add3A_1046 = arith.addf %get3A_1041, %get3A_1045 : vector<16xf32>
      %swap3A_1047 = arith.constant 6 : i32
      %swap3A_1048 = arith.index_cast %swap3A_1047 : i32 to index
      %swap3A_1049 = arith.constant 112 : index
      %swap3A_1050 = tpu.vector_load %arg15[%swap3A_1048, %swap3A_1049] {strides = array<i32>} : memref<16x128xf32, #tpu.memory_space<vmem>>, vector<16xf32>,
      tpu.vector_store %arg15[%swap3A_1048, %swap3A_1049], %add3A_1046 {strides = array<i32>} : memref<16x128xf32, #tpu.memory_space<vmem>>, vector<16xf32>,
      %get3A_1051 = arith.constant 7 : i32
      %get3A_1052 = arith.index_cast %get3A_1051 : i32 to index
      %get3A_1053 = arith.constant 0 : index
      %get3A_1054 = tpu.vector_load %arg15[%get3A_1052, %get3A_1053] {strides = array<i32>} : memref<16x128xf32, #tpu.memory_space<vmem>>, vector<16xf32>,
      %get3A_1055 = arith.constant 7 : i32
      %get3A_1056 = arith.index_cast %get3A_1055 : i32 to index
      %get3A_1057 = arith.constant 0 : index
      %get3A_1058 = tpu.vector_load %arg16[%get3A_1056, %get3A_1057] {strides = array<i32>} : memref<16x128xf32, #tpu.memory_space<vmem>>, vector<16xf32>,
      %add3A_1059 = arith.addf %get3A_1054, %get3A_1058 : vector<16xf32>
      %swap3A_1060 = arith.constant 7 : i32
      %swap3A_1061 = arith.index_cast %swap3A_1060 : i32 to index
      %swap3A_1062 = arith.constant 0 : index
      %swap3A_1063 = tpu.vector_load %arg15[%swap3A_1061, %swap3A_1062] {strides = array<i32>} : memref<16x128xf32, #tpu.memory_space<vmem>>, vector<16xf32>,
      tpu.vector_store %arg15[%swap3A_1061, %swap3A_1062], %add3A_1059 {strides = array<i32>} : memref<16x128xf32, #tpu.memory_space<vmem>>, vector<16xf32>,
      %get3A_1064 = arith.constant 7 : i32
      %get3A_1065 = arith.index_cast %get3A_1064 : i32 to index
      %get3A_1066 = arith.constant 16 : index
      %get3A_1067 = tpu.vector_load %arg15[%get3A_1065, %get3A_1066] {strides = array<i32>} : memref<16x128xf32, #tpu.memory_space<vmem>>, vector<16xf32>,
      %get3A_1068 = arith.constant 7 : i32
      %get3A_1069 = arith.index_cast %get3A_1068 : i32 to index
      %get3A_1070 = arith.constant 16 : index
      %get3A_1071 = tpu.vector_load %arg16[%get3A_1069, %get3A_1070] {strides = array<i32>} : memref<16x128xf32, #tpu.memory_space<vmem>>, vector<16xf32>,
      %add3A_1072 = arith.addf %get3A_1067, %get3A_1071 : vector<16xf32>
      %swap3A_1073 = arith.constant 7 : i32
      %swap3A_1074 = arith.index_cast %swap3A_1073 : i32 to index
      %swap3A_1075 = arith.constant 16 : index
      %swap3A_1076 = tpu.vector_load %arg15[%swap3A_1074, %swap3A_1075] {strides = array<i32>} : memref<16x128xf32, #tpu.memory_space<vmem>>, vector<16xf32>,
      tpu.vector_store %arg15[%swap3A_1074, %swap3A_1075], %add3A_1072 {strides = array<i32>} : memref<16x128xf32, #tpu.memory_space<vmem>>, vector<16xf32>,
      %get3A_1077 = arith.constant 7 : i32
      %get3A_1078 = arith.index_cast %get3A_1077 : i32 to index
      %get3A_1079 = arith.constant 32 : index
      %get3A_1080 = tpu.vector_load %arg15[%get3A_1078, %get3A_1079] {strides = array<i32>} : memref<16x128xf32, #tpu.memory_space<vmem>>, vector<16xf32>,
      %get3A_1081 = arith.constant 7 : i32
      %get3A_1082 = arith.index_cast %get3A_1081 : i32 to index
      %get3A_1083 = arith.constant 32 : index
      %get3A_1084 = tpu.vector_load %arg16[%get3A_1082, %get3A_1083] {strides = array<i32>} : memref<16x128xf32, #tpu.memory_space<vmem>>, vector<16xf32>,
      %add3A_1085 = arith.addf %get3A_1080, %get3A_1084 : vector<16xf32>
      %swap3A_1086 = arith.constant 7 : i32
      %swap3A_1087 = arith.index_cast %swap3A_1086 : i32 to index
      %swap3A_1088 = arith.constant 32 : index
      %swap3A_1089 = tpu.vector_load %arg15[%swap3A_1087, %swap3A_1088] {strides = array<i32>} : memref<16x128xf32, #tpu.memory_space<vmem>>, vector<16xf32>,
      tpu.vector_store %arg15[%swap3A_1087, %swap3A_1088], %add3A_1085 {strides = array<i32>} : memref<16x128xf32, #tpu.memory_space<vmem>>, vector<16xf32>,
      %get3A_1090 = arith.constant 7 : i32
      %get3A_1091 = arith.index_cast %get3A_1090 : i32 to index
      %get3A_1092 = arith.constant 48 : index
      %get3A_1093 = tpu.vector_load %arg15[%get3A_1091, %get3A_1092] {strides = array<i32>} : memref<16x128xf32, #tpu.memory_space<vmem>>, vector<16xf32>,
      %get3A_1094 = arith.constant 7 : i32
      %get3A_1095 = arith.index_cast %get3A_1094 : i32 to index
      %get3A_1096 = arith.constant 48 : index
      %get3A_1097 = tpu.vector_load %arg16[%get3A_1095, %get3A_1096] {strides = array<i32>} : memref<16x128xf32, #tpu.memory_space<vmem>>, vector<16xf32>,
      %add3A_1098 = arith.addf %get3A_1093, %get3A_1097 : vector<16xf32>
      %swap3A_1099 = arith.constant 7 : i32
      %swap3A_1100 = arith.index_cast %swap3A_1099 : i32 to index
      %swap3A_1101 = arith.constant 48 : index
      %swap3A_1102 = tpu.vector_load %arg15[%swap3A_1100, %swap3A_1101] {strides = array<i32>} : memref<16x128xf32, #tpu.memory_space<vmem>>, vector<16xf32>,
      tpu.vector_store %arg15[%swap3A_1100, %swap3A_1101], %add3A_1098 {strides = array<i32>} : memref<16x128xf32, #tpu.memory_space<vmem>>, vector<16xf32>,
      %get3A_1103 = arith.constant 7 : i32
      %get3A_1104 = arith.index_cast %get3A_1103 : i32 to index
      %get3A_1105 = arith.constant 64 : index
      %get3A_1106 = tpu.vector_load %arg15[%get3A_1104, %get3A_1105] {strides = array<i32>} : memref<16x128xf32, #tpu.memory_space<vmem>>, vector<16xf32>,
      %get3A_1107 = arith.constant 7 : i32
      %get3A_1108 = arith.index_cast %get3A_1107 : i32 to index
      %get3A_1109 = arith.constant 64 : index
      %get3A_1110 = tpu.vector_load %arg16[%get3A_1108, %get3A_1109] {strides = array<i32>} : memref<16x128xf32, #tpu.memory_space<vmem>>, vector<16xf32>,
      %add3A_1111 = arith.addf %get3A_1106, %get3A_1110 : vector<16xf32>
      %swap3A_1112 = arith.constant 7 : i32
      %swap3A_1113 = arith.index_cast %swap3A_1112 : i32 to index
      %swap3A_1114 = arith.constant 64 : index
      %swap3A_1115 = tpu.vector_load %arg15[%swap3A_1113, %swap3A_1114] {strides = array<i32>} : memref<16x128xf32, #tpu.memory_space<vmem>>, vector<16xf32>,
      tpu.vector_store %arg15[%swap3A_1113, %swap3A_1114], %add3A_1111 {strides = array<i32>} : memref<16x128xf32, #tpu.memory_space<vmem>>, vector<16xf32>,
      %get3A_1116 = arith.constant 7 : i32
      %get3A_1117 = arith.index_cast %get3A_1116 : i32 to index
      %get3A_1118 = arith.constant 80 : index
      %get3A_1119 = tpu.vector_load %arg15[%get3A_1117, %get3A_1118] {strides = array<i32>} : memref<16x128xf32, #tpu.memory_space<vmem>>, vector<16xf32>,
      %get3A_1120 = arith.constant 7 : i32
      %get3A_1121 = arith.index_cast %get3A_1120 : i32 to index
      %get3A_1122 = arith.constant 80 : index
      %get3A_1123 = tpu.vector_load %arg16[%get3A_1121, %get3A_1122] {strides = array<i32>} : memref<16x128xf32, #tpu.memory_space<vmem>>, vector<16xf32>,
      %add3A_1124 = arith.addf %get3A_1119, %get3A_1123 : vector<16xf32>
      %swap3A_1125 = arith.constant 7 : i32
      %swap3A_1126 = arith.index_cast %swap3A_1125 : i32 to index
      %swap3A_1127 = arith.constant 80 : index
      %swap3A_1128 = tpu.vector_load %arg15[%swap3A_1126, %swap3A_1127] {strides = array<i32>} : memref<16x128xf32, #tpu.memory_space<vmem>>, vector<16xf32>,
      tpu.vector_store %arg15[%swap3A_1126, %swap3A_1127], %add3A_1124 {strides = array<i32>} : memref<16x128xf32, #tpu.memory_space<vmem>>, vector<16xf32>,
      %get3A_1129 = arith.constant 7 : i32
      %get3A_1130 = arith.index_cast %get3A_1129 : i32 to index
      %get3A_1131 = arith.constant 96 : index
      %get3A_1132 = tpu.vector_load %arg15[%get3A_1130, %get3A_1131] {strides = array<i32>} : memref<16x128xf32, #tpu.memory_space<vmem>>, vector<16xf32>,
      %get3A_1133 = arith.constant 7 : i32
      %get3A_1134 = arith.index_cast %get3A_1133 : i32 to index
      %get3A_1135 = arith.constant 96 : index
      %get3A_1136 = tpu.vector_load %arg16[%get3A_1134, %get3A_1135] {strides = array<i32>} : memref<16x128xf32, #tpu.memory_space<vmem>>, vector<16xf32>,
      %add3A_1137 = arith.addf %get3A_1132, %get3A_1136 : vector<16xf32>
      %swap3A_1138 = arith.constant 7 : i32
      %swap3A_1139 = arith.index_cast %swap3A_1138 : i32 to index
      %swap3A_1140 = arith.constant 96 : index
      %swap3A_1141 = tpu.vector_load %arg15[%swap3A_1139, %swap3A_1140] {strides = array<i32>} : memref<16x128xf32, #tpu.memory_space<vmem>>, vector<16xf32>,
      tpu.vector_store %arg15[%swap3A_1139, %swap3A_1140], %add3A_1137 {strides = array<i32>} : memref<16x128xf32, #tpu.memory_space<vmem>>, vector<16xf32>,
      %get3A_1142 = arith.constant 7 : i32
      %get3A_1143 = arith.index_cast %get3A_1142 : i32 to index
      %get3A_1144 = arith.constant 112 : index
      %get3A_1145 = tpu.vector_load %arg15[%get3A_1143, %get3A_1144] {strides = array<i32>} : memref<16x128xf32, #tpu.memory_space<vmem>>, vector<16xf32>,
      %get3A_1146 = arith.constant 7 : i32
      %get3A_1147 = arith.index_cast %get3A_1146 : i32 to index
      %get3A_1148 = arith.constant 112 : index
      %get3A_1149 = tpu.vector_load %arg16[%get3A_1147, %get3A_1148] {strides = array<i32>} : memref<16x128xf32, #tpu.memory_space<vmem>>, vector<16xf32>,
      %add3A_1150 = arith.addf %get3A_1145, %get3A_1149 : vector<16xf32>
      %swap3A_1151 = arith.constant 7 : i32
      %swap3A_1152 = arith.index_cast %swap3A_1151 : i32 to index
      %swap3A_1153 = arith.constant 112 : index
      %swap3A_1154 = tpu.vector_load %arg15[%swap3A_1152, %swap3A_1153] {strides = array<i32>} : memref<16x128xf32, #tpu.memory_space<vmem>>, vector<16xf32>,
      tpu.vector_store %arg15[%swap3A_1152, %swap3A_1153], %add3A_1150 {strides = array<i32>} : memref<16x128xf32, #tpu.memory_space<vmem>>, vector<16xf32>,
      %get3A_1155 = arith.constant 8 : i32
      %get3A_1156 = arith.index_cast %get3A_1155 : i32 to index
      %get3A_1157 = arith.constant 0 : index
      %get3A_1158 = tpu.vector_load %arg15[%get3A_1156, %get3A_1157] {strides = array<i32>} : memref<16x128xf32, #tpu.memory_space<vmem>>, vector<16xf32>,
      %get3A_1159 = arith.constant 8 : i32
      %get3A_1160 = arith.index_cast %get3A_1159 : i32 to index
      %get3A_1161 = arith.constant 0 : index
      %get3A_1162 = tpu.vector_load %arg16[%get3A_1160, %get3A_1161] {strides = array<i32>} : memref<16x128xf32, #tpu.memory_space<vmem>>, vector<16xf32>,
      %add3A_1163 = arith.addf %get3A_1158, %get3A_1162 : vector<16xf32>
      %swap3A_1164 = arith.constant 8 : i32
      %swap3A_1165 = arith.index_cast %swap3A_1164 : i32 to index
      %swap3A_1166 = arith.constant 0 : index
      %swap3A_1167 = tpu.vector_load %arg15[%swap3A_1165, %swap3A_1166] {strides = array<i32>} : memref<16x128xf32, #tpu.memory_space<vmem>>, vector<16xf32>,
      tpu.vector_store %arg15[%swap3A_1165, %swap3A_1166], %add3A_1163 {strides = array<i32>} : memref<16x128xf32, #tpu.memory_space<vmem>>, vector<16xf32>,
      %get3A_1168 = arith.constant 8 : i32
      %get3A_1169 = arith.index_cast %get3A_1168 : i32 to index
      %get3A_1170 = arith.constant 16 : index
      %get3A_1171 = tpu.vector_load %arg15[%get3A_1169, %get3A_1170] {strides = array<i32>} : memref<16x128xf32, #tpu.memory_space<vmem>>, vector<16xf32>,
      %get3A_1172 = arith.constant 8 : i32
      %get3A_1173 = arith.index_cast %get3A_1172 : i32 to index
      %get3A_1174 = arith.constant 16 : index
      %get3A_1175 = tpu.vector_load %arg16[%get3A_1173, %get3A_1174] {strides = array<i32>} : memref<16x128xf32, #tpu.memory_space<vmem>>, vector<16xf32>,
      %add3A_1176 = arith.addf %get3A_1171, %get3A_1175 : vector<16xf32>
      %swap3A_1177 = arith.constant 8 : i32
      %swap3A_1178 = arith.index_cast %swap3A_1177 : i32 to index
      %swap3A_1179 = arith.constant 16 : index
      %swap3A_1180 = tpu.vector_load %arg15[%swap3A_1178, %swap3A_1179] {strides = array<i32>} : memref<16x128xf32, #tpu.memory_space<vmem>>, vector<16xf32>,
      tpu.vector_store %arg15[%swap3A_1178, %swap3A_1179], %add3A_1176 {strides = array<i32>} : memref<16x128xf32, #tpu.memory_space<vmem>>, vector<16xf32>,
      %get3A_1181 = arith.constant 8 : i32
      %get3A_1182 = arith.index_cast %get3A_1181 : i32 to index
      %get3A_1183 = arith.constant 32 : index
      %get3A_1184 = tpu.vector_load %arg15[%get3A_1182, %get3A_1183] {strides = array<i32>} : memref<16x128xf32, #tpu.memory_space<vmem>>, vector<16xf32>,
      %get3A_1185 = arith.constant 8 : i32
      %get3A_1186 = arith.index_cast %get3A_1185 : i32 to index
      %get3A_1187 = arith.constant 32 : index
      %get3A_1188 = tpu.vector_load %arg16[%get3A_1186, %get3A_1187] {strides = array<i32>} : memref<16x128xf32, #tpu.memory_space<vmem>>, vector<16xf32>,
      %add3A_1189 = arith.addf %get3A_1184, %get3A_1188 : vector<16xf32>
      %swap3A_1190 = arith.constant 8 : i32
      %swap3A_1191 = arith.index_cast %swap3A_1190 : i32 to index
      %swap3A_1192 = arith.constant 32 : index
      %swap3A_1193 = tpu.vector_load %arg15[%swap3A_1191, %swap3A_1192] {strides = array<i32>} : memref<16x128xf32, #tpu.memory_space<vmem>>, vector<16xf32>,
      tpu.vector_store %arg15[%swap3A_1191, %swap3A_1192], %add3A_1189 {strides = array<i32>} : memref<16x128xf32, #tpu.memory_space<vmem>>, vector<16xf32>,
      %get3A_1194 = arith.constant 8 : i32
      %get3A_1195 = arith.index_cast %get3A_1194 : i32 to index
      %get3A_1196 = arith.constant 48 : index
      %get3A_1197 = tpu.vector_load %arg15[%get3A_1195, %get3A_1196] {strides = array<i32>} : memref<16x128xf32, #tpu.memory_space<vmem>>, vector<16xf32>,
      %get3A_1198 = arith.constant 8 : i32
      %get3A_1199 = arith.index_cast %get3A_1198 : i32 to index
      %get3A_1200 = arith.constant 48 : index
      %get3A_1201 = tpu.vector_load %arg16[%get3A_1199, %get3A_1200] {strides = array<i32>} : memref<16x128xf32, #tpu.memory_space<vmem>>, vector<16xf32>,
      %add3A_1202 = arith.addf %get3A_1197, %get3A_1201 : vector<16xf32>
      %swap3A_1203 = arith.constant 8 : i32
      %swap3A_1204 = arith.index_cast %swap3A_1203 : i32 to index
      %swap3A_1205 = arith.constant 48 : index
      %swap3A_1206 = tpu.vector_load %arg15[%swap3A_1204, %swap3A_1205] {strides = array<i32>} : memref<16x128xf32, #tpu.memory_space<vmem>>, vector<16xf32>,
      tpu.vector_store %arg15[%swap3A_1204, %swap3A_1205], %add3A_1202 {strides = array<i32>} : memref<16x128xf32, #tpu.memory_space<vmem>>, vector<16xf32>,
      %get3A_1207 = arith.constant 8 : i32
      %get3A_1208 = arith.index_cast %get3A_1207 : i32 to index
      %get3A_1209 = arith.constant 64 : index
      %get3A_1210 = tpu.vector_load %arg15[%get3A_1208, %get3A_1209] {strides = array<i32>} : memref<16x128xf32, #tpu.memory_space<vmem>>, vector<16xf32>,
      %get3A_1211 = arith.constant 8 : i32
      %get3A_1212 = arith.index_cast %get3A_1211 : i32 to index
      %get3A_1213 = arith.constant 64 : index
      %get3A_1214 = tpu.vector_load %arg16[%get3A_1212, %get3A_1213] {strides = array<i32>} : memref<16x128xf32, #tpu.memory_space<vmem>>, vector<16xf32>,
      %add3A_1215 = arith.addf %get3A_1210, %get3A_1214 : vector<16xf32>
      %swap3A_1216 = arith.constant 8 : i32
      %swap3A_1217 = arith.index_cast %swap3A_1216 : i32 to index
      %swap3A_1218 = arith.constant 64 : index
      %swap3A_1219 = tpu.vector_load %arg15[%swap3A_1217, %swap3A_1218] {strides = array<i32>} : memref<16x128xf32, #tpu.memory_space<vmem>>, vector<16xf32>,
      tpu.vector_store %arg15[%swap3A_1217, %swap3A_1218], %add3A_1215 {strides = array<i32>} : memref<16x128xf32, #tpu.memory_space<vmem>>, vector<16xf32>,
      %get3A_1220 = arith.constant 8 : i32
      %get3A_1221 = arith.index_cast %get3A_1220 : i32 to index
      %get3A_1222 = arith.constant 80 : index
      %get3A_1223 = tpu.vector_load %arg15[%get3A_1221, %get3A_1222] {strides = array<i32>} : memref<16x128xf32, #tpu.memory_space<vmem>>, vector<16xf32>,
      %get3A_1224 = arith.constant 8 : i32
      %get3A_1225 = arith.index_cast %get3A_1224 : i32 to index
      %get3A_1226 = arith.constant 80 : index
      %get3A_1227 = tpu.vector_load %arg16[%get3A_1225, %get3A_1226] {strides = array<i32>} : memref<16x128xf32, #tpu.memory_space<vmem>>, vector<16xf32>,
      %add3A_1228 = arith.addf %get3A_1223, %get3A_1227 : vector<16xf32>
      %swap3A_1229 = arith.constant 8 : i32
      %swap3A_1230 = arith.index_cast %swap3A_1229 : i32 to index
      %swap3A_1231 = arith.constant 80 : index
      %swap3A_1232 = tpu.vector_load %arg15[%swap3A_1230, %swap3A_1231] {strides = array<i32>} : memref<16x128xf32, #tpu.memory_space<vmem>>, vector<16xf32>,
      tpu.vector_store %arg15[%swap3A_1230, %swap3A_1231], %add3A_1228 {strides = array<i32>} : memref<16x128xf32, #tpu.memory_space<vmem>>, vector<16xf32>,
      %get3A_1233 = arith.constant 8 : i32
      %get3A_1234 = arith.index_cast %get3A_1233 : i32 to index
      %get3A_1235 = arith.constant 96 : index
      %get3A_1236 = tpu.vector_load %arg15[%get3A_1234, %get3A_1235] {strides = array<i32>} : memref<16x128xf32, #tpu.memory_space<vmem>>, vector<16xf32>,
      %get3A_1237 = arith.constant 8 : i32
      %get3A_1238 = arith.index_cast %get3A_1237 : i32 to index
      %get3A_1239 = arith.constant 96 : index
      %get3A_1240 = tpu.vector_load %arg16[%get3A_1238, %get3A_1239] {strides = array<i32>} : memref<16x128xf32, #tpu.memory_space<vmem>>, vector<16xf32>,
      %add3A_1241 = arith.addf %get3A_1236, %get3A_1240 : vector<16xf32>
      %swap3A_1242 = arith.constant 8 : i32
      %swap3A_1243 = arith.index_cast %swap3A_1242 : i32 to index
      %swap3A_1244 = arith.constant 96 : index
      %swap3A_1245 = tpu.vector_load %arg15[%swap3A_1243, %swap3A_1244] {strides = array<i32>} : memref<16x128xf32, #tpu.memory_space<vmem>>, vector<16xf32>,
      tpu.vector_store %arg15[%swap3A_1243, %swap3A_1244], %add3A_1241 {strides = array<i32>} : memref<16x128xf32, #tpu.memory_space<vmem>>, vector<16xf32>,
      %get3A_1246 = arith.constant 8 : i32
      %get3A_1247 = arith.index_cast %get3A_1246 : i32 to index
      %get3A_1248 = arith.constant 112 : index
      %get3A_1249 = tpu.vector_load %arg15[%get3A_1247, %get3A_1248] {strides = array<i32>} : memref<16x128xf32, #tpu.memory_space<vmem>>, vector<16xf32>,
      %get3A_1250 = arith.constant 8 : i32
      %get3A_1251 = arith.index_cast %get3A_1250 : i32 to index
      %get3A_1252 = arith.constant 112 : index
      %get3A_1253 = tpu.vector_load %arg16[%get3A_1251, %get3A_1252] {strides = array<i32>} : memref<16x128xf32, #tpu.memory_space<vmem>>, vector<16xf32>,
      %add3A_1254 = arith.addf %get3A_1249, %get3A_1253 : vector<16xf32>
      %swap3A_1255 = arith.constant 8 : i32
      %swap3A_1256 = arith.index_cast %swap3A_1255 : i32 to index
      %swap3A_1257 = arith.constant 112 : index
      %swap3A_1258 = tpu.vector_load %arg15[%swap3A_1256, %swap3A_1257] {strides = array<i32>} : memref<16x128xf32, #tpu.memory_space<vmem>>, vector<16xf32>,
      tpu.vector_store %arg15[%swap3A_1256, %swap3A_1257], %add3A_1254 {strides = array<i32>} : memref<16x128xf32, #tpu.memory_space<vmem>>, vector<16xf32>,
      %get3A_1259 = arith.constant 9 : i32
      %get3A_1260 = arith.index_cast %get3A_1259 : i32 to index
      %get3A_1261 = arith.constant 0 : index
      %get3A_1262 = tpu.vector_load %arg15[%get3A_1260, %get3A_1261] {strides = array<i32>} : memref<16x128xf32, #tpu.memory_space<vmem>>, vector<16xf32>,
      %get3A_1263 = arith.constant 9 : i32
      %get3A_1264 = arith.index_cast %get3A_1263 : i32 to index
      %get3A_1265 = arith.constant 0 : index
      %get3A_1266 = tpu.vector_load %arg16[%get3A_1264, %get3A_1265] {strides = array<i32>} : memref<16x128xf32, #tpu.memory_space<vmem>>, vector<16xf32>,
      %add3A_1267 = arith.addf %get3A_1262, %get3A_1266 : vector<16xf32>
      %swap3A_1268 = arith.constant 9 : i32
      %swap3A_1269 = arith.index_cast %swap3A_1268 : i32 to index
      %swap3A_1270 = arith.constant 0 : index
      %swap3A_1271 = tpu.vector_load %arg15[%swap3A_1269, %swap3A_1270] {strides = array<i32>} : memref<16x128xf32, #tpu.memory_space<vmem>>, vector<16xf32>,
      tpu.vector_store %arg15[%swap3A_1269, %swap3A_1270], %add3A_1267 {strides = array<i32>} : memref<16x128xf32, #tpu.memory_space<vmem>>, vector<16xf32>,
      %get3A_1272 = arith.constant 9 : i32
      %get3A_1273 = arith.index_cast %get3A_1272 : i32 to index
      %get3A_1274 = arith.constant 16 : index
      %get3A_1275 = tpu.vector_load %arg15[%get3A_1273, %get3A_1274] {strides = array<i32>} : memref<16x128xf32, #tpu.memory_space<vmem>>, vector<16xf32>,
      %get3A_1276 = arith.constant 9 : i32
      %get3A_1277 = arith.index_cast %get3A_1276 : i32 to index
      %get3A_1278 = arith.constant 16 : index
      %get3A_1279 = tpu.vector_load %arg16[%get3A_1277, %get3A_1278] {strides = array<i32>} : memref<16x128xf32, #tpu.memory_space<vmem>>, vector<16xf32>,
      %add3A_1280 = arith.addf %get3A_1275, %get3A_1279 : vector<16xf32>
      %swap3A_1281 = arith.constant 9 : i32
      %swap3A_1282 = arith.index_cast %swap3A_1281 : i32 to index
      %swap3A_1283 = arith.constant 16 : index
      %swap3A_1284 = tpu.vector_load %arg15[%swap3A_1282, %swap3A_1283] {strides = array<i32>} : memref<16x128xf32, #tpu.memory_space<vmem>>, vector<16xf32>,
      tpu.vector_store %arg15[%swap3A_1282, %swap3A_1283], %add3A_1280 {strides = array<i32>} : memref<16x128xf32, #tpu.memory_space<vmem>>, vector<16xf32>,
      %get3A_1285 = arith.constant 9 : i32
      %get3A_1286 = arith.index_cast %get3A_1285 : i32 to index
      %get3A_1287 = arith.constant 32 : index
      %get3A_1288 = tpu.vector_load %arg15[%get3A_1286, %get3A_1287] {strides = array<i32>} : memref<16x128xf32, #tpu.memory_space<vmem>>, vector<16xf32>,
      %get3A_1289 = arith.constant 9 : i32
      %get3A_1290 = arith.index_cast %get3A_1289 : i32 to index
      %get3A_1291 = arith.constant 32 : index
      %get3A_1292 = tpu.vector_load %arg16[%get3A_1290, %get3A_1291] {strides = array<i32>} : memref<16x128xf32, #tpu.memory_space<vmem>>, vector<16xf32>,
      %add3A_1293 = arith.addf %get3A_1288, %get3A_1292 : vector<16xf32>
      %swap3A_1294 = arith.constant 9 : i32
      %swap3A_1295 = arith.index_cast %swap3A_1294 : i32 to index
      %swap3A_1296 = arith.constant 32 : index
      %swap3A_1297 = tpu.vector_load %arg15[%swap3A_1295, %swap3A_1296] {strides = array<i32>} : memref<16x128xf32, #tpu.memory_space<vmem>>, vector<16xf32>,
      tpu.vector_store %arg15[%swap3A_1295, %swap3A_1296], %add3A_1293 {strides = array<i32>} : memref<16x128xf32, #tpu.memory_space<vmem>>, vector<16xf32>,
      %get3A_1298 = arith.constant 9 : i32
      %get3A_1299 = arith.index_cast %get3A_1298 : i32 to index
      %get3A_1300 = arith.constant 48 : index
      %get3A_1301 = tpu.vector_load %arg15[%get3A_1299, %get3A_1300] {strides = array<i32>} : memref<16x128xf32, #tpu.memory_space<vmem>>, vector<16xf32>,
      %get3A_1302 = arith.constant 9 : i32
      %get3A_1303 = arith.index_cast %get3A_1302 : i32 to index
      %get3A_1304 = arith.constant 48 : index
      %get3A_1305 = tpu.vector_load %arg16[%get3A_1303, %get3A_1304] {strides = array<i32>} : memref<16x128xf32, #tpu.memory_space<vmem>>, vector<16xf32>,
      %add3A_1306 = arith.addf %get3A_1301, %get3A_1305 : vector<16xf32>
      %swap3A_1307 = arith.constant 9 : i32
      %swap3A_1308 = arith.index_cast %swap3A_1307 : i32 to index
      %swap3A_1309 = arith.constant 48 : index
      %swap3A_1310 = tpu.vector_load %arg15[%swap3A_1308, %swap3A_1309] {strides = array<i32>} : memref<16x128xf32, #tpu.memory_space<vmem>>, vector<16xf32>,
      tpu.vector_store %arg15[%swap3A_1308, %swap3A_1309], %add3A_1306 {strides = array<i32>} : memref<16x128xf32, #tpu.memory_space<vmem>>, vector<16xf32>,
      %get3A_1311 = arith.constant 9 : i32
      %get3A_1312 = arith.index_cast %get3A_1311 : i32 to index
      %get3A_1313 = arith.constant 64 : index
      %get3A_1314 = tpu.vector_load %arg15[%get3A_1312, %get3A_1313] {strides = array<i32>} : memref<16x128xf32, #tpu.memory_space<vmem>>, vector<16xf32>,
      %get3A_1315 = arith.constant 9 : i32
      %get3A_1316 = arith.index_cast %get3A_1315 : i32 to index
      %get3A_1317 = arith.constant 64 : index
      %get3A_1318 = tpu.vector_load %arg16[%get3A_1316, %get3A_1317] {strides = array<i32>} : memref<16x128xf32, #tpu.memory_space<vmem>>, vector<16xf32>,
      %add3A_1319 = arith.addf %get3A_1314, %get3A_1318 : vector<16xf32>
      %swap3A_1320 = arith.constant 9 : i32
      %swap3A_1321 = arith.index_cast %swap3A_1320 : i32 to index
      %swap3A_1322 = arith.constant 64 : index
      %swap3A_1323 = tpu.vector_load %arg15[%swap3A_1321, %swap3A_1322] {strides = array<i32>} : memref<16x128xf32, #tpu.memory_space<vmem>>, vector<16xf32>,
      tpu.vector_store %arg15[%swap3A_1321, %swap3A_1322], %add3A_1319 {strides = array<i32>} : memref<16x128xf32, #tpu.memory_space<vmem>>, vector<16xf32>,
      %get3A_1324 = arith.constant 9 : i32
      %get3A_1325 = arith.index_cast %get3A_1324 : i32 to index
      %get3A_1326 = arith.constant 80 : index
      %get3A_1327 = tpu.vector_load %arg15[%get3A_1325, %get3A_1326] {strides = array<i32>} : memref<16x128xf32, #tpu.memory_space<vmem>>, vector<16xf32>,
      %get3A_1328 = arith.constant 9 : i32
      %get3A_1329 = arith.index_cast %get3A_1328 : i32 to index
      %get3A_1330 = arith.constant 80 : index
      %get3A_1331 = tpu.vector_load %arg16[%get3A_1329, %get3A_1330] {strides = array<i32>} : memref<16x128xf32, #tpu.memory_space<vmem>>, vector<16xf32>,
      %add3A_1332 = arith.addf %get3A_1327, %get3A_1331 : vector<16xf32>
      %swap3A_1333 = arith.constant 9 : i32
      %swap3A_1334 = arith.index_cast %swap3A_1333 : i32 to index
      %swap3A_1335 = arith.constant 80 : index
      %swap3A_1336 = tpu.vector_load %arg15[%swap3A_1334, %swap3A_1335] {strides = array<i32>} : memref<16x128xf32, #tpu.memory_space<vmem>>, vector<16xf32>,
      tpu.vector_store %arg15[%swap3A_1334, %swap3A_1335], %add3A_1332 {strides = array<i32>} : memref<16x128xf32, #tpu.memory_space<vmem>>, vector<16xf32>,
      %get3A_1337 = arith.constant 9 : i32
      %get3A_1338 = arith.index_cast %get3A_1337 : i32 to index
      %get3A_1339 = arith.constant 96 : index
      %get3A_1340 = tpu.vector_load %arg15[%get3A_1338, %get3A_1339] {strides = array<i32>} : memref<16x128xf32, #tpu.memory_space<vmem>>, vector<16xf32>,
      %get3A_1341 = arith.constant 9 : i32
      %get3A_1342 = arith.index_cast %get3A_1341 : i32 to index
      %get3A_1343 = arith.constant 96 : index
      %get3A_1344 = tpu.vector_load %arg16[%get3A_1342, %get3A_1343] {strides = array<i32>} : memref<16x128xf32, #tpu.memory_space<vmem>>, vector<16xf32>,
      %add3A_1345 = arith.addf %get3A_1340, %get3A_1344 : vector<16xf32>
      %swap3A_1346 = arith.constant 9 : i32
      %swap3A_1347 = arith.index_cast %swap3A_1346 : i32 to index
      %swap3A_1348 = arith.constant 96 : index
      %swap3A_1349 = tpu.vector_load %arg15[%swap3A_1347, %swap3A_1348] {strides = array<i32>} : memref<16x128xf32, #tpu.memory_space<vmem>>, vector<16xf32>,
      tpu.vector_store %arg15[%swap3A_1347, %swap3A_1348], %add3A_1345 {strides = array<i32>} : memref<16x128xf32, #tpu.memory_space<vmem>>, vector<16xf32>,
      %get3A_1350 = arith.constant 9 : i32
      %get3A_1351 = arith.index_cast %get3A_1350 : i32 to index
      %get3A_1352 = arith.constant 112 : index
      %get3A_1353 = tpu.vector_load %arg15[%get3A_1351, %get3A_1352] {strides = array<i32>} : memref<16x128xf32, #tpu.memory_space<vmem>>, vector<16xf32>,
      %get3A_1354 = arith.constant 9 : i32
      %get3A_1355 = arith.index_cast %get3A_1354 : i32 to index
      %get3A_1356 = arith.constant 112 : index
      %get3A_1357 = tpu.vector_load %arg16[%get3A_1355, %get3A_1356] {strides = array<i32>} : memref<16x128xf32, #tpu.memory_space<vmem>>, vector<16xf32>,
      %add3A_1358 = arith.addf %get3A_1353, %get3A_1357 : vector<16xf32>
      %swap3A_1359 = arith.constant 9 : i32
      %swap3A_1360 = arith.index_cast %swap3A_1359 : i32 to index
      %swap3A_1361 = arith.constant 112 : index
      %swap3A_1362 = tpu.vector_load %arg15[%swap3A_1360, %swap3A_1361] {strides = array<i32>} : memref<16x128xf32, #tpu.memory_space<vmem>>, vector<16xf32>,
      tpu.vector_store %arg15[%swap3A_1360, %swap3A_1361], %add3A_1358 {strides = array<i32>} : memref<16x128xf32, #tpu.memory_space<vmem>>, vector<16xf32>,
      %get3A_1363 = arith.constant 10 : i32
      %get3A_1364 = arith.index_cast %get3A_1363 : i32 to index
      %get3A_1365 = arith.constant 0 : index
      %get3A_1366 = tpu.vector_load %arg15[%get3A_1364, %get3A_1365] {strides = array<i32>} : memref<16x128xf32, #tpu.memory_space<vmem>>, vector<16xf32>,
      %get3A_1367 = arith.constant 10 : i32
      %get3A_1368 = arith.index_cast %get3A_1367 : i32 to index
      %get3A_1369 = arith.constant 0 : index
      %get3A_1370 = tpu.vector_load %arg16[%get3A_1368, %get3A_1369] {strides = array<i32>} : memref<16x128xf32, #tpu.memory_space<vmem>>, vector<16xf32>,
      %add3A_1371 = arith.addf %get3A_1366, %get3A_1370 : vector<16xf32>
      %swap3A_1372 = arith.constant 10 : i32
      %swap3A_1373 = arith.index_cast %swap3A_1372 : i32 to index
      %swap3A_1374 = arith.constant 0 : index
      %swap3A_1375 = tpu.vector_load %arg15[%swap3A_1373, %swap3A_1374] {strides = array<i32>} : memref<16x128xf32, #tpu.memory_space<vmem>>, vector<16xf32>,
      tpu.vector_store %arg15[%swap3A_1373, %swap3A_1374], %add3A_1371 {strides = array<i32>} : memref<16x128xf32, #tpu.memory_space<vmem>>, vector<16xf32>,
      %get3A_1376 = arith.constant 10 : i32
      %get3A_1377 = arith.index_cast %get3A_1376 : i32 to index
      %get3A_1378 = arith.constant 16 : index
      %get3A_1379 = tpu.vector_load %arg15[%get3A_1377, %get3A_1378] {strides = array<i32>} : memref<16x128xf32, #tpu.memory_space<vmem>>, vector<16xf32>,
      %get3A_1380 = arith.constant 10 : i32
      %get3A_1381 = arith.index_cast %get3A_1380 : i32 to index
      %get3A_1382 = arith.constant 16 : index
      %get3A_1383 = tpu.vector_load %arg16[%get3A_1381, %get3A_1382] {strides = array<i32>} : memref<16x128xf32, #tpu.memory_space<vmem>>, vector<16xf32>,
      %add3A_1384 = arith.addf %get3A_1379, %get3A_1383 : vector<16xf32>
      %swap3A_1385 = arith.constant 10 : i32
      %swap3A_1386 = arith.index_cast %swap3A_1385 : i32 to index
      %swap3A_1387 = arith.constant 16 : index
      %swap3A_1388 = tpu.vector_load %arg15[%swap3A_1386, %swap3A_1387] {strides = array<i32>} : memref<16x128xf32, #tpu.memory_space<vmem>>, vector<16xf32>,
      tpu.vector_store %arg15[%swap3A_1386, %swap3A_1387], %add3A_1384 {strides = array<i32>} : memref<16x128xf32, #tpu.memory_space<vmem>>, vector<16xf32>,
      %get3A_1389 = arith.constant 10 : i32
      %get3A_1390 = arith.index_cast %get3A_1389 : i32 to index
      %get3A_1391 = arith.constant 32 : index
      %get3A_1392 = tpu.vector_load %arg15[%get3A_1390, %get3A_1391] {strides = array<i32>} : memref<16x128xf32, #tpu.memory_space<vmem>>, vector<16xf32>,
      %get3A_1393 = arith.constant 10 : i32
      %get3A_1394 = arith.index_cast %get3A_1393 : i32 to index
      %get3A_1395 = arith.constant 32 : index
      %get3A_1396 = tpu.vector_load %arg16[%get3A_1394, %get3A_1395] {strides = array<i32>} : memref<16x128xf32, #tpu.memory_space<vmem>>, vector<16xf32>,
      %add3A_1397 = arith.addf %get3A_1392, %get3A_1396 : vector<16xf32>
      %swap3A_1398 = arith.constant 10 : i32
      %swap3A_1399 = arith.index_cast %swap3A_1398 : i32 to index
      %swap3A_1400 = arith.constant 32 : index
      %swap3A_1401 = tpu.vector_load %arg15[%swap3A_1399, %swap3A_1400] {strides = array<i32>} : memref<16x128xf32, #tpu.memory_space<vmem>>, vector<16xf32>,
      tpu.vector_store %arg15[%swap3A_1399, %swap3A_1400], %add3A_1397 {strides = array<i32>} : memref<16x128xf32, #tpu.memory_space<vmem>>, vector<16xf32>,
      %get3A_1402 = arith.constant 10 : i32
      %get3A_1403 = arith.index_cast %get3A_1402 : i32 to index
      %get3A_1404 = arith.constant 48 : index
      %get3A_1405 = tpu.vector_load %arg15[%get3A_1403, %get3A_1404] {strides = array<i32>} : memref<16x128xf32, #tpu.memory_space<vmem>>, vector<16xf32>,
      %get3A_1406 = arith.constant 10 : i32
      %get3A_1407 = arith.index_cast %get3A_1406 : i32 to index
      %get3A_1408 = arith.constant 48 : index
      %get3A_1409 = tpu.vector_load %arg16[%get3A_1407, %get3A_1408] {strides = array<i32>} : memref<16x128xf32, #tpu.memory_space<vmem>>, vector<16xf32>,
      %add3A_1410 = arith.addf %get3A_1405, %get3A_1409 : vector<16xf32>
      %swap3A_1411 = arith.constant 10 : i32
      %swap3A_1412 = arith.index_cast %swap3A_1411 : i32 to index
      %swap3A_1413 = arith.constant 48 : index
      %swap3A_1414 = tpu.vector_load %arg15[%swap3A_1412, %swap3A_1413] {strides = array<i32>} : memref<16x128xf32, #tpu.memory_space<vmem>>, vector<16xf32>,
      tpu.vector_store %arg15[%swap3A_1412, %swap3A_1413], %add3A_1410 {strides = array<i32>} : memref<16x128xf32, #tpu.memory_space<vmem>>, vector<16xf32>,
      %get3A_1415 = arith.constant 10 : i32
      %get3A_1416 = arith.index_cast %get3A_1415 : i32 to index
      %get3A_1417 = arith.constant 64 : index
      %get3A_1418 = tpu.vector_load %arg15[%get3A_1416, %get3A_1417] {strides = array<i32>} : memref<16x128xf32, #tpu.memory_space<vmem>>, vector<16xf32>,
      %get3A_1419 = arith.constant 10 : i32
      %get3A_1420 = arith.index_cast %get3A_1419 : i32 to index
      %get3A_1421 = arith.constant 64 : index
      %get3A_1422 = tpu.vector_load %arg16[%get3A_1420, %get3A_1421] {strides = array<i32>} : memref<16x128xf32, #tpu.memory_space<vmem>>, vector<16xf32>,
      %add3A_1423 = arith.addf %get3A_1418, %get3A_1422 : vector<16xf32>
      %swap3A_1424 = arith.constant 10 : i32
      %swap3A_1425 = arith.index_cast %swap3A_1424 : i32 to index
      %swap3A_1426 = arith.constant 64 : index
      %swap3A_1427 = tpu.vector_load %arg15[%swap3A_1425, %swap3A_1426] {strides = array<i32>} : memref<16x128xf32, #tpu.memory_space<vmem>>, vector<16xf32>,
      tpu.vector_store %arg15[%swap3A_1425, %swap3A_1426], %add3A_1423 {strides = array<i32>} : memref<16x128xf32, #tpu.memory_space<vmem>>, vector<16xf32>,
      %get3A_1428 = arith.constant 10 : i32
      %get3A_1429 = arith.index_cast %get3A_1428 : i32 to index
      %get3A_1430 = arith.constant 80 : index
      %get3A_1431 = tpu.vector_load %arg15[%get3A_1429, %get3A_1430] {strides = array<i32>} : memref<16x128xf32, #tpu.memory_space<vmem>>, vector<16xf32>,
      %get3A_1432 = arith.constant 10 : i32
      %get3A_1433 = arith.index_cast %get3A_1432 : i32 to index
      %get3A_1434 = arith.constant 80 : index
      %get3A_1435 = tpu.vector_load %arg16[%get3A_1433, %get3A_1434] {strides = array<i32>} : memref<16x128xf32, #tpu.memory_space<vmem>>, vector<16xf32>,
      %add3A_1436 = arith.addf %get3A_1431, %get3A_1435 : vector<16xf32>
      %swap3A_1437 = arith.constant 10 : i32
      %swap3A_1438 = arith.index_cast %swap3A_1437 : i32 to index
      %swap3A_1439 = arith.constant 80 : index
      %swap3A_1440 = tpu.vector_load %arg15[%swap3A_1438, %swap3A_1439] {strides = array<i32>} : memref<16x128xf32, #tpu.memory_space<vmem>>, vector<16xf32>,
      tpu.vector_store %arg15[%swap3A_1438, %swap3A_1439], %add3A_1436 {strides = array<i32>} : memref<16x128xf32, #tpu.memory_space<vmem>>, vector<16xf32>,
      %get3A_1441 = arith.constant 10 : i32
      %get3A_1442 = arith.index_cast %get3A_1441 : i32 to index
      %get3A_1443 = arith.constant 96 : index
      %get3A_1444 = tpu.vector_load %arg15[%get3A_1442, %get3A_1443] {strides = array<i32>} : memref<16x128xf32, #tpu.memory_space<vmem>>, vector<16xf32>,
      %get3A_1445 = arith.constant 10 : i32
      %get3A_1446 = arith.index_cast %get3A_1445 : i32 to index
      %get3A_1447 = arith.constant 96 : index
      %get3A_1448 = tpu.vector_load %arg16[%get3A_1446, %get3A_1447] {strides = array<i32>} : memref<16x128xf32, #tpu.memory_space<vmem>>, vector<16xf32>,
      %add3A_1449 = arith.addf %get3A_1444, %get3A_1448 : vector<16xf32>
      %swap3A_1450 = arith.constant 10 : i32
      %swap3A_1451 = arith.index_cast %swap3A_1450 : i32 to index
      %swap3A_1452 = arith.constant 96 : index
      %swap3A_1453 = tpu.vector_load %arg15[%swap3A_1451, %swap3A_1452] {strides = array<i32>} : memref<16x128xf32, #tpu.memory_space<vmem>>, vector<16xf32>,
      tpu.vector_store %arg15[%swap3A_1451, %swap3A_1452], %add3A_1449 {strides = array<i32>} : memref<16x128xf32, #tpu.memory_space<vmem>>, vector<16xf32>,
      %get3A_1454 = arith.constant 10 : i32
      %get3A_1455 = arith.index_cast %get3A_1454 : i32 to index
      %get3A_1456 = arith.constant 112 : index
      %get3A_1457 = tpu.vector_load %arg15[%get3A_1455, %get3A_1456] {strides = array<i32>} : memref<16x128xf32, #tpu.memory_space<vmem>>, vector<16xf32>,
      %get3A_1458 = arith.constant 10 : i32
      %get3A_1459 = arith.index_cast %get3A_1458 : i32 to index
      %get3A_1460 = arith.constant 112 : index
      %get3A_1461 = tpu.vector_load %arg16[%get3A_1459, %get3A_1460] {strides = array<i32>} : memref<16x128xf32, #tpu.memory_space<vmem>>, vector<16xf32>,
      %add3A_1462 = arith.addf %get3A_1457, %get3A_1461 : vector<16xf32>
      %swap3A_1463 = arith.constant 10 : i32
      %swap3A_1464 = arith.index_cast %swap3A_1463 : i32 to index
      %swap3A_1465 = arith.constant 112 : index
      %swap3A_1466 = tpu.vector_load %arg15[%swap3A_1464, %swap3A_1465] {strides = array<i32>} : memref<16x128xf32, #tpu.memory_space<vmem>>, vector<16xf32>,
      tpu.vector_store %arg15[%swap3A_1464, %swap3A_1465], %add3A_1462 {strides = array<i32>} : memref<16x128xf32, #tpu.memory_space<vmem>>, vector<16xf32>,
      %get3A_1467 = arith.constant 11 : i32
      %get3A_1468 = arith.index_cast %get3A_1467 : i32 to index
      %get3A_1469 = arith.constant 0 : index
      %get3A_1470 = tpu.vector_load %arg15[%get3A_1468, %get3A_1469] {strides = array<i32>} : memref<16x128xf32, #tpu.memory_space<vmem>>, vector<16xf32>,
      %get3A_1471 = arith.constant 11 : i32
      %get3A_1472 = arith.index_cast %get3A_1471 : i32 to index
      %get3A_1473 = arith.constant 0 : index
      %get3A_1474 = tpu.vector_load %arg16[%get3A_1472, %get3A_1473] {strides = array<i32>} : memref<16x128xf32, #tpu.memory_space<vmem>>, vector<16xf32>,
      %add3A_1475 = arith.addf %get3A_1470, %get3A_1474 : vector<16xf32>
      %swap3A_1476 = arith.constant 11 : i32
      %swap3A_1477 = arith.index_cast %swap3A_1476 : i32 to index
      %swap3A_1478 = arith.constant 0 : index
      %swap3A_1479 = tpu.vector_load %arg15[%swap3A_1477, %swap3A_1478] {strides = array<i32>} : memref<16x128xf32, #tpu.memory_space<vmem>>, vector<16xf32>,
      tpu.vector_store %arg15[%swap3A_1477, %swap3A_1478], %add3A_1475 {strides = array<i32>} : memref<16x128xf32, #tpu.memory_space<vmem>>, vector<16xf32>,
      %get3A_1480 = arith.constant 11 : i32
      %get3A_1481 = arith.index_cast %get3A_1480 : i32 to index
      %get3A_1482 = arith.constant 16 : index
      %get3A_1483 = tpu.vector_load %arg15[%get3A_1481, %get3A_1482] {strides = array<i32>} : memref<16x128xf32, #tpu.memory_space<vmem>>, vector<16xf32>,
      %get3A_1484 = arith.constant 11 : i32
      %get3A_1485 = arith.index_cast %get3A_1484 : i32 to index
      %get3A_1486 = arith.constant 16 : index
      %get3A_1487 = tpu.vector_load %arg16[%get3A_1485, %get3A_1486] {strides = array<i32>} : memref<16x128xf32, #tpu.memory_space<vmem>>, vector<16xf32>,
      %add3A_1488 = arith.addf %get3A_1483, %get3A_1487 : vector<16xf32>
      %swap3A_1489 = arith.constant 11 : i32
      %swap3A_1490 = arith.index_cast %swap3A_1489 : i32 to index
      %swap3A_1491 = arith.constant 16 : index
      %swap3A_1492 = tpu.vector_load %arg15[%swap3A_1490, %swap3A_1491] {strides = array<i32>} : memref<16x128xf32, #tpu.memory_space<vmem>>, vector<16xf32>,
      tpu.vector_store %arg15[%swap3A_1490, %swap3A_1491], %add3A_1488 {strides = array<i32>} : memref<16x128xf32, #tpu.memory_space<vmem>>, vector<16xf32>,
      %get3A_1493 = arith.constant 11 : i32
      %get3A_1494 = arith.index_cast %get3A_1493 : i32 to index
      %get3A_1495 = arith.constant 32 : index
      %get3A_1496 = tpu.vector_load %arg15[%get3A_1494, %get3A_1495] {strides = array<i32>} : memref<16x128xf32, #tpu.memory_space<vmem>>, vector<16xf32>,
      %get3A_1497 = arith.constant 11 : i32
      %get3A_1498 = arith.index_cast %get3A_1497 : i32 to index
      %get3A_1499 = arith.constant 32 : index
      %get3A_1500 = tpu.vector_load %arg16[%get3A_1498, %get3A_1499] {strides = array<i32>} : memref<16x128xf32, #tpu.memory_space<vmem>>, vector<16xf32>,
      %add3A_1501 = arith.addf %get3A_1496, %get3A_1500 : vector<16xf32>
      %swap3A_1502 = arith.constant 11 : i32
      %swap3A_1503 = arith.index_cast %swap3A_1502 : i32 to index
      %swap3A_1504 = arith.constant 32 : index
      %swap3A_1505 = tpu.vector_load %arg15[%swap3A_1503, %swap3A_1504] {strides = array<i32>} : memref<16x128xf32, #tpu.memory_space<vmem>>, vector<16xf32>,
      tpu.vector_store %arg15[%swap3A_1503, %swap3A_1504], %add3A_1501 {strides = array<i32>} : memref<16x128xf32, #tpu.memory_space<vmem>>, vector<16xf32>,
      %get3A_1506 = arith.constant 11 : i32
      %get3A_1507 = arith.index_cast %get3A_1506 : i32 to index
      %get3A_1508 = arith.constant 48 : index
      %get3A_1509 = tpu.vector_load %arg15[%get3A_1507, %get3A_1508] {strides = array<i32>} : memref<16x128xf32, #tpu.memory_space<vmem>>, vector<16xf32>,
      %get3A_1510 = arith.constant 11 : i32
      %get3A_1511 = arith.index_cast %get3A_1510 : i32 to index
      %get3A_1512 = arith.constant 48 : index
      %get3A_1513 = tpu.vector_load %arg16[%get3A_1511, %get3A_1512] {strides = array<i32>} : memref<16x128xf32, #tpu.memory_space<vmem>>, vector<16xf32>,
      %add3A_1514 = arith.addf %get3A_1509, %get3A_1513 : vector<16xf32>
      %swap3A_1515 = arith.constant 11 : i32
      %swap3A_1516 = arith.index_cast %swap3A_1515 : i32 to index
      %swap3A_1517 = arith.constant 48 : index
      %swap3A_1518 = tpu.vector_load %arg15[%swap3A_1516, %swap3A_1517] {strides = array<i32>} : memref<16x128xf32, #tpu.memory_space<vmem>>, vector<16xf32>,
      tpu.vector_store %arg15[%swap3A_1516, %swap3A_1517], %add3A_1514 {strides = array<i32>} : memref<16x128xf32, #tpu.memory_space<vmem>>, vector<16xf32>,
      %get3A_1519 = arith.constant 11 : i32
      %get3A_1520 = arith.index_cast %get3A_1519 : i32 to index
      %get3A_1521 = arith.constant 64 : index
      %get3A_1522 = tpu.vector_load %arg15[%get3A_1520, %get3A_1521] {strides = array<i32>} : memref<16x128xf32, #tpu.memory_space<vmem>>, vector<16xf32>,
      %get3A_1523 = arith.constant 11 : i32
      %get3A_1524 = arith.index_cast %get3A_1523 : i32 to index
      %get3A_1525 = arith.constant 64 : index
      %get3A_1526 = tpu.vector_load %arg16[%get3A_1524, %get3A_1525] {strides = array<i32>} : memref<16x128xf32, #tpu.memory_space<vmem>>, vector<16xf32>,
      %add3A_1527 = arith.addf %get3A_1522, %get3A_1526 : vector<16xf32>
      %swap3A_1528 = arith.constant 11 : i32
      %swap3A_1529 = arith.index_cast %swap3A_1528 : i32 to index
      %swap3A_1530 = arith.constant 64 : index
      %swap3A_1531 = tpu.vector_load %arg15[%swap3A_1529, %swap3A_1530] {strides = array<i32>} : memref<16x128xf32, #tpu.memory_space<vmem>>, vector<16xf32>,
      tpu.vector_store %arg15[%swap3A_1529, %swap3A_1530], %add3A_1527 {strides = array<i32>} : memref<16x128xf32, #tpu.memory_space<vmem>>, vector<16xf32>,
      %get3A_1532 = arith.constant 11 : i32
      %get3A_1533 = arith.index_cast %get3A_1532 : i32 to index
      %get3A_1534 = arith.constant 80 : index
      %get3A_1535 = tpu.vector_load %arg15[%get3A_1533, %get3A_1534] {strides = array<i32>} : memref<16x128xf32, #tpu.memory_space<vmem>>, vector<16xf32>,
      %get3A_1536 = arith.constant 11 : i32
      %get3A_1537 = arith.index_cast %get3A_1536 : i32 to index
      %get3A_1538 = arith.constant 80 : index
      %get3A_1539 = tpu.vector_load %arg16[%get3A_1537, %get3A_1538] {strides = array<i32>} : memref<16x128xf32, #tpu.memory_space<vmem>>, vector<16xf32>,
      %add3A_1540 = arith.addf %get3A_1535, %get3A_1539 : vector<16xf32>
      %swap3A_1541 = arith.constant 11 : i32
      %swap3A_1542 = arith.index_cast %swap3A_1541 : i32 to index
      %swap3A_1543 = arith.constant 80 : index
      %swap3A_1544 = tpu.vector_load %arg15[%swap3A_1542, %swap3A_1543] {strides = array<i32>} : memref<16x128xf32, #tpu.memory_space<vmem>>, vector<16xf32>,
      tpu.vector_store %arg15[%swap3A_1542, %swap3A_1543], %add3A_1540 {strides = array<i32>} : memref<16x128xf32, #tpu.memory_space<vmem>>, vector<16xf32>,
      %get3A_1545 = arith.constant 11 : i32
      %get3A_1546 = arith.index_cast %get3A_1545 : i32 to index
      %get3A_1547 = arith.constant 96 : index
      %get3A_1548 = tpu.vector_load %arg15[%get3A_1546, %get3A_1547] {strides = array<i32>} : memref<16x128xf32, #tpu.memory_space<vmem>>, vector<16xf32>,
      %get3A_1549 = arith.constant 11 : i32
      %get3A_1550 = arith.index_cast %get3A_1549 : i32 to index
      %get3A_1551 = arith.constant 96 : index
      %get3A_1552 = tpu.vector_load %arg16[%get3A_1550, %get3A_1551] {strides = array<i32>} : memref<16x128xf32, #tpu.memory_space<vmem>>, vector<16xf32>,
      %add3A_1553 = arith.addf %get3A_1548, %get3A_1552 : vector<16xf32>
      %swap3A_1554 = arith.constant 11 : i32
      %swap3A_1555 = arith.index_cast %swap3A_1554 : i32 to index
      %swap3A_1556 = arith.constant 96 : index
      %swap3A_1557 = tpu.vector_load %arg15[%swap3A_1555, %swap3A_1556] {strides = array<i32>} : memref<16x128xf32, #tpu.memory_space<vmem>>, vector<16xf32>,
      tpu.vector_store %arg15[%swap3A_1555, %swap3A_1556], %add3A_1553 {strides = array<i32>} : memref<16x128xf32, #tpu.memory_space<vmem>>, vector<16xf32>,
      %get3A_1558 = arith.constant 11 : i32
      %get3A_1559 = arith.index_cast %get3A_1558 : i32 to index
      %get3A_1560 = arith.constant 112 : index
      %get3A_1561 = tpu.vector_load %arg15[%get3A_1559, %get3A_1560] {strides = array<i32>} : memref<16x128xf32, #tpu.memory_space<vmem>>, vector<16xf32>,
      %get3A_1562 = arith.constant 11 : i32
      %get3A_1563 = arith.index_cast %get3A_1562 : i32 to index
      %get3A_1564 = arith.constant 112 : index
      %get3A_1565 = tpu.vector_load %arg16[%get3A_1563, %get3A_1564] {strides = array<i32>} : memref<16x128xf32, #tpu.memory_space<vmem>>, vector<16xf32>,
      %add3A_1566 = arith.addf %get3A_1561, %get3A_1565 : vector<16xf32>
      %swap3A_1567 = arith.constant 11 : i32
      %swap3A_1568 = arith.index_cast %swap3A_1567 : i32 to index
      %swap3A_1569 = arith.constant 112 : index
      %swap3A_1570 = tpu.vector_load %arg15[%swap3A_1568, %swap3A_1569] {strides = array<i32>} : memref<16x128xf32, #tpu.memory_space<vmem>>, vector<16xf32>,
      tpu.vector_store %arg15[%swap3A_1568, %swap3A_1569], %add3A_1566 {strides = array<i32>} : memref<16x128xf32, #tpu.memory_space<vmem>>, vector<16xf32>,
      %get3A_1571 = arith.constant 12 : i32
      %get3A_1572 = arith.index_cast %get3A_1571 : i32 to index
      %get3A_1573 = arith.constant 0 : index
      %get3A_1574 = tpu.vector_load %arg15[%get3A_1572, %get3A_1573] {strides = array<i32>} : memref<16x128xf32, #tpu.memory_space<vmem>>, vector<16xf32>,
      %get3A_1575 = arith.constant 12 : i32
      %get3A_1576 = arith.index_cast %get3A_1575 : i32 to index
      %get3A_1577 = arith.constant 0 : index
      %get3A_1578 = tpu.vector_load %arg16[%get3A_1576, %get3A_1577] {strides = array<i32>} : memref<16x128xf32, #tpu.memory_space<vmem>>, vector<16xf32>,
      %add3A_1579 = arith.addf %get3A_1574, %get3A_1578 : vector<16xf32>
      %swap3A_1580 = arith.constant 12 : i32
      %swap3A_1581 = arith.index_cast %swap3A_1580 : i32 to index
      %swap3A_1582 = arith.constant 0 : index
      %swap3A_1583 = tpu.vector_load %arg15[%swap3A_1581, %swap3A_1582] {strides = array<i32>} : memref<16x128xf32, #tpu.memory_space<vmem>>, vector<16xf32>,
      tpu.vector_store %arg15[%swap3A_1581, %swap3A_1582], %add3A_1579 {strides = array<i32>} : memref<16x128xf32, #tpu.memory_space<vmem>>, vector<16xf32>,
      %get3A_1584 = arith.constant 12 : i32
      %get3A_1585 = arith.index_cast %get3A_1584 : i32 to index
      %get3A_1586 = arith.constant 16 : index
      %get3A_1587 = tpu.vector_load %arg15[%get3A_1585, %get3A_1586] {strides = array<i32>} : memref<16x128xf32, #tpu.memory_space<vmem>>, vector<16xf32>,
      %get3A_1588 = arith.constant 12 : i32
      %get3A_1589 = arith.index_cast %get3A_1588 : i32 to index
      %get3A_1590 = arith.constant 16 : index
      %get3A_1591 = tpu.vector_load %arg16[%get3A_1589, %get3A_1590] {strides = array<i32>} : memref<16x128xf32, #tpu.memory_space<vmem>>, vector<16xf32>,
      %add3A_1592 = arith.addf %get3A_1587, %get3A_1591 : vector<16xf32>
      %swap3A_1593 = arith.constant 12 : i32
      %swap3A_1594 = arith.index_cast %swap3A_1593 : i32 to index
      %swap3A_1595 = arith.constant 16 : index
      %swap3A_1596 = tpu.vector_load %arg15[%swap3A_1594, %swap3A_1595] {strides = array<i32>} : memref<16x128xf32, #tpu.memory_space<vmem>>, vector<16xf32>,
      tpu.vector_store %arg15[%swap3A_1594, %swap3A_1595], %add3A_1592 {strides = array<i32>} : memref<16x128xf32, #tpu.memory_space<vmem>>, vector<16xf32>,
      %get3A_1597 = arith.constant 12 : i32
      %get3A_1598 = arith.index_cast %get3A_1597 : i32 to index
      %get3A_1599 = arith.constant 32 : index
      %get3A_1600 = tpu.vector_load %arg15[%get3A_1598, %get3A_1599] {strides = array<i32>} : memref<16x128xf32, #tpu.memory_space<vmem>>, vector<16xf32>,
      %get3A_1601 = arith.constant 12 : i32
      %get3A_1602 = arith.index_cast %get3A_1601 : i32 to index
      %get3A_1603 = arith.constant 32 : index
      %get3A_1604 = tpu.vector_load %arg16[%get3A_1602, %get3A_1603] {strides = array<i32>} : memref<16x128xf32, #tpu.memory_space<vmem>>, vector<16xf32>,
      %add3A_1605 = arith.addf %get3A_1600, %get3A_1604 : vector<16xf32>
      %swap3A_1606 = arith.constant 12 : i32
      %swap3A_1607 = arith.index_cast %swap3A_1606 : i32 to index
      %swap3A_1608 = arith.constant 32 : index
      %swap3A_1609 = tpu.vector_load %arg15[%swap3A_1607, %swap3A_1608] {strides = array<i32>} : memref<16x128xf32, #tpu.memory_space<vmem>>, vector<16xf32>,
      tpu.vector_store %arg15[%swap3A_1607, %swap3A_1608], %add3A_1605 {strides = array<i32>} : memref<16x128xf32, #tpu.memory_space<vmem>>, vector<16xf32>,
      %get3A_1610 = arith.constant 12 : i32
      %get3A_1611 = arith.index_cast %get3A_1610 : i32 to index
      %get3A_1612 = arith.constant 48 : index
      %get3A_1613 = tpu.vector_load %arg15[%get3A_1611, %get3A_1612] {strides = array<i32>} : memref<16x128xf32, #tpu.memory_space<vmem>>, vector<16xf32>,
      %get3A_1614 = arith.constant 12 : i32
      %get3A_1615 = arith.index_cast %get3A_1614 : i32 to index
      %get3A_1616 = arith.constant 48 : index
      %get3A_1617 = tpu.vector_load %arg16[%get3A_1615, %get3A_1616] {strides = array<i32>} : memref<16x128xf32, #tpu.memory_space<vmem>>, vector<16xf32>,
      %add3A_1618 = arith.addf %get3A_1613, %get3A_1617 : vector<16xf32>
      %swap3A_1619 = arith.constant 12 : i32
      %swap3A_1620 = arith.index_cast %swap3A_1619 : i32 to index
      %swap3A_1621 = arith.constant 48 : index
      %swap3A_1622 = tpu.vector_load %arg15[%swap3A_1620, %swap3A_1621] {strides = array<i32>} : memref<16x128xf32, #tpu.memory_space<vmem>>, vector<16xf32>,
      tpu.vector_store %arg15[%swap3A_1620, %swap3A_1621], %add3A_1618 {strides = array<i32>} : memref<16x128xf32, #tpu.memory_space<vmem>>, vector<16xf32>,
      %get3A_1623 = arith.constant 12 : i32
      %get3A_1624 = arith.index_cast %get3A_1623 : i32 to index
      %get3A_1625 = arith.constant 64 : index
      %get3A_1626 = tpu.vector_load %arg15[%get3A_1624, %get3A_1625] {strides = array<i32>} : memref<16x128xf32, #tpu.memory_space<vmem>>, vector<16xf32>,
      %get3A_1627 = arith.constant 12 : i32
      %get3A_1628 = arith.index_cast %get3A_1627 : i32 to index
      %get3A_1629 = arith.constant 64 : index
      %get3A_1630 = tpu.vector_load %arg16[%get3A_1628, %get3A_1629] {strides = array<i32>} : memref<16x128xf32, #tpu.memory_space<vmem>>, vector<16xf32>,
      %add3A_1631 = arith.addf %get3A_1626, %get3A_1630 : vector<16xf32>
      %swap3A_1632 = arith.constant 12 : i32
      %swap3A_1633 = arith.index_cast %swap3A_1632 : i32 to index
      %swap3A_1634 = arith.constant 64 : index
      %swap3A_1635 = tpu.vector_load %arg15[%swap3A_1633, %swap3A_1634] {strides = array<i32>} : memref<16x128xf32, #tpu.memory_space<vmem>>, vector<16xf32>,
      tpu.vector_store %arg15[%swap3A_1633, %swap3A_1634], %add3A_1631 {strides = array<i32>} : memref<16x128xf32, #tpu.memory_space<vmem>>, vector<16xf32>,
      %get3A_1636 = arith.constant 12 : i32
      %get3A_1637 = arith.index_cast %get3A_1636 : i32 to index
      %get3A_1638 = arith.constant 80 : index
      %get3A_1639 = tpu.vector_load %arg15[%get3A_1637, %get3A_1638] {strides = array<i32>} : memref<16x128xf32, #tpu.memory_space<vmem>>, vector<16xf32>,
      %get3A_1640 = arith.constant 12 : i32
      %get3A_1641 = arith.index_cast %get3A_1640 : i32 to index
      %get3A_1642 = arith.constant 80 : index
      %get3A_1643 = tpu.vector_load %arg16[%get3A_1641, %get3A_1642] {strides = array<i32>} : memref<16x128xf32, #tpu.memory_space<vmem>>, vector<16xf32>,
      %add3A_1644 = arith.addf %get3A_1639, %get3A_1643 : vector<16xf32>
      %swap3A_1645 = arith.constant 12 : i32
      %swap3A_1646 = arith.index_cast %swap3A_1645 : i32 to index
      %swap3A_1647 = arith.constant 80 : index
      %swap3A_1648 = tpu.vector_load %arg15[%swap3A_1646, %swap3A_1647] {strides = array<i32>} : memref<16x128xf32, #tpu.memory_space<vmem>>, vector<16xf32>,
      tpu.vector_store %arg15[%swap3A_1646, %swap3A_1647], %add3A_1644 {strides = array<i32>} : memref<16x128xf32, #tpu.memory_space<vmem>>, vector<16xf32>,
      %get3A_1649 = arith.constant 12 : i32
      %get3A_1650 = arith.index_cast %get3A_1649 : i32 to index
      %get3A_1651 = arith.constant 96 : index
      %get3A_1652 = tpu.vector_load %arg15[%get3A_1650, %get3A_1651] {strides = array<i32>} : memref<16x128xf32, #tpu.memory_space<vmem>>, vector<16xf32>,
      %get3A_1653 = arith.constant 12 : i32
      %get3A_1654 = arith.index_cast %get3A_1653 : i32 to index
      %get3A_1655 = arith.constant 96 : index
      %get3A_1656 = tpu.vector_load %arg16[%get3A_1654, %get3A_1655] {strides = array<i32>} : memref<16x128xf32, #tpu.memory_space<vmem>>, vector<16xf32>,
      %add3A_1657 = arith.addf %get3A_1652, %get3A_1656 : vector<16xf32>
      %swap3A_1658 = arith.constant 12 : i32
      %swap3A_1659 = arith.index_cast %swap3A_1658 : i32 to index
      %swap3A_1660 = arith.constant 96 : index
      %swap3A_1661 = tpu.vector_load %arg15[%swap3A_1659, %swap3A_1660] {strides = array<i32>} : memref<16x128xf32, #tpu.memory_space<vmem>>, vector<16xf32>,
      tpu.vector_store %arg15[%swap3A_1659, %swap3A_1660], %add3A_1657 {strides = array<i32>} : memref<16x128xf32, #tpu.memory_space<vmem>>, vector<16xf32>,
      %get3A_1662 = arith.constant 12 : i32
      %get3A_1663 = arith.index_cast %get3A_1662 : i32 to index
      %get3A_1664 = arith.constant 112 : index
      %get3A_1665 = tpu.vector_load %arg15[%get3A_1663, %get3A_1664] {strides = array<i32>} : memref<16x128xf32, #tpu.memory_space<vmem>>, vector<16xf32>,
      %get3A_1666 = arith.constant 12 : i32
      %get3A_1667 = arith.index_cast %get3A_1666 : i32 to index
      %get3A_1668 = arith.constant 112 : index
      %get3A_1669 = tpu.vector_load %arg16[%get3A_1667, %get3A_1668] {strides = array<i32>} : memref<16x128xf32, #tpu.memory_space<vmem>>, vector<16xf32>,
      %add3A_1670 = arith.addf %get3A_1665, %get3A_1669 : vector<16xf32>
      %swap3A_1671 = arith.constant 12 : i32
      %swap3A_1672 = arith.index_cast %swap3A_1671 : i32 to index
      %swap3A_1673 = arith.constant 112 : index
      %swap3A_1674 = tpu.vector_load %arg15[%swap3A_1672, %swap3A_1673] {strides = array<i32>} : memref<16x128xf32, #tpu.memory_space<vmem>>, vector<16xf32>,
      tpu.vector_store %arg15[%swap3A_1672, %swap3A_1673], %add3A_1670 {strides = array<i32>} : memref<16x128xf32, #tpu.memory_space<vmem>>, vector<16xf32>,
      %get3A_1675 = arith.constant 13 : i32
      %get3A_1676 = arith.index_cast %get3A_1675 : i32 to index
      %get3A_1677 = arith.constant 0 : index
      %get3A_1678 = tpu.vector_load %arg15[%get3A_1676, %get3A_1677] {strides = array<i32>} : memref<16x128xf32, #tpu.memory_space<vmem>>, vector<16xf32>,
      %get3A_1679 = arith.constant 13 : i32
      %get3A_1680 = arith.index_cast %get3A_1679 : i32 to index
      %get3A_1681 = arith.constant 0 : index
      %get3A_1682 = tpu.vector_load %arg16[%get3A_1680, %get3A_1681] {strides = array<i32>} : memref<16x128xf32, #tpu.memory_space<vmem>>, vector<16xf32>,
      %add3A_1683 = arith.addf %get3A_1678, %get3A_1682 : vector<16xf32>
      %swap3A_1684 = arith.constant 13 : i32
      %swap3A_1685 = arith.index_cast %swap3A_1684 : i32 to index
      %swap3A_1686 = arith.constant 0 : index
      %swap3A_1687 = tpu.vector_load %arg15[%swap3A_1685, %swap3A_1686] {strides = array<i32>} : memref<16x128xf32, #tpu.memory_space<vmem>>, vector<16xf32>,
      tpu.vector_store %arg15[%swap3A_1685, %swap3A_1686], %add3A_1683 {strides = array<i32>} : memref<16x128xf32, #tpu.memory_space<vmem>>, vector<16xf32>,
      %get3A_1688 = arith.constant 13 : i32
      %get3A_1689 = arith.index_cast %get3A_1688 : i32 to index
      %get3A_1690 = arith.constant 16 : index
      %get3A_1691 = tpu.vector_load %arg15[%get3A_1689, %get3A_1690] {strides = array<i32>} : memref<16x128xf32, #tpu.memory_space<vmem>>, vector<16xf32>,
      %get3A_1692 = arith.constant 13 : i32
      %get3A_1693 = arith.index_cast %get3A_1692 : i32 to index
      %get3A_1694 = arith.constant 16 : index
      %get3A_1695 = tpu.vector_load %arg16[%get3A_1693, %get3A_1694] {strides = array<i32>} : memref<16x128xf32, #tpu.memory_space<vmem>>, vector<16xf32>,
      %add3A_1696 = arith.addf %get3A_1691, %get3A_1695 : vector<16xf32>
      %swap3A_1697 = arith.constant 13 : i32
      %swap3A_1698 = arith.index_cast %swap3A_1697 : i32 to index
      %swap3A_1699 = arith.constant 16 : index
      %swap3A_1700 = tpu.vector_load %arg15[%swap3A_1698, %swap3A_1699] {strides = array<i32>} : memref<16x128xf32, #tpu.memory_space<vmem>>, vector<16xf32>,
      tpu.vector_store %arg15[%swap3A_1698, %swap3A_1699], %add3A_1696 {strides = array<i32>} : memref<16x128xf32, #tpu.memory_space<vmem>>, vector<16xf32>,
      %get3A_1701 = arith.constant 13 : i32
      %get3A_1702 = arith.index_cast %get3A_1701 : i32 to index
      %get3A_1703 = arith.constant 32 : index
      %get3A_1704 = tpu.vector_load %arg15[%get3A_1702, %get3A_1703] {strides = array<i32>} : memref<16x128xf32, #tpu.memory_space<vmem>>, vector<16xf32>,
      %get3A_1705 = arith.constant 13 : i32
      %get3A_1706 = arith.index_cast %get3A_1705 : i32 to index
      %get3A_1707 = arith.constant 32 : index
      %get3A_1708 = tpu.vector_load %arg16[%get3A_1706, %get3A_1707] {strides = array<i32>} : memref<16x128xf32, #tpu.memory_space<vmem>>, vector<16xf32>,
      %add3A_1709 = arith.addf %get3A_1704, %get3A_1708 : vector<16xf32>
      %swap3A_1710 = arith.constant 13 : i32
      %swap3A_1711 = arith.index_cast %swap3A_1710 : i32 to index
      %swap3A_1712 = arith.constant 32 : index
      %swap3A_1713 = tpu.vector_load %arg15[%swap3A_1711, %swap3A_1712] {strides = array<i32>} : memref<16x128xf32, #tpu.memory_space<vmem>>, vector<16xf32>,
      tpu.vector_store %arg15[%swap3A_1711, %swap3A_1712], %add3A_1709 {strides = array<i32>} : memref<16x128xf32, #tpu.memory_space<vmem>>, vector<16xf32>,
      %get3A_1714 = arith.constant 13 : i32
      %get3A_1715 = arith.index_cast %get3A_1714 : i32 to index
      %get3A_1716 = arith.constant 48 : index
      %get3A_1717 = tpu.vector_load %arg15[%get3A_1715, %get3A_1716] {strides = array<i32>} : memref<16x128xf32, #tpu.memory_space<vmem>>, vector<16xf32>,
      %get3A_1718 = arith.constant 13 : i32
      %get3A_1719 = arith.index_cast %get3A_1718 : i32 to index
      %get3A_1720 = arith.constant 48 : index
      %get3A_1721 = tpu.vector_load %arg16[%get3A_1719, %get3A_1720] {strides = array<i32>} : memref<16x128xf32, #tpu.memory_space<vmem>>, vector<16xf32>,
      %add3A_1722 = arith.addf %get3A_1717, %get3A_1721 : vector<16xf32>
      %swap3A_1723 = arith.constant 13 : i32
      %swap3A_1724 = arith.index_cast %swap3A_1723 : i32 to index
      %swap3A_1725 = arith.constant 48 : index
      %swap3A_1726 = tpu.vector_load %arg15[%swap3A_1724, %swap3A_1725] {strides = array<i32>} : memref<16x128xf32, #tpu.memory_space<vmem>>, vector<16xf32>,
      tpu.vector_store %arg15[%swap3A_1724, %swap3A_1725], %add3A_1722 {strides = array<i32>} : memref<16x128xf32, #tpu.memory_space<vmem>>, vector<16xf32>,
      %get3A_1727 = arith.constant 13 : i32
      %get3A_1728 = arith.index_cast %get3A_1727 : i32 to index
      %get3A_1729 = arith.constant 64 : index
      %get3A_1730 = tpu.vector_load %arg15[%get3A_1728, %get3A_1729] {strides = array<i32>} : memref<16x128xf32, #tpu.memory_space<vmem>>, vector<16xf32>,
      %get3A_1731 = arith.constant 13 : i32
      %get3A_1732 = arith.index_cast %get3A_1731 : i32 to index
      %get3A_1733 = arith.constant 64 : index
      %get3A_1734 = tpu.vector_load %arg16[%get3A_1732, %get3A_1733] {strides = array<i32>} : memref<16x128xf32, #tpu.memory_space<vmem>>, vector<16xf32>,
      %add3A_1735 = arith.addf %get3A_1730, %get3A_1734 : vector<16xf32>
      %swap3A_1736 = arith.constant 13 : i32
      %swap3A_1737 = arith.index_cast %swap3A_1736 : i32 to index
      %swap3A_1738 = arith.constant 64 : index
      %swap3A_1739 = tpu.vector_load %arg15[%swap3A_1737, %swap3A_1738] {strides = array<i32>} : memref<16x128xf32, #tpu.memory_space<vmem>>, vector<16xf32>,
      tpu.vector_store %arg15[%swap3A_1737, %swap3A_1738], %add3A_1735 {strides = array<i32>} : memref<16x128xf32, #tpu.memory_space<vmem>>, vector<16xf32>,
      %get3A_1740 = arith.constant 13 : i32
      %get3A_1741 = arith.index_cast %get3A_1740 : i32 to index
      %get3A_1742 = arith.constant 80 : index
      %get3A_1743 = tpu.vector_load %arg15[%get3A_1741, %get3A_1742] {strides = array<i32>} : memref<16x128xf32, #tpu.memory_space<vmem>>, vector<16xf32>,
      %get3A_1744 = arith.constant 13 : i32
      %get3A_1745 = arith.index_cast %get3A_1744 : i32 to index
      %get3A_1746 = arith.constant 80 : index
      %get3A_1747 = tpu.vector_load %arg16[%get3A_1745, %get3A_1746] {strides = array<i32>} : memref<16x128xf32, #tpu.memory_space<vmem>>, vector<16xf32>,
      %add3A_1748 = arith.addf %get3A_1743, %get3A_1747 : vector<16xf32>
      %swap3A_1749 = arith.constant 13 : i32
      %swap3A_1750 = arith.index_cast %swap3A_1749 : i32 to index
      %swap3A_1751 = arith.constant 80 : index
      %swap3A_1752 = tpu.vector_load %arg15[%swap3A_1750, %swap3A_1751] {strides = array<i32>} : memref<16x128xf32, #tpu.memory_space<vmem>>, vector<16xf32>,
      tpu.vector_store %arg15[%swap3A_1750, %swap3A_1751], %add3A_1748 {strides = array<i32>} : memref<16x128xf32, #tpu.memory_space<vmem>>, vector<16xf32>,
      %get3A_1753 = arith.constant 13 : i32
      %get3A_1754 = arith.index_cast %get3A_1753 : i32 to index
      %get3A_1755 = arith.constant 96 : index
      %get3A_1756 = tpu.vector_load %arg15[%get3A_1754, %get3A_1755] {strides = array<i32>} : memref<16x128xf32, #tpu.memory_space<vmem>>, vector<16xf32>,
      %get3A_1757 = arith.constant 13 : i32
      %get3A_1758 = arith.index_cast %get3A_1757 : i32 to index
      %get3A_1759 = arith.constant 96 : index
      %get3A_1760 = tpu.vector_load %arg16[%get3A_1758, %get3A_1759] {strides = array<i32>} : memref<16x128xf32, #tpu.memory_space<vmem>>, vector<16xf32>,
      %add3A_1761 = arith.addf %get3A_1756, %get3A_1760 : vector<16xf32>
      %swap3A_1762 = arith.constant 13 : i32
      %swap3A_1763 = arith.index_cast %swap3A_1762 : i32 to index
      %swap3A_1764 = arith.constant 96 : index
      %swap3A_1765 = tpu.vector_load %arg15[%swap3A_1763, %swap3A_1764] {strides = array<i32>} : memref<16x128xf32, #tpu.memory_space<vmem>>, vector<16xf32>,
      tpu.vector_store %arg15[%swap3A_1763, %swap3A_1764], %add3A_1761 {strides = array<i32>} : memref<16x128xf32, #tpu.memory_space<vmem>>, vector<16xf32>,
      %get3A_1766 = arith.constant 13 : i32
      %get3A_1767 = arith.index_cast %get3A_1766 : i32 to index
      %get3A_1768 = arith.constant 112 : index
      %get3A_1769 = tpu.vector_load %arg15[%get3A_1767, %get3A_1768] {strides = array<i32>} : memref<16x128xf32, #tpu.memory_space<vmem>>, vector<16xf32>,
      %get3A_1770 = arith.constant 13 : i32
      %get3A_1771 = arith.index_cast %get3A_1770 : i32 to index
      %get3A_1772 = arith.constant 112 : index
      %get3A_1773 = tpu.vector_load %arg16[%get3A_1771, %get3A_1772] {strides = array<i32>} : memref<16x128xf32, #tpu.memory_space<vmem>>, vector<16xf32>,
      %add3A_1774 = arith.addf %get3A_1769, %get3A_1773 : vector<16xf32>
      %swap3A_1775 = arith.constant 13 : i32
      %swap3A_1776 = arith.index_cast %swap3A_1775 : i32 to index
      %swap3A_1777 = arith.constant 112 : index
      %swap3A_1778 = tpu.vector_load %arg15[%swap3A_1776, %swap3A_1777] {strides = array<i32>} : memref<16x128xf32, #tpu.memory_space<vmem>>, vector<16xf32>,
      tpu.vector_store %arg15[%swap3A_1776, %swap3A_1777], %add3A_1774 {strides = array<i32>} : memref<16x128xf32, #tpu.memory_space<vmem>>, vector<16xf32>,
      %get3A_1779 = arith.constant 14 : i32
      %get3A_1780 = arith.index_cast %get3A_1779 : i32 to index
      %get3A_1781 = arith.constant 0 : index
      %get3A_1782 = tpu.vector_load %arg15[%get3A_1780, %get3A_1781] {strides = array<i32>} : memref<16x128xf32, #tpu.memory_space<vmem>>, vector<16xf32>,
      %get3A_1783 = arith.constant 14 : i32
      %get3A_1784 = arith.index_cast %get3A_1783 : i32 to index
      %get3A_1785 = arith.constant 0 : index
      %get3A_1786 = tpu.vector_load %arg16[%get3A_1784, %get3A_1785] {strides = array<i32>} : memref<16x128xf32, #tpu.memory_space<vmem>>, vector<16xf32>,
      %add3A_1787 = arith.addf %get3A_1782, %get3A_1786 : vector<16xf32>
      %swap3A_1788 = arith.constant 14 : i32
      %swap3A_1789 = arith.index_cast %swap3A_1788 : i32 to index
      %swap3A_1790 = arith.constant 0 : index
      %swap3A_1791 = tpu.vector_load %arg15[%swap3A_1789, %swap3A_1790] {strides = array<i32>} : memref<16x128xf32, #tpu.memory_space<vmem>>, vector<16xf32>,
      tpu.vector_store %arg15[%swap3A_1789, %swap3A_1790], %add3A_1787 {strides = array<i32>} : memref<16x128xf32, #tpu.memory_space<vmem>>, vector<16xf32>,
      %get3A_1792 = arith.constant 14 : i32
      %get3A_1793 = arith.index_cast %get3A_1792 : i32 to index
      %get3A_1794 = arith.constant 16 : index
      %get3A_1795 = tpu.vector_load %arg15[%get3A_1793, %get3A_1794] {strides = array<i32>} : memref<16x128xf32, #tpu.memory_space<vmem>>, vector<16xf32>,
      %get3A_1796 = arith.constant 14 : i32
      %get3A_1797 = arith.index_cast %get3A_1796 : i32 to index
      %get3A_1798 = arith.constant 16 : index
      %get3A_1799 = tpu.vector_load %arg16[%get3A_1797, %get3A_1798] {strides = array<i32>} : memref<16x128xf32, #tpu.memory_space<vmem>>, vector<16xf32>,
      %add3A_1800 = arith.addf %get3A_1795, %get3A_1799 : vector<16xf32>
      %swap3A_1801 = arith.constant 14 : i32
      %swap3A_1802 = arith.index_cast %swap3A_1801 : i32 to index
      %swap3A_1803 = arith.constant 16 : index
      %swap3A_1804 = tpu.vector_load %arg15[%swap3A_1802, %swap3A_1803] {strides = array<i32>} : memref<16x128xf32, #tpu.memory_space<vmem>>, vector<16xf32>,
      tpu.vector_store %arg15[%swap3A_1802, %swap3A_1803], %add3A_1800 {strides = array<i32>} : memref<16x128xf32, #tpu.memory_space<vmem>>, vector<16xf32>,
      %get3A_1805 = arith.constant 14 : i32
      %get3A_1806 = arith.index_cast %get3A_1805 : i32 to index
      %get3A_1807 = arith.constant 32 : index
      %get3A_1808 = tpu.vector_load %arg15[%get3A_1806, %get3A_1807] {strides = array<i32>} : memref<16x128xf32, #tpu.memory_space<vmem>>, vector<16xf32>,
      %get3A_1809 = arith.constant 14 : i32
      %get3A_1810 = arith.index_cast %get3A_1809 : i32 to index
      %get3A_1811 = arith.constant 32 : index
      %get3A_1812 = tpu.vector_load %arg16[%get3A_1810, %get3A_1811] {strides = array<i32>} : memref<16x128xf32, #tpu.memory_space<vmem>>, vector<16xf32>,
      %add3A_1813 = arith.addf %get3A_1808, %get3A_1812 : vector<16xf32>
      %swap3A_1814 = arith.constant 14 : i32
      %swap3A_1815 = arith.index_cast %swap3A_1814 : i32 to index
      %swap3A_1816 = arith.constant 32 : index
      %swap3A_1817 = tpu.vector_load %arg15[%swap3A_1815, %swap3A_1816] {strides = array<i32>} : memref<16x128xf32, #tpu.memory_space<vmem>>, vector<16xf32>,
      tpu.vector_store %arg15[%swap3A_1815, %swap3A_1816], %add3A_1813 {strides = array<i32>} : memref<16x128xf32, #tpu.memory_space<vmem>>, vector<16xf32>,
      %get3A_1818 = arith.constant 14 : i32
      %get3A_1819 = arith.index_cast %get3A_1818 : i32 to index
      %get3A_1820 = arith.constant 48 : index
      %get3A_1821 = tpu.vector_load %arg15[%get3A_1819, %get3A_1820] {strides = array<i32>} : memref<16x128xf32, #tpu.memory_space<vmem>>, vector<16xf32>,
      %get3A_1822 = arith.constant 14 : i32
      %get3A_1823 = arith.index_cast %get3A_1822 : i32 to index
      %get3A_1824 = arith.constant 48 : index
      %get3A_1825 = tpu.vector_load %arg16[%get3A_1823, %get3A_1824] {strides = array<i32>} : memref<16x128xf32, #tpu.memory_space<vmem>>, vector<16xf32>,
      %add3A_1826 = arith.addf %get3A_1821, %get3A_1825 : vector<16xf32>
      %swap3A_1827 = arith.constant 14 : i32
      %swap3A_1828 = arith.index_cast %swap3A_1827 : i32 to index
      %swap3A_1829 = arith.constant 48 : index
      %swap3A_1830 = tpu.vector_load %arg15[%swap3A_1828, %swap3A_1829] {strides = array<i32>} : memref<16x128xf32, #tpu.memory_space<vmem>>, vector<16xf32>,
      tpu.vector_store %arg15[%swap3A_1828, %swap3A_1829], %add3A_1826 {strides = array<i32>} : memref<16x128xf32, #tpu.memory_space<vmem>>, vector<16xf32>,
      %get3A_1831 = arith.constant 14 : i32
      %get3A_1832 = arith.index_cast %get3A_1831 : i32 to index
      %get3A_1833 = arith.constant 64 : index
      %get3A_1834 = tpu.vector_load %arg15[%get3A_1832, %get3A_1833] {strides = array<i32>} : memref<16x128xf32, #tpu.memory_space<vmem>>, vector<16xf32>,
      %get3A_1835 = arith.constant 14 : i32
      %get3A_1836 = arith.index_cast %get3A_1835 : i32 to index
      %get3A_1837 = arith.constant 64 : index
      %get3A_1838 = tpu.vector_load %arg16[%get3A_1836, %get3A_1837] {strides = array<i32>} : memref<16x128xf32, #tpu.memory_space<vmem>>, vector<16xf32>,
      %add3A_1839 = arith.addf %get3A_1834, %get3A_1838 : vector<16xf32>
      %swap3A_1840 = arith.constant 14 : i32
      %swap3A_1841 = arith.index_cast %swap3A_1840 : i32 to index
      %swap3A_1842 = arith.constant 64 : index
      %swap3A_1843 = tpu.vector_load %arg15[%swap3A_1841, %swap3A_1842] {strides = array<i32>} : memref<16x128xf32, #tpu.memory_space<vmem>>, vector<16xf32>,
      tpu.vector_store %arg15[%swap3A_1841, %swap3A_1842], %add3A_1839 {strides = array<i32>} : memref<16x128xf32, #tpu.memory_space<vmem>>, vector<16xf32>,
      %get3A_1844 = arith.constant 14 : i32
      %get3A_1845 = arith.index_cast %get3A_1844 : i32 to index
      %get3A_1846 = arith.constant 80 : index
      %get3A_1847 = tpu.vector_load %arg15[%get3A_1845, %get3A_1846] {strides = array<i32>} : memref<16x128xf32, #tpu.memory_space<vmem>>, vector<16xf32>,
      %get3A_1848 = arith.constant 14 : i32
      %get3A_1849 = arith.index_cast %get3A_1848 : i32 to index
      %get3A_1850 = arith.constant 80 : index
      %get3A_1851 = tpu.vector_load %arg16[%get3A_1849, %get3A_1850] {strides = array<i32>} : memref<16x128xf32, #tpu.memory_space<vmem>>, vector<16xf32>,
      %add3A_1852 = arith.addf %get3A_1847, %get3A_1851 : vector<16xf32>
      %swap3A_1853 = arith.constant 14 : i32
      %swap3A_1854 = arith.index_cast %swap3A_1853 : i32 to index
      %swap3A_1855 = arith.constant 80 : index
      %swap3A_1856 = tpu.vector_load %arg15[%swap3A_1854, %swap3A_1855] {strides = array<i32>} : memref<16x128xf32, #tpu.memory_space<vmem>>, vector<16xf32>,
      tpu.vector_store %arg15[%swap3A_1854, %swap3A_1855], %add3A_1852 {strides = array<i32>} : memref<16x128xf32, #tpu.memory_space<vmem>>, vector<16xf32>,
      %get3A_1857 = arith.constant 14 : i32
      %get3A_1858 = arith.index_cast %get3A_1857 : i32 to index
      %get3A_1859 = arith.constant 96 : index
      %get3A_1860 = tpu.vector_load %arg15[%get3A_1858, %get3A_1859] {strides = array<i32>} : memref<16x128xf32, #tpu.memory_space<vmem>>, vector<16xf32>,
      %get3A_1861 = arith.constant 14 : i32
      %get3A_1862 = arith.index_cast %get3A_1861 : i32 to index
      %get3A_1863 = arith.constant 96 : index
      %get3A_1864 = tpu.vector_load %arg16[%get3A_1862, %get3A_1863] {strides = array<i32>} : memref<16x128xf32, #tpu.memory_space<vmem>>, vector<16xf32>,
      %add3A_1865 = arith.addf %get3A_1860, %get3A_1864 : vector<16xf32>
      %swap3A_1866 = arith.constant 14 : i32
      %swap3A_1867 = arith.index_cast %swap3A_1866 : i32 to index
      %swap3A_1868 = arith.constant 96 : index
      %swap3A_1869 = tpu.vector_load %arg15[%swap3A_1867, %swap3A_1868] {strides = array<i32>} : memref<16x128xf32, #tpu.memory_space<vmem>>, vector<16xf32>,
      tpu.vector_store %arg15[%swap3A_1867, %swap3A_1868], %add3A_1865 {strides = array<i32>} : memref<16x128xf32, #tpu.memory_space<vmem>>, vector<16xf32>,
      %get3A_1870 = arith.constant 14 : i32
      %get3A_1871 = arith.index_cast %get3A_1870 : i32 to index
      %get3A_1872 = arith.constant 112 : index
      %get3A_1873 = tpu.vector_load %arg15[%get3A_1871, %get3A_1872] {strides = array<i32>} : memref<16x128xf32, #tpu.memory_space<vmem>>, vector<16xf32>,
      %get3A_1874 = arith.constant 14 : i32
      %get3A_1875 = arith.index_cast %get3A_1874 : i32 to index
      %get3A_1876 = arith.constant 112 : index
      %get3A_1877 = tpu.vector_load %arg16[%get3A_1875, %get3A_1876] {strides = array<i32>} : memref<16x128xf32, #tpu.memory_space<vmem>>, vector<16xf32>,
      %add3A_1878 = arith.addf %get3A_1873, %get3A_1877 : vector<16xf32>
      %swap3A_1879 = arith.constant 14 : i32
      %swap3A_1880 = arith.index_cast %swap3A_1879 : i32 to index
      %swap3A_1881 = arith.constant 112 : index
      %swap3A_1882 = tpu.vector_load %arg15[%swap3A_1880, %swap3A_1881] {strides = array<i32>} : memref<16x128xf32, #tpu.memory_space<vmem>>, vector<16xf32>,
      tpu.vector_store %arg15[%swap3A_1880, %swap3A_1881], %add3A_1878 {strides = array<i32>} : memref<16x128xf32, #tpu.memory_space<vmem>>, vector<16xf32>,
      %get3A_1883 = arith.constant 15 : i32
      %get3A_1884 = arith.index_cast %get3A_1883 : i32 to index
      %get3A_1885 = arith.constant 0 : index
      %get3A_1886 = tpu.vector_load %arg15[%get3A_1884, %get3A_1885] {strides = array<i32>} : memref<16x128xf32, #tpu.memory_space<vmem>>, vector<16xf32>,
      %get3A_1887 = arith.constant 15 : i32
      %get3A_1888 = arith.index_cast %get3A_1887 : i32 to index
      %get3A_1889 = arith.constant 0 : index
      %get3A_1890 = tpu.vector_load %arg16[%get3A_1888, %get3A_1889] {strides = array<i32>} : memref<16x128xf32, #tpu.memory_space<vmem>>, vector<16xf32>,
      %add3A_1891 = arith.addf %get3A_1886, %get3A_1890 : vector<16xf32>
      %swap3A_1892 = arith.constant 15 : i32
      %swap3A_1893 = arith.index_cast %swap3A_1892 : i32 to index
      %swap3A_1894 = arith.constant 0 : index
      %swap3A_1895 = tpu.vector_load %arg15[%swap3A_1893, %swap3A_1894] {strides = array<i32>} : memref<16x128xf32, #tpu.memory_space<vmem>>, vector<16xf32>,
      tpu.vector_store %arg15[%swap3A_1893, %swap3A_1894], %add3A_1891 {strides = array<i32>} : memref<16x128xf32, #tpu.memory_space<vmem>>, vector<16xf32>,
      %get3A_1896 = arith.constant 15 : i32
      %get3A_1897 = arith.index_cast %get3A_1896 : i32 to index
      %get3A_1898 = arith.constant 16 : index
      %get3A_1899 = tpu.vector_load %arg15[%get3A_1897, %get3A_1898] {strides = array<i32>} : memref<16x128xf32, #tpu.memory_space<vmem>>, vector<16xf32>,
      %get3A_1900 = arith.constant 15 : i32
      %get3A_1901 = arith.index_cast %get3A_1900 : i32 to index
      %get3A_1902 = arith.constant 16 : index
      %get3A_1903 = tpu.vector_load %arg16[%get3A_1901, %get3A_1902] {strides = array<i32>} : memref<16x128xf32, #tpu.memory_space<vmem>>, vector<16xf32>,
      %add3A_1904 = arith.addf %get3A_1899, %get3A_1903 : vector<16xf32>
      %swap3A_1905 = arith.constant 15 : i32
      %swap3A_1906 = arith.index_cast %swap3A_1905 : i32 to index
      %swap3A_1907 = arith.constant 16 : index
      %swap3A_1908 = tpu.vector_load %arg15[%swap3A_1906, %swap3A_1907] {strides = array<i32>} : memref<16x128xf32, #tpu.memory_space<vmem>>, vector<16xf32>,
      tpu.vector_store %arg15[%swap3A_1906, %swap3A_1907], %add3A_1904 {strides = array<i32>} : memref<16x128xf32, #tpu.memory_space<vmem>>, vector<16xf32>,
      %get3A_1909 = arith.constant 15 : i32
      %get3A_1910 = arith.index_cast %get3A_1909 : i32 to index
      %get3A_1911 = arith.constant 32 : index
      %get3A_1912 = tpu.vector_load %arg15[%get3A_1910, %get3A_1911] {strides = array<i32>} : memref<16x128xf32, #tpu.memory_space<vmem>>, vector<16xf32>,
      %get3A_1913 = arith.constant 15 : i32
      %get3A_1914 = arith.index_cast %get3A_1913 : i32 to index
      %get3A_1915 = arith.constant 32 : index
      %get3A_1916 = tpu.vector_load %arg16[%get3A_1914, %get3A_1915] {strides = array<i32>} : memref<16x128xf32, #tpu.memory_space<vmem>>, vector<16xf32>,
      %add3A_1917 = arith.addf %get3A_1912, %get3A_1916 : vector<16xf32>
      %swap3A_1918 = arith.constant 15 : i32
      %swap3A_1919 = arith.index_cast %swap3A_1918 : i32 to index
      %swap3A_1920 = arith.constant 32 : index
      %swap3A_1921 = tpu.vector_load %arg15[%swap3A_1919, %swap3A_1920] {strides = array<i32>} : memref<16x128xf32, #tpu.memory_space<vmem>>, vector<16xf32>,
      tpu.vector_store %arg15[%swap3A_1919, %swap3A_1920], %add3A_1917 {strides = array<i32>} : memref<16x128xf32, #tpu.memory_space<vmem>>, vector<16xf32>,
      %get3A_1922 = arith.constant 15 : i32
      %get3A_1923 = arith.index_cast %get3A_1922 : i32 to index
      %get3A_1924 = arith.constant 48 : index
      %get3A_1925 = tpu.vector_load %arg15[%get3A_1923, %get3A_1924] {strides = array<i32>} : memref<16x128xf32, #tpu.memory_space<vmem>>, vector<16xf32>,
      %get3A_1926 = arith.constant 15 : i32
      %get3A_1927 = arith.index_cast %get3A_1926 : i32 to index
      %get3A_1928 = arith.constant 48 : index
      %get3A_1929 = tpu.vector_load %arg16[%get3A_1927, %get3A_1928] {strides = array<i32>} : memref<16x128xf32, #tpu.memory_space<vmem>>, vector<16xf32>,
      %add3A_1930 = arith.addf %get3A_1925, %get3A_1929 : vector<16xf32>
      %swap3A_1931 = arith.constant 15 : i32
      %swap3A_1932 = arith.index_cast %swap3A_1931 : i32 to index
      %swap3A_1933 = arith.constant 48 : index
      %swap3A_1934 = tpu.vector_load %arg15[%swap3A_1932, %swap3A_1933] {strides = array<i32>} : memref<16x128xf32, #tpu.memory_space<vmem>>, vector<16xf32>,
      tpu.vector_store %arg15[%swap3A_1932, %swap3A_1933], %add3A_1930 {strides = array<i32>} : memref<16x128xf32, #tpu.memory_space<vmem>>, vector<16xf32>,
      %get3A_1935 = arith.constant 15 : i32
      %get3A_1936 = arith.index_cast %get3A_1935 : i32 to index
      %get3A_1937 = arith.constant 64 : index
      %get3A_1938 = tpu.vector_load %arg15[%get3A_1936, %get3A_1937] {strides = array<i32>} : memref<16x128xf32, #tpu.memory_space<vmem>>, vector<16xf32>,
      %get3A_1939 = arith.constant 15 : i32
      %get3A_1940 = arith.index_cast %get3A_1939 : i32 to index
      %get3A_1941 = arith.constant 64 : index
      %get3A_1942 = tpu.vector_load %arg16[%get3A_1940, %get3A_1941] {strides = array<i32>} : memref<16x128xf32, #tpu.memory_space<vmem>>, vector<16xf32>,
      %add3A_1943 = arith.addf %get3A_1938, %get3A_1942 : vector<16xf32>
      %swap3A_1944 = arith.constant 15 : i32
      %swap3A_1945 = arith.index_cast %swap3A_1944 : i32 to index
      %swap3A_1946 = arith.constant 64 : index
      %swap3A_1947 = tpu.vector_load %arg15[%swap3A_1945, %swap3A_1946] {strides = array<i32>} : memref<16x128xf32, #tpu.memory_space<vmem>>, vector<16xf32>,
      tpu.vector_store %arg15[%swap3A_1945, %swap3A_1946], %add3A_1943 {strides = array<i32>} : memref<16x128xf32, #tpu.memory_space<vmem>>, vector<16xf32>,
      %get3A_1948 = arith.constant 15 : i32
      %get3A_1949 = arith.index_cast %get3A_1948 : i32 to index
      %get3A_1950 = arith.constant 80 : index
      %get3A_1951 = tpu.vector_load %arg15[%get3A_1949, %get3A_1950] {strides = array<i32>} : memref<16x128xf32, #tpu.memory_space<vmem>>, vector<16xf32>,
      %get3A_1952 = arith.constant 15 : i32
      %get3A_1953 = arith.index_cast %get3A_1952 : i32 to index
      %get3A_1954 = arith.constant 80 : index
      %get3A_1955 = tpu.vector_load %arg16[%get3A_1953, %get3A_1954] {strides = array<i32>} : memref<16x128xf32, #tpu.memory_space<vmem>>, vector<16xf32>,
      %add3A_1956 = arith.addf %get3A_1951, %get3A_1955 : vector<16xf32>
      %swap3A_1957 = arith.constant 15 : i32
      %swap3A_1958 = arith.index_cast %swap3A_1957 : i32 to index
      %swap3A_1959 = arith.constant 80 : index
      %swap3A_1960 = tpu.vector_load %arg15[%swap3A_1958, %swap3A_1959] {strides = array<i32>} : memref<16x128xf32, #tpu.memory_space<vmem>>, vector<16xf32>,
      tpu.vector_store %arg15[%swap3A_1958, %swap3A_1959], %add3A_1956 {strides = array<i32>} : memref<16x128xf32, #tpu.memory_space<vmem>>, vector<16xf32>,
      %get3A_1961 = arith.constant 15 : i32
      %get3A_1962 = arith.index_cast %get3A_1961 : i32 to index
      %get3A_1963 = arith.constant 96 : index
      %get3A_1964 = tpu.vector_load %arg15[%get3A_1962, %get3A_1963] {strides = array<i32>} : memref<16x128xf32, #tpu.memory_space<vmem>>, vector<16xf32>,
      %get3A_1965 = arith.constant 15 : i32
      %get3A_1966 = arith.index_cast %get3A_1965 : i32 to index
      %get3A_1967 = arith.constant 96 : index
      %get3A_1968 = tpu.vector_load %arg16[%get3A_1966, %get3A_1967] {strides = array<i32>} : memref<16x128xf32, #tpu.memory_space<vmem>>, vector<16xf32>,
      %add3A_1969 = arith.addf %get3A_1964, %get3A_1968 : vector<16xf32>
      %swap3A_1970 = arith.constant 15 : i32
      %swap3A_1971 = arith.index_cast %swap3A_1970 : i32 to index
      %swap3A_1972 = arith.constant 96 : index
      %swap3A_1973 = tpu.vector_load %arg15[%swap3A_1971, %swap3A_1972] {strides = array<i32>} : memref<16x128xf32, #tpu.memory_space<vmem>>, vector<16xf32>,
      tpu.vector_store %arg15[%swap3A_1971, %swap3A_1972], %add3A_1969 {strides = array<i32>} : memref<16x128xf32, #tpu.memory_space<vmem>>, vector<16xf32>,
      %get3A_1974 = arith.constant 15 : i32
      %get3A_1975 = arith.index_cast %get3A_1974 : i32 to index
      %get3A_1976 = arith.constant 112 : index
      %get3A_1977 = tpu.vector_load %arg15[%get3A_1975, %get3A_1976] {strides = array<i32>} : memref<16x128xf32, #tpu.memory_space<vmem>>, vector<16xf32>,
      %get3A_1978 = arith.constant 15 : i32
      %get3A_1979 = arith.index_cast %get3A_1978 : i32 to index
      %get3A_1980 = arith.constant 112 : index
      %get3A_1981 = tpu.vector_load %arg16[%get3A_1979, %get3A_1980] {strides = array<i32>} : memref<16x128xf32, #tpu.memory_space<vmem>>, vector<16xf32>,
      %add3A_1982 = arith.addf %get3A_1977, %get3A_1981 : vector<16xf32>
      %swap3A_1983 = arith.constant 15 : i32
      %swap3A_1984 = arith.index_cast %swap3A_1983 : i32 to index
      %swap3A_1985 = arith.constant 112 : index
      %swap3A_1986 = tpu.vector_load %arg15[%swap3A_1984, %swap3A_1985] {strides = array<i32>} : memref<16x128xf32, #tpu.memory_space<vmem>>, vector<16xf32>,
      tpu.vector_store %arg15[%swap3A_1984, %swap3A_1985], %add3A_1982 {strides = array<i32>} : memref<16x128xf32, #tpu.memory_space<vmem>>, vector<16xf32>,
      "tpu.region"() ({
        %run_scoped3A = tpu.sem_alloc : memref<!tpu.dma_semaphore, #tpu.memory_space<semaphore_mem>>
        %dma_start3A_1988 = arith.constant 0 : i32
        %dma_start3A_1989 = arith.constant 0 : i32
        %dma_start3A_1990 = tpu.memref_slice %arg7[%dma_start3A_1988, %dma_start3A_1989] : memref<320008x128xf32, #tpu.memory_space<hbm>> -> memref<320008x128xf32, #tpu.memory_space<hbm>>
        tpu.enqueue_indirect_dma source(%arg15 : memref<16x128xf32, #tpu.memory_space<vmem>>) target(%dma_start3A_1990 : memref<320008x128xf32, #tpu.memory_space<hbm>>) offsets(%get3A_311 : vector<16xi32>) semaphore(%run_scoped3A : memref<!tpu.dma_semaphore, #tpu.memory_space<semaphore_mem>>)
        %dma_wait3A_1991 = arith.constant 0 : i32
        %dma_wait3A_1992 = arith.constant 0 : i32
        %dma_wait3A_1993 = tpu.memref_slice %arg7[%dma_wait3A_1991, %dma_wait3A_1992] : memref<320008x128xf32, #tpu.memory_space<hbm>> -> memref<320008x128xf32, #tpu.memory_space<hbm>>
        tpu.wait_indirect_dma semaphore(%run_scoped3A : memref<!tpu.dma_semaphore, #tpu.memory_space<semaphore_mem>>) src(%arg15 : memref<16x128xf32, #tpu.memory_space<vmem>>) dst(%dma_wait3A_1993 : memref<320008x128xf32, #tpu.memory_space<hbm>>)
        tpu.yield
      }) : () -> ()
      %while3A_1987 = arith.constant 0 : i32
      scf.yield %while3A_1987 : i32
    }
    return
  }
}

module attributes {stable_mosaic.version = 14 : i64} {
  func.func @_tc_combine_body(%arg0: memref<2x16x128xf32, #tpu.memory_space<vmem>>, %arg1: memref<2x16x128xf32, #tpu.memory_space<vmem>>, %arg2: memref<2x10240x128xf32, #tpu.memory_space<vmem>>, %arg3: memref<128x128xf32, #tpu.memory_space<vmem>>, %arg4: memref<1x128xf32, #tpu.memory_space<vmem>>, %arg5: memref<10000x128xf32, #tpu.memory_space<vmem>>, %arg6: memref<10000xi32, #tpu.memory_space<vmem>>) attributes {dimension_semantics = [], scalar_prefetch = 0 : i64, scratch_operands = 0 : i64, tpu.core_type = #tpu.core_type<tc>} {
    %get3A = arith.constant 0 : index
    %get3A_0 = arith.constant 0 : index
    %get3A_1 = arith.constant 0 : index
    %get3A_2 = vector.load %arg0[%get3A, %get3A_0, %get3A_1] : memref<2x16x128xf32, #tpu.memory_space<vmem>>, vector<1x16x128xf32>
    %get3A_3 = vector.shape_cast %get3A_2 : vector<1x16x128xf32> to vector<16x128xf32>
    %get3A_4 = arith.constant 1 : index
    %get3A_5 = arith.constant 0 : index
    %get3A_6 = arith.constant 0 : index
    %get3A_7 = vector.load %arg0[%get3A_4, %get3A_5, %get3A_6] : memref<2x16x128xf32, #tpu.memory_space<vmem>>, vector<1x16x128xf32>
    %get3A_8 = vector.shape_cast %get3A_7 : vector<1x16x128xf32> to vector<16x128xf32>
    %add3A = arith.addf %get3A_3, %get3A_8 : vector<16x128xf32>
    %get3A_9 = arith.constant 0 : index
    %get3A_10 = arith.constant 0 : index
    %get3A_11 = arith.constant 0 : index
    %get3A_12 = vector.load %arg1[%get3A_9, %get3A_10, %get3A_11] : memref<2x16x128xf32, #tpu.memory_space<vmem>>, vector<1x16x128xf32>
    %get3A_13 = vector.shape_cast %get3A_12 : vector<1x16x128xf32> to vector<16x128xf32>
    %get3A_14 = arith.constant 1 : index
    %get3A_15 = arith.constant 0 : index
    %get3A_16 = arith.constant 0 : index
    %get3A_17 = vector.load %arg1[%get3A_14, %get3A_15, %get3A_16] : memref<2x16x128xf32, #tpu.memory_space<vmem>>, vector<1x16x128xf32>
    %get3A_18 = vector.shape_cast %get3A_17 : vector<1x16x128xf32> to vector<16x128xf32>
    %add3A_19 = arith.addf %get3A_13, %get3A_18 : vector<16x128xf32>
    %iota3A = tpu.iota {dimensions = array<i32: 0>} : vector<16x1xi32>
    %lt3A = arith.constant 14 : i32
    %lt3A_20 = vector.broadcast %lt3A : i32 to vector<16x1xi32>
    %lt3A_21 = arith.cmpi slt, %iota3A, %lt3A_20 : vector<16x1xi32>
    %max3A = arith.constant 1.000000e+00 : f32
    %max3A_22 = vector.broadcast %max3A : f32 to vector<16x128xf32>
    %max3A_23 = arith.maximumf %add3A_19, %max3A_22 : vector<16x128xf32>
    %div3A = arith.divf %add3A, %max3A_23 : vector<16x128xf32>
    %jit3A = arith.constant 0.000000e+00 : f32
    %broadcast_in_dim3A = vector.shape_cast %lt3A_21 : vector<16x1xi1> to vector<16x1xi1>
    %broadcast_in_dim3A_24 = vector.broadcast %broadcast_in_dim3A : vector<16x1xi1> to vector<16x128xi1>
    %broadcast_in_dim3A_25 = vector.broadcast %jit3A : f32 to vector<16x128xf32>
    %select_n3A = arith.select %broadcast_in_dim3A_24, %div3A, %broadcast_in_dim3A_25 : vector<16x128xi1>, vector<16x128xf32>
    %get3A_26 = arith.constant 0 : index
    %get3A_27 = arith.constant 0 : index
    %get3A_28 = arith.constant 0 : index
    %get3A_29 = vector.load %arg2[%get3A_26, %get3A_27, %get3A_28] : memref<2x10240x128xf32, #tpu.memory_space<vmem>>, vector<1x10240x128xf32>
    %get3A_30 = vector.shape_cast %get3A_29 : vector<1x10240x128xf32> to vector<10240x128xf32>
    %get3A_31 = arith.constant 1 : index
    %get3A_32 = arith.constant 0 : index
    %get3A_33 = arith.constant 0 : index
    %get3A_34 = vector.load %arg2[%get3A_31, %get3A_32, %get3A_33] : memref<2x10240x128xf32, #tpu.memory_space<vmem>>, vector<1x10240x128xf32>
    %get3A_35 = vector.shape_cast %get3A_34 : vector<1x10240x128xf32> to vector<10240x128xf32>
    %add3A_36 = arith.addf %get3A_30, %get3A_35 : vector<10240x128xf32>
    %slice3A = vector.extract_strided_slice %add3A_36 {offsets = [0, 0], sizes = [10000, 16], strides = [1, 1]} : vector<10240x128xf32> to vector<10000x16xf32>
    %iota3A_37 = tpu.iota {dimensions = array<i32: 1>} : vector<10000x16xi32>
    %lt3A_38 = arith.constant 14 : i32
    %lt3A_39 = vector.broadcast %lt3A_38 : i32 to vector<10000x16xi32>
    %lt3A_40 = arith.cmpi slt, %iota3A_37, %lt3A_39 : vector<10000x16xi32>
    %jit3A_41 = arith.constant 0.000000e+00 : f32
    %broadcast_in_dim3A_42 = vector.broadcast %jit3A_41 : f32 to vector<10000x16xf32>
    %select_n3A_43 = arith.select %lt3A_40, %slice3A, %broadcast_in_dim3A_42 : vector<10000x16xi1>, vector<10000x16xf32>
    %dot_general3A = arith.constant dense<0.000000e+00> : vector<10000x128xf32>
    %dot_general3A_44 = tpu.matmul %select_n3A_43, %select_n3A, %dot_general3A {dimension_numbers = #tpu.dot_dimension_numbers<[1], [0], [0], [1], [0, 0, 1, 1], [], []>, precision = #tpu.contract_precision<fp32>, transpose_lhs_hint = false} : vector<10000x16xf32>, vector<16x128xf32>, vector<10000x128xf32> -> vector<10000x128xf32>
    %get3A_45 = arith.constant 0 : index
    %get3A_46 = arith.constant 0 : index
    %get3A_47 = vector.load %arg3[%get3A_45, %get3A_46] : memref<128x128xf32, #tpu.memory_space<vmem>>, vector<128x128xf32>
    %dot_general3A_48 = arith.constant dense<0.000000e+00> : vector<10000x128xf32>
    %dot_general3A_49 = tpu.matmul %dot_general3A_44, %get3A_47, %dot_general3A_48 {dimension_numbers = #tpu.dot_dimension_numbers<[1], [1], [0], [0], [0, 0, 1, 0], [], []>, precision = #tpu.contract_precision<fp32>, transpose_lhs_hint = false} : vector<10000x128xf32>, vector<128x128xf32>, vector<10000x128xf32> -> vector<10000x128xf32>
    %mul3A = arith.constant 5.000000e-01 : f32
    %mul3A_50 = vector.broadcast %mul3A : f32 to vector<10000x128xf32>
    %mul3A_51 = arith.mulf %mul3A_50, %dot_general3A_49 : vector<10000x128xf32>
    %get3A_52 = arith.constant 0 : index
    %get3A_53 = arith.constant 0 : index
    %get3A_54 = vector.load %arg4[%get3A_52, %get3A_53] : memref<1x128xf32, #tpu.memory_space<vmem>>, vector<1x128xf32>
    %mul3A_55 = arith.constant 5.000000e-01 : f32
    %mul3A_56 = vector.broadcast %mul3A_55 : f32 to vector<1x128xf32>
    %mul3A_57 = arith.mulf %mul3A_56, %get3A_54 : vector<1x128xf32>
    %add3A_58 = vector.broadcast %mul3A_57 : vector<1x128xf32> to vector<10000x128xf32>
    %add3A_59 = arith.addf %mul3A_51, %add3A_58 : vector<10000x128xf32>
    %swap3A = arith.constant 0 : index
    %swap3A_60 = arith.constant 0 : index
    %swap3A_61 = vector.load %arg5[%swap3A, %swap3A_60] : memref<10000x128xf32, #tpu.memory_space<vmem>>, vector<10000x128xf32>
    tpu.vector_store %arg5[%swap3A, %swap3A_60], %add3A_59 {strides = array<i32>} : memref<10000x128xf32, #tpu.memory_space<vmem>>, vector<10000x128xf32>,
    %reduce_sum3A = arith.constant dense<0.000000e+00> : vector<10000xf32>
    %reduce_sum3A_62 = vector.multi_reduction <add>, %select_n3A_43, %reduce_sum3A [1] : vector<10000x16xf32> to vector<10000xf32>
    %gt3A = arith.constant 0.000000e+00 : f32
    %gt3A_63 = vector.broadcast %gt3A : f32 to vector<10000xf32>
    %gt3A_64 = arith.cmpf ogt, %reduce_sum3A_62, %gt3A_63 : vector<10000xf32>
    %convert_element_type3A = arith.extui %gt3A_64 : vector<10000xi1> to vector<10000xi32>
    %swap3A_65 = arith.constant 0 : index
    %swap3A_66 = vector.load %arg6[%swap3A_65] : memref<10000xi32, #tpu.memory_space<vmem>>, vector<10000xi32>
    tpu.vector_store %arg6[%swap3A_65], %convert_element_type3A {strides = array<i32>} : memref<10000xi32, #tpu.memory_space<vmem>>, vector<10000xi32>,
    return
  }
}

</mosaic_0001>

<sc_bundles>
// kernel: kernel.12.cloned.1.call-start
scs
__scs_entry_jumppad:
0x0: {  	(pc) =	sbr.rel $0x88, $3  }
0x1: {  	(tag) =	ssettag $0x0;
	lr =	simm.s32 $0x1  }
0x2: {  	[smem:$0x3F9D] =	sst lr;
	_ =	strace $0xD0000000  }
0x3: {  	_ = 	snop  }
0x4: {  	_ = 	snop  }
0x5: {  	_ = 	snop  }
0x6: {  	_ = 	snop  }
0x7: {  	_ = 	snop  }
__scs_overlays_trampoline_lowered:
0x8: {  	[smem:$0x3FAC] =	sst s0  }
0x9: {  	[smem:$0x3FAD] =	sst s1  }
0xa: {  	[smem:$0x3FAE] =	sst s2  }
0xb: {  	[smem:$0x3FAF] =	sst s3  }
0xc: {  	[smem:$0x3FB0] =	sst s4  }
0xd: {  	[smem:$0x3FB1] =	sst s5  }
0xe: {  	[smem:$0x3FB2] =	sst s6  }
0xf: {  	[smem:$0x3FB3] =	sst s7  }
0x10: {  	[smem:$0x3FB4] =	sst s8  }
0x11: {  	[smem:$0x3FB5] =	sst s9;
	s0 =	simm.s32 @!p0 $0x0  }
0x12: {  	s1 =	sld [smem:$0x3F9B];
	s0 =	simm.s32 @p0 $0x1  }
0x13: {  	[smem:$0x3FB6] =	sst s0;
	s0 =	simm.s32 @!p1 $0x0  }
0x14: {  	s2 =	sld [smem:$0x3F9A];
	s0 =	simm.s32 @p1 $0x1  }
0x15: {  	[smem:$0x3FB7] =	sst s0;
	s0 =	simm.s32 @!p2 $0x0  }
0x16: {  	s3 =	sld [smem:$0x3FDB];
	s0 =	simm.s32 @p2 $0x1  }
0x17: {  	s4 =	simm.s32 $0x1BF5;
	[smem:$0x3FB9] =	sst s0  }
0x18: {  	s0 =	sld [smem:$0x3F9C];
	_ =	swait.ge [sflag:s4], $0x0  }
0x19: {  	s7 =	sld [smem:$0x3F9D]  }
0x1a: {  	s8 =	sadd.s32 $0xFFFFE003, lr  }
0x1b: {  	s9 =	sadd.s32 $0xFFFFFEF7, lr;
	s5 =	simm.s32 $0xFFFFFFFF;
	p2 =	slt.u32 s8, $0xFFFFF086  }
0x1c: {  	p1 =	slt.u32 s9, $0xF7A;
	s5 =	simm.s32 @!p2 $0x0  }
0x1d: {  	s5 =	simm.s32 @p1 $0x1;
	p0 =	seq.s32 s7, s2  }
0x1e: {  	s7 =	smul.u32 @!p0 $0xF7A, s2;
	p2 =	seq.s32 @!p0 s5, $0x0  }
0x1f: {  	s9 =	smul.u32 $0xF7A, s1;
	s8 =	simm.s32 @!p0 $0x1BF5;
	p2 =	por !p2, p0  }
0x20: {  	[sflag:s8] =	ssyncset.s32 @!p0 $0xFFFFF086;
	s6 =	sadd.s32 @!p0 s3, s7;
	s7 =	simm.s32 @!p0 $0x108  }
0x21: {  	s3 =	sadd.s32 s3, s9;
	s6 =	sadd.s32 @!p0 $0x88, s6;
	s7 =	simm.s32 @p2 $0x1082  }
0x22: {  	[simem:s7], [sflag:s8] =	dma.local @!p0 [hbm:s6], $0xF7A  }
0x23: {  	s9 =	sor.u32 $0xD0000000, s2;
	s6 =	simm.s32 $0x108;
	_ =	swait.ge @!p0 [sflag:s8], $0x0  }
0x24: {  	s3 =	sadd.s32 $0x88, s3;
	s6 =	simm.s32 @!p1 $0x1082;
	[sflag:s4] =	ssyncset.s32 $0xFFFFF086  }
0x25: {  	[simem:s6], [sflag:s4] =	dma.local [hbm:s3], $0xF7A  }
0x26: {  	[smem:$0x3F9D] =	sst s1;
	(tag) =	ssettag s2;
	_ =	strace s9  }
0x27: {  	s1 =	sld [smem:$0x3FAD]  }
0x28: {  	s2 =	sld [smem:$0x3FAE]  }
0x29: {  	s4 =	sld [smem:$0x3FB0]  }
0x2a: {  	p0 =	seq.s32 s5, $0x0;
	s5 =	sld [smem:$0x3FB1]  }
0x2b: {  	s6 =	sld [smem:$0x3FB2]  }
0x2c: {  	s7 =	sld [smem:$0x3FB3]  }
0x2d: {  	s3 =	simm.s32 $0x108;
	s8 =	sld [smem:$0x3FB4]  }
0x2e: {  	s3 =	simm.s32 @!p0 $0x1082;
	s9 =	sld [smem:$0x3FB5]  }
0x2f: {  	lr =	sadd.s32 s0, s3;
	s0 =	sld [smem:$0x3FAC]  }
0x30: {  	s3 =	sld [smem:$0x3FAF]  }
0x31: {  	[smem:$0x3FB8] =	sst s10  }
0x32: {  	s10 =	sld [smem:$0x3FB6];
	_ =	sdelay $0x3  }
0x33: {  	p0 =	seq.s32 s10, $0x1;
	s10 =	sld [smem:$0x3FB8];
	_ =	sdelay $0x3  }
0x34: {  	[smem:$0x3FB8] =	sst s10  }
0x35: {  	s10 =	sld [smem:$0x3FB7];
	_ =	sdelay $0x3  }
0x36: {  	p1 =	seq.s32 s10, $0x1;
	s10 =	sld [smem:$0x3FB8];
	_ =	sdelay $0x3  }
0x37: {  	[smem:$0x3FB8] =	sst s10  }
0x38: {  	s10 =	sld [smem:$0x3FB9]  }
0x39: {  	_ = 	snop;
	(pc) =	sbr.ind lr, $3  }
0x3a: {  	_ = 	snop  }
0x3b: {  	_ = 	snop  }
0x3c: {  	p2 =	seq.s32 s10, $0x1;
	s10 =	sld [smem:$0x3FB8]  }
0x3d: {  	_ =	shalt  }
0x3e: {  	_ =	shalt  }
0x3f: {  	_ =	shalt  }
0x40: {  	_ =	shalt  }
0x41: {  	_ =	shalt  }
0x42: {  	_ =	shalt  }
0x43: {  	_ =	shalt  }
0x44: {  	_ =	shalt  }
0x45: {  	_ =	shalt  }
0x46: {  	_ =	shalt  }
0x47: {  	_ =	shalt  }
0x48: {  	_ =	shalt  }
0x49: {  	_ =	shalt  }
0x4a: {  	_ =	shalt  }
0x4b: {  	_ =	shalt  }
0x4c: {  	_ =	shalt  }
0x4d: {  	_ =	shalt  }
0x4e: {  	_ =	shalt  }
0x4f: {  	_ =	shalt  }
0x50: {  	_ =	shalt  }
0x51: {  	_ =	shalt  }
0x52: {  	_ =	shalt  }
0x53: {  	_ =	shalt  }
0x54: {  	_ =	shalt  }
0x55: {  	_ =	shalt  }
0x56: {  	_ =	shalt  }
0x57: {  	_ =	shalt  }
0x58: {  	_ =	shalt  }
0x59: {  	_ =	shalt  }
0x5a: {  	_ =	shalt  }
0x5b: {  	_ =	shalt  }
0x5c: {  	_ =	shalt  }
0x5d: {  	_ =	shalt  }
0x5e: {  	_ =	shalt  }
0x5f: {  	_ =	shalt  }
0x60: {  	_ =	shalt  }
0x61: {  	_ =	shalt  }
0x62: {  	_ =	shalt  }
0x63: {  	_ =	shalt  }
0x64: {  	_ =	shalt  }
0x65: {  	_ =	shalt  }
0x66: {  	_ =	shalt  }
0x67: {  	_ =	shalt  }
0x68: {  	_ =	shalt  }
0x69: {  	_ =	shalt  }
0x6a: {  	_ =	shalt  }
0x6b: {  	_ =	shalt  }
0x6c: {  	_ =	shalt  }
0x6d: {  	_ =	shalt  }
0x6e: {  	_ =	shalt  }
0x6f: {  	_ =	shalt  }
0x70: {  	_ =	shalt  }
0x71: {  	_ =	shalt  }
0x72: {  	_ =	shalt  }
0x73: {  	_ =	shalt  }
0x74: {  	_ =	shalt  }
0x75: {  	_ =	shalt  }
0x76: {  	_ =	shalt  }
0x77: {  	_ =	shalt  }
0x78: {  	_ =	shalt  }
0x79: {  	_ =	shalt  }
0x7a: {  	_ =	shalt  }
0x7b: {  	_ =	shalt  }
0x7c: {  	_ =	shalt  }
0x7d: {  	_ =	shalt  }
0x7e: {  	_ =	shalt  }
0x7f: {  	_ =	shalt  }
0x80: {  	_ =	shalt  }
0x81: {  	_ =	shalt  }
0x82: {  	_ =	shalt  }
0x83: {  	_ =	shalt  }
0x84: {  	_ =	shalt  }
0x85: {  	_ =	shalt  }
0x86: {  	_ =	shalt  }
0x87: {  	_ =	shalt  }
.Lfunc_end0:
.L_simem_size_0:
called_computation.2_lowered:
.L_overlay_start_0:
0x88: {  	s2 =	sld [smem:$0x3FD9]  }
0x89: {  	s3 =	sld [smem:$0x3FFE];
	_ =	sdelay $0x1  }
0x8a: {  	s1 =	srdreg.scid  }
0x8b: {  	s0 =	sand.u32 $0x1, s1  }
0x8c: {  	s17 =	sshll.u32 s0, $0xA;
	s2 =	sadd.s32 s3, s2  }
0x8d: {  	s2 =	sadd.s32 s2, s17  }
0x8e: {  	[smem:$0x3FC4] =	sst s2  }
0x8f: {  	_ = 	snop  }
0x90: {  	s2 =	sld [smem:$0x3FD0];
	(tm) =	ssettm $0x1  }
0x91: {  	s18 =	sld [smem:$0x3FFB];
	_ =	sdelay $0x3  }
0x92: {  	_ =	strace s18  }
0x93: {  	s3 =	sld [smem:$0x3FFC];
	_ =	sdelay $0x3  }
0x94: {  	_ =	strace s3  }
0x95: {  	s3 =	sld [smem:$0x3FFD];
	_ =	sdelay $0x3  }
0x96: {  	_ =	strace s3  }
0x97: {  	_ =	strace $0x8FFFFFFF  }
0x98: {  	s19 =	sld [smem:$0x3FDB];
	_ =	sdelay $0x1  }
0x99: {  	s4 =	simm.s32 $_scs_section_size  }
0x9a: {  	s5 =	simm.s32 $_size__tile_overlayer_lowered;
	s6 =	simm.s32 $_tile_overlayer_lowered  }
0x9b: {  	s22 =	simm.s32 $0x1BFF;
	s21 =	sshll.u32 s6, $0x1;
	s3 =	sadd.s32 s4, s19  }
0x9c: {  	s7 =	simm.s32 $0x0;
	s20 =	sshll.u32 s5, $0x1;
	s5 =	sadd.s32 s21, s3  }
0x9d: {  	[timem:s7], [sflag:s22] =	dma.local [hbm:s5], s20  }
0x9e: {  	_ =	swait.ge [sflag:s22], s20  }
0x9f: {  	s4 =	ssub.s32 $0x0, s20;
	[sflag:s22] =	ssyncset.done $0x0  }
0xa0: {  	[sflag:s22] =	ssyncadd.s32 s4;
	_ =	sdelay $0x1  }
0xa1: {  	s23 =	simm.s32 $0x1B8B  }
0xa2: {  	_ =	swait.ge [sflag:s23], $0x1  }
0xa3: {  	[sflag:s23] =	ssyncset.done $0x0  }
0xa4: {  	s25 =	simm.s32 $0x1B8E;
	s24 =	sld [smem:$0x3FFE];
	[sflag:s23] =	ssyncadd.s32 $0xFFFFFFFF  }
0xa5: {  	s26 =	simm.s32 $execute0_lowered;
	[smem:$0x3FD2] =	sst s25  }
0xa6: {  	s5 =	sshll.u32 s26, $0x1;
	_ =	strace $0x8000004C;
	[dreg:$0x1] =	wrdreg $0xFFFFFFFF  }
0xa7: {  	s28 =	simm.s32 $_size_execute0_lowered;
	s3 =	sadd.s32 s3, s5;
	[dreg:$0x0] =	wrdreg $0x0  }
0xa8: {  	s5 =	sshll.u32 s28, $0x1;
	[dreg:$0x2] =	wrdreg s3  }
0xa9: {  	[dreg:$0x3] =	wrdreg s5  }
0xaa: {  	[dreg:$0x4] =	wrdreg $0xC0  }
0xab: {  	_ =	task [dreg:s7], $0x5FFFF  }
0xac: {  	[dreg:$0x1] =	wrdreg $0xFFFFFFFF  }
0xad: {  	[dreg:$0x0] =	wrdreg $0x60  }
0xae: {  	[dreg:$0x2] =	wrdreg s24  }
0xaf: {  	[dreg:$0x3] =	wrdreg s2  }
0xb0: {  	[dreg:$0x4] =	wrdreg $0x9  }
0xb1: {  	_ =	task.clear_ibuf [dreg:s7], $0x5FFFF;
	_ =	strace $0x9000004C  }
0xb2: {  	s29 =	simm.s32 $0x9;
	_ =	strace $0x8000004E  }
0xb3: {  	_ =	swait.ge [sflag:s29], $0x1  }
0xb4: {  	[sflag:s29] =	ssyncadd.s32 $0xFFFFFFFF  }
0xb5: {  	_ =	strace $0x9000004E  }
0xb6: {  	_ =	sfence  }
0xb7: {  	s30 =	sld [smem:$0x0];
	_ =	sdelay $0x2  }
0xb8: {  	s31 =	sshll.u32 s1, $0xD;
	s1 =	sshrl.u32 s1, $0x2  }
0xb9: {  	s3 =	sand.u32 $0x4000, s31;
	s1 =	sadd.s32 s1, s30  }
0xba: {  	s0 =	sor.u32 s3, s0;
	s1 =	sshll.u32 s1, $0x11  }
0xbb: {  	s0 =	sor.u32 s1, s0  }
0xbc: {  	s0 =	sadd.s32 $0x8F2B, s0  }
0xbd: {  	[sflag:s0] =	ssyncadd.remote.s32 $0x1  }
0xbe: {  	_ =	sfence.sel $0xFFFF  }
0xbf: {  	[dreg:$0x0] =	wrdreg $0xFFFFFFFF;
	(pc) =	sbr.abs _section_cstart, $3  }
0xc0: {  	[dreg:$0x1] =	wrdreg $0xFFFFFFFF  }
0xc1: {  	_ =	task.clear_ibuf [dreg:s7], $0x2FFFF;
	_ =	strace $0x9FFFFFFF  }
0xc2: {  	(tm) =	ssettm $0x7FFFFFFF  }
0xc3: {  	_ =	shalt  }
tec
execute0_lowered:
.L_overlay_start_1:
0x0: {  	(tag) =	ssettag $0x1  }
0x1: {  	s0 =	srdreg.scid;
	s9 =	stileid.u32  }
0x2: {  	s0 =	sand.u32 $0x1, s0;
	s3 =	sshll.u32 s9, $0x1  }
0x3: {  	s1 =	rddreg [dreg:$0x0];
	s4 =	sor.u32 s0, s3  }
0x4: {  	s2 =	rddreg [dreg:$0x1];
	s3 =	simm.s32 $0x0;
	s5 =	smul.u32 $0x2710, s4  }
0x5: {  	s6 =	sadd.s32 $0x15400, s1;
	[smem:$0x7FF] =	sst s3;
	s7 =	smul.u32 $0x138800, s4  }
0x6: {  	s25 =	sadd.s32 $0x15A00, s1;
	s4 =	smul.u32 $0x27100, s4;
	_ =	strace $0x8000004D  }
0x7: {  	[dreg:$0x3] =	wrdreg s6;
	s6 =	sadd.s32 $0x17400, s1;
	s7 =	sshrl.u32 s7, $0x3  }
0x8: {  	[dreg:$0x4] =	wrdreg s25;
	s4 =	sadd.s32 s6, s4;
	s10 =	sadd.s32 s6, s7  }
0x9: {  	[dreg:$0x5] =	wrdreg s4;
	s11 =	sadd.s32 $0x1900, s10  }
0xa: {  	s12 =	sadd.s32 $0x3200, s10;
	[dreg:$0x6] =	wrdreg s11  }
0xb: {  	s19 =	smul.u32 $0x4E20, s9;
	s13 =	sadd.s32 $0x4B00, s10;
	[dreg:$0x7] =	wrdreg s12  }
0xc: {  	s9 =	simm.s32 $0x3;
	s14 =	sadd.s32 $0x6400, s10;
	[dreg:$0x8] =	wrdreg s13  }
0xd: {  	s8 =	ssub.s32 $0x2, s0;
	s15 =	sadd.s32 $0x7D00, s10;
	[dreg:$0x9] =	wrdreg s14  }
0xe: {  	s0 =	smul.u32 $0x2710, s0;
	s16 =	sadd.s32 $0x9600, s10;
	[dreg:$0xa] =	wrdreg s15  }
0xf: {  	s26 =	sshrl.u32 s8, $0x1;
	s17 =	sadd.s32 $0xAF00, s10;
	[dreg:$0xb] =	wrdreg s16  }
0x10: {  	s8 =	ssub.s32 s8, s26;
	s18 =	sadd.s32 $0xC800, s10;
	[dreg:$0xc] =	wrdreg s17  }
0x11: {  	s5 =	sshrl.u32 s5, $0x3;
	s7 =	sadd.s32 $0xE100, s10;
	[dreg:$0xd] =	wrdreg s18  }
0x12: {  	s5 =	sadd.s32 s5, s1;
	s20 =	sadd.s32 $0xFA00, s10;
	[dreg:$0xe] =	wrdreg s7  }
0x13: {  	s21 =	sadd.s32 $0x11300, s10;
	s22 =	sadd.s32 $0x12C00, s10;
	[dreg:$0xf] =	wrdreg s20  }
0x14: {  	s23 =	sadd.s32 $0x14500, s10;
	s24 =	sadd.s32 $0x15E00, s10;
	[dreg:$0x10] =	wrdreg s21  }
0x15: {  	s25 =	sadd.s32 $0x17700, s10;
	s26 =	sadd.s32 $0x19000, s10;
	[dreg:$0x11] =	wrdreg s22  }
0x16: {  	s28 =	sadd.s32 $0x1DB00, s10;
	s29 =	sadd.s32 $0x1F400, s10;
	[dreg:$0x12] =	wrdreg s23  }
0x17: {  	s30 =	sadd.s32 $0x20D00, s10;
	s31 =	sadd.s32 $0x22600, s10;
	[dreg:$0x13] =	wrdreg s24  }
0x18: {  	s1 =	sadd.s32 $0x23F00, s10;
	s4 =	sadd.s32 $0xB600, s5;
	[dreg:$0x14] =	wrdreg s25  }
0x19: {  	s5 =	sadd.s32 $0x1800, s5;
	s21 =	sadd.s32 s0, s19;
	[dreg:$0x15] =	wrdreg s26  }
.Ltmp0:
0x1a: {  	s25 =	sadd.s32 $0x1A900, s10;
	s26 =	sadd.s32 $0x1C200, s10;
	(pc) =	sbr.rel .LBB2_1-.Ltmp0, $4  }
0x1b: {  	s0 =	sadd.s32 $0x25800, s10;
	s7 =	smax.u32 s8, $0x1;
	s8 =	simm.s32 $0xED00  }
0x1c: {  	s10 =	simm.s32 $0x4F00;
	s11 =	simm.s32 $0x7680;
	s12 =	simm.s32 $0x9E00  }
0x1d: {  	s13 =	simm.s32 $0xC580;
	s14 =	simm.s32 $0x1;
	s15 =	simm.s32 $0x1B500  }
0x1e: {  	v0 =	vimm.s32 $0x0;
	v1 =	vlaneseq.u32;
	vm0 =	vmmov $0xffff;
	s16 =	simm.s32 $0x1BD00;
	s17 =	simm.s32 $0x2;
	s18 =	simm.s32 $0x0  }
.LBB2_5:
0x1f: {  	s18 =	sadd.s32 $0x1, s18  }
0x20: {  	p0 =	sne.s32 s18, s7  }
.Ltmp1:
0x21: {  	_ = 	snop;
	(pc) =	sbr.rel @!p0 .LBB2_6-.Ltmp1, $1  }
0x22: {  	_ =	sdelay $0x3  }
.LBB2_1:
0x23: {  	s19 =	rddreg [dreg:$0x4]  }
0x24: {  	[tilespmem:s8], [sflag:$0x3] =	stream.linear.gather [hbm4b:s19+s3], $0xC800, $0x38;
	[tilespmem:$0x1C500] =	vst v63  }
0x25: {  	_ =	swait.ge [sflag:s9], $0xC800  }
0x26: {  	[sflag:s9] =	ssyncset.done $0x0  }
0x27: {  	s20 =	rddreg [dreg:$0x5];
	[sflag:s9] =	ssyncadd.s32 $0xFFFF3800  }
0x28: {  	[hbm4b:s20+s3] =	stream.linear.scatter [tilespmem:s8], [sflag:$0x1], $0xC800, $0x38;
	[tilespmem:$0x1C500] =	vst v63  }
0x29: {  	s22 =	rddreg [dreg:$0x6]  }
0x2a: {  	[hbm4b:s22+s3] =	stream.linear.scatter [tilespmem:s8], [sflag:$0x1], $0xC800, $0x38;
	[tilespmem:$0x1C500] =	vst v63  }
0x2b: {  	s23 =	rddreg [dreg:$0x7]  }
0x2c: {  	[hbm4b:s23+s3] =	stream.linear.scatter [tilespmem:s8], [sflag:$0x1], $0xC800, $0x38;
	[tilespmem:$0x1C500] =	vst v63  }
0x2d: {  	s24 =	rddreg [dreg:$0x8]  }
0x2e: {  	[hbm4b:s24+s3] =	stream.linear.scatter [tilespmem:s8], [sflag:$0x1], $0xC800, $0x38;
	[tilespmem:$0x1C500] =	vst v63  }
0x2f: {  	s20 =	rddreg [dreg:$0x9]  }
0x30: {  	[hbm4b:s20+s3] =	stream.linear.scatter [tilespmem:s8], [sflag:$0x1], $0xC800, $0x38;
	[tilespmem:$0x1C500] =	vst v63  }
0x31: {  	s22 =	rddreg [dreg:$0xa]  }
0x32: {  	[hbm4b:s22+s3] =	stream.linear.scatter [tilespmem:s8], [sflag:$0x1], $0xC800, $0x38;
	[tilespmem:$0x1C500] =	vst v63  }
0x33: {  	s23 =	rddreg [dreg:$0xb]  }
0x34: {  	[hbm4b:s23+s3] =	stream.linear.scatter [tilespmem:s8], [sflag:$0x1], $0xC800, $0x38;
	[tilespmem:$0x1C500] =	vst v63  }
0x35: {  	s24 =	rddreg [dreg:$0xc]  }
0x36: {  	[hbm4b:s24+s3] =	stream.linear.scatter [tilespmem:s8], [sflag:$0x1], $0xC800, $0x38;
	[tilespmem:$0x1C500] =	vst v63  }
0x37: {  	s20 =	rddreg [dreg:$0xd]  }
0x38: {  	[hbm4b:s20+s3] =	stream.linear.scatter [tilespmem:s8], [sflag:$0x1], $0xC800, $0x38;
	[tilespmem:$0x1C500] =	vst v63  }
0x39: {  	s22 =	rddreg [dreg:$0xe]  }
0x3a: {  	[hbm4b:s22+s3] =	stream.linear.scatter [tilespmem:s8], [sflag:$0x1], $0xC800, $0x38;
	[tilespmem:$0x1C500] =	vst v63  }
0x3b: {  	s23 =	rddreg [dreg:$0xf]  }
0x3c: {  	[hbm4b:s23+s3] =	stream.linear.scatter [tilespmem:s8], [sflag:$0x1], $0xC800, $0x38;
	[tilespmem:$0x1C500] =	vst v63  }
0x3d: {  	s24 =	rddreg [dreg:$0x10]  }
0x3e: {  	[hbm4b:s24+s3] =	stream.linear.scatter [tilespmem:s8], [sflag:$0x1], $0xC800, $0x38;
	[tilespmem:$0x1C500] =	vst v63  }
0x3f: {  	s20 =	rddreg [dreg:$0x11]  }
0x40: {  	[hbm4b:s20+s3] =	stream.linear.scatter [tilespmem:s8], [sflag:$0x1], $0xC800, $0x38;
	[tilespmem:$0x1C500] =	vst v63  }
0x41: {  	s22 =	rddreg [dreg:$0x12]  }
0x42: {  	[hbm4b:s22+s3] =	stream.linear.scatter [tilespmem:s8], [sflag:$0x1], $0xC800, $0x38;
	[tilespmem:$0x1C500] =	vst v63  }
0x43: {  	s23 =	rddreg [dreg:$0x13]  }
0x44: {  	[hbm4b:s23+s3] =	stream.linear.scatter [tilespmem:s8], [sflag:$0x1], $0xC800, $0x38;
	[tilespmem:$0x1C500] =	vst v63  }
0x45: {  	s24 =	rddreg [dreg:$0x14]  }
0x46: {  	[hbm4b:s24+s3] =	stream.linear.scatter [tilespmem:s8], [sflag:$0x1], $0xC800, $0x38;
	[tilespmem:$0x1C500] =	vst v63  }
0x47: {  	s20 =	rddreg [dreg:$0x15]  }
0x48: {  	[hbm4b:s20+s3] =	stream.linear.scatter [tilespmem:s8], [sflag:$0x1], $0xC800, $0x38;
	[tilespmem:$0x1C500] =	vst v63  }
0x49: {  	_ = 	snop  }
0x4a: {  	[hbm4b:s25+s3] =	stream.linear.scatter [tilespmem:s8], [sflag:$0x1], $0xC800, $0x38;
	[tilespmem:$0x1C500] =	vst v63  }
0x4b: {  	_ = 	snop  }
0x4c: {  	[hbm4b:s26+s3] =	stream.linear.scatter [tilespmem:s8], [sflag:$0x1], $0xC800, $0x38;
	[tilespmem:$0x1C500] =	vst v63  }
0x4d: {  	_ = 	snop  }
0x4e: {  	[hbm4b:s28+s3] =	stream.linear.scatter [tilespmem:s8], [sflag:$0x1], $0xC800, $0x38;
	[tilespmem:$0x1C500] =	vst v63  }
0x4f: {  	_ = 	snop  }
0x50: {  	[hbm4b:s29+s3] =	stream.linear.scatter [tilespmem:s8], [sflag:$0x1], $0xC800, $0x38;
	[tilespmem:$0x1C500] =	vst v63  }
0x51: {  	_ = 	snop  }
0x52: {  	[hbm4b:s30+s3] =	stream.linear.scatter [tilespmem:s8], [sflag:$0x1], $0xC800, $0x38;
	[tilespmem:$0x1C500] =	vst v63  }
0x53: {  	_ = 	snop  }
0x54: {  	[hbm4b:s31+s3] =	stream.linear.scatter [tilespmem:s8], [sflag:$0x1], $0xC800, $0x38;
	[tilespmem:$0x1C500] =	vst v63  }
0x55: {  	_ = 	snop  }
0x56: {  	[hbm4b:s1+s3] =	stream.linear.scatter [tilespmem:s8], [sflag:$0x1], $0xC800, $0x38;
	[tilespmem:$0x1C500] =	vst v63  }
0x57: {  	_ = 	snop  }
0x58: {  	[hbm4b:s0+s3] =	stream.linear.scatter [tilespmem:s8], [sflag:$0x1], $0xC800, $0x38;
	[tilespmem:$0x1C500] =	vst v63  }
0x59: {  	_ = 	snop  }
0x5a: {  	[tilespmem:s3], [sflag:$0x3] =	stream.linear.gather [hbm4b:s4+s3], $0x2710, $0x38;
	[tilespmem:$0x1C500] =	vst v63  }
0x5b: {  	_ =	swait.ge [sflag:s9], $0x2710  }
0x5c: {  	[sflag:s9] =	ssyncset.done $0x0  }
0x5d: {  	s22 =	simm.s32 $0x2780;
	[sflag:s9] =	ssyncadd.s32 $0xFFFFD8F0  }
0x5e: {  	[tilespmem:s22], [sflag:$0x3] =	stream.linear.gather [hbm4b:s5+s3], $0x2710, $0x38;
	[tilespmem:$0x1C500] =	vst v63  }
0x5f: {  	_ =	swait.ge [sflag:s9], $0x2710  }
0x60: {  	[sflag:s9] =	ssyncset.done $0x0  }
0x61: {  	s23 =	rddreg [dreg:$0x3];
	[sflag:s9] =	ssyncadd.s32 $0xFFFFD8F0  }
0x62: {  	[tilespmem:s10], [sflag:$0x3] =	stream.linear.gather [hbm4b:s23+s3], $0x2780, $0x38;
	[tilespmem:$0x1C500] =	vst v63  }
0x63: {  	_ =	swait.ge [sflag:s9], $0x2780  }
0x64: {  	[sflag:s9] =	ssyncset.done $0x0  }
0x65: {  	s24 =	simm.s32 $0x0;
	[sflag:s9] =	ssyncadd.s32 $0xFFFFD880  }
0x66: {  	v2 =	vld [tilespmem:s24+$0x0]  }
0x67: {  	v3 =	vld [tilespmem:s24+$0x2780];
	_ =	sdelay $0x6  }
0x68: {  	v4 =	vld.idx.msk [tilespmem:v2+s10+$0x0], $0xffff  }
0x69: {  	v5 =	vld.idx.msk [tilespmem:v3+s10+$0x0], $0xffff;
	_ =	sdelay $0x4  }
0x6a: {  	v4 =	vor.u32 v4, v5  }
0x6b: {  	vm1 =	vne.s32 v4, $0x0  }
0x6c: {  	v4 =	vsel vm1, $0x1, v0  }
0x6d: {  	(xrf0) =	vadd.scan.msk.s32 $0xffff, v4;
	_ =	sdelay $0x2  }
0x6e: {  	v62 =	vmov s3  }
0x6f: {  	v4 =	vadd.s32 $0xFFFFFFFF, v62  }
0x70: {  	v4 =	vbroadcast v4, $0x0  }
0x71: {  	v63, _, _ =	vpop (xrf0)  }
0x72: {  	v4 =	vadd.s32 v63, v4;
	(v2sf) =	vpush v63, $0xF;
	_ =	sdelay $0x3  }
0x73: {  	v6 =	vor.u32 s21, v1  }
0x74: {  	[tilespmem:v4+s11+$0x0] =	vst.idx.msk vm1, v6  }
0x75: {  	[tilespmem:v4+s12+$0x0] =	vst.idx.msk vm1, v2  }
0x76: {  	s23 =	simm.s32 $0x10;
	[tilespmem:v4+s13+$0x0] =	vst.idx.msk vm1, v3  }
0x77: {  	s19 =	smov.u32 s21;
	s20 =	simm.s32 $0x0;
	s22 =	simm.s32 $0x80;
	v2 =	vld [tilespmem:s23+$0x0]  }
.LBB2_2:
0x78: {  	p0 =	sne.s32 s22, $0x9C00;
	v3 =	vld [tilespmem:s23+$0x2780];
	_ =	sdelay $0x5  }
0x79: {  	s23 =	spop (v2sf)  }
0x7a: {  	v4 =	vld.idx.msk [tilespmem:v2+s10+$0x0], $0xffff;
	s20 =	sadd.s32 s20, s23  }
0x7b: {  	v5 =	vld.idx.msk [tilespmem:v3+s10+$0x0], $0xffff;
	v6 =	vmov s20  }
0x7c: {  	v6 =	vadd.s32 $0xFFFFFFFF, v6  }
0x7d: {  	v6 =	vbroadcast v6, $0x0;
	_ =	sdelay $0x3  }
0x7e: {  	v4 =	vor.u32 v4, v5  }
0x7f: {  	vm1 =	vne.s32 v4, $0x0  }
0x80: {  	v4 =	vsel vm1, $0x1, v0  }
0x81: {  	(xrf0) =	vadd.scan.msk.s32 $0xffff, v4;
	_ =	sdelay $0x5  }
0x82: {  	v4, _, _ =	vpop (xrf0)  }
0x83: {  	v5 =	vadd.s32 v4, v6;
	(v2sf) =	vpush v4, $0xF;
	_ =	sdelay $0x2  }
0x84: {  	s19 =	sadd.s32 $0x10, s19  }
.Ltmp2:
0x85: {  	v4 =	vor.u32 s19, v1;
	(pc) =	sbr.rel @p0 .LBB2_2-.Ltmp2, $4  }
0x86: {  	[tilespmem:v5+s11+$0x0] =	vst.idx.msk vm1, v4  }
0x87: {  	[tilespmem:v5+s12+$0x0] =	vst.idx.msk vm1, v2  }
0x88: {  	s23 =	sshra.s32 s22, $0x2;
	[tilespmem:v5+s13+$0x0] =	vst.idx.msk vm1, v3  }
0x89: {  	s22 =	sadd.s32 $0x40, s22;
	v2 =	vld [tilespmem:s23+$0x0]  }
0x8a: {  	_ = 	snop  }
0x8b: {  	v3 =	vld [tilespmem:s23+$0x2780];
	_ =	sdelay $0x6  }
0x8c: {  	v4 =	vld.idx.msk [tilespmem:v2+s10+$0x0], $0xffff  }
0x8d: {  	v5 =	vld.idx.msk [tilespmem:v3+s10+$0x0], $0xffff;
	_ =	sdelay $0x4  }
0x8e: {  	v4 =	vor.u32 v4, v5  }
0x8f: {  	vm1 =	vne.s32 v4, $0x0  }
0x90: {  	v4 =	vsel vm1, $0x1, v0  }
0x91: {  	(xrf0) =	vadd.scan.msk.s32 $0xffff, v4;
	_ =	sdelay $0x5  }
0x92: {  	v4, _, _ =	vpop (xrf0)  }
0x93: {  	(v2sf) =	vpush v4, $0xF;
	_ =	sdelay $0x7  }
0x94: {  	s22 =	spop (v2sf)  }
0x95: {  	s20 =	sadd.s32 s20, s22  }
0x96: {  	v62 =	vmov s20  }
0x97: {  	v5 =	vadd.s32 $0xFFFFFFFF, v62  }
0x98: {  	v5 =	vbroadcast v5, $0x0;
	_ =	sdelay $0x1  }
0x99: {  	v4 =	vadd.s32 v4, v5  }
0x9a: {  	s23 =	spop (v2sf)  }
0x9b: {  	s24 =	sadd.s32 s20, s23  }
0x9c: {  	s19 =	sadd.s32 $0x10, s19;
	v63 =	vadd.s32 s24, v1  }
0x9d: {  	v6 =	vor.u32 s19, v1  }
0x9e: {  	[tilespmem:v4+s11+$0x0] =	vst.idx.msk vm1, v6  }
0x9f: {  	[tilespmem:v4+s12+$0x0] =	vst.idx.msk vm1, v2  }
0xa0: {  	s19 =	simm.s32 $0x7680;
	v2 =	vimm.s32 $0x4E200;
	[tilespmem:v4+s13+$0x0] =	vst.idx.msk vm1, v3  }
0xa1: {  	s20 =	simm.s32 $0x9E00;
	[tilespmem:v63+s19+$0x0] =	vst.idx.msk $0xffff, v2  }
0xa2: {  	s22 =	simm.s32 $0xC580;
	[tilespmem:v63+s20+$0x0] =	vst.idx.msk $0xffff, v0  }
0xa3: {  	[tilespmem:v63+s22+$0x0] =	vst.idx.msk $0xffff, v0  }
0xa4: {  	_ =	swait.ge [sflag:s14], $0xC800  }
0xa5: {  	[sflag:s14] =	ssyncset.done $0x0  }
0xa6: {  	[sflag:s14] =	ssyncadd.s32 $0xFFFF3800  }
0xa7: {  	_ =	swait.ge [sflag:s14], $0xC800  }
0xa8: {  	[sflag:s14] =	ssyncset.done $0x0  }
0xa9: {  	[sflag:s14] =	ssyncadd.s32 $0xFFFF3800  }
0xaa: {  	_ =	swait.ge [sflag:s14], $0xC800  }
0xab: {  	[sflag:s14] =	ssyncset.done $0x0  }
0xac: {  	[sflag:s14] =	ssyncadd.s32 $0xFFFF3800  }
0xad: {  	_ =	swait.ge [sflag:s14], $0xC800  }
0xae: {  	[sflag:s14] =	ssyncset.done $0x0  }
0xaf: {  	[sflag:s14] =	ssyncadd.s32 $0xFFFF3800  }
0xb0: {  	_ =	swait.ge [sflag:s14], $0xC800  }
0xb1: {  	[sflag:s14] =	ssyncset.done $0x0  }
0xb2: {  	[sflag:s14] =	ssyncadd.s32 $0xFFFF3800  }
0xb3: {  	_ =	swait.ge [sflag:s14], $0xC800  }
0xb4: {  	[sflag:s14] =	ssyncset.done $0x0  }
0xb5: {  	[sflag:s14] =	ssyncadd.s32 $0xFFFF3800  }
0xb6: {  	_ =	swait.ge [sflag:s14], $0xC800  }
0xb7: {  	[sflag:s14] =	ssyncset.done $0x0  }
0xb8: {  	[sflag:s14] =	ssyncadd.s32 $0xFFFF3800  }
0xb9: {  	_ =	swait.ge [sflag:s14], $0xC800  }
0xba: {  	[sflag:s14] =	ssyncset.done $0x0  }
0xbb: {  	[sflag:s14] =	ssyncadd.s32 $0xFFFF3800  }
0xbc: {  	_ =	swait.ge [sflag:s14], $0xC800  }
0xbd: {  	[sflag:s14] =	ssyncset.done $0x0  }
0xbe: {  	[sflag:s14] =	ssyncadd.s32 $0xFFFF3800  }
0xbf: {  	_ =	swait.ge [sflag:s14], $0xC800  }
0xc0: {  	[sflag:s14] =	ssyncset.done $0x0  }
0xc1: {  	[sflag:s14] =	ssyncadd.s32 $0xFFFF3800  }
0xc2: {  	_ =	swait.ge [sflag:s14], $0xC800  }
0xc3: {  	[sflag:s14] =	ssyncset.done $0x0  }
0xc4: {  	[sflag:s14] =	ssyncadd.s32 $0xFFFF3800  }
0xc5: {  	_ =	swait.ge [sflag:s14], $0xC800  }
0xc6: {  	[sflag:s14] =	ssyncset.done $0x0  }
0xc7: {  	[sflag:s14] =	ssyncadd.s32 $0xFFFF3800  }
0xc8: {  	_ =	swait.ge [sflag:s14], $0xC800  }
0xc9: {  	[sflag:s14] =	ssyncset.done $0x0  }
0xca: {  	[sflag:s14] =	ssyncadd.s32 $0xFFFF3800  }
0xcb: {  	_ =	swait.ge [sflag:s14], $0xC800  }
0xcc: {  	[sflag:s14] =	ssyncset.done $0x0  }
0xcd: {  	[sflag:s14] =	ssyncadd.s32 $0xFFFF3800  }
0xce: {  	_ =	swait.ge [sflag:s14], $0xC800  }
0xcf: {  	[sflag:s14] =	ssyncset.done $0x0  }
0xd0: {  	[sflag:s14] =	ssyncadd.s32 $0xFFFF3800  }
0xd1: {  	_ =	swait.ge [sflag:s14], $0xC800  }
0xd2: {  	[sflag:s14] =	ssyncset.done $0x0  }
0xd3: {  	[sflag:s14] =	ssyncadd.s32 $0xFFFF3800  }
0xd4: {  	_ =	swait.ge [sflag:s14], $0xC800  }
0xd5: {  	[sflag:s14] =	ssyncset.done $0x0  }
0xd6: {  	[sflag:s14] =	ssyncadd.s32 $0xFFFF3800  }
0xd7: {  	_ =	swait.ge [sflag:s14], $0xC800  }
0xd8: {  	[sflag:s14] =	ssyncset.done $0x0  }
0xd9: {  	[sflag:s14] =	ssyncadd.s32 $0xFFFF3800  }
0xda: {  	_ =	swait.ge [sflag:s14], $0xC800  }
0xdb: {  	[sflag:s14] =	ssyncset.done $0x0  }
0xdc: {  	[sflag:s14] =	ssyncadd.s32 $0xFFFF3800  }
0xdd: {  	_ =	swait.ge [sflag:s14], $0xC800  }
0xde: {  	[sflag:s14] =	ssyncset.done $0x0  }
0xdf: {  	[sflag:s14] =	ssyncadd.s32 $0xFFFF3800  }
0xe0: {  	_ =	swait.ge [sflag:s14], $0xC800  }
0xe1: {  	s23 =	sadd.s32 $0xF, s24;
	[sflag:s14] =	ssyncset.done $0x0  }
0xe2: {  	s24 =	sand.u32 $0xF, s23;
	[sflag:s14] =	ssyncadd.s32 $0xFFFF3800  }
0xe3: {  	p0 =	sne.s32 s24, $0x0;
	s24 =	sshra.s32 s23, $0x1F;
	_ =	swait.ge [sflag:s14], $0xC800  }
0xe4: {  	p1 =	slt.s32 s23, $0x1;
	s24 =	sshrl.u32 s24, $0x1C;
	[sflag:s14] =	ssyncset.done $0x0  }
0xe5: {  	p0 =	por !p1, !p0;
	s23 =	sadd.s32 s24, s23;
	[sflag:s14] =	ssyncadd.s32 $0xFFFF3800  }
0xe6: {  	p0 =	por !p0, !p0;
	s24 =	simm.s32 $0x1;
	_ =	swait.ge [sflag:s14], $0xC800  }
0xe7: {  	s23 =	sshra.s32 s23, $0x4;
	s24 =	simm.s32 @!p0 $0x0;
	[sflag:s14] =	ssyncset.done $0x0  }
0xe8: {  	s23 =	ssub.s32 s23, s24;
	[sflag:s14] =	ssyncadd.s32 $0xFFFF3800  }
0xe9: {  	p0 =	slt.s32 s23, $0x1;
	_ =	swait.ge [sflag:s14], $0xC800  }
.Ltmp3:
0xea: {  	[sflag:s14] =	ssyncset.done $0x0;
	(pc) =	sbr.rel @p0 .LBB2_5-.Ltmp3, $4  }
0xeb: {  	[sflag:s14] =	ssyncadd.s32 $0xFFFF3800  }
0xec: {  	_ =	swait.ge [sflag:s14], $0xC800  }
0xed: {  	[sflag:s14] =	ssyncset.done $0x0  }
0xee: {  	[sflag:s14] =	ssyncadd.s32 $0xFFFF3800  }
.LBB2_4:
0xef: {  	v2 =	vld [tilespmem:s20+$0x0];
	_ =	sdelay $0x1  }
0xf0: {  	v3 =	vld [tilespmem:s22+$0x0];
	_ =	sdelay $0x1  }
0xf1: {  	v4 =	vld [tilespmem:s19+$0x0];
	_ =	sdelay $0x3  }
0xf2: {  	[tilespmem:s15], [sflag:$0x2] =	stream.indirect_vreg.gather [hbm4b:s2+s3], $0x80, v2, vm0, $0xb8;
	[tilespmem:$0x1C500] =	vst v63  }
0xf3: {  	[tilespmem:$0x1FFF0] =	vst v4  }
0xf4: {  	[tilespmem:s16], [sflag:$0x2] =	stream.indirect_vreg.gather [hbm4b:s2+s3], $0x80, v3, vm0, $0xb8;
	[tilespmem:$0x1C500] =	vst v63  }
0xf5: {  	_ =	swait.ge [sflag:s17], $0x800  }
0xf6: {  	[sflag:s17] =	ssyncset.done $0x0  }
0xf7: {  	[sflag:s17] =	ssyncadd.s32 $0xFFFFF800  }
0xf8: {  	_ =	swait.ge [sflag:s17], $0x800  }
0xf9: {  	[sflag:s17] =	ssyncset.done $0x0  }
0xfa: {  	[sflag:s17] =	ssyncadd.s32 $0xFFFFF800  }
0xfb: {  	v5 =	vld [tilespmem:$0x1B500]  }
0xfc: {  	v2 =	vld [tilespmem:$0x1BD00]  }
0xfd: {  	v6 =	vld [tilespmem:$0x1B510]  }
0xfe: {  	v3 =	vld [tilespmem:$0x1BD10]  }
0xff: {  	v8 =	vld [tilespmem:$0x1B520]  }
0x100: {  	v4 =	vld [tilespmem:$0x1BD20]  }
0x101: {  	v10 =	vld [tilespmem:$0x1B530]  }
0x102: {  	v7 =	vld [tilespmem:$0x1BD30]  }
0x103: {  	v12 =	vld [tilespmem:$0x1B540]  }
0x104: {  	v9 =	vld [tilespmem:$0x1BD40]  }
0x105: {  	v14 =	vld [tilespmem:$0x1B550]  }
0x106: {  	v11 =	vld [tilespmem:$0x1BD50]  }
0x107: {  	v16 =	vld [tilespmem:$0x1B560]  }
0x108: {  	v13 =	vld [tilespmem:$0x1BD60]  }
0x109: {  	v18 =	vld [tilespmem:$0x1B570]  }
0x10a: {  	v15 =	vld [tilespmem:$0x1BD70]  }
0x10b: {  	v20 =	vld [tilespmem:$0x1B580]  }
0x10c: {  	v17 =	vld [tilespmem:$0x1BD80]  }
0x10d: {  	v22 =	vld [tilespmem:$0x1B590]  }
0x10e: {  	v19 =	vld [tilespmem:$0x1BD90]  }
0x10f: {  	v24 =	vld [tilespmem:$0x1B5A0]  }
0x110: {  	v21 =	vld [tilespmem:$0x1BDA0]  }
0x111: {  	v26 =	vld [tilespmem:$0x1B5B0]  }
0x112: {  	v23 =	vld [tilespmem:$0x1BDB0]  }
0x113: {  	v28 =	vld [tilespmem:$0x1B5C0]  }
0x114: {  	v25 =	vld [tilespmem:$0x1BDC0]  }
0x115: {  	v30 =	vld [tilespmem:$0x1B5D0]  }
0x116: {  	v27 =	vld [tilespmem:$0x1BDD0]  }
0x117: {  	v62 =	vld [tilespmem:$0x1B5E0]  }
0x118: {  	v29 =	vld [tilespmem:$0x1BDE0]  }
0x119: {  	v63 =	vld [tilespmem:$0x1B5F0]  }
0x11a: {  	v31 =	vld [tilespmem:$0x1BDF0]  }
0x11b: {  	v52 =	vld [tilespmem:$0x1B600]  }
0x11c: {  	v32 =	vld [tilespmem:$0x1BE00]  }
0x11d: {  	v49 =	vld [tilespmem:$0x1B610]  }
0x11e: {  	v33 =	vld [tilespmem:$0x1BE10]  }
0x11f: {  	v40 =	vld [tilespmem:$0x1B620]  }
0x120: {  	v34 =	vld [tilespmem:$0x1BE20]  }
0x121: {  	v41 =	vld [tilespmem:$0x1B630]  }
0x122: {  	v35 =	vld [tilespmem:$0x1BE30]  }
0x123: {  	v38 =	vld [tilespmem:$0x1B640]  }
0x124: {  	v36 =	vld [tilespmem:$0x1BE40]  }
0x125: {  	v42 =	vld [tilespmem:$0x1B650]  }
0x126: {  	v37 =	vld [tilespmem:$0x1BE50]  }
0x127: {  	v44 =	vld [tilespmem:$0x1B660]  }
0x128: {  	v39 =	vld [tilespmem:$0x1BE60]  }
0x129: {  	v45 =	vld [tilespmem:$0x1B670]  }
0x12a: {  	v43 =	vld [tilespmem:$0x1BE70]  }
0x12b: {  	v48 =	vld [tilespmem:$0x1B680]  }
0x12c: {  	v46 =	vld [tilespmem:$0x1BE80]  }
0x12d: {  	v51 =	vld [tilespmem:$0x1B690]  }
0x12e: {  	v47 =	vld [tilespmem:$0x1BE90]  }
0x12f: {  	v54 =	vld [tilespmem:$0x1B6A0]  }
0x130: {  	v50 =	vld [tilespmem:$0x1BEA0]  }
0x131: {  	v56 =	vld [tilespmem:$0x1B6B0]  }
0x132: {  	v53 =	vld [tilespmem:$0x1BEB0]  }
0x133: {  	v58 =	vld [tilespmem:$0x1B6C0]  }
0x134: {  	v55 =	vld [tilespmem:$0x1BEC0]  }
0x135: {  	v59 =	vld [tilespmem:$0x1B6D0]  }
0x136: {  	v61 =	vld [tilespmem:$0x1B6F0];
	_ =	sdelay $0x4  }
0x137: {  	[tilespmem:$0x1FAB0] =	vst v61;
	v61 =	vld [tilespmem:$0x1BEF0];
	_ =	sdelay $0x4  }
0x138: {  	[tilespmem:$0x1FAC0] =	vst v61;
	v61 =	vld [tilespmem:$0x1B700];
	_ =	sdelay $0x4  }
0x139: {  	[tilespmem:$0x1FAD0] =	vst v61;
	v61 =	vld [tilespmem:$0x1BF00];
	_ =	sdelay $0x4  }
0x13a: {  	[tilespmem:$0x1FAE0] =	vst v61;
	v61 =	vld [tilespmem:$0x1B710];
	_ =	sdelay $0x4  }
0x13b: {  	[tilespmem:$0x1FAF0] =	vst v61;
	v61 =	vld [tilespmem:$0x1BF10];
	_ =	sdelay $0x4  }
0x13c: {  	[tilespmem:$0x1FB00] =	vst v61;
	v61 =	vld [tilespmem:$0x1B720];
	_ =	sdelay $0x4  }
0x13d: {  	[tilespmem:$0x1FB10] =	vst v61;
	v61 =	vld [tilespmem:$0x1BF20];
	_ =	sdelay $0x4  }
0x13e: {  	[tilespmem:$0x1FB20] =	vst v61;
	v61 =	vld [tilespmem:$0x1B730];
	_ =	sdelay $0x4  }
0x13f: {  	[tilespmem:$0x1FB30] =	vst v61;
	v61 =	vld [tilespmem:$0x1BF30];
	_ =	sdelay $0x4  }
0x140: {  	[tilespmem:$0x1FB40] =	vst v61;
	v61 =	vld [tilespmem:$0x1B740];
	_ =	sdelay $0x4  }
0x141: {  	[tilespmem:$0x1FB50] =	vst v61;
	v61 =	vld [tilespmem:$0x1BF40];
	_ =	sdelay $0x4  }
0x142: {  	[tilespmem:$0x1FB60] =	vst v61;
	v61 =	vld [tilespmem:$0x1B750];
	_ =	sdelay $0x4  }
0x143: {  	[tilespmem:$0x1FB70] =	vst v61;
	v61 =	vld [tilespmem:$0x1BF50];
	_ =	sdelay $0x4  }
0x144: {  	[tilespmem:$0x1FB80] =	vst v61;
	v61 =	vld [tilespmem:$0x1B760];
	_ =	sdelay $0x4  }
0x145: {  	[tilespmem:$0x1FB90] =	vst v61;
	v61 =	vld [tilespmem:$0x1BF60];
	_ =	sdelay $0x4  }
0x146: {  	[tilespmem:$0x1FBA0] =	vst v61;
	v61 =	vld [tilespmem:$0x1B770];
	_ =	sdelay $0x4  }
0x147: {  	[tilespmem:$0x1FBB0] =	vst v61;
	v61 =	vld [tilespmem:$0x1BF70];
	_ =	sdelay $0x4  }
0x148: {  	[tilespmem:$0x1FBC0] =	vst v61;
	v61 =	vld [tilespmem:$0x1B780];
	_ =	sdelay $0x4  }
0x149: {  	[tilespmem:$0x1FBD0] =	vst v61;
	v61 =	vld [tilespmem:$0x1BF80];
	_ =	sdelay $0x4  }
0x14a: {  	[tilespmem:$0x1FBE0] =	vst v61;
	v61 =	vld [tilespmem:$0x1B790];
	_ =	sdelay $0x4  }
0x14b: {  	[tilespmem:$0x1FBF0] =	vst v61;
	v61 =	vld [tilespmem:$0x1BF90];
	_ =	sdelay $0x4  }
0x14c: {  	[tilespmem:$0x1FC00] =	vst v61;
	v61 =	vld [tilespmem:$0x1B7A0];
	_ =	sdelay $0x4  }
0x14d: {  	[tilespmem:$0x1FC10] =	vst v61;
	v61 =	vld [tilespmem:$0x1BFA0];
	_ =	sdelay $0x4  }
0x14e: {  	[tilespmem:$0x1FC20] =	vst v61;
	v61 =	vld [tilespmem:$0x1B7B0];
	_ =	sdelay $0x4  }
0x14f: {  	[tilespmem:$0x1FC30] =	vst v61;
	v61 =	vld [tilespmem:$0x1BFB0];
	_ =	sdelay $0x4  }
0x150: {  	[tilespmem:$0x1FC40] =	vst v61;
	v61 =	vld [tilespmem:$0x1B7C0];
	_ =	sdelay $0x4  }
0x151: {  	[tilespmem:$0x1FC50] =	vst v61;
	v61 =	vld [tilespmem:$0x1BFC0];
	_ =	sdelay $0x4  }
0x152: {  	[tilespmem:$0x1FC60] =	vst v61;
	v61 =	vld [tilespmem:$0x1B7D0];
	_ =	sdelay $0x4  }
0x153: {  	[tilespmem:$0x1FC70] =	vst v61;
	v61 =	vld [tilespmem:$0x1BFD0];
	_ =	sdelay $0x4  }
0x154: {  	[tilespmem:$0x1FC80] =	vst v61;
	v61 =	vld [tilespmem:$0x1B7E0];
	_ =	sdelay $0x4  }
0x155: {  	[tilespmem:$0x1FC90] =	vst v61;
	v61 =	vld [tilespmem:$0x1BFE0];
	_ =	sdelay $0x4  }
0x156: {  	[tilespmem:$0x1FCA0] =	vst v61;
	v61 =	vld [tilespmem:$0x1B7F0];
	_ =	sdelay $0x4  }
0x157: {  	[tilespmem:$0x1FCB0] =	vst v61;
	v61 =	vld [tilespmem:$0x1BFF0];
	_ =	sdelay $0x4  }
0x158: {  	[tilespmem:$0x1FCC0] =	vst v61;
	v61 =	vld [tilespmem:$0x1B800];
	_ =	sdelay $0x4  }
0x159: {  	[tilespmem:$0x1FCD0] =	vst v61;
	v61 =	vld [tilespmem:$0x1C000];
	_ =	sdelay $0x2  }
0x15a: {  	v60 =	vld [tilespmem:$0x1B6E0];
	_ =	sdelay $0x1  }
0x15b: {  	[tilespmem:$0x1FCE0] =	vst v61;
	v61 =	vld [tilespmem:$0x1B810];
	_ =	sdelay $0x1  }
0x15c: {  	v57 =	vld [tilespmem:$0x1BED0]  }
0x15d: {  	[tilespmem:$0x1FAA0] =	vst v60;
	v60 =	vld [tilespmem:$0x1BEE0]  }
0x15e: {  	v2 =	vadd.f32 v2, v5;
	v5 =	vld [tilespmem:$0x1BA10]  }
0x15f: {  	[tilespmem:$0x1FCF0] =	vst v61;
	v61 =	vld [tilespmem:$0x1C010]  }
0x160: {  	v3 =	vadd.f32 v3, v6;
	v6 =	vld [tilespmem:$0x1C210]  }
0x161: {  	[tilespmem:$0x1B500] =	vst v2;
	v2 =	vadd.f32 v4, v8;
	v8 =	vld [tilespmem:$0x1C130]  }
0x162: {  	[tilespmem:$0x1B510] =	vst v3;
	v3 =	vadd.f32 v7, v10;
	v10 =	vld [tilespmem:$0x1C140]  }
0x163: {  	v4 =	vld [tilespmem:$0x1C200]  }
0x164: {  	[tilespmem:$0x1FD00] =	vst v61;
	v61 =	vld [tilespmem:$0x1B820]  }
0x165: {  	v7 =	vld [tilespmem:$0x1BA20]  }
0x166: {  	[tilespmem:$0x1B520] =	vst v2;
	v2 =	vadd.f32 v9, v12;
	v12 =	vld [tilespmem:$0x1B950]  }
0x167: {  	[tilespmem:$0x1B530] =	vst v3;
	v3 =	vadd.f32 v11, v14;
	v14 =	vld [tilespmem:$0x1C150]  }
0x168: {  	v9 =	vld [tilespmem:$0x1B9F0]  }
0x169: {  	[tilespmem:$0x1FD10] =	vst v61;
	v61 =	vld [tilespmem:$0x1C020]  }
0x16a: {  	[tilespmem:$0x1B540] =	vst v2;
	v2 =	vadd.f32 v13, v16;
	v16 =	vld [tilespmem:$0x1B960]  }
0x16b: {  	[tilespmem:$0x1B550] =	vst v3;
	v3 =	vadd.f32 v15, v18;
	v18 =	vld [tilespmem:$0x1C160]  }
0x16c: {  	[tilespmem:$0x1FF30] =	vst v8;
	v8 =	vld [tilespmem:$0x1B940]  }
0x16d: {  	[tilespmem:$0x1B560] =	vst v2;
	v2 =	vadd.f32 v17, v20;
	v20 =	vld [tilespmem:$0x1B970]  }
0x16e: {  	[tilespmem:$0x1FD20] =	vst v61;
	v61 =	vld [tilespmem:$0x1B830]  }
0x16f: {  	[tilespmem:$0x1B570] =	vst v3;
	v3 =	vadd.f32 v19, v22;
	v22 =	vld [tilespmem:$0x1B980]  }
0x170: {  	[tilespmem:$0x1FF60] =	vst v12;
	v12 =	vld [tilespmem:$0x1C1E0]  }
0x171: {  	[tilespmem:$0x1B580] =	vst v2;
	v2 =	vadd.f32 v21, v24;
	v21 =	vld [tilespmem:$0x1C170]  }
0x172: {  	[tilespmem:$0x1B590] =	vst v3;
	v3 =	vadd.f32 v23, v26;
	v23 =	vld [tilespmem:$0x1C180]  }
0x173: {  	[tilespmem:$0x1FD30] =	vst v61;
	v61 =	vld [tilespmem:$0x1C030]  }
0x174: {  	v24 =	vld [tilespmem:$0x1B990];
	[tilespmem:$0x1FF40] =	vst v8  }
0x175: {  	[tilespmem:$0x1B5B0] =	vst v3;
	v3 =	vadd.f32 v27, v30;
	v30 =	vld [tilespmem:$0x1FAA0]  }
0x176: {  	[tilespmem:$0x1B5A0] =	vst v2;
	v8 =	vld [tilespmem:$0x1C220]  }
0x177: {  	v2 =	vadd.f32 v25, v28;
	[tilespmem:$0x1FFA0] =	vst v20;
	v20 =	vld [tilespmem:$0x1C1D0]  }
0x178: {  	[tilespmem:$0x1FD40] =	vst v61;
	v61 =	vld [tilespmem:$0x1B840]  }
0x179: {  	[tilespmem:$0x1B5C0] =	vst v2;
	v2 =	vadd.f32 v29, v62;
	v62 =	vld [tilespmem:$0x1C190]  }
0x17a: {  	[tilespmem:$0x1B5D0] =	vst v3;
	v3 =	vadd.f32 v31, v63;
	v63 =	vld [tilespmem:$0x1B9A0]  }
0x17b: {  	v29 =	vld [tilespmem:$0x1B9D0]  }
0x17c: {  	[tilespmem:$0x1FFB0] =	vst v21;
	v21 =	vld [tilespmem:$0x1B9E0]  }
0x17d: {  	[tilespmem:$0x1FD50] =	vst v61;
	v61 =	vld [tilespmem:$0x1C040]  }
0x17e: {  	[tilespmem:$0x1B5E0] =	vst v2;
	v2 =	vadd.f32 v32, v52;
	v52 =	vld [tilespmem:$0x1C1A0]  }
0x17f: {  	[tilespmem:$0x1B5F0] =	vst v3;
	v3 =	vadd.f32 v33, v49;
	v49 =	vld [tilespmem:$0x1B9B0]  }
0x180: {  	v32 =	vld [tilespmem:$0x1C1C0]  }
0x181: {  	[tilespmem:$0x1FF50] =	vst v10;
	v33 =	vld [tilespmem:$0x1FAB0]  }
0x182: {  	[tilespmem:$0x1FD60] =	vst v61;
	v61 =	vld [tilespmem:$0x1B850]  }
0x183: {  	[tilespmem:$0x1B600] =	vst v2;
	v2 =	vadd.f32 v34, v40;
	v40 =	vld [tilespmem:$0x1C1B0]  }
0x184: {  	[tilespmem:$0x1B610] =	vst v3;
	v3 =	vadd.f32 v35, v41;
	v41 =	vld [tilespmem:$0x1B9C0]  }
0x185: {  	v34 =	vld [tilespmem:$0x1FAC0];
	[tilespmem:$0x1B620] =	vst v2  }
0x186: {  	v35 =	vld [tilespmem:$0x1FAD0];
	v2 =	vadd.f32 v36, v38;
	[tilespmem:$0x1B630] =	vst v3  }
0x187: {  	v3 =	vadd.f32 v37, v42;
	[tilespmem:$0x1FD70] =	vst v61;
	v61 =	vld [tilespmem:$0x1C050]  }
0x188: {  	v36 =	vld [tilespmem:$0x1FAE0];
	v12 =	vadd.f32 v12, v21;
	[tilespmem:$0x1B640] =	vst v2  }
0x189: {  	v21 =	vld [tilespmem:$0x1C390];
	v2 =	vadd.f32 v39, v44;
	[tilespmem:$0x1B650] =	vst v3  }
0x18a: {  	v37 =	vld [tilespmem:$0x1FAF0];
	[tilespmem:$0x1B9E0] =	vst v12  }
0x18b: {  	v3 =	vadd.f32 v43, v45;
	v12 =	vld [tilespmem:$0x1BBE0];
	[tilespmem:$0x1B660] =	vst v2  }
0x18c: {  	v10 =	vadd.f32 v34, v33;
	[tilespmem:$0x1FD80] =	vst v61;
	v61 =	vld [tilespmem:$0x1B860]  }
0x18d: {  	v41 =	vadd.f32 v32, v41;
	v32 =	vld [tilespmem:$0x1C380];
	[tilespmem:$0x1B670] =	vst v3  }
0x18e: {  	v2 =	vadd.f32 v46, v48;
	[tilespmem:$0x1B6F0] =	vst v10;
	v10 =	vld [tilespmem:$0x1BA30]  }
0x18f: {  	[tilespmem:$0x1B9C0] =	vst v41;
	v41 =	vld [tilespmem:$0x1C440]  }
0x190: {  	[tilespmem:$0x1B680] =	vst v2;
	v2 =	vld [tilespmem:$0x1C1F0]  }
0x191: {  	v3 =	vadd.f32 v47, v51;
	[tilespmem:$0x1FD90] =	vst v61;
	v61 =	vld [tilespmem:$0x1C060]  }
0x192: {  	v11 =	vadd.f32 v36, v35;
	v38 =	vld [tilespmem:$0x1FB00]  }
0x193: {  	[tilespmem:$0x1B690] =	vst v3;
	v3 =	vld [tilespmem:$0x1BA00]  }
0x194: {  	[tilespmem:$0x1B700] =	vst v11;
	v11 =	vld [tilespmem:$0x1C230]  }
0x195: {  	v39 =	vld [tilespmem:$0x1FB10]  }
0x196: {  	[tilespmem:$0x1FDA0] =	vst v61;
	v61 =	vld [tilespmem:$0x1B870]  }
0x197: {  	v13 =	vadd.f32 v38, v37;
	v2 =	vadd.f32 v2, v9;
	v9 =	vld [tilespmem:$0x1BBA0]  }
0x198: {  	v3 =	vadd.f32 v4, v3;
	v4 =	vld [tilespmem:$0x1C3A0]  }
0x199: {  	[tilespmem:$0x1B710] =	vst v13;
	v13 =	vld [tilespmem:$0x1BA40]  }
0x19a: {  	[tilespmem:$0x1B9F0] =	vst v2;
	v2 =	vadd.f32 v6, v5;
	v5 =	vld [tilespmem:$0x1BBB0]  }
0x19b: {  	[tilespmem:$0x1FDB0] =	vst v61;
	v61 =	vld [tilespmem:$0x1C070]  }
0x19c: {  	v6 =	vld [tilespmem:$0x1C3B0]  }
0x19d: {  	[tilespmem:$0x1BA00] =	vst v3;
	v3 =	vadd.f32 v8, v7;
	v7 =	vld [tilespmem:$0x1BBC0]  }
0x19e: {  	v42 =	vld [tilespmem:$0x1FB20]  }
0x19f: {  	v43 =	vld [tilespmem:$0x1FB30]  }
0x1a0: {  	[tilespmem:$0x1FDC0] =	vst v61;
	v61 =	vld [tilespmem:$0x1B880]  }
0x1a1: {  	v44 =	vld [tilespmem:$0x1FB40]  }
0x1a2: {  	[tilespmem:$0x1BA10] =	vst v2;
	v2 =	vadd.f32 v11, v10;
	v10 =	vld [tilespmem:$0x1BBD0]  }
0x1a3: {  	v45 =	vld [tilespmem:$0x1FB50]  }
0x1a4: {  	[tilespmem:$0x1FF70] =	vst v14;
	v46 =	vld [tilespmem:$0x1FB60]  }
0x1a5: {  	v14 =	vadd.f32 v42, v39;
	[tilespmem:$0x1FDD0] =	vst v61;
	v61 =	vld [tilespmem:$0x1C080]  }
0x1a6: {  	v11 =	vld [tilespmem:$0x1C3D0];
	v15 =	vadd.f32 v44, v43  }
0x1a7: {  	[tilespmem:$0x1B720] =	vst v14;
	v14 =	vld [tilespmem:$0x1C240]  }
0x1a8: {  	[tilespmem:$0x1B730] =	vst v15;
	v15 =	vld [tilespmem:$0x1BA50]  }
0x1a9: {  	[tilespmem:$0x1FF80] =	vst v16;
	v16 =	vadd.f32 v46, v45;
	v47 =	vld [tilespmem:$0x1FB70]  }
0x1aa: {  	[tilespmem:$0x1FDE0] =	vst v61;
	v61 =	vld [tilespmem:$0x1B890]  }
0x1ab: {  	[tilespmem:$0x1B740] =	vst v16;
	v16 =	vld [tilespmem:$0x1C250]  }
0x1ac: {  	v48 =	vld [tilespmem:$0x1FB80]  }
0x1ad: {  	v25 =	vadd.f32 v50, v54;
	v50 =	vld [tilespmem:$0x1FB90]  }
0x1ae: {  	v51 =	vld [tilespmem:$0x1FBA0]  }
0x1af: {  	[tilespmem:$0x1FDF0] =	vst v61;
	v61 =	vld [tilespmem:$0x1C090]  }
0x1b0: {  	[tilespmem:$0x1BA20] =	vst v3;
	v3 =	vadd.f32 v14, v13;
	v13 =	vld [tilespmem:$0x1C3E0]  }
0x1b1: {  	[tilespmem:$0x1FF90] =	vst v18;
	v14 =	vld [tilespmem:$0x1BBF0];
	v17 =	vadd.f32 v48, v47  }
0x1b2: {  	[tilespmem:$0x1BA30] =	vst v2;
	v2 =	vadd.f32 v16, v15;
	v15 =	vld [tilespmem:$0x1C3F0]  }
0x1b3: {  	[tilespmem:$0x1B750] =	vst v17;
	v17 =	vld [tilespmem:$0x1BA60]  }
0x1b4: {  	v18 =	vadd.f32 v51, v50;
	[tilespmem:$0x1FE00] =	vst v61;
	v61 =	vld [tilespmem:$0x1B8A0]  }
0x1b5: {  	v26 =	vadd.f32 v53, v56;
	v53 =	vld [tilespmem:$0x1FBB0]  }
0x1b6: {  	[tilespmem:$0x1B760] =	vst v18;
	v18 =	vld [tilespmem:$0x1C260]  }
0x1b7: {  	v54 =	vld [tilespmem:$0x1FBC0]  }
0x1b8: {  	v27 =	vadd.f32 v55, v58;
	v55 =	vld [tilespmem:$0x1FBD0]  }
0x1b9: {  	[tilespmem:$0x1FE10] =	vst v61;
	v61 =	vld [tilespmem:$0x1C0A0]  }
0x1ba: {  	v56 =	vld [tilespmem:$0x1FBE0]  }
0x1bb: {  	v28 =	vadd.f32 v57, v59;
	v57 =	vld [tilespmem:$0x1FBF0]  }
0x1bc: {  	v58 =	vld [tilespmem:$0x1FC00]  }
0x1bd: {  	[tilespmem:$0x1FFC0] =	vst v22;
	v59 =	vld [tilespmem:$0x1FC10]  }
0x1be: {  	v19 =	vadd.f32 v54, v53;
	[tilespmem:$0x1FE20] =	vst v61;
	v61 =	vld [tilespmem:$0x1B8B0]  }
0x1bf: {  	[tilespmem:$0x1B6D0] =	vst v28;
	v31 =	vadd.f32 v60, v30;
	v22 =	vadd.f32 v56, v55;
	v60 =	vld [tilespmem:$0x1FC20]  }
0x1c0: {  	[tilespmem:$0x1B770] =	vst v19;
	v19 =	vld [tilespmem:$0x1BA70]  }
0x1c1: {  	[tilespmem:$0x1B780] =	vst v22;
	v22 =	vld [tilespmem:$0x1C270]  }
0x1c2: {  	[tilespmem:$0x1FFD0] =	vst v23;
	v28 =	vld [tilespmem:$0x1FC30]  }
0x1c3: {  	v23 =	vadd.f32 v58, v57;
	[tilespmem:$0x1FE30] =	vst v61;
	v61 =	vld [tilespmem:$0x1C0B0]  }
0x1c4: {  	[tilespmem:$0x1FFE0] =	vst v24;
	v24 =	vadd.f32 v60, v59;
	v30 =	vld [tilespmem:$0x1FC40]  }
0x1c5: {  	[tilespmem:$0x1B790] =	vst v23;
	v23 =	vld [tilespmem:$0x1BA80]  }
0x1c6: {  	[tilespmem:$0x1B7A0] =	vst v24;
	v24 =	vld [tilespmem:$0x1C280]  }
0x1c7: {  	[tilespmem:$0x1B6E0] =	vst v31;
	v31 =	vld [tilespmem:$0x1FC50]  }
0x1c8: {  	[tilespmem:$0x1FE40] =	vst v61;
	v61 =	vld [tilespmem:$0x1B8C0]  }
0x1c9: {  	[tilespmem:$0x1B6A0] =	vst v25;
	v25 =	vadd.f32 v30, v28;
	v28 =	vld [tilespmem:$0x1C290]  }
0x1ca: {  	v30 =	vld [tilespmem:$0x1BAA0]  }
0x1cb: {  	v33 =	vld [tilespmem:$0x1FC60]  }
0x1cc: {  	v34 =	vld [tilespmem:$0x1FC70]  }
0x1cd: {  	[tilespmem:$0x1FE50] =	vst v61;
	v61 =	vld [tilespmem:$0x1C0C0]  }
0x1ce: {  	v35 =	vld [tilespmem:$0x1FC80]  }
0x1cf: {  	[tilespmem:$0x1B7B0] =	vst v25;
	v25 =	vld [tilespmem:$0x1BA90]  }
0x1d0: {  	[tilespmem:$0x1B6B0] =	vst v26;
	v26 =	vadd.f32 v33, v31;
	v31 =	vld [tilespmem:$0x1C2A0]  }
0x1d1: {  	v33 =	vld [tilespmem:$0x1BAB0]  }
0x1d2: {  	[tilespmem:$0x1FE60] =	vst v61;
	v61 =	vld [tilespmem:$0x1B8D0]  }
0x1d3: {  	[tilespmem:$0x1B6C0] =	vst v27;
	v27 =	vadd.f32 v35, v34;
	v34 =	vld [tilespmem:$0x1C2B0]  }
0x1d4: {  	[tilespmem:$0x1BA50] =	vst v2;
	v2 =	vadd.f32 v22, v19;
	v36 =	vld [tilespmem:$0x1FC90]  }
0x1d5: {  	v37 =	vld [tilespmem:$0x1FCA0]  }
0x1d6: {  	[tilespmem:$0x1BA70] =	vst v2;
	v2 =	vadd.f32 v28, v25;
	v35 =	vld [tilespmem:$0x1BAC0]  }
0x1d7: {  	[tilespmem:$0x1FE70] =	vst v61;
	v61 =	vld [tilespmem:$0x1C0D0]  }
0x1d8: {  	[tilespmem:$0x1BA90] =	vst v2;
	v2 =	vadd.f32 v34, v33;
	v33 =	vld [tilespmem:$0x1BC10]  }
0x1d9: {  	[tilespmem:$0x1BA40] =	vst v3;
	v3 =	vadd.f32 v18, v17;
	v34 =	vld [tilespmem:$0x1C410]  }
0x1da: {  	[tilespmem:$0x1B7C0] =	vst v26;
	v26 =	vadd.f32 v37, v36;
	v36 =	vld [tilespmem:$0x1C2C0]  }
0x1db: {  	[tilespmem:$0x1BA60] =	vst v3;
	v3 =	vadd.f32 v24, v23;
	v38 =	vld [tilespmem:$0x1FCB0]  }
0x1dc: {  	[tilespmem:$0x1FE80] =	vst v61;
	v61 =	vld [tilespmem:$0x1B8E0]  }
0x1dd: {  	[tilespmem:$0x1BA80] =	vst v3;
	v3 =	vadd.f32 v31, v30;
	v37 =	vld [tilespmem:$0x1BAD0]  }
0x1de: {  	v39 =	vld [tilespmem:$0x1FCC0]  }
0x1df: {  	[tilespmem:$0x1BAA0] =	vst v3;
	v3 =	vadd.f32 v36, v35;
	v35 =	vld [tilespmem:$0x1BC20]  }
0x1e0: {  	v36 =	vld [tilespmem:$0x1C420]  }
0x1e1: {  	[tilespmem:$0x1FE90] =	vst v61;
	v61 =	vld [tilespmem:$0x1C0E0]  }
0x1e2: {  	v42 =	vld [tilespmem:$0x1FCD0]  }
0x1e3: {  	[tilespmem:$0x1B7D0] =	vst v27;
	v27 =	vadd.f32 v39, v38;
	v38 =	vld [tilespmem:$0x1C2D0]  }
0x1e4: {  	v43 =	vld [tilespmem:$0x1FCE0]  }
0x1e5: {  	v44 =	vld [tilespmem:$0x1FCF0]  }
0x1e6: {  	[tilespmem:$0x1FEA0] =	vst v61;
	v61 =	vld [tilespmem:$0x1B8F0]  }
0x1e7: {  	v45 =	vld [tilespmem:$0x1FD00]  }
0x1e8: {  	v46 =	vld [tilespmem:$0x1FD10]  }
0x1e9: {  	v47 =	vld [tilespmem:$0x1FD20]  }
0x1ea: {  	v48 =	vld [tilespmem:$0x1FD30]  }
0x1eb: {  	[tilespmem:$0x1FEB0] =	vst v61;
	v61 =	vld [tilespmem:$0x1C0F0]  }
0x1ec: {  	v50 =	vld [tilespmem:$0x1FD40]  }
0x1ed: {  	v51 =	vld [tilespmem:$0x1FD50]  }
0x1ee: {  	v53 =	vld [tilespmem:$0x1FD60]  }
0x1ef: {  	v54 =	vld [tilespmem:$0x1FD70]  }
0x1f0: {  	[tilespmem:$0x1FEC0] =	vst v61;
	v61 =	vld [tilespmem:$0x1B900]  }
0x1f1: {  	v55 =	vld [tilespmem:$0x1FD80]  }
0x1f2: {  	v56 =	vld [tilespmem:$0x1FD90]  }
0x1f3: {  	v57 =	vld [tilespmem:$0x1FDA0]  }
0x1f4: {  	v58 =	vld [tilespmem:$0x1FDB0]  }
0x1f5: {  	[tilespmem:$0x1FED0] =	vst v61;
	v61 =	vld [tilespmem:$0x1C100]  }
0x1f6: {  	v59 =	vld [tilespmem:$0x1FDC0]  }
0x1f7: {  	[tilespmem:$0x1B7E0] =	vst v26;
	v26 =	vadd.f32 v43, v42;
	v60 =	vld [tilespmem:$0x1FDD0]  }
0x1f8: {  	[tilespmem:$0x1B7F0] =	vst v27;
	v27 =	vadd.f32 v45, v44;
	v45 =	vld [tilespmem:$0x1FDE0]  }
0x1f9: {  	[tilespmem:$0x1B800] =	vst v26;
	v26 =	vadd.f32 v47, v46;
	v46 =	vld [tilespmem:$0x1FDF0]  }
0x1fa: {  	[tilespmem:$0x1FEE0] =	vst v61;
	v61 =	vld [tilespmem:$0x1B910]  }
0x1fb: {  	v47 =	vld [tilespmem:$0x1FE00]  }
0x1fc: {  	[tilespmem:$0x1B810] =	vst v27;
	v27 =	vadd.f32 v50, v48;
	v48 =	vld [tilespmem:$0x1FE10]  }
0x1fd: {  	v50 =	vld [tilespmem:$0x1FE20]  }
0x1fe: {  	[tilespmem:$0x1B820] =	vst v26;
	v26 =	vadd.f32 v53, v51;
	v51 =	vld [tilespmem:$0x1FE30]  }
0x1ff: {  	[tilespmem:$0x1FEF0] =	vst v61;
	v61 =	vld [tilespmem:$0x1C110]  }
0x200: {  	v53 =	vld [tilespmem:$0x1FE40]  }
0x201: {  	[tilespmem:$0x1B830] =	vst v27;
	v27 =	vadd.f32 v55, v54;
	v54 =	vld [tilespmem:$0x1FE50]  }
0x202: {  	[tilespmem:$0x1B840] =	vst v26;
	v55 =	vld [tilespmem:$0x1FE60]  }
0x203: {  	[tilespmem:$0x1B850] =	vst v27;
	v26 =	vadd.f32 v57, v56;
	v56 =	vld [tilespmem:$0x1FE70]  }
0x204: {  	v27 =	vadd.f32 v59, v58;
	[tilespmem:$0x1FF00] =	vst v61;
	v61 =	vld [tilespmem:$0x1B920]  }
0x205: {  	v57 =	vld [tilespmem:$0x1FE80]  }
0x206: {  	[tilespmem:$0x1B870] =	vst v27;
	v27 =	vadd.f32 v47, v46;
	v58 =	vld [tilespmem:$0x1FE90]  }
0x207: {  	[tilespmem:$0x1B860] =	vst v26;
	v26 =	vadd.f32 v45, v60;
	v60 =	vld [tilespmem:$0x1FEB0]  }
0x208: {  	[tilespmem:$0x1B890] =	vst v27;
	v27 =	vadd.f32 v53, v51;
	v53 =	vld [tilespmem:$0x1FEC0]  }
0x209: {  	[tilespmem:$0x1FF10] =	vst v61;
	v61 =	vld [tilespmem:$0x1C120]  }
0x20a: {  	[tilespmem:$0x1B880] =	vst v26;
	v26 =	vadd.f32 v50, v48;
	v59 =	vld [tilespmem:$0x1FEA0]  }
0x20b: {  	[tilespmem:$0x1B8B0] =	vst v27;
	v27 =	vadd.f32 v57, v56;
	v56 =	vld [tilespmem:$0x1FEF0]  }
0x20c: {  	[tilespmem:$0x1B8A0] =	vst v26;
	v57 =	vld [tilespmem:$0x1FF00]  }
0x20d: {  	[tilespmem:$0x1B8D0] =	vst v27;
	v27 =	vadd.f32 v53, v60;
	v60 =	vld [tilespmem:$0x1FF30]  }
0x20e: {  	v26 =	vadd.f32 v55, v54;
	[tilespmem:$0x1FF20] =	vst v61;
	v61 =	vld [tilespmem:$0x1B930]  }
0x20f: {  	v54 =	vld [tilespmem:$0x1FED0]  }
0x210: {  	[tilespmem:$0x1B8C0] =	vst v26;
	v55 =	vld [tilespmem:$0x1FEE0]  }
0x211: {  	v26 =	vadd.f32 v59, v58;
	[tilespmem:$0x1B8F0] =	vst v27;
	v27 =	vadd.f32 v57, v56;
	v58 =	vld [tilespmem:$0x1FF10]  }
0x212: {  	v59 =	vld [tilespmem:$0x1FF20]  }
0x213: {  	[tilespmem:$0x1B910] =	vst v27;
	v27 =	vadd.f32 v60, v61;
	v61 =	vld [tilespmem:$0x1FF40]  }
0x214: {  	v60 =	vld [tilespmem:$0x1FF50]  }
0x215: {  	v39 =	vld [tilespmem:$0x1BAE0];
	[tilespmem:$0x1B8E0] =	vst v26;
	v26 =	vadd.f32 v55, v54  }
0x216: {  	[tilespmem:$0x1BAB0] =	vst v2;
	v2 =	vadd.f32 v38, v37;
	v37 =	vld [tilespmem:$0x1BC30]  }
0x217: {  	v42 =	vld [tilespmem:$0x1C2E0];
	[tilespmem:$0x1B900] =	vst v26;
	v26 =	vadd.f32 v59, v58  }
0x218: {  	v38 =	vld [tilespmem:$0x1C430]  }
0x219: {  	[tilespmem:$0x1B920] =	vst v26;
	v26 =	vadd.f32 v60, v61;
	v61 =	vld [tilespmem:$0x1FF60]  }
0x21a: {  	v60 =	vld [tilespmem:$0x1FF70]  }
0x21b: {  	v43 =	vld [tilespmem:$0x1BAF0]  }
0x21c: {  	[tilespmem:$0x1BAC0] =	vst v3;
	v3 =	vadd.f32 v42, v39;
	v39 =	vld [tilespmem:$0x1BC40]  }
0x21d: {  	v44 =	vld [tilespmem:$0x1C2F0]  }
0x21e: {  	v45 =	vld [tilespmem:$0x1BB00]  }
0x21f: {  	[tilespmem:$0x1B930] =	vst v27;
	v27 =	vadd.f32 v60, v61;
	v61 =	vld [tilespmem:$0x1FF80]  }
0x220: {  	v60 =	vld [tilespmem:$0x1FF90]  }
0x221: {  	v46 =	vld [tilespmem:$0x1C300]  }
0x222: {  	v47 =	vld [tilespmem:$0x1BB10]  }
0x223: {  	v48 =	vld [tilespmem:$0x1C310]  }
0x224: {  	v50 =	vld [tilespmem:$0x1BB20]  }
0x225: {  	[tilespmem:$0x1B940] =	vst v26;
	v26 =	vadd.f32 v60, v61;
	v61 =	vld [tilespmem:$0x1FFA0]  }
0x226: {  	v60 =	vld [tilespmem:$0x1FFB0]  }
0x227: {  	v51 =	vld [tilespmem:$0x1C320]  }
0x228: {  	v53 =	vld [tilespmem:$0x1BB30]  }
0x229: {  	v54 =	vld [tilespmem:$0x1C330]  }
0x22a: {  	v55 =	vld [tilespmem:$0x1BB40]  }
0x22b: {  	[tilespmem:$0x1B950] =	vst v27;
	v27 =	vadd.f32 v60, v61;
	v61 =	vld [tilespmem:$0x1FFE0]  }
0x22c: {  	[tilespmem:$0x1BAD0] =	vst v2;
	v2 =	vadd.f32 v44, v43;
	v56 =	vld [tilespmem:$0x1C340]  }
0x22d: {  	v57 =	vld [tilespmem:$0x1BB50]  }
0x22e: {  	[tilespmem:$0x1BAF0] =	vst v2;
	v58 =	vld [tilespmem:$0x1C350]  }
0x22f: {  	[tilespmem:$0x1B960] =	vst v26;
	v26 =	vld [tilespmem:$0x1FFC0]  }
0x230: {  	v2 =	vadd.f32 v48, v47;
	[tilespmem:$0x1B970] =	vst v27;
	v27 =	vadd.f32 v62, v61;
	v61 =	vld [tilespmem:$0x1BB70]  }
0x231: {  	[tilespmem:$0x1BAE0] =	vst v3;
	v62 =	vadd.f32 v52, v63;
	v52 =	vld [tilespmem:$0x1C370]  }
0x232: {  	[tilespmem:$0x1BB10] =	vst v2;
	v2 =	vadd.f32 v54, v53;
	v60 =	vld [tilespmem:$0x1FFD0]  }
0x233: {  	v3 =	vadd.f32 v46, v45;
	[tilespmem:$0x1B990] =	vst v27;
	v27 =	vld [tilespmem:$0x1BB90]  }
0x234: {  	v42 =	vld [tilespmem:$0x1BC50];
	[tilespmem:$0x1BB30] =	vst v2;
	v2 =	vadd.f32 v58, v57  }
0x235: {  	v43 =	vld [tilespmem:$0x1C450];
	[tilespmem:$0x1BB00] =	vst v3;
	v3 =	vadd.f32 v51, v50  }
0x236: {  	v44 =	vld [tilespmem:$0x1BC60];
	[tilespmem:$0x1BB50] =	vst v2;
	v2 =	vadd.f32 v52, v61  }
0x237: {  	[tilespmem:$0x1BB20] =	vst v3;
	v3 =	vadd.f32 v56, v55;
	v59 =	vld [tilespmem:$0x1BB60]  }
0x238: {  	v26 =	vadd.f32 v60, v26;
	v60 =	vld [tilespmem:$0x1C360];
	[tilespmem:$0x1BB70] =	vst v2;
	v2 =	vadd.f32 v21, v27  }
0x239: {  	v45 =	vld [tilespmem:$0x1C460];
	[tilespmem:$0x1BB40] =	vst v3  }
0x23a: {  	v63 =	vadd.f32 v40, v49;
	v40 =	vld [tilespmem:$0x1BB80];
	[tilespmem:$0x1BB90] =	vst v2;
	v2 =	vadd.f32 v6, v5  }
0x23b: {  	v46 =	vld [tilespmem:$0x1BC70];
	[tilespmem:$0x1B9A0] =	vst v62  }
0x23c: {  	v47 =	vld [tilespmem:$0x1C470];
	[tilespmem:$0x1BBB0] =	vst v2;
	v2 =	vadd.f32 v11, v10  }
0x23d: {  	v48 =	vld [tilespmem:$0x1BC80];
	[tilespmem:$0x1B9B0] =	vst v63;
	v3 =	vadd.f32 v60, v59  }
0x23e: {  	v49 =	vld [tilespmem:$0x1C3C0];
	[tilespmem:$0x1BBD0] =	vst v2;
	v2 =	vadd.f32 v15, v14  }
0x23f: {  	v50 =	vld [tilespmem:$0x1BC90];
	[tilespmem:$0x1BB60] =	vst v3;
	v3 =	vadd.f32 v32, v40  }
0x240: {  	v51 =	vld [tilespmem:$0x1C490];
	[tilespmem:$0x1BBF0] =	vst v2;
	v2 =	vadd.f32 v34, v33  }
0x241: {  	v62 =	vld [tilespmem:$0x1BC00];
	[tilespmem:$0x1BB80] =	vst v3;
	v3 =	vadd.f32 v4, v9  }
0x242: {  	v63 =	vld [tilespmem:$0x1C400];
	[tilespmem:$0x1BC10] =	vst v2;
	v2 =	vadd.f32 v38, v37  }
0x243: {  	v53 =	vld [tilespmem:$0x1C4A0];
	[tilespmem:$0x1BBA0] =	vst v3;
	v3 =	vadd.f32 v49, v7  }
0x244: {  	v54 =	vld [tilespmem:$0x1BCB0];
	[tilespmem:$0x1BC30] =	vst v2;
	v2 =	vadd.f32 v43, v42  }
0x245: {  	v55 =	vld [tilespmem:$0x1C4B0];
	[tilespmem:$0x1BBC0] =	vst v3;
	v3 =	vadd.f32 v13, v12  }
0x246: {  	v58 =	vld [tilespmem:$0x1BCD0];
	[tilespmem:$0x1BC50] =	vst v2;
	v2 =	vadd.f32 v47, v46  }
0x247: {  	v59 =	vld [tilespmem:$0x1C4D0];
	[tilespmem:$0x1BBE0] =	vst v3;
	v3 =	vadd.f32 v63, v62  }
0x248: {  	v62 =	vld [tilespmem:$0x1BCF0];
	[tilespmem:$0x1BC70] =	vst v2;
	v2 =	vadd.f32 v51, v50  }
0x249: {  	v63 =	vld [tilespmem:$0x1C4F0];
	[tilespmem:$0x1BC00] =	vst v3;
	v3 =	vadd.f32 v36, v35  }
0x24a: {  	v49 =	vld [tilespmem:$0x1C480];
	[tilespmem:$0x1BC90] =	vst v2;
	v2 =	vadd.f32 v55, v54  }
0x24b: {  	v56 =	vld [tilespmem:$0x1BCC0];
	[tilespmem:$0x1BC20] =	vst v3;
	v3 =	vadd.f32 v41, v39  }
0x24c: {  	v52 =	vld [tilespmem:$0x1BCA0];
	[tilespmem:$0x1BCB0] =	vst v2;
	v2 =	vadd.f32 v59, v58  }
0x24d: {  	v57 =	vld [tilespmem:$0x1C4C0];
	[tilespmem:$0x1BC40] =	vst v3;
	v3 =	vadd.f32 v45, v44  }
0x24e: {  	v60 =	vld [tilespmem:$0x1BCE0];
	[tilespmem:$0x1BCD0] =	vst v2;
	v2 =	vadd.f32 v63, v62  }
0x24f: {  	v61 =	vld [tilespmem:$0x1C4E0];
	[tilespmem:$0x1BC60] =	vst v3;
	v3 =	vadd.f32 v49, v48  }
0x250: {  	[tilespmem:$0x1BCF0] =	vst v2;
	v2 =	vld [tilespmem:$0x1FFF0]  }
0x251: {  	[tilespmem:$0x1BC80] =	vst v3;
	v3 =	vadd.f32 v53, v52  }
0x252: {  	v20 =	vadd.f32 v20, v29  }
0x253: {  	[tilespmem:$0x1BCA0] =	vst v3;
	v3 =	vadd.f32 v57, v56  }
0x254: {  	[tilespmem:$0x1B9D0] =	vst v20  }
0x255: {  	[tilespmem:$0x1BCC0] =	vst v3;
	v3 =	vadd.f32 v61, v60  }
0x256: {  	p0 =	sne.s32 s23, $0x1;
	[tilespmem:$0x1B980] =	vst v26  }
.Ltmp4:
0x257: {  	[tilespmem:$0x1BCE0] =	vst v3;
	(pc) =	sbr.rel @p0 .LBB2_4-.Ltmp4, $4  }
0x258: {  	[hbm4b:s6+s3] =	stream.indirect_vreg.scatter [tilespmem:s15], [sflag:$0x3], $0x80, v2, vm0, $0xb8;
	[tilespmem:$0x1C500] =	vst v63  }
0x259: {  	_ =	swait.ge [sflag:s9], $0x800  }
0x25a: {  	s20 =	sadd.s32 $0x10, s20;
	s22 =	sadd.s32 $0x10, s22;
	[sflag:s9] =	ssyncset.done $0x0  }
0x25b: {  	s19 =	sadd.s32 $0x10, s19;
	s23 =	sadd.s32 $0xFFFFFFFF, s23;
	[sflag:s9] =	ssyncadd.s32 $0xFFFFF800  }
.Ltmp5:
0x25c: {  	_ = 	snop;
	(pc) =	sbr.rel .LBB2_5-.Ltmp5, $1  }
0x25d: {  	_ =	sdelay $0x3  }
.LBB2_6:
0x25e: {  	_ =	sfence.sel $0x180000  }
0x25f: {  	[bflag:$0x0] =	sbarrier.arrive $0xFFFF  }
0x260: {  	_ =	strace $0x9000004D  }
0x261: {  	s0 =	stileid.u32;
	[bflag:$0x2] =	sbarrier.arrive $0xFFFF  }
0x262: {  	p0 =	sne.s32 s0, $0x0;
	s0 =	rddreg [dreg:$0x2]  }
0x263: {  	s0 =	sadd.s32 @!p0 $0x100000, s0  }
0x264: {  	[sflag:s0] =	ssyncadd.tile.s32 @!p0 $0x1;
	_ =	shalt  }
.Lfunc_end2:
_tile_overlayer_lowered:
.L_overlay_start_2:
0x265: {  	(tag) =	ssettag $0x2  }
0x266: {  	s0 =	rddreg [dreg:$0x0];
	s2 =	stileid.u32  }
0x267: {  	s1 =	rddreg [dreg:$0x1];
	p0 =	sne.s32 s2, $0x0  }
0x268: {  	s3 =	rddreg [dreg:$0x2];
	[bflag:$0x3] =	sbarrier.arrive $0xFFFF;
	s2 =	simm.s32 @!p0 $0x1C03  }
0x269: {  	[timem:s3], [sflag:s2] =	dma.local @!p0 [hbm:s0], s1  }
0x26a: {  	s0 =	simm.s32 @!p0 $0x3  }
0x26b: {  	_ =	swait.ge @!p0 [sflag:s0], s1  }
0x26c: {  	s1 =	ssub.s32 @!p0 $0x0, s1;
	[sflag:s0] =	ssyncset.done @!p0 $0x0  }
0x26d: {  	[sflag:s0] =	ssyncadd.s32 @!p0 s1  }
0x26e: {  	[bflag:$0x3] =	sbarrier.arrive $0xFFFF  }
0x26f: {  	_ =	shalt  }

// kernel: kernel.6.cloned.1.call-start
scs
__scs_entry_jumppad:
0x0: {  	(pc) =	sbr.rel $0x88, $3  }
0x1: {  	(tag) =	ssettag $0x0;
	lr =	simm.s32 $0x1  }
0x2: {  	[smem:$0x3F9D] =	sst lr;
	_ =	strace $0xD0000000  }
0x3: {  	_ = 	snop  }
0x4: {  	_ = 	snop  }
0x5: {  	_ = 	snop  }
0x6: {  	_ = 	snop  }
0x7: {  	_ = 	snop  }
__scs_overlays_trampoline_lowered:
0x8: {  	[smem:$0x3FAC] =	sst s0  }
0x9: {  	[smem:$0x3FAD] =	sst s1  }
0xa: {  	[smem:$0x3FAE] =	sst s2  }
0xb: {  	[smem:$0x3FAF] =	sst s3  }
0xc: {  	[smem:$0x3FB0] =	sst s4  }
0xd: {  	[smem:$0x3FB1] =	sst s5  }
0xe: {  	[smem:$0x3FB2] =	sst s6  }
0xf: {  	[smem:$0x3FB3] =	sst s7  }
0x10: {  	[smem:$0x3FB4] =	sst s8  }
0x11: {  	[smem:$0x3FB5] =	sst s9;
	s0 =	simm.s32 @!p0 $0x0  }
0x12: {  	s1 =	sld [smem:$0x3F9B];
	s0 =	simm.s32 @p0 $0x1  }
0x13: {  	[smem:$0x3FB6] =	sst s0;
	s0 =	simm.s32 @!p1 $0x0  }
0x14: {  	s2 =	sld [smem:$0x3F9A];
	s0 =	simm.s32 @p1 $0x1  }
0x15: {  	[smem:$0x3FB7] =	sst s0;
	s0 =	simm.s32 @!p2 $0x0  }
0x16: {  	s3 =	sld [smem:$0x3FDB];
	s0 =	simm.s32 @p2 $0x1  }
0x17: {  	s4 =	simm.s32 $0x1BF5;
	[smem:$0x3FB9] =	sst s0  }
0x18: {  	s0 =	sld [smem:$0x3F9C];
	_ =	swait.ge [sflag:s4], $0x0  }
0x19: {  	s7 =	sld [smem:$0x3F9D]  }
0x1a: {  	s8 =	sadd.s32 $0xFFFFE003, lr  }
0x1b: {  	s9 =	sadd.s32 $0xFFFFFEF7, lr;
	s5 =	simm.s32 $0xFFFFFFFF;
	p2 =	slt.u32 s8, $0xFFFFF086  }
0x1c: {  	p1 =	slt.u32 s9, $0xF7A;
	s5 =	simm.s32 @!p2 $0x0  }
0x1d: {  	s5 =	simm.s32 @p1 $0x1;
	p0 =	seq.s32 s7, s2  }
0x1e: {  	s7 =	smul.u32 @!p0 $0xF7A, s2;
	p2 =	seq.s32 @!p0 s5, $0x0  }
0x1f: {  	s9 =	smul.u32 $0xF7A, s1;
	s8 =	simm.s32 @!p0 $0x1BF5;
	p2 =	por !p2, p0  }
0x20: {  	[sflag:s8] =	ssyncset.s32 @!p0 $0xFFFFF086;
	s6 =	sadd.s32 @!p0 s3, s7;
	s7 =	simm.s32 @!p0 $0x108  }
0x21: {  	s3 =	sadd.s32 s3, s9;
	s6 =	sadd.s32 @!p0 $0x88, s6;
	s7 =	simm.s32 @p2 $0x1082  }
0x22: {  	[simem:s7], [sflag:s8] =	dma.local @!p0 [hbm:s6], $0xF7A  }
0x23: {  	s9 =	sor.u32 $0xD0000000, s2;
	s6 =	simm.s32 $0x108;
	_ =	swait.ge @!p0 [sflag:s8], $0x0  }
0x24: {  	s3 =	sadd.s32 $0x88, s3;
	s6 =	simm.s32 @!p1 $0x1082;
	[sflag:s4] =	ssyncset.s32 $0xFFFFF086  }
0x25: {  	[simem:s6], [sflag:s4] =	dma.local [hbm:s3], $0xF7A  }
0x26: {  	[smem:$0x3F9D] =	sst s1;
	(tag) =	ssettag s2;
	_ =	strace s9  }
0x27: {  	s1 =	sld [smem:$0x3FAD]  }
0x28: {  	s2 =	sld [smem:$0x3FAE]  }
0x29: {  	s4 =	sld [smem:$0x3FB0]  }
0x2a: {  	p0 =	seq.s32 s5, $0x0;
	s5 =	sld [smem:$0x3FB1]  }
0x2b: {  	s6 =	sld [smem:$0x3FB2]  }
0x2c: {  	s7 =	sld [smem:$0x3FB3]  }
0x2d: {  	s3 =	simm.s32 $0x108;
	s8 =	sld [smem:$0x3FB4]  }
0x2e: {  	s3 =	simm.s32 @!p0 $0x1082;
	s9 =	sld [smem:$0x3FB5]  }
0x2f: {  	lr =	sadd.s32 s0, s3;
	s0 =	sld [smem:$0x3FAC]  }
0x30: {  	s3 =	sld [smem:$0x3FAF]  }
0x31: {  	[smem:$0x3FB8] =	sst s10  }
0x32: {  	s10 =	sld [smem:$0x3FB6];
	_ =	sdelay $0x3  }
0x33: {  	p0 =	seq.s32 s10, $0x1;
	s10 =	sld [smem:$0x3FB8];
	_ =	sdelay $0x3  }
0x34: {  	[smem:$0x3FB8] =	sst s10  }
0x35: {  	s10 =	sld [smem:$0x3FB7];
	_ =	sdelay $0x3  }
0x36: {  	p1 =	seq.s32 s10, $0x1;
	s10 =	sld [smem:$0x3FB8];
	_ =	sdelay $0x3  }
0x37: {  	[smem:$0x3FB8] =	sst s10  }
0x38: {  	s10 =	sld [smem:$0x3FB9]  }
0x39: {  	_ = 	snop;
	(pc) =	sbr.ind lr, $3  }
0x3a: {  	_ = 	snop  }
0x3b: {  	_ = 	snop  }
0x3c: {  	p2 =	seq.s32 s10, $0x1;
	s10 =	sld [smem:$0x3FB8]  }
0x3d: {  	_ =	shalt  }
0x3e: {  	_ =	shalt  }
0x3f: {  	_ =	shalt  }
0x40: {  	_ =	shalt  }
0x41: {  	_ =	shalt  }
0x42: {  	_ =	shalt  }
0x43: {  	_ =	shalt  }
0x44: {  	_ =	shalt  }
0x45: {  	_ =	shalt  }
0x46: {  	_ =	shalt  }
0x47: {  	_ =	shalt  }
0x48: {  	_ =	shalt  }
0x49: {  	_ =	shalt  }
0x4a: {  	_ =	shalt  }
0x4b: {  	_ =	shalt  }
0x4c: {  	_ =	shalt  }
0x4d: {  	_ =	shalt  }
0x4e: {  	_ =	shalt  }
0x4f: {  	_ =	shalt  }
0x50: {  	_ =	shalt  }
0x51: {  	_ =	shalt  }
0x52: {  	_ =	shalt  }
0x53: {  	_ =	shalt  }
0x54: {  	_ =	shalt  }
0x55: {  	_ =	shalt  }
0x56: {  	_ =	shalt  }
0x57: {  	_ =	shalt  }
0x58: {  	_ =	shalt  }
0x59: {  	_ =	shalt  }
0x5a: {  	_ =	shalt  }
0x5b: {  	_ =	shalt  }
0x5c: {  	_ =	shalt  }
0x5d: {  	_ =	shalt  }
0x5e: {  	_ =	shalt  }
0x5f: {  	_ =	shalt  }
0x60: {  	_ =	shalt  }
0x61: {  	_ =	shalt  }
0x62: {  	_ =	shalt  }
0x63: {  	_ =	shalt  }
0x64: {  	_ =	shalt  }
0x65: {  	_ =	shalt  }
0x66: {  	_ =	shalt  }
0x67: {  	_ =	shalt  }
0x68: {  	_ =	shalt  }
0x69: {  	_ =	shalt  }
0x6a: {  	_ =	shalt  }
0x6b: {  	_ =	shalt  }
0x6c: {  	_ =	shalt  }
0x6d: {  	_ =	shalt  }
0x6e: {  	_ =	shalt  }
0x6f: {  	_ =	shalt  }
0x70: {  	_ =	shalt  }
0x71: {  	_ =	shalt  }
0x72: {  	_ =	shalt  }
0x73: {  	_ =	shalt  }
0x74: {  	_ =	shalt  }
0x75: {  	_ =	shalt  }
0x76: {  	_ =	shalt  }
0x77: {  	_ =	shalt  }
0x78: {  	_ =	shalt  }
0x79: {  	_ =	shalt  }
0x7a: {  	_ =	shalt  }
0x7b: {  	_ =	shalt  }
0x7c: {  	_ =	shalt  }
0x7d: {  	_ =	shalt  }
0x7e: {  	_ =	shalt  }
0x7f: {  	_ =	shalt  }
0x80: {  	_ =	shalt  }
0x81: {  	_ =	shalt  }
0x82: {  	_ =	shalt  }
0x83: {  	_ =	shalt  }
0x84: {  	_ =	shalt  }
0x85: {  	_ =	shalt  }
0x86: {  	_ =	shalt  }
0x87: {  	_ =	shalt  }
.Lfunc_end0:
.L_simem_size_0:
called_computation_lowered:
.L_overlay_start_0:
0x88: {  	s2 =	sld [smem:$0x3FD9]  }
0x89: {  	s3 =	sld [smem:$0x3FFE];
	_ =	sdelay $0x1  }
0x8a: {  	s1 =	srdreg.scid  }
0x8b: {  	s0 =	sand.u32 $0x1, s1  }
0x8c: {  	s17 =	sshll.u32 s0, $0xA;
	s2 =	sadd.s32 s3, s2  }
0x8d: {  	s2 =	sadd.s32 s2, s17  }
0x8e: {  	[smem:$0x3FC4] =	sst s2  }
0x8f: {  	_ = 	snop  }
0x90: {  	s2 =	sld [smem:$0x3FC9];
	(tm) =	ssettm $0x1  }
0x91: {  	s18 =	sld [smem:$0x3FFB];
	_ =	sdelay $0x3  }
0x92: {  	_ =	strace s18  }
0x93: {  	s3 =	sld [smem:$0x3FFC];
	_ =	sdelay $0x3  }
0x94: {  	_ =	strace s3  }
0x95: {  	s3 =	sld [smem:$0x3FFD];
	_ =	sdelay $0x3  }
0x96: {  	_ =	strace s3  }
0x97: {  	_ =	strace $0x8FFFFFFF  }
0x98: {  	s19 =	sld [smem:$0x3FDB];
	_ =	sdelay $0x1  }
0x99: {  	s4 =	simm.s32 $_scs_section_size  }
0x9a: {  	s5 =	simm.s32 $_size__tile_overlayer_lowered;
	s6 =	simm.s32 $_tile_overlayer_lowered  }
0x9b: {  	s22 =	simm.s32 $0x1BFF;
	s21 =	sshll.u32 s6, $0x1;
	s3 =	sadd.s32 s4, s19  }
0x9c: {  	s7 =	simm.s32 $0x0;
	s20 =	sshll.u32 s5, $0x1;
	s5 =	sadd.s32 s21, s3  }
0x9d: {  	[timem:s7], [sflag:s22] =	dma.local [hbm:s5], s20  }
0x9e: {  	_ =	swait.ge [sflag:s22], s20  }
0x9f: {  	s4 =	ssub.s32 $0x0, s20;
	[sflag:s22] =	ssyncset.done $0x0  }
0xa0: {  	[sflag:s22] =	ssyncadd.s32 s4;
	_ =	sdelay $0x1  }
0xa1: {  	s23 =	simm.s32 $0x1B8B  }
0xa2: {  	_ =	swait.ge [sflag:s23], $0x1  }
0xa3: {  	[sflag:s23] =	ssyncset.done $0x0  }
0xa4: {  	s25 =	simm.s32 $0x1B8E;
	s24 =	sld [smem:$0x3FFE];
	[sflag:s23] =	ssyncadd.s32 $0xFFFFFFFF  }
0xa5: {  	s26 =	simm.s32 $execute0_lowered;
	[smem:$0x3FD2] =	sst s25  }
0xa6: {  	s5 =	sshll.u32 s26, $0x1;
	_ =	strace $0x80000046;
	[dreg:$0x1] =	wrdreg $0xFFFFFFFF  }
0xa7: {  	s28 =	simm.s32 $_size_execute0_lowered;
	s3 =	sadd.s32 s3, s5;
	[dreg:$0x0] =	wrdreg $0x0  }
0xa8: {  	s5 =	sshll.u32 s28, $0x1;
	[dreg:$0x2] =	wrdreg s3  }
0xa9: {  	[dreg:$0x3] =	wrdreg s5  }
0xaa: {  	[dreg:$0x4] =	wrdreg $0xC0  }
0xab: {  	_ =	task [dreg:s7], $0x5FFFF  }
0xac: {  	[dreg:$0x1] =	wrdreg $0xFFFFFFFF  }
0xad: {  	[dreg:$0x0] =	wrdreg $0x60  }
0xae: {  	[dreg:$0x2] =	wrdreg s24  }
0xaf: {  	[dreg:$0x3] =	wrdreg s2  }
0xb0: {  	[dreg:$0x4] =	wrdreg $0x86800  }
0xb1: {  	[dreg:$0x5] =	wrdreg $0x87000  }
0xb2: {  	[dreg:$0x6] =	wrdreg $0x9  }
0xb3: {  	_ =	task.clear_ibuf [dreg:s7], $0x7FFFF;
	_ =	strace $0x90000046  }
0xb4: {  	s29 =	simm.s32 $0x9;
	_ =	strace $0x80000048  }
0xb5: {  	_ =	swait.ge [sflag:s29], $0x1  }
0xb6: {  	[sflag:s29] =	ssyncadd.s32 $0xFFFFFFFF  }
0xb7: {  	_ =	strace $0x90000048  }
0xb8: {  	_ =	sfence  }
0xb9: {  	s30 =	sld [smem:$0x0];
	_ =	sdelay $0x2  }
0xba: {  	s31 =	sshll.u32 s1, $0xD;
	s1 =	sshrl.u32 s1, $0x2  }
0xbb: {  	s3 =	sand.u32 $0x4000, s31;
	s1 =	sadd.s32 s1, s30  }
0xbc: {  	s0 =	sor.u32 s3, s0;
	s1 =	sshll.u32 s1, $0x11  }
0xbd: {  	s0 =	sor.u32 s1, s0  }
0xbe: {  	s0 =	sadd.s32 $0x8F2B, s0  }
0xbf: {  	[sflag:s0] =	ssyncadd.remote.s32 $0x1  }
0xc0: {  	_ =	sfence.sel $0xFFFF  }
0xc1: {  	[dreg:$0x0] =	wrdreg $0xFFFFFFFF;
	(pc) =	sbr.abs _section_cstart, $3  }
0xc2: {  	[dreg:$0x1] =	wrdreg $0xFFFFFFFF  }
0xc3: {  	_ =	task.clear_ibuf [dreg:s7], $0x2FFFF;
	_ =	strace $0x9FFFFFFF  }
0xc4: {  	(tm) =	ssettm $0x7FFFFFFF  }
0xc5: {  	_ =	shalt  }
tec
execute0_lowered:
.L_overlay_start_1:
0x0: {  	(tag) =	ssettag $0x1  }
0x1: {  	s7 =	rddreg [dreg:$0x0]  }
0x2: {  	s0 =	rddreg [dreg:$0x1]  }
0x3: {  	s1 =	srdreg.scid;
	s2 =	rddreg [dreg:$0x2]  }
0x4: {  	s10 =	stileid.u32;
	s3 =	rddreg [dreg:$0x3]  }
0x5: {  	s4 =	simm.s32 $0x0;
	s15 =	simm.s32 $0x7E80;
	s16 =	simm.s32 $0x1  }
0x6: {  	s17 =	simm.s32 $0x7680;
	s18 =	simm.s32 $0x0;
	s8 =	sand.u32 $0x1, s1  }
0x7: {  	s30 =	sshll.u32 s10, $0x1;
	[smem:$0x7FF] =	sst s4;
	s6 =	sadd.s32 $0x15400, s7  }
0x8: {  	s13 =	smul.u32 $0x4E20, s10;
	p0 =	sne.s32 s10, $0x0;
	s1 =	sor.u32 s8, s30  }
0x9: {  	s11 =	sshll.u32 s8, $0x8;
	s12 =	ssub.s32 $0x2, s8;
	s14 =	smul.u32 $0x2710, s8  }
0xa: {  	s5 =	smul.u32 $0x2710, s1;
	s1 =	rddreg [dreg:$0x4];
	_ =	strace $0x80000047  }
.Ltmp0:
0xb: {  	s11 =	sadd.s32 s11, s7;
	s31 =	sshrl.u32 s12, $0x1;
	(pc) =	sbr.rel .LBB2_1-.Ltmp0, $4  }
0xc: {  	s12 =	ssub.s32 s12, s31;
	s8 =	sadd.s32 $0x15800, s11;
	s5 =	sshrl.u32 s5, $0x3  }
0xd: {  	s10 =	smax.u32 s12, $0x1;
	s12 =	sshrl.u32 @!p0 s2, $0x3;
	s9 =	sadd.s32 s5, s7  }
0xe: {  	v0 =	vlaneseq.u32;
	s5 =	sadd.s32 $0x15600, s7;
	s7 =	sadd.s32 $0x1800, s9;
	s9 =	sadd.s32 $0x15A00, s11  }
0xf: {  	v1 =	vimm.s32 $0x0;
	v2 =	vimm.s32 $0xE;
	vm0 =	vmmov $0xffff;
	s11 =	sadd.s32 s14, s13;
	s13 =	sshrl.u32 @!p0 s3, $0x3;
	s14 =	simm.s32 $0x2  }
.LBB2_6:
0x10: {  	[sflag:s14] =	ssyncadd.s32 $0xFFFFF800  }
.LBB2_7:
0x11: {  	[bflag:$0x0] =	sbarrier.arrive $0xFFFF;
	s19 =	simm.s32 @!p0 $0x1C02;
	s20 =	simm.s32 @!p0 $0x2  }
0x12: {  	[hbm:s8], [sflag:s19] =	dma.local @!p0 [spmem:s12], $0x100  }
0x13: {  	s18 =	sadd.s32 $0x1, s18;
	_ =	swait.ge @!p0 [sflag:s20], $0x100  }
0x14: {  	p1 =	sne.s32 s18, s10;
	[sflag:s20] =	ssyncset.done @!p0 $0x0  }
.Ltmp1:
0x15: {  	[sflag:s20] =	ssyncadd.s32 @!p0 $0xFFFFFF00;
	(pc) =	sbr.rel @!p1 .LBB2_8-.Ltmp1, $4  }
0x16: {  	[hbm:s9], [sflag:s19] =	dma.local @!p0 [spmem:s13], $0x100  }
0x17: {  	_ =	swait.ge @!p0 [sflag:s20], $0x100  }
0x18: {  	[sflag:s20] =	ssyncset.done @!p0 $0x0  }
0x19: {  	[sflag:s20] =	ssyncadd.s32 @!p0 $0xFFFFFF00  }
.LBB2_1:
0x1a: {  	s19 =	simm.s32 @!p0 $0x1C02;
	s20 =	simm.s32 @!p0 $0x2  }
0x1b: {  	[spmem:s12], [sflag:s19] =	dma.local @!p0 [hbm:s5], $0x100  }
0x1c: {  	_ =	swait.ge @!p0 [sflag:s20], $0x100  }
0x1d: {  	[sflag:s20] =	ssyncset.done @!p0 $0x0  }
0x1e: {  	[sflag:s20] =	ssyncadd.s32 @!p0 $0xFFFFFF00  }
0x1f: {  	[spmem:s13], [sflag:s19] =	dma.local @!p0 [hbm:s5], $0x100  }
0x20: {  	_ =	swait.ge @!p0 [sflag:s20], $0x100  }
0x21: {  	[sflag:s20] =	ssyncset.done @!p0 $0x0  }
0x22: {  	[sflag:s20] =	ssyncadd.s32 @!p0 $0xFFFFFF00  }
0x23: {  	[tilespmem:s4], [sflag:$0x2] =	stream.linear.gather [hbm4b:s7+s4], $0x2710, $0x38;
	[tilespmem:$0x8780] =	vst v63  }
0x24: {  	_ =	swait.ge [sflag:s14], $0x2710  }
0x25: {  	[sflag:s14] =	ssyncset.done $0x0  }
0x26: {  	[sflag:s14] =	ssyncadd.s32 $0xFFFFD8F0  }
0x27: {  	[tilespmem:s15], [sflag:$0x2] =	stream.linear.gather [hbm4b:s6+s4], $0x800, $0x38;
	[tilespmem:$0x8780] =	vst v63  }
0x28: {  	_ =	swait.ge [sflag:s14], $0x800  }
0x29: {  	[sflag:s14] =	ssyncset.done $0x0  }
0x2a: {  	[sflag:s14] =	ssyncadd.s32 $0xFFFFF800  }
0x2b: {  	s31 =	simm.s32 $0x0;
	[bflag:$0x0] =	sbarrier.arrive $0xFFFF  }
0x2c: {  	v3 =	vld [tilespmem:s31+$0x0];
	_ =	sdelay $0x4  }
0x2d: {  	vm1 =	vlt.s32 v3, $0xE  }
0x2e: {  	v4 =	vmpcnt.ones.xlane vm1;
	_ =	sdelay $0x1  }
0x2f: {  	(v2sf) =	vpush v4, $0x0;
	_ =	sdelay $0x4  }
0x30: {  	v5 =	vor.u32 s11, v0  }
0x31: {  	s22 =	simm.s32 $0x10;
	[tilespmem:s4+$0x2780] =	vst.msk vm1, v5  }
0x32: {  	s21 =	simm.s32 $0x80;
	s19 =	smov.u32 s11;
	s20 =	simm.s32 $0x0;
	[tilespmem:s4+$0x4F00] =	vst.msk vm1, v3  }
.LBB2_2:
0x33: {  	p1 =	sne.s32 s21, $0x9C00;
	v3 =	vld [tilespmem:s22+$0x0];
	_ =	sdelay $0x4  }
0x34: {  	vm1 =	vlt.s32 v3, $0xE  }
0x35: {  	v4 =	vmpcnt.ones.xlane vm1  }
0x36: {  	s19 =	sadd.s32 $0x10, s19;
	s22 =	spop (v2sf)  }
0x37: {  	v5 =	vor.u32 s19, v0;
	(v2sf) =	vpush v4, $0x0;
	s20 =	sadd.s32 s20, s22  }
0x38: {  	[tilespmem:s20+$0x2780] =	vst.msk vm1, v5  }
0x39: {  	[tilespmem:s20+$0x4F00] =	vst.msk vm1, v3  }
.Ltmp2:
0x3a: {  	(pc) =	sbr.rel @p1 .LBB2_2-.Ltmp2, $2  }
0x3b: {  	_ =	sdelay $0x2  }
0x3c: {  	s22 =	sshra.s32 s21, $0x2;
	s21 =	sadd.s32 $0x40, s21  }
0x3d: {  	v3 =	vld [tilespmem:s22+$0x0];
	_ =	sdelay $0x4  }
0x3e: {  	vm1 =	vlt.s32 v3, $0xE  }
0x3f: {  	v4 =	vmpcnt.ones.xlane vm1;
	_ =	sdelay $0x1  }
0x40: {  	(v2sf) =	vpush v4, $0x0;
	_ =	sdelay $0xd  }
0x41: {  	s21 =	spop (v2sf)  }
0x42: {  	s20 =	sadd.s32 s20, s21;
	s28 =	spop (v2sf)  }
0x43: {  	s21 =	sadd.s32 s20, s28  }
0x44: {  	s29 =	sadd.s32 $0xF, s21  }
0x45: {  	s23 =	sand.u32 $0xF, s29  }
0x46: {  	s30 =	sshra.s32 s29, $0x1F;
	p2 =	slt.s32 s29, $0x1;
	p1 =	sne.s32 s23, $0x0  }
0x47: {  	v63 =	vadd.s32 s21, v0;
	s21 =	sshrl.u32 s30, $0x1C;
	p1 =	por !p2, !p1  }
0x48: {  	s31 =	sadd.s32 s21, s29;
	s21 =	simm.s32 $0x1;
	p1 =	por !p1, !p1  }
0x49: {  	s22 =	sshra.s32 s31, $0x4;
	s21 =	simm.s32 @!p1 $0x0  }
0x4a: {  	s21 =	ssub.s32 s22, s21  }
0x4b: {  	s19 =	sadd.s32 $0x10, s19;
	p1 =	slt.s32 s21, $0x1  }
.Ltmp3:
0x4c: {  	v5 =	vor.u32 s19, v0;
	(pc) =	sbr.rel @p1 .LBB2_7-.Ltmp3, $4  }
0x4d: {  	[tilespmem:s20+$0x2780] =	vst.msk vm1, v5  }
0x4e: {  	s19 =	simm.s32 $0x2780;
	[tilespmem:s20+$0x4F00] =	vst.msk vm1, v3  }
0x4f: {  	s20 =	simm.s32 $0x4F00;
	[tilespmem:v63+s19+$0x0] =	vst.idx.msk $0xffff, v1  }
0x50: {  	[tilespmem:v63+s20+$0x0] =	vst.idx.msk $0xffff, v2  }
0x51: {  	v3 =	vld [tilespmem:s19+$0x0];
	_ =	sdelay $0x3  }
0x52: {  	v4 =	vld [tilespmem:s20+$0x0];
	_ =	sdelay $0x3  }
0x53: {  	[tilespmem:s17], [sflag:$0x1] =	stream.indirect_vreg.gather [hbm4b:s0+s4], $0x80, v3, vm0, $0xb8;
	[tilespmem:$0x8780] =	vst v63  }
0x54: {  	_ =	swait.ge [sflag:s16], $0x800  }
0x55: {  	[sflag:s16] =	ssyncset.done $0x0  }
0x56: {  	[sflag:s16] =	ssyncadd.s32 $0xFFFFF800  }
0x57: {  	[spmem:s2] =	stream.indirect_vreg.scatter.add.f32 [tilespmem:s17], [sflag:$0x2], $0x80, v4, vm0, $0xb8;
	[tilespmem:$0x8780] =	vst v63  }
0x58: {  	p1 =	sne.s32 s21, $0x1;
	_ =	swait.ge [sflag:s14], $0x800  }
.Ltmp4:
0x59: {  	[sflag:s14] =	ssyncset.done $0x0;
	(pc) =	sbr.rel @!p1 .LBB2_6-.Ltmp4, $4  }
0x5a: {  	[sflag:s14] =	ssyncadd.s32 $0xFFFFF800  }
0x5b: {  	[spmem:s3] =	stream.indirect_vreg.scatter.add.f32 [tilespmem:s15], [sflag:$0x2], $0x80, v4, vm0, $0xb8;
	[tilespmem:$0x8780] =	vst v63  }
0x5c: {  	_ =	swait.ge [sflag:s14], $0x800  }
0x5d: {  	s21 =	sadd.s32 $0xFFFFFFFF, s21;
	[sflag:s14] =	ssyncset.done $0x0  }
.LBB2_5:
0x5e: {  	[sflag:s14] =	ssyncadd.s32 $0xFFFFF800;
	s19 =	sadd.s32 $0x10, s19;
	s20 =	sadd.s32 $0x10, s20  }
0x5f: {  	p1 =	sne.s32 s21, $0x1;
	s21 =	sadd.s32 $0xFFFFFFFF, s21;
	v3 =	vld [tilespmem:s19+$0x0];
	_ =	sdelay $0x3  }
0x60: {  	v4 =	vld [tilespmem:s20+$0x0];
	_ =	sdelay $0x3  }
0x61: {  	[tilespmem:s17], [sflag:$0x1] =	stream.indirect_vreg.gather [hbm4b:s0+s4], $0x80, v3, vm0, $0xb8;
	[tilespmem:$0x8780] =	vst v63  }
0x62: {  	_ =	swait.ge [sflag:s16], $0x800  }
0x63: {  	[sflag:s16] =	ssyncset.done $0x0  }
0x64: {  	[sflag:s16] =	ssyncadd.s32 $0xFFFFF800  }
0x65: {  	[spmem:s2] =	stream.indirect_vreg.scatter.add.f32 [tilespmem:s17], [sflag:$0x2], $0x80, v4, vm0, $0xb8;
	[tilespmem:$0x8780] =	vst v63  }
0x66: {  	_ =	swait.ge [sflag:s14], $0x800  }
.Ltmp5:
0x67: {  	[sflag:s14] =	ssyncset.done $0x0;
	(pc) =	sbr.rel @p1 .LBB2_5-.Ltmp5, $4  }
0x68: {  	[sflag:s14] =	ssyncadd.s32 $0xFFFFF800  }
0x69: {  	[spmem:s3] =	stream.indirect_vreg.scatter.add.f32 [tilespmem:s15], [sflag:$0x2], $0x80, v4, vm0, $0xb8;
	[tilespmem:$0x8780] =	vst v63  }
0x6a: {  	_ =	swait.ge [sflag:s14], $0x800  }
0x6b: {  	[sflag:s14] =	ssyncset.done $0x0  }
.Ltmp6:
0x6c: {  	_ = 	snop;
	(pc) =	sbr.rel .LBB2_6-.Ltmp6, $1  }
0x6d: {  	_ =	sdelay $0x3  }
.LBB2_8:
0x6e: {  	_ =	sfence.sel $0x180000  }
0x6f: {  	[bflag:$0x0] =	sbarrier.arrive $0xFFFF  }
0x70: {  	_ =	strace $0x90000047  }
0x71: {  	s0 =	sadd.s32 @!p0 $0x100000, s1;
	[bflag:$0x2] =	sbarrier.arrive $0xFFFF  }
0x72: {  	[sflag:s0] =	ssyncadd.tile.s32 @!p0 $0x1;
	_ =	shalt  }
.Lfunc_end2:
_tile_overlayer_lowered:
.L_overlay_start_2:
0x73: {  	(tag) =	ssettag $0x2  }
0x74: {  	s0 =	rddreg [dreg:$0x0];
	s2 =	stileid.u32  }
0x75: {  	s1 =	rddreg [dreg:$0x1];
	p0 =	sne.s32 s2, $0x0  }
0x76: {  	s3 =	rddreg [dreg:$0x2];
	[bflag:$0x3] =	sbarrier.arrive $0xFFFF;
	s2 =	simm.s32 @!p0 $0x1C02  }
0x77: {  	[timem:s3], [sflag:s2] =	dma.local @!p0 [hbm:s0], s1  }
0x78: {  	s0 =	simm.s32 @!p0 $0x2  }
0x79: {  	_ =	swait.ge @!p0 [sflag:s0], s1  }
0x7a: {  	s1 =	ssub.s32 @!p0 $0x0, s1;
	[sflag:s0] =	ssyncset.done @!p0 $0x0  }
0x7b: {  	[sflag:s0] =	ssyncadd.s32 @!p0 s1  }
0x7c: {  	[bflag:$0x3] =	sbarrier.arrive $0xFFFF  }
0x7d: {  	_ =	shalt  }

// kernel: kernel.9.cloned.1.call-start
scs
__scs_entry_jumppad:
0x0: {  	(pc) =	sbr.rel $0x88, $3  }
0x1: {  	(tag) =	ssettag $0x0;
	lr =	simm.s32 $0x1  }
0x2: {  	[smem:$0x3F9D] =	sst lr;
	_ =	strace $0xD0000000  }
0x3: {  	_ = 	snop  }
0x4: {  	_ = 	snop  }
0x5: {  	_ = 	snop  }
0x6: {  	_ = 	snop  }
0x7: {  	_ = 	snop  }
__scs_overlays_trampoline_lowered:
0x8: {  	[smem:$0x3FAC] =	sst s0  }
0x9: {  	[smem:$0x3FAD] =	sst s1  }
0xa: {  	[smem:$0x3FAE] =	sst s2  }
0xb: {  	[smem:$0x3FAF] =	sst s3  }
0xc: {  	[smem:$0x3FB0] =	sst s4  }
0xd: {  	[smem:$0x3FB1] =	sst s5  }
0xe: {  	[smem:$0x3FB2] =	sst s6  }
0xf: {  	[smem:$0x3FB3] =	sst s7  }
0x10: {  	[smem:$0x3FB4] =	sst s8  }
0x11: {  	[smem:$0x3FB5] =	sst s9;
	s0 =	simm.s32 @!p0 $0x0  }
0x12: {  	s1 =	sld [smem:$0x3F9B];
	s0 =	simm.s32 @p0 $0x1  }
0x13: {  	[smem:$0x3FB6] =	sst s0;
	s0 =	simm.s32 @!p1 $0x0  }
0x14: {  	s2 =	sld [smem:$0x3F9A];
	s0 =	simm.s32 @p1 $0x1  }
0x15: {  	[smem:$0x3FB7] =	sst s0;
	s0 =	simm.s32 @!p2 $0x0  }
0x16: {  	s3 =	sld [smem:$0x3FDB];
	s0 =	simm.s32 @p2 $0x1  }
0x17: {  	s4 =	simm.s32 $0x1BF5;
	[smem:$0x3FB9] =	sst s0  }
0x18: {  	s0 =	sld [smem:$0x3F9C];
	_ =	swait.ge [sflag:s4], $0x0  }
0x19: {  	s7 =	sld [smem:$0x3F9D]  }
0x1a: {  	s8 =	sadd.s32 $0xFFFFE003, lr  }
0x1b: {  	s9 =	sadd.s32 $0xFFFFFEF7, lr;
	s5 =	simm.s32 $0xFFFFFFFF;
	p2 =	slt.u32 s8, $0xFFFFF086  }
0x1c: {  	p1 =	slt.u32 s9, $0xF7A;
	s5 =	simm.s32 @!p2 $0x0  }
0x1d: {  	s5 =	simm.s32 @p1 $0x1;
	p0 =	seq.s32 s7, s2  }
0x1e: {  	s7 =	smul.u32 @!p0 $0xF7A, s2;
	p2 =	seq.s32 @!p0 s5, $0x0  }
0x1f: {  	s9 =	smul.u32 $0xF7A, s1;
	s8 =	simm.s32 @!p0 $0x1BF5;
	p2 =	por !p2, p0  }
0x20: {  	[sflag:s8] =	ssyncset.s32 @!p0 $0xFFFFF086;
	s6 =	sadd.s32 @!p0 s3, s7;
	s7 =	simm.s32 @!p0 $0x108  }
0x21: {  	s3 =	sadd.s32 s3, s9;
	s6 =	sadd.s32 @!p0 $0x88, s6;
	s7 =	simm.s32 @p2 $0x1082  }
0x22: {  	[simem:s7], [sflag:s8] =	dma.local @!p0 [hbm:s6], $0xF7A  }
0x23: {  	s9 =	sor.u32 $0xD0000000, s2;
	s6 =	simm.s32 $0x108;
	_ =	swait.ge @!p0 [sflag:s8], $0x0  }
0x24: {  	s3 =	sadd.s32 $0x88, s3;
	s6 =	simm.s32 @!p1 $0x1082;
	[sflag:s4] =	ssyncset.s32 $0xFFFFF086  }
0x25: {  	[simem:s6], [sflag:s4] =	dma.local [hbm:s3], $0xF7A  }
0x26: {  	[smem:$0x3F9D] =	sst s1;
	(tag) =	ssettag s2;
	_ =	strace s9  }
0x27: {  	s1 =	sld [smem:$0x3FAD]  }
0x28: {  	s2 =	sld [smem:$0x3FAE]  }
0x29: {  	s4 =	sld [smem:$0x3FB0]  }
0x2a: {  	p0 =	seq.s32 s5, $0x0;
	s5 =	sld [smem:$0x3FB1]  }
0x2b: {  	s6 =	sld [smem:$0x3FB2]  }
0x2c: {  	s7 =	sld [smem:$0x3FB3]  }
0x2d: {  	s3 =	simm.s32 $0x108;
	s8 =	sld [smem:$0x3FB4]  }
0x2e: {  	s3 =	simm.s32 @!p0 $0x1082;
	s9 =	sld [smem:$0x3FB5]  }
0x2f: {  	lr =	sadd.s32 s0, s3;
	s0 =	sld [smem:$0x3FAC]  }
0x30: {  	s3 =	sld [smem:$0x3FAF]  }
0x31: {  	[smem:$0x3FB8] =	sst s10  }
0x32: {  	s10 =	sld [smem:$0x3FB6];
	_ =	sdelay $0x3  }
0x33: {  	p0 =	seq.s32 s10, $0x1;
	s10 =	sld [smem:$0x3FB8];
	_ =	sdelay $0x3  }
0x34: {  	[smem:$0x3FB8] =	sst s10  }
0x35: {  	s10 =	sld [smem:$0x3FB7];
	_ =	sdelay $0x3  }
0x36: {  	p1 =	seq.s32 s10, $0x1;
	s10 =	sld [smem:$0x3FB8];
	_ =	sdelay $0x3  }
0x37: {  	[smem:$0x3FB8] =	sst s10  }
0x38: {  	s10 =	sld [smem:$0x3FB9]  }
0x39: {  	_ = 	snop;
	(pc) =	sbr.ind lr, $3  }
0x3a: {  	_ = 	snop  }
0x3b: {  	_ = 	snop  }
0x3c: {  	p2 =	seq.s32 s10, $0x1;
	s10 =	sld [smem:$0x3FB8]  }
0x3d: {  	_ =	shalt  }
0x3e: {  	_ =	shalt  }
0x3f: {  	_ =	shalt  }
0x40: {  	_ =	shalt  }
0x41: {  	_ =	shalt  }
0x42: {  	_ =	shalt  }
0x43: {  	_ =	shalt  }
0x44: {  	_ =	shalt  }
0x45: {  	_ =	shalt  }
0x46: {  	_ =	shalt  }
0x47: {  	_ =	shalt  }
0x48: {  	_ =	shalt  }
0x49: {  	_ =	shalt  }
0x4a: {  	_ =	shalt  }
0x4b: {  	_ =	shalt  }
0x4c: {  	_ =	shalt  }
0x4d: {  	_ =	shalt  }
0x4e: {  	_ =	shalt  }
0x4f: {  	_ =	shalt  }
0x50: {  	_ =	shalt  }
0x51: {  	_ =	shalt  }
0x52: {  	_ =	shalt  }
0x53: {  	_ =	shalt  }
0x54: {  	_ =	shalt  }
0x55: {  	_ =	shalt  }
0x56: {  	_ =	shalt  }
0x57: {  	_ =	shalt  }
0x58: {  	_ =	shalt  }
0x59: {  	_ =	shalt  }
0x5a: {  	_ =	shalt  }
0x5b: {  	_ =	shalt  }
0x5c: {  	_ =	shalt  }
0x5d: {  	_ =	shalt  }
0x5e: {  	_ =	shalt  }
0x5f: {  	_ =	shalt  }
0x60: {  	_ =	shalt  }
0x61: {  	_ =	shalt  }
0x62: {  	_ =	shalt  }
0x63: {  	_ =	shalt  }
0x64: {  	_ =	shalt  }
0x65: {  	_ =	shalt  }
0x66: {  	_ =	shalt  }
0x67: {  	_ =	shalt  }
0x68: {  	_ =	shalt  }
0x69: {  	_ =	shalt  }
0x6a: {  	_ =	shalt  }
0x6b: {  	_ =	shalt  }
0x6c: {  	_ =	shalt  }
0x6d: {  	_ =	shalt  }
0x6e: {  	_ =	shalt  }
0x6f: {  	_ =	shalt  }
0x70: {  	_ =	shalt  }
0x71: {  	_ =	shalt  }
0x72: {  	_ =	shalt  }
0x73: {  	_ =	shalt  }
0x74: {  	_ =	shalt  }
0x75: {  	_ =	shalt  }
0x76: {  	_ =	shalt  }
0x77: {  	_ =	shalt  }
0x78: {  	_ =	shalt  }
0x79: {  	_ =	shalt  }
0x7a: {  	_ =	shalt  }
0x7b: {  	_ =	shalt  }
0x7c: {  	_ =	shalt  }
0x7d: {  	_ =	shalt  }
0x7e: {  	_ =	shalt  }
0x7f: {  	_ =	shalt  }
0x80: {  	_ =	shalt  }
0x81: {  	_ =	shalt  }
0x82: {  	_ =	shalt  }
0x83: {  	_ =	shalt  }
0x84: {  	_ =	shalt  }
0x85: {  	_ =	shalt  }
0x86: {  	_ =	shalt  }
0x87: {  	_ =	shalt  }
.Lfunc_end0:
.L_simem_size_0:
called_computation.1_lowered:
.L_overlay_start_0:
0x88: {  	s2 =	sld [smem:$0x3FD9]  }
0x89: {  	s3 =	sld [smem:$0x3FFE];
	_ =	sdelay $0x1  }
0x8a: {  	s1 =	srdreg.scid  }
0x8b: {  	s0 =	sand.u32 $0x1, s1  }
0x8c: {  	s17 =	sshll.u32 s0, $0xA;
	s2 =	sadd.s32 s3, s2  }
0x8d: {  	s2 =	sadd.s32 s2, s17  }
0x8e: {  	[smem:$0x3FC4] =	sst s2  }
0x8f: {  	_ = 	snop  }
0x90: {  	s18 =	sld [smem:$0x3FD0];
	(tm) =	ssettm $0x1  }
0x91: {  	s19 =	sld [smem:$0x3FFB];
	_ =	sdelay $0x3  }
0x92: {  	_ =	strace s19  }
0x93: {  	s2 =	sld [smem:$0x3FFC];
	_ =	sdelay $0x3  }
0x94: {  	_ =	strace s2  }
0x95: {  	s2 =	sld [smem:$0x3FFD];
	_ =	sdelay $0x3  }
0x96: {  	_ =	strace s2  }
0x97: {  	_ =	strace $0x8FFFFFFF  }
0x98: {  	s20 =	sld [smem:$0x3FDB];
	_ =	sdelay $0x1  }
0x99: {  	s4 =	simm.s32 $_scs_section_size  }
0x9a: {  	s5 =	simm.s32 $_size__tile_overlayer_lowered;
	s6 =	simm.s32 $_tile_overlayer_lowered  }
0x9b: {  	s7 =	simm.s32 $0x1BFF;
	s21 =	sshll.u32 s6, $0x1;
	s4 =	sadd.s32 s4, s20  }
0x9c: {  	s22 =	simm.s32 $0x0;
	s5 =	sshll.u32 s5, $0x1;
	s6 =	sadd.s32 s21, s4  }
0x9d: {  	[timem:s22], [sflag:s7] =	dma.local [hbm:s6], s5  }
0x9e: {  	_ =	swait.ge [sflag:s7], s5  }
0x9f: {  	s5 =	ssub.s32 $0x0, s5;
	[sflag:s7] =	ssyncset.done $0x0  }
0xa0: {  	[sflag:s7] =	ssyncadd.s32 s5;
	_ =	sdelay $0x1  }
0xa1: {  	s23 =	simm.s32 $0x1B8B  }
0xa2: {  	_ =	swait.ge [sflag:s23], $0x1  }
0xa3: {  	[sflag:s23] =	ssyncset.done $0x0  }
0xa4: {  	[sflag:s23] =	ssyncadd.s32 $0xFFFFFFFF  }
0xa5: {  	s5 =	sld [smem:$0x0]  }
0xa6: {  	s6 =	sand.u32 $0xFFFFFFFE, s1  }
0xa7: {  	p0 =	sne.s32 s1, s6  }
0xa8: {  	s6 =	sshll.u32 @p0 s6, $0xE  }
0xa9: {  	s6 =	sadd.s32 @p0 $0x11B8D, s6;
	s7 =	sshll.u32 @p0 s5, $0x11  }
0xaa: {  	s6 =	sor.u32 @p0 s7, s6  }
0xab: {  	[sflag:s6] =	ssyncadd.remote.s32 @p0 $0x1;
	_ =	sdelay $0x1  }
0xac: {  	s6 =	simm.s32 @p0 $0x1B8D  }
0xad: {  	_ =	swait.eq @p0 [sflag:s6], $0x1  }
0xae: {  	[sflag:s6] =	ssyncadd.s32 @p0 $0xFFFFFFFF  }
0xaf: {  	s7 =	sshll.u32 @!p0 s1, $0xE  }
0xb0: {  	s7 =	sor.u32 @!p0 $0x4000, s7;
	s6 =	simm.s32 @!p0 $0x1B8D  }
0xb1: {  	s5 =	sshll.u32 @!p0 s5, $0x11;
	s7 =	sadd.s32 @!p0 $0x11B8D, s7;
	_ =	swait.eq @!p0 [sflag:s6], $0x1  }
0xb2: {  	s5 =	sor.u32 @!p0 s5, s7;
	[sflag:s6] =	ssyncadd.s32 @!p0 $0xFFFFFFFF  }
0xb3: {  	s25 =	simm.s32 $0x1B8E;
	s24 =	sld [smem:$0x3FFE];
	[sflag:s5] =	ssyncadd.remote.s32 @!p0 $0x1  }
0xb4: {  	s26 =	simm.s32 $execute0_lowered;
	[smem:$0x3FD2] =	sst s25  }
0xb5: {  	s6 =	sshll.u32 s26, $0x1;
	_ =	strace $0x80000049;
	[dreg:$0x1] =	wrdreg $0xFFFFFFFF  }
0xb6: {  	s28 =	simm.s32 $_size_execute0_lowered;
	s4 =	sadd.s32 s4, s6;
	[dreg:$0x0] =	wrdreg $0x0  }
0xb7: {  	s6 =	sshll.u32 s28, $0x1;
	[dreg:$0x2] =	wrdreg s4  }
0xb8: {  	[dreg:$0x3] =	wrdreg s6  }
0xb9: {  	[dreg:$0x4] =	wrdreg $0xC0  }
0xba: {  	_ =	task [dreg:s22], $0x5FFFF  }
0xbb: {  	[dreg:$0x1] =	wrdreg $0xFFFFFFFF  }
0xbc: {  	[dreg:$0x0] =	wrdreg $0x60  }
0xbd: {  	[dreg:$0x2] =	wrdreg s24  }
0xbe: {  	[dreg:$0x3] =	wrdreg s18  }
0xbf: {  	[dreg:$0x4] =	wrdreg $0xA6000  }
0xc0: {  	[dreg:$0x5] =	wrdreg $0xA  }
0xc1: {  	_ =	task.clear_ibuf [dreg:s22], $0x6FFFF;
	_ =	strace $0x90000049  }
0xc2: {  	s29 =	simm.s32 $0xA;
	_ =	strace $0x8000004B  }
0xc3: {  	_ =	swait.ge [sflag:s29], $0x1  }
0xc4: {  	[sflag:s29] =	ssyncadd.s32 $0xFFFFFFFF  }
0xc5: {  	_ =	strace $0x9000004B  }
0xc6: {  	_ =	sfence  }
0xc7: {  	s30 =	sld [smem:$0x0];
	_ =	sdelay $0x2  }
0xc8: {  	s31 =	sshll.u32 s1, $0xD;
	s1 =	sshrl.u32 s1, $0x2  }
0xc9: {  	s4 =	sand.u32 $0x4000, s31;
	s1 =	sadd.s32 s1, s30  }
0xca: {  	s0 =	sor.u32 s4, s0;
	s1 =	sshll.u32 s1, $0x11  }
0xcb: {  	s0 =	sor.u32 s1, s0  }
0xcc: {  	s0 =	sadd.s32 $0x8F2B, s0  }
0xcd: {  	[sflag:s0] =	ssyncadd.remote.s32 $0x1  }
0xce: {  	_ =	sfence.sel $0xFFFF  }
0xcf: {  	[dreg:$0x0] =	wrdreg $0xFFFFFFFF;
	(pc) =	sbr.abs _section_cstart, $3  }
0xd0: {  	[dreg:$0x1] =	wrdreg $0xFFFFFFFF  }
0xd1: {  	_ =	task.clear_ibuf [dreg:s22], $0x2FFFF;
	_ =	strace $0x9FFFFFFF  }
0xd2: {  	(tm) =	ssettm $0x7FFFFFFF  }
0xd3: {  	_ =	shalt  }
tec
execute0_lowered:
.L_overlay_start_1:
0x0: {  	(tag) =	ssettag $0x1  }
0x1: {  	s4 =	rddreg [dreg:$0x0]  }
0x2: {  	s9 =	rddreg [dreg:$0x1];
	s1 =	srdreg.scid  }
0x3: {  	s0 =	stileid.u32;
	s2 =	rddreg [dreg:$0x2];
	s3 =	simm.s32 $0x0  }
0x4: {  	s13 =	simm.s32 $0x2780;
	s14 =	simm.s32 $0x9E00;
	s15 =	simm.s32 $0x0  }
0x5: {  	s5 =	sand.u32 $0x1, s1;
	s1 =	rddreg [dreg:$0x3];
	s7 =	smul.u32 $0x50000, s0  }
0x6: {  	s6 =	sshll.u32 s0, $0x1;
	[smem:$0x7FF] =	sst s3;
	s10 =	smul.u32 $0x14000, s0  }
0x7: {  	s6 =	sor.u32 s5, s6;
	s29 =	ssub.s32 $0x2, s5;
	s5 =	smul.u32 $0x140000, s5  }
0x8: {  	s31 =	sshll.u32 s0, $0x6;
	_ =	strace $0x8000004A;
	s6 =	smul.u32 $0x4E2, s6  }
0x9: {  	s11 =	sshrl.u32 s29, $0x1;
	s7 =	sshrl.u32 s7, $0x2;
	s30 =	sshrl.u32 s10, $0x3  }
.Ltmp0:
0xa: {  	s11 =	ssub.s32 s29, s11;
	s12 =	sadd.s32 s7, s2;
	(pc) =	sbr.rel .LBB2_1-.Ltmp0, $4  }
0xb: {  	s10 =	sadd.s32 s10, s5;
	s8 =	sadd.s32 s6, s4;
	s4 =	sadd.s32 $0x15C00, s4  }
0xc: {  	v0 =	vlaneseq.u32;
	s6 =	sor.u32 $0x1C01, s31;
	s10 =	sshrl.u32 s10, $0x3;
	s5 =	sadd.s32 s4, s30  }
0xd: {  	v1 =	vimm.s32 $0xE;
	v2 =	vimm.s32 $0x0;
	vm0 =	vmmov $0xffff;
	s7 =	sadd.s32 $0xB600, s8;
	s8 =	sadd.s32 $0x1800, s8;
	s9 =	sadd.s32 s9, s10  }
0xe: {  	v4 =	vimm.f32 $1.000000000e+00;
	v5 =	vimm.f32 $0.0e+00;
	v3 =	vmul.u32 $0x80, v0;
	s10 =	smax.u32 s11, $0x1;
	s11 =	sshrl.u32 s12, $0x3;
	s12 =	simm.s32 $0x1  }
.LBB2_6:
0xf: {  	_ =	sdelay $0x3  }
0x10: {  	[tilespmem:v6+s14+$0x0] =	vst.idx.msk $0xffff, v5  }
.LBB2_7:
0x11: {  	s15 =	sadd.s32 $0x1, s15  }
0x12: {  	p0 =	sne.s32 s15, s10  }
.Ltmp1:
0x13: {  	[bflag:$0x0] =	sbarrier.arrive $0xFFFF;
	(pc) =	sbr.rel @!p0 .LBB2_8-.Ltmp1, $4  }
0x14: {  	[hbm:s9], [sflag:s6] =	dma.local [spmem:s11], $0x2800  }
0x15: {  	_ =	swait.ge [sflag:s12], $0x2800  }
0x16: {  	[sflag:s12] =	ssyncset.done $0x0  }
0x17: {  	[sflag:s12] =	ssyncadd.s32 $0xFFFFD800  }
.LBB2_1:
0x18: {  	[spmem:s11], [sflag:s6] =	dma.local [hbm:s5], $0x2800  }
0x19: {  	_ =	swait.ge [sflag:s12], $0x2800  }
0x1a: {  	[sflag:s12] =	ssyncset.done $0x0  }
0x1b: {  	[sflag:s12] =	ssyncadd.s32 $0xFFFFD800  }
0x1c: {  	[tilespmem:s3], [sflag:$0x1] =	stream.linear.gather [hbm4b:s7+s3], $0x2710, $0x38;
	[tilespmem:$0x1E600] =	vst v63  }
0x1d: {  	_ =	swait.ge [sflag:s12], $0x2710  }
0x1e: {  	[sflag:s12] =	ssyncset.done $0x0  }
0x1f: {  	[sflag:s12] =	ssyncadd.s32 $0xFFFFD8F0  }
0x20: {  	[tilespmem:s13], [sflag:$0x1] =	stream.linear.gather [hbm4b:s8+s3], $0x2710, $0x38;
	[tilespmem:$0x1E600] =	vst v63  }
0x21: {  	_ =	swait.ge [sflag:s12], $0x2710  }
0x22: {  	[sflag:s12] =	ssyncset.done $0x0  }
0x23: {  	[sflag:s12] =	ssyncadd.s32 $0xFFFFD8F0  }
0x24: {  	[tilespmem:s14], [sflag:$0x1] =	stream.linear.gather [hbm4b:s4+s3], $0x800, $0x38;
	[tilespmem:$0x1E600] =	vst v63  }
0x25: {  	_ =	swait.ge [sflag:s12], $0x800  }
0x26: {  	[sflag:s12] =	ssyncset.done $0x0  }
0x27: {  	[sflag:s12] =	ssyncadd.s32 $0xFFFFF800  }
0x28: {  	s16 =	simm.s32 $0x0;
	[bflag:$0x0] =	sbarrier.arrive $0xFFFF  }
0x29: {  	v6 =	vld [tilespmem:s16+$0x0];
	_ =	sdelay $0x4  }
0x2a: {  	vm1 =	vlt.s32 v6, $0xE  }
0x2b: {  	v7 =	vmpcnt.ones.xlane vm1;
	_ =	sdelay $0x1  }
0x2c: {  	(v2sf) =	vpush v7, $0x0  }
0x2d: {  	[tilespmem:s3+$0x4F00] =	vst.msk vm1, v6  }
0x2e: {  	v6 =	vld [tilespmem:s16+$0x2780];
	_ =	sdelay $0x4  }
0x2f: {  	s18 =	simm.s32 $0x80;
	s17 =	simm.s32 $0x0;
	s16 =	simm.s32 $0x10;
	[tilespmem:s3+$0x7680] =	vst.msk vm1, v6  }
.LBB2_2:
0x30: {  	p0 =	sne.s32 s18, $0x9C00;
	v6 =	vld [tilespmem:s16+$0x0];
	_ =	sdelay $0x4  }
0x31: {  	vm1 =	vlt.s32 v6, $0xE  }
0x32: {  	v7 =	vmpcnt.ones.xlane vm1  }
0x33: {  	s19 =	spop (v2sf)  }
0x34: {  	(v2sf) =	vpush v7, $0x0;
	s17 =	sadd.s32 s17, s19  }
0x35: {  	[tilespmem:s17+$0x4F00] =	vst.msk vm1, v6  }
0x36: {  	v6 =	vld [tilespmem:s16+$0x2780]  }
.Ltmp2:
0x37: {  	(pc) =	sbr.rel @p0 .LBB2_2-.Ltmp2, $2  }
0x38: {  	_ =	sdelay $0x2  }
0x39: {  	s16 =	sshra.s32 s18, $0x2;
	s18 =	sadd.s32 $0x40, s18;
	[tilespmem:s17+$0x7680] =	vst.msk vm1, v6  }
0x3a: {  	v6 =	vld [tilespmem:s16+$0x0];
	_ =	sdelay $0x4  }
0x3b: {  	vm1 =	vlt.s32 v6, $0xE  }
0x3c: {  	v7 =	vmpcnt.ones.xlane vm1;
	_ =	sdelay $0x1  }
0x3d: {  	(v2sf) =	vpush v7, $0x0;
	_ =	sdelay $0xd  }
0x3e: {  	s18 =	spop (v2sf)  }
0x3f: {  	s17 =	sadd.s32 s17, s18;
	s28 =	spop (v2sf)  }
0x40: {  	s18 =	sadd.s32 s17, s28  }
0x41: {  	s19 =	sadd.s32 $0xF, s18  }
0x42: {  	s29 =	sand.u32 $0xF, s19  }
0x43: {  	s30 =	sshra.s32 s19, $0x1F;
	p0 =	slt.s32 s19, $0x1;
	p1 =	sne.s32 s29, $0x0  }
0x44: {  	[tilespmem:s17+$0x4F00] =	vst.msk vm1, v6;
	s31 =	sshrl.u32 s30, $0x1C;
	p0 =	por !p0, !p1  }
0x45: {  	v6 =	vld [tilespmem:s16+$0x2780];
	v7 =	vadd.s32 s18, v0;
	s18 =	simm.s32 $0x1;
	s16 =	sadd.s32 s31, s19;
	p0 =	por !p0, !p0  }
0x46: {  	s19 =	sshra.s32 s16, $0x4;
	s18 =	simm.s32 @!p0 $0x0  }
0x47: {  	s18 =	ssub.s32 s19, s18  }
0x48: {  	p0 =	slt.s32 s18, $0x1  }
.Ltmp3:
0x49: {  	_ = 	snop;
	(pc) =	sbr.rel @p0 .LBB2_7-.Ltmp3, $4  }
0x4a: {  	_ = 	snop  }
0x4b: {  	[tilespmem:s17+$0x7680] =	vst.msk vm1, v6;
	s16 =	simm.s32 $0x4F00  }
0x4c: {  	s17 =	simm.s32 $0x7680;
	[tilespmem:v7+s16+$0x0] =	vst.idx.msk $0xffff, v1  }
0x4d: {  	[tilespmem:v7+s17+$0x0] =	vst.idx.msk $0xffff, v2  }
0x4e: {  	v6 =	vld [tilespmem:s16+$0x0];
	_ =	sdelay $0x2  }
0x4f: {  	v7 =	vld [tilespmem:s17+$0x0];
	_ =	sdelay $0x1  }
0x50: {  	v6 =	vadd.s32 v3, v6;
	_ =	sdelay $0x3  }
0x51: {  	p0 =	sne.s32 s18, $0x1  }
.Ltmp4:
0x52: {  	[tilespmem:v6+s14+$0x0] =	vst.idx.msk $0xffff, v4;
	(pc) =	sbr.rel @!p0 .LBB2_6-.Ltmp4, $4  }
0x53: {  	[spmem:s2] =	stream.indirect_vreg.scatter.add.f32 [tilespmem:s14], [sflag:$0x1], $0x80, v7, vm0, $0xb8;
	[tilespmem:$0x1E600] =	vst v63  }
0x54: {  	_ =	swait.ge [sflag:s12], $0x800  }
0x55: {  	[sflag:s12] =	ssyncset.done $0x0  }
0x56: {  	s18 =	sadd.s32 $0xFFFFFFFF, s18;
	[sflag:s12] =	ssyncadd.s32 $0xFFFFF800  }
.LBB2_5:
0x57: {  	p0 =	sne.s32 s18, $0x1;
	[tilespmem:v6+s14+$0x0] =	vst.idx.msk $0xffff, v5;
	s16 =	sadd.s32 $0x10, s16;
	s17 =	sadd.s32 $0x10, s17  }
0x58: {  	s18 =	sadd.s32 $0xFFFFFFFF, s18;
	v6 =	vld [tilespmem:s16+$0x0];
	_ =	sdelay $0x2  }
0x59: {  	v7 =	vld [tilespmem:s17+$0x0];
	_ =	sdelay $0x1  }
0x5a: {  	v6 =	vadd.s32 v3, v6;
	_ =	sdelay $0x4  }
.Ltmp5:
0x5b: {  	[tilespmem:v6+s14+$0x0] =	vst.idx.msk $0xffff, v4;
	(pc) =	sbr.rel @p0 .LBB2_5-.Ltmp5, $4  }
0x5c: {  	[spmem:s2] =	stream.indirect_vreg.scatter.add.f32 [tilespmem:s14], [sflag:$0x1], $0x80, v7, vm0, $0xb8;
	[tilespmem:$0x1E600] =	vst v63  }
0x5d: {  	_ =	swait.ge [sflag:s12], $0x800  }
0x5e: {  	[sflag:s12] =	ssyncset.done $0x0  }
0x5f: {  	[sflag:s12] =	ssyncadd.s32 $0xFFFFF800  }
.Ltmp6:
0x60: {  	_ = 	snop;
	(pc) =	sbr.rel .LBB2_6-.Ltmp6, $1  }
0x61: {  	_ =	sdelay $0x3  }
.LBB2_8:
0x62: {  	_ =	sfence.sel $0x180000  }
0x63: {  	[bflag:$0x0] =	sbarrier.arrive $0xFFFF  }
0x64: {  	p0 =	sne.s32 s0, $0x0;
	_ =	strace $0x9000004A  }
0x65: {  	s0 =	sadd.s32 @!p0 $0x100000, s1;
	[bflag:$0x2] =	sbarrier.arrive $0xFFFF  }
0x66: {  	[sflag:s0] =	ssyncadd.tile.s32 @!p0 $0x1;
	_ =	shalt  }
.Lfunc_end2:
_tile_overlayer_lowered:
.L_overlay_start_2:
0x67: {  	(tag) =	ssettag $0x2  }
0x68: {  	s0 =	rddreg [dreg:$0x0];
	s2 =	stileid.u32  }
0x69: {  	s1 =	rddreg [dreg:$0x1];
	p0 =	sne.s32 s2, $0x0  }
0x6a: {  	s3 =	rddreg [dreg:$0x2];
	[bflag:$0x3] =	sbarrier.arrive $0xFFFF;
	s2 =	simm.s32 @!p0 $0x1C01  }
0x6b: {  	[timem:s3], [sflag:s2] =	dma.local @!p0 [hbm:s0], s1  }
0x6c: {  	s0 =	simm.s32 @!p0 $0x1  }
0x6d: {  	_ =	swait.ge @!p0 [sflag:s0], s1  }
0x6e: {  	s1 =	ssub.s32 @!p0 $0x0, s1;
	[sflag:s0] =	ssyncset.done @!p0 $0x0  }
0x6f: {  	[sflag:s0] =	ssyncadd.s32 @!p0 s1  }
0x70: {  	[bflag:$0x3] =	sbarrier.arrive $0xFFFF  }
0x71: {  	_ =	shalt  }

</sc_bundles>
